<compile_context>
chip_gen: v7x
topology: tpu7x:2x2x1
jax: 0.10.2.dev20260603
libtpu: 0.0.44.dev20260713+nightly
codegen_flags: <defaults>
</compile_context>

<pallas_src>
import functools

import jax
import jax.numpy as jnp
from jax import lax
from jax.experimental import pallas as pl
from jax.experimental.pallas import tpu as pltpu
from jax.experimental.pallas import tpu_sc as plsc

N = 10000
E = 320000
D = 128
G = 64
NC = 2
NS = 16
L = 16
NW = NC * NS
CHUNK = 64
NCHUNKS = E // CHUNK
NTW = -(-NCHUNKS // NW)
NFULL = NCHUNKS - (NTW - 1) * NW
NGRP = CHUNK // L
SPAN = 624
DEN_PAD = 640 * NS
SCALE = 1.0 / (D ** 0.5)
FP32 = jnp.float32


def _proj_body(x_ref, wq, wk, wv, ws, bq, bk, bv, bs, q_o, k_o, v_o, s_o):
    xb = x_ref[...]
    q_o[...] = jnp.dot(xb, wq[...], preferred_element_type=FP32) + bq[...]
    k_o[...] = jnp.dot(xb, wk[...], preferred_element_type=FP32) + bk[...]
    v_o[...] = jnp.dot(xb, wv[...], preferred_element_type=FP32) + bv[...]
    s_o[...] = jnp.dot(xb, ws[...], preferred_element_type=FP32) + bs[...]


def _project(x, Wq, Wk, Wv, Ws, bq, bk, bv, bs):
    BR = 1000
    grid = (N // BR,)
    row_spec = pl.BlockSpec((BR, D), lambda i: (i, 0))
    w_spec = pl.BlockSpec((D, D), lambda i: (0, 0))
    b_spec = pl.BlockSpec((1, D), lambda i: (0, 0))
    outf = jax.ShapeDtypeStruct((N, D), FP32)
    return pl.pallas_call(
        _proj_body,
        grid=grid,
        in_specs=[row_spec, w_spec, w_spec, w_spec, w_spec,
                  b_spec, b_spec, b_spec, b_spec],
        out_specs=[row_spec, row_spec, row_spec, row_spec],
        out_shape=[outf, outf, outf, outf],
    )(x, Wq, Wk, Wv, Ws, bq.reshape(1, D), bk.reshape(1, D),
      bv.reshape(1, D), bs.reshape(1, D))


def _edge_body(q_hbm, k_hbm, v_hbm, src_hbm, dst_hbm,
               agg_out, den_out,
               src_idx, dst_idx, qrows, krows, vrows,
               exbuf, partials, zflat,
               agg_sh, den_sh, gsem, vsem, ssem):
    c = lax.axis_index("c")
    s = lax.axis_index("s")
    wid = s * NC + c

    zero16 = jnp.zeros((L,), FP32)

    def _zrow(r, _):
        for i in range(D // L):
            vrows[r, pl.ds(i * L, L)] = zero16
        return 0

    lax.fori_loop(0, CHUNK, _zrow, 0)
    for i in range(640 // L):
        zflat[pl.ds(i * L, L)] = zero16

    start = s * SPAN
    for j in range(640 // CHUNK):
        pltpu.sync_copy(vrows,
                        agg_sh.at[pl.ds(start + j * CHUNK, CHUNK)])
    pltpu.sync_copy(zflat, den_sh.at[pl.ds(s * 640, 640)])
    plsc.subcore_barrier()

    lane_iota = lax.iota(jnp.int32, L)

    def issue_idx(ib, cid):
        base = cid * CHUNK
        pltpu.sync_copy(src_hbm.at[pl.ds(base, CHUNK)], src_idx.at[ib])
        pltpu.sync_copy(dst_hbm.at[pl.ds(base, CHUNK)], dst_idx.at[ib])

    def issue_gathers(b, ib):
        pltpu.async_copy(q_hbm.at[dst_idx.at[ib]], qrows.at[b], gsem)
        pltpu.async_copy(k_hbm.at[src_idx.at[ib]], krows.at[b], gsem)

    def drain_gathers(b, ib):
        pltpu.make_async_copy(q_hbm.at[dst_idx.at[ib]], qrows.at[b],
                              gsem).wait()
        pltpu.make_async_copy(k_hbm.at[src_idx.at[ib]], krows.at[b],
                              gsem).wait()

    def drain_scatters(b, ib):
        pltpu.make_async_copy(vrows, agg_sh.at[dst_idx.at[ib]],
                              ssem).wait()
        pltpu.make_async_copy(exbuf.at[b], den_sh.at[dst_idx.at[ib]],
                              ssem).wait()

    def compute(b, ib):
        def group_body(g, _):
            gb = g * L
            for j in range(L):
                e = gb + j
                acc = qrows[b, e, pl.ds(0, L)] * krows[b, e, pl.ds(0, L)]
                for i in range(1, D // L):
                    acc = acc + (qrows[b, e, pl.ds(i * L, L)]
                                 * krows[b, e, pl.ds(i * L, L)])
                plsc.store_scatter(partials, [lane_iota * L + j], acc)
            score = partials[pl.ds(0, L)]
            for l in range(1, L):
                score = score + partials[pl.ds(l * L, L)]
            ex = jnp.exp(jnp.clip(score * SCALE, -60.0, 60.0))
            exbuf[b, pl.ds(gb, L)] = ex
            for j in range(L):
                e = gb + j
                w = plsc.load_gather(
                    exbuf.at[b], [jnp.full((L,), e, jnp.int32)])
                for i in range(D // L):
                    vrows[e, pl.ds(i * L, L)] = (
                        vrows[e, pl.ds(i * L, L)] * w)
            return 0

        lax.fori_loop(0, NGRP, group_body, 0)
        pltpu.async_copy(vrows, agg_sh.at[dst_idx.at[ib]], ssem, add=True)
        pltpu.async_copy(exbuf.at[b], den_sh.at[dst_idx.at[ib]], ssem,
                         add=True)

    issue_idx(0, wid)
    issue_gathers(0, 0)

    def chunk_body(t, _):
        cid = wid + t * NW
        b = lax.rem(t, 2)
        nb = 1 - b
        ib = lax.rem(t, 3)
        ibp = lax.rem(t + 2, 3)
        ibn = lax.rem(t + 1, 3)

        @pl.when(cid < NCHUNKS)
        def _():
            @pl.when(t >= 1)
            def _():
                drain_scatters(nb, ibp)

            pltpu.async_copy(v_hbm.at[src_idx.at[ib]], vrows, vsem)
            drain_gathers(b, ib)

            @pl.when(cid + NW < NCHUNKS)
            def _():
                issue_idx(ibn, cid + NW)
                issue_gathers(nb, ibn)

            pltpu.make_async_copy(v_hbm.at[src_idx.at[ib]], vrows,
                                  vsem).wait()
            compute(b, ib)

        return 0

    lax.fori_loop(0, NTW, chunk_body, 0)

    @pl.when(wid < NFULL)
    def _():
        drain_scatters((NTW - 1) % 2, (NTW - 1) % 3)

    @pl.when(wid >= NFULL)
    def _():
        drain_scatters((NTW - 2) % 2, (NTW - 2) % 3)

    plsc.subcore_barrier()

    pltpu.sync_copy(agg_sh.at[pl.ds(start, 640)],
                    agg_out.at[c].at[pl.ds(start, 640)])
    pltpu.sync_copy(den_sh.at[pl.ds(s * 640, 640)],
                    den_out.at[c].at[pl.ds(s * 640, 640)])


def _edge_pass(q, k, v, src, dst):
    mesh = plsc.VectorSubcoreMesh(core_axis_name="c", subcore_axis_name="s")
    call = pl.kernel(
        _edge_body,
        out_type=(jax.ShapeDtypeStruct((NC, N, D), FP32),
                  jax.ShapeDtypeStruct((NC, DEN_PAD), FP32)),
        mesh=mesh,
        compiler_params=pltpu.CompilerParams(needs_layout_passes=False),
        scratch_types=[
            pltpu.VMEM((3, CHUNK), jnp.int32),
            pltpu.VMEM((3, CHUNK), jnp.int32),
            pltpu.VMEM((2, CHUNK, D), FP32),
            pltpu.VMEM((2, CHUNK, D), FP32),
            pltpu.VMEM((CHUNK, D), FP32),
            pltpu.VMEM((2, CHUNK), FP32),
            pltpu.VMEM((L * L,), FP32),
            pltpu.VMEM((640,), FP32),
            pltpu.VMEM_SHARED((N, D), FP32),
            pltpu.VMEM_SHARED((DEN_PAD,), FP32),
            pltpu.SemaphoreType.DMA,
            pltpu.SemaphoreType.DMA,
            pltpu.SemaphoreType.DMA,
        ],
    )
    return call(q, k, v, src, dst)


def _finish_body(aggp_ref, denp_ref, skip_ref, batch_ref, out_ref):
    agg = aggp_ref[0] + aggp_ref[1]
    den = denp_ref[0] + denp_ref[1] + 1e-16
    node = jax.nn.relu(agg / den + skip_ref[...])
    onehot = (batch_ref[...] ==
              lax.broadcasted_iota(jnp.int32, (G, N), 0)).astype(FP32)
    counts = jnp.sum(onehot, axis=1, keepdims=True)
    pooled = jnp.dot(onehot, node, preferred_element_type=FP32)
    out_ref[...] = pooled / jnp.maximum(counts, 1.0)


def _finish(agg_p, den_p, skip, batch):
    return pl.pallas_call(
        _finish_body,
        out_shape=jax.ShapeDtypeStruct((G, D), FP32),
    )(agg_p, den_p[:, :N].reshape(NC, N, 1), skip, batch.reshape(1, N))


def kernel(x, edge_index, batch, Wq, bq, Wk, bk, Wv, bv, Ws, bs):
    src = edge_index[0]
    dst = edge_index[1]
    q, k, v, skip = _project(x, Wq, Wk, Wv, Ws, bq, bk, bv, bs)
    agg_p, den_p = _edge_pass(q, k, v, src, dst)
    return _finish(agg_p, den_p, skip, batch)

# --- scband reference (transcript-rebuilt; emitter-appended) ---
"""Pipeline reference for scband-global-encoder-3058016715327 (READ-ONLY COPY).

The authoritative reference and input builder live on the scoring server;
editing this copy changes nothing except your own understanding.
"""

import jax, jax.numpy as jnp
import numpy as np

N = 10000
E = 320000
IN_DIM = 128
OUT_DIM = 128
NUM_GRAPHS = 64


def setup_inputs(seed: int = 0) -> dict:
    key = jax.random.key(seed)
    ks = jax.random.split(key, 12)
    x = jax.random.normal(ks[0], (N, IN_DIM), dtype=jnp.float32)
    edge_index = jax.random.randint(ks[1], (2, E), 0, N, dtype=jnp.int32)
    batch = jnp.sort(jax.random.randint(ks[2], (N,), 0, NUM_GRAPHS, dtype=jnp.int32))
    s_in = 1.0 / np.sqrt(IN_DIM)
    Wq = jax.random.normal(ks[3], (IN_DIM, OUT_DIM), dtype=jnp.float32) * s_in
    bq = jnp.zeros((OUT_DIM,), dtype=jnp.float32)
    Wk = jax.random.normal(ks[4], (IN_DIM, OUT_DIM), dtype=jnp.float32) * s_in
    bk = jnp.zeros((OUT_DIM,), dtype=jnp.float32)
    Wv = jax.random.normal(ks[5], (IN_DIM, OUT_DIM), dtype=jnp.float32) * s_in
    bv = jnp.zeros((OUT_DIM,), dtype=jnp.float32)
    Ws = jax.random.normal(ks[6], (IN_DIM, OUT_DIM), dtype=jnp.float32) * s_in
    bs = jnp.zeros((OUT_DIM,), dtype=jnp.float32)
    return {"x": x, "edge_index": edge_index, "batch": batch,
            "Wq": Wq, "bq": bq, "Wk": Wk, "bk": bk,
            "Wv": Wv, "bv": bv, "Ws": Ws, "bs": bs}


def reference(x, edge_index, batch, Wq, bq, Wk, bk, Wv, bv, Ws, bs):
    # TransformerConv (heads=1, concat=True, root_weight=True, beta=False)
    src = edge_index[0]
    dst = edge_index[1]
    q = x @ Wq + bq
    k = x @ Wk + bk
    v = x @ Wv + bv
    d = q.shape[-1]
    scores = jnp.sum(q[dst] * k[src], axis=-1) / jnp.sqrt(jnp.float32(d))
    # segment softmax over incoming edges of each dst node
    seg_max = jax.ops.segment_max(scores, dst, num_segments=N)
    seg_max = jnp.where(jnp.isfinite(seg_max), seg_max, 0.0)
    ex = jnp.exp(scores - seg_max[dst])
    denom = jax.ops.segment_sum(ex, dst, num_segments=N)
    alpha = ex / (denom[dst] + 1e-16)
    agg = jax.ops.segment_sum(alpha[:, None] * v[src], dst, num_segments=N)
    out = agg + x @ Ws + bs  # skip (root) connection
    out = jax.nn.relu(out)
    # global mean pool over batch assignment
    sums = jax.ops.segment_sum(out, batch, num_segments=NUM_GRAPHS)
    counts = jax.ops.segment_sum(jnp.ones((N,), jnp.float32), batch, num_segments=NUM_GRAPHS)
    return sums / jnp.maximum(counts, 1.0)[:, None]

if __name__ == "__main__":
    import jax
    _d = setup_inputs()
    print(jax.jit(kernel)(*tuple(_d.values())))

</pallas_src>

<mosaic_0001>
#map = affine_map<(d0, d1) -> (0, 0)>
#map1 = affine_map<(d0, d1) -> (0)>
#map2 = affine_map<(d0, d1) -> (0, 0, 0)>
module attributes {stable_mosaic.version = 14 : i64} {
  func.func @_edge_body(%arg0: i32, %arg1: i32, %arg2: memref<10000x128xf32, #tpu.memory_space<hbm>>, %arg3: memref<10000x128xf32, #tpu.memory_space<hbm>>, %arg4: memref<10000x128xf32, #tpu.memory_space<hbm>>, %arg5: memref<320000xi32, #tpu.memory_space<hbm>>, %arg6: memref<320000xi32, #tpu.memory_space<hbm>>, %arg7: memref<2x10000x128xf32, #tpu.memory_space<hbm>>, %arg8: memref<2x10240xf32, #tpu.memory_space<hbm>>, %arg9: memref<3x64xi32, #tpu.memory_space<vmem>>, %arg10: memref<3x64xi32, #tpu.memory_space<vmem>>, %arg11: memref<2x64x128xf32, #tpu.memory_space<vmem>>, %arg12: memref<2x64x128xf32, #tpu.memory_space<vmem>>, %arg13: memref<64x128xf32, #tpu.memory_space<vmem>>, %arg14: memref<2x64xf32, #tpu.memory_space<vmem>>, %arg15: memref<256xf32, #tpu.memory_space<vmem>>, %arg16: memref<640xf32, #tpu.memory_space<vmem>>, %arg17: memref<10000x128xf32, #tpu.memory_space<vmem_shared>>, %arg18: memref<10240xf32, #tpu.memory_space<vmem_shared>>, %arg19: memref<!tpu.dma_semaphore, #tpu.memory_space<semaphore_mem>>, %arg20: memref<!tpu.dma_semaphore, #tpu.memory_space<semaphore_mem>>, %arg21: memref<!tpu.dma_semaphore, #tpu.memory_space<semaphore_mem>>) attributes {dimension_semantics = [#tpu.dimension_semantics<core_parallel>, #tpu.dimension_semantics<subcore_parallel>], iteration_bounds = array<i64: 2, 16>, scalar_prefetch = 0 : i64, scratch_operands = 13 : i64, tpu.core_type = #tpu.core_type<sc_vector_subcore>, window_params = [{transform_indices = #map}, {transform_indices = #map}, {transform_indices = #map}, {transform_indices = #map1}, {transform_indices = #map1}, {transform_indices = #map2}, {transform_indices = #map}]} {
    %mul3A = arith.constant 2 : i32
    %mul3A_0 = arith.muli %arg1, %mul3A : i32
    %add3A = arith.addi %mul3A_0, %arg0 : i32
    %broadcast_in_dim3A = arith.constant 0.000000e+00 : f32
    %broadcast_in_dim3A_1 = vector.broadcast %broadcast_in_dim3A : f32 to vector<16xf32>
    %scan3A = arith.constant 0 : i32
    %scan3A_2 = arith.constant 0 : i32
    %scan3A_3 = arith.constant 64 : i32
    %scan3A_4 = arith.addi %scan3A_2, %scan3A_3 : i32
    %scan3A_5 = arith.constant 1 : i32
    %scan3A_6 = scf.for %scan3A_155 = %scan3A_2 to %scan3A_4 step %scan3A_5 iter_args(%scan3A_156 = %scan3A) -> (i32)  : i32 {
      %swap3A_157 = arith.index_cast %scan3A_155 : i32 to index
      %swap3A_158 = arith.constant 0 : index
      %swap3A_159 = tpu.vector_load %arg13[%swap3A_157, %swap3A_158] {strides = array<i32>} : memref<64x128xf32, #tpu.memory_space<vmem>>, vector<16xf32>,
      tpu.vector_store %arg13[%swap3A_157, %swap3A_158], %broadcast_in_dim3A_1 {strides = array<i32>} : memref<64x128xf32, #tpu.memory_space<vmem>>, vector<16xf32>,
      %swap3A_160 = arith.index_cast %scan3A_155 : i32 to index
      %swap3A_161 = arith.constant 16 : index
      %swap3A_162 = tpu.vector_load %arg13[%swap3A_160, %swap3A_161] {strides = array<i32>} : memref<64x128xf32, #tpu.memory_space<vmem>>, vector<16xf32>,
      tpu.vector_store %arg13[%swap3A_160, %swap3A_161], %broadcast_in_dim3A_1 {strides = array<i32>} : memref<64x128xf32, #tpu.memory_space<vmem>>, vector<16xf32>,
      %swap3A_163 = arith.index_cast %scan3A_155 : i32 to index
      %swap3A_164 = arith.constant 32 : index
      %swap3A_165 = tpu.vector_load %arg13[%swap3A_163, %swap3A_164] {strides = array<i32>} : memref<64x128xf32, #tpu.memory_space<vmem>>, vector<16xf32>,
      tpu.vector_store %arg13[%swap3A_163, %swap3A_164], %broadcast_in_dim3A_1 {strides = array<i32>} : memref<64x128xf32, #tpu.memory_space<vmem>>, vector<16xf32>,
      %swap3A_166 = arith.index_cast %scan3A_155 : i32 to index
      %swap3A_167 = arith.constant 48 : index
      %swap3A_168 = tpu.vector_load %arg13[%swap3A_166, %swap3A_167] {strides = array<i32>} : memref<64x128xf32, #tpu.memory_space<vmem>>, vector<16xf32>,
      tpu.vector_store %arg13[%swap3A_166, %swap3A_167], %broadcast_in_dim3A_1 {strides = array<i32>} : memref<64x128xf32, #tpu.memory_space<vmem>>, vector<16xf32>,
      %swap3A_169 = arith.index_cast %scan3A_155 : i32 to index
      %swap3A_170 = arith.constant 64 : index
      %swap3A_171 = tpu.vector_load %arg13[%swap3A_169, %swap3A_170] {strides = array<i32>} : memref<64x128xf32, #tpu.memory_space<vmem>>, vector<16xf32>,
      tpu.vector_store %arg13[%swap3A_169, %swap3A_170], %broadcast_in_dim3A_1 {strides = array<i32>} : memref<64x128xf32, #tpu.memory_space<vmem>>, vector<16xf32>,
      %swap3A_172 = arith.index_cast %scan3A_155 : i32 to index
      %swap3A_173 = arith.constant 80 : index
      %swap3A_174 = tpu.vector_load %arg13[%swap3A_172, %swap3A_173] {strides = array<i32>} : memref<64x128xf32, #tpu.memory_space<vmem>>, vector<16xf32>,
      tpu.vector_store %arg13[%swap3A_172, %swap3A_173], %broadcast_in_dim3A_1 {strides = array<i32>} : memref<64x128xf32, #tpu.memory_space<vmem>>, vector<16xf32>,
      %swap3A_175 = arith.index_cast %scan3A_155 : i32 to index
      %swap3A_176 = arith.constant 96 : index
      %swap3A_177 = tpu.vector_load %arg13[%swap3A_175, %swap3A_176] {strides = array<i32>} : memref<64x128xf32, #tpu.memory_space<vmem>>, vector<16xf32>,
      tpu.vector_store %arg13[%swap3A_175, %swap3A_176], %broadcast_in_dim3A_1 {strides = array<i32>} : memref<64x128xf32, #tpu.memory_space<vmem>>, vector<16xf32>,
      %swap3A_178 = arith.index_cast %scan3A_155 : i32 to index
      %swap3A_179 = arith.constant 112 : index
      %swap3A_180 = tpu.vector_load %arg13[%swap3A_178, %swap3A_179] {strides = array<i32>} : memref<64x128xf32, #tpu.memory_space<vmem>>, vector<16xf32>,
      tpu.vector_store %arg13[%swap3A_178, %swap3A_179], %broadcast_in_dim3A_1 {strides = array<i32>} : memref<64x128xf32, #tpu.memory_space<vmem>>, vector<16xf32>,
      %scan3A_181 = arith.constant 0 : i32
      scf.yield %scan3A_181 : i32
    }
    %scan3A_7 = arith.constant 64 : i32
    %swap3A = arith.constant 0 : index
    %swap3A_8 = tpu.vector_load %arg16[%swap3A] {strides = array<i32>} : memref<640xf32, #tpu.memory_space<vmem>>, vector<16xf32>,
    tpu.vector_store %arg16[%swap3A], %broadcast_in_dim3A_1 {strides = array<i32>} : memref<640xf32, #tpu.memory_space<vmem>>, vector<16xf32>,
    %swap3A_9 = arith.constant 16 : index
    %swap3A_10 = tpu.vector_load %arg16[%swap3A_9] {strides = array<i32>} : memref<640xf32, #tpu.memory_space<vmem>>, vector<16xf32>,
    tpu.vector_store %arg16[%swap3A_9], %broadcast_in_dim3A_1 {strides = array<i32>} : memref<640xf32, #tpu.memory_space<vmem>>, vector<16xf32>,
    %swap3A_11 = arith.constant 32 : index
    %swap3A_12 = tpu.vector_load %arg16[%swap3A_11] {strides = array<i32>} : memref<640xf32, #tpu.memory_space<vmem>>, vector<16xf32>,
    tpu.vector_store %arg16[%swap3A_11], %broadcast_in_dim3A_1 {strides = array<i32>} : memref<640xf32, #tpu.memory_space<vmem>>, vector<16xf32>,
    %swap3A_13 = arith.constant 48 : index
    %swap3A_14 = tpu.vector_load %arg16[%swap3A_13] {strides = array<i32>} : memref<640xf32, #tpu.memory_space<vmem>>, vector<16xf32>,
    tpu.vector_store %arg16[%swap3A_13], %broadcast_in_dim3A_1 {strides = array<i32>} : memref<640xf32, #tpu.memory_space<vmem>>, vector<16xf32>,
    %swap3A_15 = arith.constant 64 : index
    %swap3A_16 = tpu.vector_load %arg16[%swap3A_15] {strides = array<i32>} : memref<640xf32, #tpu.memory_space<vmem>>, vector<16xf32>,
    tpu.vector_store %arg16[%swap3A_15], %broadcast_in_dim3A_1 {strides = array<i32>} : memref<640xf32, #tpu.memory_space<vmem>>, vector<16xf32>,
    %swap3A_17 = arith.constant 80 : index
    %swap3A_18 = tpu.vector_load %arg16[%swap3A_17] {strides = array<i32>} : memref<640xf32, #tpu.memory_space<vmem>>, vector<16xf32>,
    tpu.vector_store %arg16[%swap3A_17], %broadcast_in_dim3A_1 {strides = array<i32>} : memref<640xf32, #tpu.memory_space<vmem>>, vector<16xf32>,
    %swap3A_19 = arith.constant 96 : index
    %swap3A_20 = tpu.vector_load %arg16[%swap3A_19] {strides = array<i32>} : memref<640xf32, #tpu.memory_space<vmem>>, vector<16xf32>,
    tpu.vector_store %arg16[%swap3A_19], %broadcast_in_dim3A_1 {strides = array<i32>} : memref<640xf32, #tpu.memory_space<vmem>>, vector<16xf32>,
    %swap3A_21 = arith.constant 112 : index
    %swap3A_22 = tpu.vector_load %arg16[%swap3A_21] {strides = array<i32>} : memref<640xf32, #tpu.memory_space<vmem>>, vector<16xf32>,
    tpu.vector_store %arg16[%swap3A_21], %broadcast_in_dim3A_1 {strides = array<i32>} : memref<640xf32, #tpu.memory_space<vmem>>, vector<16xf32>,
    %swap3A_23 = arith.constant 128 : index
    %swap3A_24 = tpu.vector_load %arg16[%swap3A_23] {strides = array<i32>} : memref<640xf32, #tpu.memory_space<vmem>>, vector<16xf32>,
    tpu.vector_store %arg16[%swap3A_23], %broadcast_in_dim3A_1 {strides = array<i32>} : memref<640xf32, #tpu.memory_space<vmem>>, vector<16xf32>,
    %swap3A_25 = arith.constant 144 : index
    %swap3A_26 = tpu.vector_load %arg16[%swap3A_25] {strides = array<i32>} : memref<640xf32, #tpu.memory_space<vmem>>, vector<16xf32>,
    tpu.vector_store %arg16[%swap3A_25], %broadcast_in_dim3A_1 {strides = array<i32>} : memref<640xf32, #tpu.memory_space<vmem>>, vector<16xf32>,
    %swap3A_27 = arith.constant 160 : index
    %swap3A_28 = tpu.vector_load %arg16[%swap3A_27] {strides = array<i32>} : memref<640xf32, #tpu.memory_space<vmem>>, vector<16xf32>,
    tpu.vector_store %arg16[%swap3A_27], %broadcast_in_dim3A_1 {strides = array<i32>} : memref<640xf32, #tpu.memory_space<vmem>>, vector<16xf32>,
    %swap3A_29 = arith.constant 176 : index
    %swap3A_30 = tpu.vector_load %arg16[%swap3A_29] {strides = array<i32>} : memref<640xf32, #tpu.memory_space<vmem>>, vector<16xf32>,
    tpu.vector_store %arg16[%swap3A_29], %broadcast_in_dim3A_1 {strides = array<i32>} : memref<640xf32, #tpu.memory_space<vmem>>, vector<16xf32>,
    %swap3A_31 = arith.constant 192 : index
    %swap3A_32 = tpu.vector_load %arg16[%swap3A_31] {strides = array<i32>} : memref<640xf32, #tpu.memory_space<vmem>>, vector<16xf32>,
    tpu.vector_store %arg16[%swap3A_31], %broadcast_in_dim3A_1 {strides = array<i32>} : memref<640xf32, #tpu.memory_space<vmem>>, vector<16xf32>,
    %swap3A_33 = arith.constant 208 : index
    %swap3A_34 = tpu.vector_load %arg16[%swap3A_33] {strides = array<i32>} : memref<640xf32, #tpu.memory_space<vmem>>, vector<16xf32>,
    tpu.vector_store %arg16[%swap3A_33], %broadcast_in_dim3A_1 {strides = array<i32>} : memref<640xf32, #tpu.memory_space<vmem>>, vector<16xf32>,
    %swap3A_35 = arith.constant 224 : index
    %swap3A_36 = tpu.vector_load %arg16[%swap3A_35] {strides = array<i32>} : memref<640xf32, #tpu.memory_space<vmem>>, vector<16xf32>,
    tpu.vector_store %arg16[%swap3A_35], %broadcast_in_dim3A_1 {strides = array<i32>} : memref<640xf32, #tpu.memory_space<vmem>>, vector<16xf32>,
    %swap3A_37 = arith.constant 240 : index
    %swap3A_38 = tpu.vector_load %arg16[%swap3A_37] {strides = array<i32>} : memref<640xf32, #tpu.memory_space<vmem>>, vector<16xf32>,
    tpu.vector_store %arg16[%swap3A_37], %broadcast_in_dim3A_1 {strides = array<i32>} : memref<640xf32, #tpu.memory_space<vmem>>, vector<16xf32>,
    %swap3A_39 = arith.constant 256 : index
    %swap3A_40 = tpu.vector_load %arg16[%swap3A_39] {strides = array<i32>} : memref<640xf32, #tpu.memory_space<vmem>>, vector<16xf32>,
    tpu.vector_store %arg16[%swap3A_39], %broadcast_in_dim3A_1 {strides = array<i32>} : memref<640xf32, #tpu.memory_space<vmem>>, vector<16xf32>,
    %swap3A_41 = arith.constant 272 : index
    %swap3A_42 = tpu.vector_load %arg16[%swap3A_41] {strides = array<i32>} : memref<640xf32, #tpu.memory_space<vmem>>, vector<16xf32>,
    tpu.vector_store %arg16[%swap3A_41], %broadcast_in_dim3A_1 {strides = array<i32>} : memref<640xf32, #tpu.memory_space<vmem>>, vector<16xf32>,
    %swap3A_43 = arith.constant 288 : index
    %swap3A_44 = tpu.vector_load %arg16[%swap3A_43] {strides = array<i32>} : memref<640xf32, #tpu.memory_space<vmem>>, vector<16xf32>,
    tpu.vector_store %arg16[%swap3A_43], %broadcast_in_dim3A_1 {strides = array<i32>} : memref<640xf32, #tpu.memory_space<vmem>>, vector<16xf32>,
    %swap3A_45 = arith.constant 304 : index
    %swap3A_46 = tpu.vector_load %arg16[%swap3A_45] {strides = array<i32>} : memref<640xf32, #tpu.memory_space<vmem>>, vector<16xf32>,
    tpu.vector_store %arg16[%swap3A_45], %broadcast_in_dim3A_1 {strides = array<i32>} : memref<640xf32, #tpu.memory_space<vmem>>, vector<16xf32>,
    %swap3A_47 = arith.constant 320 : index
    %swap3A_48 = tpu.vector_load %arg16[%swap3A_47] {strides = array<i32>} : memref<640xf32, #tpu.memory_space<vmem>>, vector<16xf32>,
    tpu.vector_store %arg16[%swap3A_47], %broadcast_in_dim3A_1 {strides = array<i32>} : memref<640xf32, #tpu.memory_space<vmem>>, vector<16xf32>,
    %swap3A_49 = arith.constant 336 : index
    %swap3A_50 = tpu.vector_load %arg16[%swap3A_49] {strides = array<i32>} : memref<640xf32, #tpu.memory_space<vmem>>, vector<16xf32>,
    tpu.vector_store %arg16[%swap3A_49], %broadcast_in_dim3A_1 {strides = array<i32>} : memref<640xf32, #tpu.memory_space<vmem>>, vector<16xf32>,
    %swap3A_51 = arith.constant 352 : index
    %swap3A_52 = tpu.vector_load %arg16[%swap3A_51] {strides = array<i32>} : memref<640xf32, #tpu.memory_space<vmem>>, vector<16xf32>,
    tpu.vector_store %arg16[%swap3A_51], %broadcast_in_dim3A_1 {strides = array<i32>} : memref<640xf32, #tpu.memory_space<vmem>>, vector<16xf32>,
    %swap3A_53 = arith.constant 368 : index
    %swap3A_54 = tpu.vector_load %arg16[%swap3A_53] {strides = array<i32>} : memref<640xf32, #tpu.memory_space<vmem>>, vector<16xf32>,
    tpu.vector_store %arg16[%swap3A_53], %broadcast_in_dim3A_1 {strides = array<i32>} : memref<640xf32, #tpu.memory_space<vmem>>, vector<16xf32>,
    %swap3A_55 = arith.constant 384 : index
    %swap3A_56 = tpu.vector_load %arg16[%swap3A_55] {strides = array<i32>} : memref<640xf32, #tpu.memory_space<vmem>>, vector<16xf32>,
    tpu.vector_store %arg16[%swap3A_55], %broadcast_in_dim3A_1 {strides = array<i32>} : memref<640xf32, #tpu.memory_space<vmem>>, vector<16xf32>,
    %swap3A_57 = arith.constant 400 : index
    %swap3A_58 = tpu.vector_load %arg16[%swap3A_57] {strides = array<i32>} : memref<640xf32, #tpu.memory_space<vmem>>, vector<16xf32>,
    tpu.vector_store %arg16[%swap3A_57], %broadcast_in_dim3A_1 {strides = array<i32>} : memref<640xf32, #tpu.memory_space<vmem>>, vector<16xf32>,
    %swap3A_59 = arith.constant 416 : index
    %swap3A_60 = tpu.vector_load %arg16[%swap3A_59] {strides = array<i32>} : memref<640xf32, #tpu.memory_space<vmem>>, vector<16xf32>,
    tpu.vector_store %arg16[%swap3A_59], %broadcast_in_dim3A_1 {strides = array<i32>} : memref<640xf32, #tpu.memory_space<vmem>>, vector<16xf32>,
    %swap3A_61 = arith.constant 432 : index
    %swap3A_62 = tpu.vector_load %arg16[%swap3A_61] {strides = array<i32>} : memref<640xf32, #tpu.memory_space<vmem>>, vector<16xf32>,
    tpu.vector_store %arg16[%swap3A_61], %broadcast_in_dim3A_1 {strides = array<i32>} : memref<640xf32, #tpu.memory_space<vmem>>, vector<16xf32>,
    %swap3A_63 = arith.constant 448 : index
    %swap3A_64 = tpu.vector_load %arg16[%swap3A_63] {strides = array<i32>} : memref<640xf32, #tpu.memory_space<vmem>>, vector<16xf32>,
    tpu.vector_store %arg16[%swap3A_63], %broadcast_in_dim3A_1 {strides = array<i32>} : memref<640xf32, #tpu.memory_space<vmem>>, vector<16xf32>,
    %swap3A_65 = arith.constant 464 : index
    %swap3A_66 = tpu.vector_load %arg16[%swap3A_65] {strides = array<i32>} : memref<640xf32, #tpu.memory_space<vmem>>, vector<16xf32>,
    tpu.vector_store %arg16[%swap3A_65], %broadcast_in_dim3A_1 {strides = array<i32>} : memref<640xf32, #tpu.memory_space<vmem>>, vector<16xf32>,
    %swap3A_67 = arith.constant 480 : index
    %swap3A_68 = tpu.vector_load %arg16[%swap3A_67] {strides = array<i32>} : memref<640xf32, #tpu.memory_space<vmem>>, vector<16xf32>,
    tpu.vector_store %arg16[%swap3A_67], %broadcast_in_dim3A_1 {strides = array<i32>} : memref<640xf32, #tpu.memory_space<vmem>>, vector<16xf32>,
    %swap3A_69 = arith.constant 496 : index
    %swap3A_70 = tpu.vector_load %arg16[%swap3A_69] {strides = array<i32>} : memref<640xf32, #tpu.memory_space<vmem>>, vector<16xf32>,
    tpu.vector_store %arg16[%swap3A_69], %broadcast_in_dim3A_1 {strides = array<i32>} : memref<640xf32, #tpu.memory_space<vmem>>, vector<16xf32>,
    %swap3A_71 = arith.constant 512 : index
    %swap3A_72 = tpu.vector_load %arg16[%swap3A_71] {strides = array<i32>} : memref<640xf32, #tpu.memory_space<vmem>>, vector<16xf32>,
    tpu.vector_store %arg16[%swap3A_71], %broadcast_in_dim3A_1 {strides = array<i32>} : memref<640xf32, #tpu.memory_space<vmem>>, vector<16xf32>,
    %swap3A_73 = arith.constant 528 : index
    %swap3A_74 = tpu.vector_load %arg16[%swap3A_73] {strides = array<i32>} : memref<640xf32, #tpu.memory_space<vmem>>, vector<16xf32>,
    tpu.vector_store %arg16[%swap3A_73], %broadcast_in_dim3A_1 {strides = array<i32>} : memref<640xf32, #tpu.memory_space<vmem>>, vector<16xf32>,
    %swap3A_75 = arith.constant 544 : index
    %swap3A_76 = tpu.vector_load %arg16[%swap3A_75] {strides = array<i32>} : memref<640xf32, #tpu.memory_space<vmem>>, vector<16xf32>,
    tpu.vector_store %arg16[%swap3A_75], %broadcast_in_dim3A_1 {strides = array<i32>} : memref<640xf32, #tpu.memory_space<vmem>>, vector<16xf32>,
    %swap3A_77 = arith.constant 560 : index
    %swap3A_78 = tpu.vector_load %arg16[%swap3A_77] {strides = array<i32>} : memref<640xf32, #tpu.memory_space<vmem>>, vector<16xf32>,
    tpu.vector_store %arg16[%swap3A_77], %broadcast_in_dim3A_1 {strides = array<i32>} : memref<640xf32, #tpu.memory_space<vmem>>, vector<16xf32>,
    %swap3A_79 = arith.constant 576 : index
    %swap3A_80 = tpu.vector_load %arg16[%swap3A_79] {strides = array<i32>} : memref<640xf32, #tpu.memory_space<vmem>>, vector<16xf32>,
    tpu.vector_store %arg16[%swap3A_79], %broadcast_in_dim3A_1 {strides = array<i32>} : memref<640xf32, #tpu.memory_space<vmem>>, vector<16xf32>,
    %swap3A_81 = arith.constant 592 : index
    %swap3A_82 = tpu.vector_load %arg16[%swap3A_81] {strides = array<i32>} : memref<640xf32, #tpu.memory_space<vmem>>, vector<16xf32>,
    tpu.vector_store %arg16[%swap3A_81], %broadcast_in_dim3A_1 {strides = array<i32>} : memref<640xf32, #tpu.memory_space<vmem>>, vector<16xf32>,
    %swap3A_83 = arith.constant 608 : index
    %swap3A_84 = tpu.vector_load %arg16[%swap3A_83] {strides = array<i32>} : memref<640xf32, #tpu.memory_space<vmem>>, vector<16xf32>,
    tpu.vector_store %arg16[%swap3A_83], %broadcast_in_dim3A_1 {strides = array<i32>} : memref<640xf32, #tpu.memory_space<vmem>>, vector<16xf32>,
    %swap3A_85 = arith.constant 624 : index
    %swap3A_86 = tpu.vector_load %arg16[%swap3A_85] {strides = array<i32>} : memref<640xf32, #tpu.memory_space<vmem>>, vector<16xf32>,
    tpu.vector_store %arg16[%swap3A_85], %broadcast_in_dim3A_1 {strides = array<i32>} : memref<640xf32, #tpu.memory_space<vmem>>, vector<16xf32>,
    %mul3A_87 = arith.constant 624 : i32
    %mul3A_88 = arith.muli %arg1, %mul3A_87 : i32
    %add3A_89 = arith.constant 0 : i32
    %add3A_90 = arith.addi %mul3A_88, %add3A_89 : i32
    "tpu.region"() ({
      %run_scoped3A_155 = tpu.sem_alloc : memref<!tpu.dma_semaphore, #tpu.memory_space<semaphore_mem>>
      %dma_start3A_156 = arith.constant 0 : i32
      %dma_start3A_157 = tpu.memref_slice %arg17[%add3A_90, %dma_start3A_156] : memref<10000x128xf32, #tpu.memory_space<vmem_shared>> -> memref<64x128xf32, #tpu.memory_space<vmem_shared>>
      %dma_start3A_158 = arith.constant 0 : i32
      %dma_start3A_159 = tpu.memref_slice %arg17[%add3A_90, %dma_start3A_158] : memref<10000x128xf32, #tpu.memory_space<vmem_shared>> -> memref<64x128xf32, #tpu.memory_space<vmem_shared>>
      tpu.enqueue_dma source(%arg13 : memref<64x128xf32, #tpu.memory_space<vmem>>) target(%dma_start3A_159 : memref<64x128xf32, #tpu.memory_space<vmem_shared>>) target_semaphore(%run_scoped3A_155 : memref<!tpu.dma_semaphore, #tpu.memory_space<semaphore_mem>>)
      %dma_wait3A = arith.constant 0 : i32
      %dma_wait3A_160 = tpu.memref_slice %arg17[%add3A_90, %dma_wait3A] : memref<10000x128xf32, #tpu.memory_space<vmem_shared>> -> memref<64x128xf32, #tpu.memory_space<vmem_shared>>
      %dma_wait3A_161 = arith.constant 0 : i32
      %dma_wait3A_162 = tpu.memref_slice %arg17[%add3A_90, %dma_wait3A_161] : memref<10000x128xf32, #tpu.memory_space<vmem_shared>> -> memref<64x128xf32, #tpu.memory_space<vmem_shared>>
      tpu.wait_dma2 semaphore(%run_scoped3A_155 : memref<!tpu.dma_semaphore, #tpu.memory_space<semaphore_mem>>) src(%arg13 : memref<64x128xf32, #tpu.memory_space<vmem>>) dst(%dma_wait3A_162 : memref<64x128xf32, #tpu.memory_space<vmem_shared>>)
      tpu.yield
    }) : () -> ()
    %add3A_91 = arith.constant 64 : i32
    %add3A_92 = arith.addi %mul3A_88, %add3A_91 : i32
    "tpu.region"() ({
      %run_scoped3A_155 = tpu.sem_alloc : memref<!tpu.dma_semaphore, #tpu.memory_space<semaphore_mem>>
      %dma_start3A_156 = arith.constant 0 : i32
      %dma_start3A_157 = tpu.memref_slice %arg17[%add3A_92, %dma_start3A_156] : memref<10000x128xf32, #tpu.memory_space<vmem_shared>> -> memref<64x128xf32, #tpu.memory_space<vmem_shared>>
      %dma_start3A_158 = arith.constant 0 : i32
      %dma_start3A_159 = tpu.memref_slice %arg17[%add3A_92, %dma_start3A_158] : memref<10000x128xf32, #tpu.memory_space<vmem_shared>> -> memref<64x128xf32, #tpu.memory_space<vmem_shared>>
      tpu.enqueue_dma source(%arg13 : memref<64x128xf32, #tpu.memory_space<vmem>>) target(%dma_start3A_159 : memref<64x128xf32, #tpu.memory_space<vmem_shared>>) target_semaphore(%run_scoped3A_155 : memref<!tpu.dma_semaphore, #tpu.memory_space<semaphore_mem>>)
      %dma_wait3A = arith.constant 0 : i32
      %dma_wait3A_160 = tpu.memref_slice %arg17[%add3A_92, %dma_wait3A] : memref<10000x128xf32, #tpu.memory_space<vmem_shared>> -> memref<64x128xf32, #tpu.memory_space<vmem_shared>>
      %dma_wait3A_161 = arith.constant 0 : i32
      %dma_wait3A_162 = tpu.memref_slice %arg17[%add3A_92, %dma_wait3A_161] : memref<10000x128xf32, #tpu.memory_space<vmem_shared>> -> memref<64x128xf32, #tpu.memory_space<vmem_shared>>
      tpu.wait_dma2 semaphore(%run_scoped3A_155 : memref<!tpu.dma_semaphore, #tpu.memory_space<semaphore_mem>>) src(%arg13 : memref<64x128xf32, #tpu.memory_space<vmem>>) dst(%dma_wait3A_162 : memref<64x128xf32, #tpu.memory_space<vmem_shared>>)
      tpu.yield
    }) : () -> ()
    %add3A_93 = arith.constant 128 : i32
    %add3A_94 = arith.addi %mul3A_88, %add3A_93 : i32
    "tpu.region"() ({
      %run_scoped3A_155 = tpu.sem_alloc : memref<!tpu.dma_semaphore, #tpu.memory_space<semaphore_mem>>
      %dma_start3A_156 = arith.constant 0 : i32
      %dma_start3A_157 = tpu.memref_slice %arg17[%add3A_94, %dma_start3A_156] : memref<10000x128xf32, #tpu.memory_space<vmem_shared>> -> memref<64x128xf32, #tpu.memory_space<vmem_shared>>
      %dma_start3A_158 = arith.constant 0 : i32
      %dma_start3A_159 = tpu.memref_slice %arg17[%add3A_94, %dma_start3A_158] : memref<10000x128xf32, #tpu.memory_space<vmem_shared>> -> memref<64x128xf32, #tpu.memory_space<vmem_shared>>
      tpu.enqueue_dma source(%arg13 : memref<64x128xf32, #tpu.memory_space<vmem>>) target(%dma_start3A_159 : memref<64x128xf32, #tpu.memory_space<vmem_shared>>) target_semaphore(%run_scoped3A_155 : memref<!tpu.dma_semaphore, #tpu.memory_space<semaphore_mem>>)
      %dma_wait3A = arith.constant 0 : i32
      %dma_wait3A_160 = tpu.memref_slice %arg17[%add3A_94, %dma_wait3A] : memref<10000x128xf32, #tpu.memory_space<vmem_shared>> -> memref<64x128xf32, #tpu.memory_space<vmem_shared>>
      %dma_wait3A_161 = arith.constant 0 : i32
      %dma_wait3A_162 = tpu.memref_slice %arg17[%add3A_94, %dma_wait3A_161] : memref<10000x128xf32, #tpu.memory_space<vmem_shared>> -> memref<64x128xf32, #tpu.memory_space<vmem_shared>>
      tpu.wait_dma2 semaphore(%run_scoped3A_155 : memref<!tpu.dma_semaphore, #tpu.memory_space<semaphore_mem>>) src(%arg13 : memref<64x128xf32, #tpu.memory_space<vmem>>) dst(%dma_wait3A_162 : memref<64x128xf32, #tpu.memory_space<vmem_shared>>)
      tpu.yield
    }) : () -> ()
    %add3A_95 = arith.constant 192 : i32
    %add3A_96 = arith.addi %mul3A_88, %add3A_95 : i32
    "tpu.region"() ({
      %run_scoped3A_155 = tpu.sem_alloc : memref<!tpu.dma_semaphore, #tpu.memory_space<semaphore_mem>>
      %dma_start3A_156 = arith.constant 0 : i32
      %dma_start3A_157 = tpu.memref_slice %arg17[%add3A_96, %dma_start3A_156] : memref<10000x128xf32, #tpu.memory_space<vmem_shared>> -> memref<64x128xf32, #tpu.memory_space<vmem_shared>>
      %dma_start3A_158 = arith.constant 0 : i32
      %dma_start3A_159 = tpu.memref_slice %arg17[%add3A_96, %dma_start3A_158] : memref<10000x128xf32, #tpu.memory_space<vmem_shared>> -> memref<64x128xf32, #tpu.memory_space<vmem_shared>>
      tpu.enqueue_dma source(%arg13 : memref<64x128xf32, #tpu.memory_space<vmem>>) target(%dma_start3A_159 : memref<64x128xf32, #tpu.memory_space<vmem_shared>>) target_semaphore(%run_scoped3A_155 : memref<!tpu.dma_semaphore, #tpu.memory_space<semaphore_mem>>)
      %dma_wait3A = arith.constant 0 : i32
      %dma_wait3A_160 = tpu.memref_slice %arg17[%add3A_96, %dma_wait3A] : memref<10000x128xf32, #tpu.memory_space<vmem_shared>> -> memref<64x128xf32, #tpu.memory_space<vmem_shared>>
      %dma_wait3A_161 = arith.constant 0 : i32
      %dma_wait3A_162 = tpu.memref_slice %arg17[%add3A_96, %dma_wait3A_161] : memref<10000x128xf32, #tpu.memory_space<vmem_shared>> -> memref<64x128xf32, #tpu.memory_space<vmem_shared>>
      tpu.wait_dma2 semaphore(%run_scoped3A_155 : memref<!tpu.dma_semaphore, #tpu.memory_space<semaphore_mem>>) src(%arg13 : memref<64x128xf32, #tpu.memory_space<vmem>>) dst(%dma_wait3A_162 : memref<64x128xf32, #tpu.memory_space<vmem_shared>>)
      tpu.yield
    }) : () -> ()
    %add3A_97 = arith.constant 256 : i32
    %add3A_98 = arith.addi %mul3A_88, %add3A_97 : i32
    "tpu.region"() ({
      %run_scoped3A_155 = tpu.sem_alloc : memref<!tpu.dma_semaphore, #tpu.memory_space<semaphore_mem>>
      %dma_start3A_156 = arith.constant 0 : i32
      %dma_start3A_157 = tpu.memref_slice %arg17[%add3A_98, %dma_start3A_156] : memref<10000x128xf32, #tpu.memory_space<vmem_shared>> -> memref<64x128xf32, #tpu.memory_space<vmem_shared>>
      %dma_start3A_158 = arith.constant 0 : i32
      %dma_start3A_159 = tpu.memref_slice %arg17[%add3A_98, %dma_start3A_158] : memref<10000x128xf32, #tpu.memory_space<vmem_shared>> -> memref<64x128xf32, #tpu.memory_space<vmem_shared>>
      tpu.enqueue_dma source(%arg13 : memref<64x128xf32, #tpu.memory_space<vmem>>) target(%dma_start3A_159 : memref<64x128xf32, #tpu.memory_space<vmem_shared>>) target_semaphore(%run_scoped3A_155 : memref<!tpu.dma_semaphore, #tpu.memory_space<semaphore_mem>>)
      %dma_wait3A = arith.constant 0 : i32
      %dma_wait3A_160 = tpu.memref_slice %arg17[%add3A_98, %dma_wait3A] : memref<10000x128xf32, #tpu.memory_space<vmem_shared>> -> memref<64x128xf32, #tpu.memory_space<vmem_shared>>
      %dma_wait3A_161 = arith.constant 0 : i32
      %dma_wait3A_162 = tpu.memref_slice %arg17[%add3A_98, %dma_wait3A_161] : memref<10000x128xf32, #tpu.memory_space<vmem_shared>> -> memref<64x128xf32, #tpu.memory_space<vmem_shared>>
      tpu.wait_dma2 semaphore(%run_scoped3A_155 : memref<!tpu.dma_semaphore, #tpu.memory_space<semaphore_mem>>) src(%arg13 : memref<64x128xf32, #tpu.memory_space<vmem>>) dst(%dma_wait3A_162 : memref<64x128xf32, #tpu.memory_space<vmem_shared>>)
      tpu.yield
    }) : () -> ()
    %add3A_99 = arith.constant 320 : i32
    %add3A_100 = arith.addi %mul3A_88, %add3A_99 : i32
    "tpu.region"() ({
      %run_scoped3A_155 = tpu.sem_alloc : memref<!tpu.dma_semaphore, #tpu.memory_space<semaphore_mem>>
      %dma_start3A_156 = arith.constant 0 : i32
      %dma_start3A_157 = tpu.memref_slice %arg17[%add3A_100, %dma_start3A_156] : memref<10000x128xf32, #tpu.memory_space<vmem_shared>> -> memref<64x128xf32, #tpu.memory_space<vmem_shared>>
      %dma_start3A_158 = arith.constant 0 : i32
      %dma_start3A_159 = tpu.memref_slice %arg17[%add3A_100, %dma_start3A_158] : memref<10000x128xf32, #tpu.memory_space<vmem_shared>> -> memref<64x128xf32, #tpu.memory_space<vmem_shared>>
      tpu.enqueue_dma source(%arg13 : memref<64x128xf32, #tpu.memory_space<vmem>>) target(%dma_start3A_159 : memref<64x128xf32, #tpu.memory_space<vmem_shared>>) target_semaphore(%run_scoped3A_155 : memref<!tpu.dma_semaphore, #tpu.memory_space<semaphore_mem>>)
      %dma_wait3A = arith.constant 0 : i32
      %dma_wait3A_160 = tpu.memref_slice %arg17[%add3A_100, %dma_wait3A] : memref<10000x128xf32, #tpu.memory_space<vmem_shared>> -> memref<64x128xf32, #tpu.memory_space<vmem_shared>>
      %dma_wait3A_161 = arith.constant 0 : i32
      %dma_wait3A_162 = tpu.memref_slice %arg17[%add3A_100, %dma_wait3A_161] : memref<10000x128xf32, #tpu.memory_space<vmem_shared>> -> memref<64x128xf32, #tpu.memory_space<vmem_shared>>
      tpu.wait_dma2 semaphore(%run_scoped3A_155 : memref<!tpu.dma_semaphore, #tpu.memory_space<semaphore_mem>>) src(%arg13 : memref<64x128xf32, #tpu.memory_space<vmem>>) dst(%dma_wait3A_162 : memref<64x128xf32, #tpu.memory_space<vmem_shared>>)
      tpu.yield
    }) : () -> ()
    %add3A_101 = arith.constant 384 : i32
    %add3A_102 = arith.addi %mul3A_88, %add3A_101 : i32
    "tpu.region"() ({
      %run_scoped3A_155 = tpu.sem_alloc : memref<!tpu.dma_semaphore, #tpu.memory_space<semaphore_mem>>
      %dma_start3A_156 = arith.constant 0 : i32
      %dma_start3A_157 = tpu.memref_slice %arg17[%add3A_102, %dma_start3A_156] : memref<10000x128xf32, #tpu.memory_space<vmem_shared>> -> memref<64x128xf32, #tpu.memory_space<vmem_shared>>
      %dma_start3A_158 = arith.constant 0 : i32
      %dma_start3A_159 = tpu.memref_slice %arg17[%add3A_102, %dma_start3A_158] : memref<10000x128xf32, #tpu.memory_space<vmem_shared>> -> memref<64x128xf32, #tpu.memory_space<vmem_shared>>
      tpu.enqueue_dma source(%arg13 : memref<64x128xf32, #tpu.memory_space<vmem>>) target(%dma_start3A_159 : memref<64x128xf32, #tpu.memory_space<vmem_shared>>) target_semaphore(%run_scoped3A_155 : memref<!tpu.dma_semaphore, #tpu.memory_space<semaphore_mem>>)
      %dma_wait3A = arith.constant 0 : i32
      %dma_wait3A_160 = tpu.memref_slice %arg17[%add3A_102, %dma_wait3A] : memref<10000x128xf32, #tpu.memory_space<vmem_shared>> -> memref<64x128xf32, #tpu.memory_space<vmem_shared>>
      %dma_wait3A_161 = arith.constant 0 : i32
      %dma_wait3A_162 = tpu.memref_slice %arg17[%add3A_102, %dma_wait3A_161] : memref<10000x128xf32, #tpu.memory_space<vmem_shared>> -> memref<64x128xf32, #tpu.memory_space<vmem_shared>>
      tpu.wait_dma2 semaphore(%run_scoped3A_155 : memref<!tpu.dma_semaphore, #tpu.memory_space<semaphore_mem>>) src(%arg13 : memref<64x128xf32, #tpu.memory_space<vmem>>) dst(%dma_wait3A_162 : memref<64x128xf32, #tpu.memory_space<vmem_shared>>)
      tpu.yield
    }) : () -> ()
    %add3A_103 = arith.constant 448 : i32
    %add3A_104 = arith.addi %mul3A_88, %add3A_103 : i32
    "tpu.region"() ({
      %run_scoped3A_155 = tpu.sem_alloc : memref<!tpu.dma_semaphore, #tpu.memory_space<semaphore_mem>>
      %dma_start3A_156 = arith.constant 0 : i32
      %dma_start3A_157 = tpu.memref_slice %arg17[%add3A_104, %dma_start3A_156] : memref<10000x128xf32, #tpu.memory_space<vmem_shared>> -> memref<64x128xf32, #tpu.memory_space<vmem_shared>>
      %dma_start3A_158 = arith.constant 0 : i32
      %dma_start3A_159 = tpu.memref_slice %arg17[%add3A_104, %dma_start3A_158] : memref<10000x128xf32, #tpu.memory_space<vmem_shared>> -> memref<64x128xf32, #tpu.memory_space<vmem_shared>>
      tpu.enqueue_dma source(%arg13 : memref<64x128xf32, #tpu.memory_space<vmem>>) target(%dma_start3A_159 : memref<64x128xf32, #tpu.memory_space<vmem_shared>>) target_semaphore(%run_scoped3A_155 : memref<!tpu.dma_semaphore, #tpu.memory_space<semaphore_mem>>)
      %dma_wait3A = arith.constant 0 : i32
      %dma_wait3A_160 = tpu.memref_slice %arg17[%add3A_104, %dma_wait3A] : memref<10000x128xf32, #tpu.memory_space<vmem_shared>> -> memref<64x128xf32, #tpu.memory_space<vmem_shared>>
      %dma_wait3A_161 = arith.constant 0 : i32
      %dma_wait3A_162 = tpu.memref_slice %arg17[%add3A_104, %dma_wait3A_161] : memref<10000x128xf32, #tpu.memory_space<vmem_shared>> -> memref<64x128xf32, #tpu.memory_space<vmem_shared>>
      tpu.wait_dma2 semaphore(%run_scoped3A_155 : memref<!tpu.dma_semaphore, #tpu.memory_space<semaphore_mem>>) src(%arg13 : memref<64x128xf32, #tpu.memory_space<vmem>>) dst(%dma_wait3A_162 : memref<64x128xf32, #tpu.memory_space<vmem_shared>>)
      tpu.yield
    }) : () -> ()
    %add3A_105 = arith.constant 512 : i32
    %add3A_106 = arith.addi %mul3A_88, %add3A_105 : i32
    "tpu.region"() ({
      %run_scoped3A_155 = tpu.sem_alloc : memref<!tpu.dma_semaphore, #tpu.memory_space<semaphore_mem>>
      %dma_start3A_156 = arith.constant 0 : i32
      %dma_start3A_157 = tpu.memref_slice %arg17[%add3A_106, %dma_start3A_156] : memref<10000x128xf32, #tpu.memory_space<vmem_shared>> -> memref<64x128xf32, #tpu.memory_space<vmem_shared>>
      %dma_start3A_158 = arith.constant 0 : i32
      %dma_start3A_159 = tpu.memref_slice %arg17[%add3A_106, %dma_start3A_158] : memref<10000x128xf32, #tpu.memory_space<vmem_shared>> -> memref<64x128xf32, #tpu.memory_space<vmem_shared>>
      tpu.enqueue_dma source(%arg13 : memref<64x128xf32, #tpu.memory_space<vmem>>) target(%dma_start3A_159 : memref<64x128xf32, #tpu.memory_space<vmem_shared>>) target_semaphore(%run_scoped3A_155 : memref<!tpu.dma_semaphore, #tpu.memory_space<semaphore_mem>>)
      %dma_wait3A = arith.constant 0 : i32
      %dma_wait3A_160 = tpu.memref_slice %arg17[%add3A_106, %dma_wait3A] : memref<10000x128xf32, #tpu.memory_space<vmem_shared>> -> memref<64x128xf32, #tpu.memory_space<vmem_shared>>
      %dma_wait3A_161 = arith.constant 0 : i32
      %dma_wait3A_162 = tpu.memref_slice %arg17[%add3A_106, %dma_wait3A_161] : memref<10000x128xf32, #tpu.memory_space<vmem_shared>> -> memref<64x128xf32, #tpu.memory_space<vmem_shared>>
      tpu.wait_dma2 semaphore(%run_scoped3A_155 : memref<!tpu.dma_semaphore, #tpu.memory_space<semaphore_mem>>) src(%arg13 : memref<64x128xf32, #tpu.memory_space<vmem>>) dst(%dma_wait3A_162 : memref<64x128xf32, #tpu.memory_space<vmem_shared>>)
      tpu.yield
    }) : () -> ()
    %add3A_107 = arith.constant 576 : i32
    %add3A_108 = arith.addi %mul3A_88, %add3A_107 : i32
    "tpu.region"() ({
      %run_scoped3A_155 = tpu.sem_alloc : memref<!tpu.dma_semaphore, #tpu.memory_space<semaphore_mem>>
      %dma_start3A_156 = arith.constant 0 : i32
      %dma_start3A_157 = tpu.memref_slice %arg17[%add3A_108, %dma_start3A_156] : memref<10000x128xf32, #tpu.memory_space<vmem_shared>> -> memref<64x128xf32, #tpu.memory_space<vmem_shared>>
      %dma_start3A_158 = arith.constant 0 : i32
      %dma_start3A_159 = tpu.memref_slice %arg17[%add3A_108, %dma_start3A_158] : memref<10000x128xf32, #tpu.memory_space<vmem_shared>> -> memref<64x128xf32, #tpu.memory_space<vmem_shared>>
      tpu.enqueue_dma source(%arg13 : memref<64x128xf32, #tpu.memory_space<vmem>>) target(%dma_start3A_159 : memref<64x128xf32, #tpu.memory_space<vmem_shared>>) target_semaphore(%run_scoped3A_155 : memref<!tpu.dma_semaphore, #tpu.memory_space<semaphore_mem>>)
      %dma_wait3A = arith.constant 0 : i32
      %dma_wait3A_160 = tpu.memref_slice %arg17[%add3A_108, %dma_wait3A] : memref<10000x128xf32, #tpu.memory_space<vmem_shared>> -> memref<64x128xf32, #tpu.memory_space<vmem_shared>>
      %dma_wait3A_161 = arith.constant 0 : i32
      %dma_wait3A_162 = tpu.memref_slice %arg17[%add3A_108, %dma_wait3A_161] : memref<10000x128xf32, #tpu.memory_space<vmem_shared>> -> memref<64x128xf32, #tpu.memory_space<vmem_shared>>
      tpu.wait_dma2 semaphore(%run_scoped3A_155 : memref<!tpu.dma_semaphore, #tpu.memory_space<semaphore_mem>>) src(%arg13 : memref<64x128xf32, #tpu.memory_space<vmem>>) dst(%dma_wait3A_162 : memref<64x128xf32, #tpu.memory_space<vmem_shared>>)
      tpu.yield
    }) : () -> ()
    %mul3A_109 = arith.constant 640 : i32
    %mul3A_110 = arith.muli %arg1, %mul3A_109 : i32
    "tpu.region"() ({
      %run_scoped3A_155 = tpu.sem_alloc : memref<!tpu.dma_semaphore, #tpu.memory_space<semaphore_mem>>
      %dma_start3A_156 = tpu.memref_slice %arg18[%mul3A_110] : memref<10240xf32, #tpu.memory_space<vmem_shared>> -> memref<640xf32, #tpu.memory_space<vmem_shared>>
      %dma_start3A_157 = tpu.memref_slice %arg18[%mul3A_110] : memref<10240xf32, #tpu.memory_space<vmem_shared>> -> memref<640xf32, #tpu.memory_space<vmem_shared>>
      tpu.enqueue_dma source(%arg16 : memref<640xf32, #tpu.memory_space<vmem>>) target(%dma_start3A_157 : memref<640xf32, #tpu.memory_space<vmem_shared>>) target_semaphore(%run_scoped3A_155 : memref<!tpu.dma_semaphore, #tpu.memory_space<semaphore_mem>>)
      %dma_wait3A = tpu.memref_slice %arg18[%mul3A_110] : memref<10240xf32, #tpu.memory_space<vmem_shared>> -> memref<640xf32, #tpu.memory_space<vmem_shared>>
      %dma_wait3A_158 = tpu.memref_slice %arg18[%mul3A_110] : memref<10240xf32, #tpu.memory_space<vmem_shared>> -> memref<640xf32, #tpu.memory_space<vmem_shared>>
      tpu.wait_dma2 semaphore(%run_scoped3A_155 : memref<!tpu.dma_semaphore, #tpu.memory_space<semaphore_mem>>) src(%arg16 : memref<640xf32, #tpu.memory_space<vmem>>) dst(%dma_wait3A_158 : memref<640xf32, #tpu.memory_space<vmem_shared>>)
      tpu.yield
    }) : () -> ()
    %barrier3A = arith.constant 0 : index
    tpu.barrier barrier_id(%barrier3A)
    %iota3A = tpu.iota {dimensions = array<i32: 0>} : vector<16xi32>
    %mul3A_111 = arith.constant 64 : i32
    %mul3A_112 = arith.muli %add3A, %mul3A_111 : i32
    %run_scoped3A = arith.constant 0 : i32
    "tpu.region"() ({
      %run_scoped3A_155 = tpu.sem_alloc : memref<!tpu.dma_semaphore, #tpu.memory_space<semaphore_mem>>
      %dma_start3A_156 = arith.constant 0 : i32
      %dma_start3A_157 = tpu.memref_slice %arg9[%run_scoped3A, %dma_start3A_156] : memref<3x64xi32, #tpu.memory_space<vmem>> -> memref<1x64xi32, #tpu.memory_space<vmem>>
      %dma_start3A_158 = tpu.memref_squeeze %dma_start3A_157 : memref<1x64xi32, #tpu.memory_space<vmem>> -> memref<64xi32, #tpu.memory_space<vmem>>
      %dma_start3A_159 = tpu.memref_slice %arg5[%mul3A_112] : memref<320000xi32, #tpu.memory_space<hbm>> -> memref<64xi32, #tpu.memory_space<hbm>>
      %dma_start3A_160 = arith.constant 0 : i32
      %dma_start3A_161 = tpu.memref_slice %arg9[%run_scoped3A, %dma_start3A_160] : memref<3x64xi32, #tpu.memory_space<vmem>> -> memref<1x64xi32, #tpu.memory_space<vmem>>
      %dma_start3A_162 = tpu.memref_squeeze %dma_start3A_161 : memref<1x64xi32, #tpu.memory_space<vmem>> -> memref<64xi32, #tpu.memory_space<vmem>>
      %dma_start3A_163 = tpu.memref_slice %arg5[%mul3A_112] : memref<320000xi32, #tpu.memory_space<hbm>> -> memref<64xi32, #tpu.memory_space<hbm>>
      tpu.enqueue_dma source(%dma_start3A_163 : memref<64xi32, #tpu.memory_space<hbm>>) target(%dma_start3A_162 : memref<64xi32, #tpu.memory_space<vmem>>) target_semaphore(%run_scoped3A_155 : memref<!tpu.dma_semaphore, #tpu.memory_space<semaphore_mem>>)
      %dma_wait3A = arith.constant 0 : i32
      %dma_wait3A_164 = tpu.memref_slice %arg9[%run_scoped3A, %dma_wait3A] : memref<3x64xi32, #tpu.memory_space<vmem>> -> memref<1x64xi32, #tpu.memory_space<vmem>>
      %dma_wait3A_165 = tpu.memref_squeeze %dma_wait3A_164 : memref<1x64xi32, #tpu.memory_space<vmem>> -> memref<64xi32, #tpu.memory_space<vmem>>
      %dma_wait3A_166 = tpu.memref_slice %arg5[%mul3A_112] : memref<320000xi32, #tpu.memory_space<hbm>> -> memref<64xi32, #tpu.memory_space<hbm>>
      %dma_wait3A_167 = arith.constant 0 : i32
      %dma_wait3A_168 = tpu.memref_slice %arg9[%run_scoped3A, %dma_wait3A_167] : memref<3x64xi32, #tpu.memory_space<vmem>> -> memref<1x64xi32, #tpu.memory_space<vmem>>
      %dma_wait3A_169 = tpu.memref_squeeze %dma_wait3A_168 : memref<1x64xi32, #tpu.memory_space<vmem>> -> memref<64xi32, #tpu.memory_space<vmem>>
      %dma_wait3A_170 = tpu.memref_slice %arg5[%mul3A_112] : memref<320000xi32, #tpu.memory_space<hbm>> -> memref<64xi32, #tpu.memory_space<hbm>>
      tpu.wait_dma2 semaphore(%run_scoped3A_155 : memref<!tpu.dma_semaphore, #tpu.memory_space<semaphore_mem>>) src(%dma_wait3A_170 : memref<64xi32, #tpu.memory_space<hbm>>) dst(%dma_wait3A_169 : memref<64xi32, #tpu.memory_space<vmem>>)
      tpu.yield
    }) : () -> ()
    %run_scoped3A_113 = arith.constant 0 : i32
    "tpu.region"() ({
      %run_scoped3A_155 = tpu.sem_alloc : memref<!tpu.dma_semaphore, #tpu.memory_space<semaphore_mem>>
      %dma_start3A_156 = arith.constant 0 : i32
      %dma_start3A_157 = tpu.memref_slice %arg10[%run_scoped3A_113, %dma_start3A_156] : memref<3x64xi32, #tpu.memory_space<vmem>> -> memref<1x64xi32, #tpu.memory_space<vmem>>
      %dma_start3A_158 = tpu.memref_squeeze %dma_start3A_157 : memref<1x64xi32, #tpu.memory_space<vmem>> -> memref<64xi32, #tpu.memory_space<vmem>>
      %dma_start3A_159 = tpu.memref_slice %arg6[%mul3A_112] : memref<320000xi32, #tpu.memory_space<hbm>> -> memref<64xi32, #tpu.memory_space<hbm>>
      %dma_start3A_160 = arith.constant 0 : i32
      %dma_start3A_161 = tpu.memref_slice %arg10[%run_scoped3A_113, %dma_start3A_160] : memref<3x64xi32, #tpu.memory_space<vmem>> -> memref<1x64xi32, #tpu.memory_space<vmem>>
      %dma_start3A_162 = tpu.memref_squeeze %dma_start3A_161 : memref<1x64xi32, #tpu.memory_space<vmem>> -> memref<64xi32, #tpu.memory_space<vmem>>
      %dma_start3A_163 = tpu.memref_slice %arg6[%mul3A_112] : memref<320000xi32, #tpu.memory_space<hbm>> -> memref<64xi32, #tpu.memory_space<hbm>>
      tpu.enqueue_dma source(%dma_start3A_163 : memref<64xi32, #tpu.memory_space<hbm>>) target(%dma_start3A_162 : memref<64xi32, #tpu.memory_space<vmem>>) target_semaphore(%run_scoped3A_155 : memref<!tpu.dma_semaphore, #tpu.memory_space<semaphore_mem>>)
      %dma_wait3A = arith.constant 0 : i32
      %dma_wait3A_164 = tpu.memref_slice %arg10[%run_scoped3A_113, %dma_wait3A] : memref<3x64xi32, #tpu.memory_space<vmem>> -> memref<1x64xi32, #tpu.memory_space<vmem>>
      %dma_wait3A_165 = tpu.memref_squeeze %dma_wait3A_164 : memref<1x64xi32, #tpu.memory_space<vmem>> -> memref<64xi32, #tpu.memory_space<vmem>>
      %dma_wait3A_166 = tpu.memref_slice %arg6[%mul3A_112] : memref<320000xi32, #tpu.memory_space<hbm>> -> memref<64xi32, #tpu.memory_space<hbm>>
      %dma_wait3A_167 = arith.constant 0 : i32
      %dma_wait3A_168 = tpu.memref_slice %arg10[%run_scoped3A_113, %dma_wait3A_167] : memref<3x64xi32, #tpu.memory_space<vmem>> -> memref<1x64xi32, #tpu.memory_space<vmem>>
      %dma_wait3A_169 = tpu.memref_squeeze %dma_wait3A_168 : memref<1x64xi32, #tpu.memory_space<vmem>> -> memref<64xi32, #tpu.memory_space<vmem>>
      %dma_wait3A_170 = tpu.memref_slice %arg6[%mul3A_112] : memref<320000xi32, #tpu.memory_space<hbm>> -> memref<64xi32, #tpu.memory_space<hbm>>
      tpu.wait_dma2 semaphore(%run_scoped3A_155 : memref<!tpu.dma_semaphore, #tpu.memory_space<semaphore_mem>>) src(%dma_wait3A_170 : memref<64xi32, #tpu.memory_space<hbm>>) dst(%dma_wait3A_169 : memref<64xi32, #tpu.memory_space<vmem>>)
      tpu.yield
    }) : () -> ()
    %dma_start3A = arith.constant 0 : i32
    %dma_start3A_114 = arith.constant 0 : i32
    %dma_start3A_115 = arith.constant 0 : i32
    %dma_start3A_116 = arith.constant 0 : i32
    %dma_start3A_117 = tpu.memref_slice %arg11[%dma_start3A_114, %dma_start3A_115, %dma_start3A_116] : memref<2x64x128xf32, #tpu.memory_space<vmem>> -> memref<1x64x128xf32, #tpu.memory_space<vmem>>
    %dma_start3A_118 = tpu.memref_squeeze %dma_start3A_117 : memref<1x64x128xf32, #tpu.memory_space<vmem>> -> memref<64x128xf32, #tpu.memory_space<vmem>>
    %dma_start3A_119 = arith.constant 0 : i32
    %dma_start3A_120 = tpu.memref_slice %arg10[%dma_start3A, %dma_start3A_119] : memref<3x64xi32, #tpu.memory_space<vmem>> -> memref<1x64xi32, #tpu.memory_space<vmem>>
    %dma_start3A_121 = tpu.memref_squeeze %dma_start3A_120 : memref<1x64xi32, #tpu.memory_space<vmem>> -> memref<64xi32, #tpu.memory_space<vmem>>
    %dma_start3A_122 = arith.constant 0 : i32
    %dma_start3A_123 = arith.constant 0 : i32
    %dma_start3A_124 = tpu.memref_slice %arg2[%dma_start3A_122, %dma_start3A_123] : memref<10000x128xf32, #tpu.memory_space<hbm>> -> memref<10000x128xf32, #tpu.memory_space<hbm>>
    tpu.enqueue_indirect_dma source(%dma_start3A_124 : memref<10000x128xf32, #tpu.memory_space<hbm>>) target(%dma_start3A_118 : memref<64x128xf32, #tpu.memory_space<vmem>>) offsets(%dma_start3A_121 : memref<64xi32, #tpu.memory_space<vmem>>) semaphore(%arg19 : memref<!tpu.dma_semaphore, #tpu.memory_space<semaphore_mem>>)
    %dma_start3A_125 = arith.constant 0 : i32
    %dma_start3A_126 = arith.constant 0 : i32
    %dma_start3A_127 = arith.constant 0 : i32
    %dma_start3A_128 = arith.constant 0 : i32
    %dma_start3A_129 = tpu.memref_slice %arg12[%dma_start3A_126, %dma_start3A_127, %dma_start3A_128] : memref<2x64x128xf32, #tpu.memory_space<vmem>> -> memref<1x64x128xf32, #tpu.memory_space<vmem>>
    %dma_start3A_130 = tpu.memref_squeeze %dma_start3A_129 : memref<1x64x128xf32, #tpu.memory_space<vmem>> -> memref<64x128xf32, #tpu.memory_space<vmem>>
    %dma_start3A_131 = arith.constant 0 : i32
    %dma_start3A_132 = tpu.memref_slice %arg9[%dma_start3A_125, %dma_start3A_131] : memref<3x64xi32, #tpu.memory_space<vmem>> -> memref<1x64xi32, #tpu.memory_space<vmem>>
    %dma_start3A_133 = tpu.memref_squeeze %dma_start3A_132 : memref<1x64xi32, #tpu.memory_space<vmem>> -> memref<64xi32, #tpu.memory_space<vmem>>
    %dma_start3A_134 = arith.constant 0 : i32
    %dma_start3A_135 = arith.constant 0 : i32
    %dma_start3A_136 = tpu.memref_slice %arg3[%dma_start3A_134, %dma_start3A_135] : memref<10000x128xf32, #tpu.memory_space<hbm>> -> memref<10000x128xf32, #tpu.memory_space<hbm>>
    tpu.enqueue_indirect_dma source(%dma_start3A_136 : memref<10000x128xf32, #tpu.memory_space<hbm>>) target(%dma_start3A_130 : memref<64x128xf32, #tpu.memory_space<vmem>>) offsets(%dma_start3A_133 : memref<64xi32, #tpu.memory_space<vmem>>) semaphore(%arg19 : memref<!tpu.dma_semaphore, #tpu.memory_space<semaphore_mem>>)
    %scan3A_137 = arith.constant 0 : i32
    %scan3A_138 = arith.constant 0 : i32
    %scan3A_139 = arith.constant 157 : i32
    %scan3A_140 = arith.addi %scan3A_138, %scan3A_139 : i32
    %scan3A_141 = arith.constant 1 : i32
    %scan3A_142 = scf.for %scan3A_155 = %scan3A_138 to %scan3A_140 step %scan3A_141 iter_args(%scan3A_156 = %scan3A_137) -> (i32)  : i32 {
      %mul3A_157 = arith.constant 32 : i32
      %mul3A_158 = arith.muli %scan3A_155, %mul3A_157 : i32
      %add3A_159 = arith.addi %add3A, %mul3A_158 : i32
      %rem3A = arith.constant 2 : i32
      %rem3A_160 = arith.remsi %scan3A_155, %rem3A : i32
      %sub3A = arith.constant 1 : i32
      %sub3A_161 = arith.subi %sub3A, %rem3A_160 : i32
      %rem3A_162 = arith.constant 3 : i32
      %rem3A_163 = arith.remsi %scan3A_155, %rem3A_162 : i32
      %add3A_164 = arith.constant 2 : i32
      %add3A_165 = arith.addi %scan3A_155, %add3A_164 : i32
      %rem3A_166 = arith.constant 3 : i32
      %rem3A_167 = arith.remsi %add3A_165, %rem3A_166 : i32
      %add3A_168 = arith.constant 1 : i32
      %add3A_169 = arith.addi %scan3A_155, %add3A_168 : i32
      %rem3A_170 = arith.constant 3 : i32
      %rem3A_171 = arith.remsi %add3A_169, %rem3A_170 : i32
      %lt3A_172 = arith.constant 5000 : i32
      %lt3A_173 = arith.cmpi slt, %add3A_159, %lt3A_172 : i32
      %convert_element_type3A_174 = arith.extui %lt3A_173 : i1 to i32
      %cond3A_175 = arith.constant 0 : i32
      %cond3A_176 = arith.cmpi ne, %convert_element_type3A_174, %cond3A_175 : i32
      scf.if %cond3A_176 {
        %ge3A_178 = arith.constant 1 : i32
        %ge3A_179 = arith.cmpi sge, %scan3A_155, %ge3A_178 : i32
        %convert_element_type3A_180 = arith.extui %ge3A_179 : i1 to i32
        %cond3A_181 = arith.constant 0 : i32
        %cond3A_182 = arith.cmpi ne, %convert_element_type3A_180, %cond3A_181 : i32
        scf.if %cond3A_182 {
          %dma_wait3A_242 = arith.constant 0 : i32
          %dma_wait3A_243 = tpu.memref_slice %arg10[%rem3A_167, %dma_wait3A_242] : memref<3x64xi32, #tpu.memory_space<vmem>> -> memref<1x64xi32, #tpu.memory_space<vmem>>
          %dma_wait3A_244 = tpu.memref_squeeze %dma_wait3A_243 : memref<1x64xi32, #tpu.memory_space<vmem>> -> memref<64xi32, #tpu.memory_space<vmem>>
          %dma_wait3A_245 = arith.constant 0 : i32
          %dma_wait3A_246 = arith.constant 0 : i32
          %dma_wait3A_247 = tpu.memref_slice %arg17[%dma_wait3A_245, %dma_wait3A_246] : memref<10000x128xf32, #tpu.memory_space<vmem_shared>> -> memref<10000x128xf32, #tpu.memory_space<vmem_shared>>
          tpu.wait_indirect_dma semaphore(%arg21 : memref<!tpu.dma_semaphore, #tpu.memory_space<semaphore_mem>>) src(%arg13 : memref<64x128xf32, #tpu.memory_space<vmem>>) dst(%dma_wait3A_247 : memref<10000x128xf32, #tpu.memory_space<vmem_shared>>)
          %dma_wait3A_248 = arith.constant 0 : i32
          %dma_wait3A_249 = tpu.memref_slice %arg14[%sub3A_161, %dma_wait3A_248] : memref<2x64xf32, #tpu.memory_space<vmem>> -> memref<1x64xf32, #tpu.memory_space<vmem>>
          %dma_wait3A_250 = tpu.memref_squeeze %dma_wait3A_249 : memref<1x64xf32, #tpu.memory_space<vmem>> -> memref<64xf32, #tpu.memory_space<vmem>>
          %dma_wait3A_251 = arith.constant 0 : i32
          %dma_wait3A_252 = tpu.memref_slice %arg10[%rem3A_167, %dma_wait3A_251] : memref<3x64xi32, #tpu.memory_space<vmem>> -> memref<1x64xi32, #tpu.memory_space<vmem>>
          %dma_wait3A_253 = tpu.memref_squeeze %dma_wait3A_252 : memref<1x64xi32, #tpu.memory_space<vmem>> -> memref<64xi32, #tpu.memory_space<vmem>>
          %dma_wait3A_254 = arith.constant 0 : i32
          %dma_wait3A_255 = tpu.memref_slice %arg18[%dma_wait3A_254] : memref<10240xf32, #tpu.memory_space<vmem_shared>> -> memref<10240xf32, #tpu.memory_space<vmem_shared>>
          tpu.wait_indirect_dma semaphore(%arg21 : memref<!tpu.dma_semaphore, #tpu.memory_space<semaphore_mem>>) src(%dma_wait3A_250 : memref<64xf32, #tpu.memory_space<vmem>>) dst(%dma_wait3A_255 : memref<10240xf32, #tpu.memory_space<vmem_shared>>)
        } else {
        }
        %dma_start3A_183 = arith.constant 0 : i32
        %dma_start3A_184 = tpu.memref_slice %arg9[%rem3A_163, %dma_start3A_183] : memref<3x64xi32, #tpu.memory_space<vmem>> -> memref<1x64xi32, #tpu.memory_space<vmem>>
        %dma_start3A_185 = tpu.memref_squeeze %dma_start3A_184 : memref<1x64xi32, #tpu.memory_space<vmem>> -> memref<64xi32, #tpu.memory_space<vmem>>
        %dma_start3A_186 = arith.constant 0 : i32
        %dma_start3A_187 = arith.constant 0 : i32
        %dma_start3A_188 = tpu.memref_slice %arg4[%dma_start3A_186, %dma_start3A_187] : memref<10000x128xf32, #tpu.memory_space<hbm>> -> memref<10000x128xf32, #tpu.memory_space<hbm>>
        tpu.enqueue_indirect_dma source(%dma_start3A_188 : memref<10000x128xf32, #tpu.memory_space<hbm>>) target(%arg13 : memref<64x128xf32, #tpu.memory_space<vmem>>) offsets(%dma_start3A_185 : memref<64xi32, #tpu.memory_space<vmem>>) semaphore(%arg20 : memref<!tpu.dma_semaphore, #tpu.memory_space<semaphore_mem>>)
        %dma_wait3A = arith.constant 0 : i32
        %dma_wait3A_189 = arith.constant 0 : i32
        %dma_wait3A_190 = tpu.memref_slice %arg11[%rem3A_160, %dma_wait3A, %dma_wait3A_189] : memref<2x64x128xf32, #tpu.memory_space<vmem>> -> memref<1x64x128xf32, #tpu.memory_space<vmem>>
        %dma_wait3A_191 = tpu.memref_squeeze %dma_wait3A_190 : memref<1x64x128xf32, #tpu.memory_space<vmem>> -> memref<64x128xf32, #tpu.memory_space<vmem>>
        %dma_wait3A_192 = arith.constant 0 : i32
        %dma_wait3A_193 = tpu.memref_slice %arg10[%rem3A_163, %dma_wait3A_192] : memref<3x64xi32, #tpu.memory_space<vmem>> -> memref<1x64xi32, #tpu.memory_space<vmem>>
        %dma_wait3A_194 = tpu.memref_squeeze %dma_wait3A_193 : memref<1x64xi32, #tpu.memory_space<vmem>> -> memref<64xi32, #tpu.memory_space<vmem>>
        %dma_wait3A_195 = arith.constant 0 : i32
        %dma_wait3A_196 = arith.constant 0 : i32
        %dma_wait3A_197 = tpu.memref_slice %arg2[%dma_wait3A_195, %dma_wait3A_196] : memref<10000x128xf32, #tpu.memory_space<hbm>> -> memref<10000x128xf32, #tpu.memory_space<hbm>>
        tpu.wait_indirect_dma semaphore(%arg19 : memref<!tpu.dma_semaphore, #tpu.memory_space<semaphore_mem>>) src(%dma_wait3A_197 : memref<10000x128xf32, #tpu.memory_space<hbm>>) dst(%dma_wait3A_191 : memref<64x128xf32, #tpu.memory_space<vmem>>)
        %dma_wait3A_198 = arith.constant 0 : i32
        %dma_wait3A_199 = arith.constant 0 : i32
        %dma_wait3A_200 = tpu.memref_slice %arg12[%rem3A_160, %dma_wait3A_198, %dma_wait3A_199] : memref<2x64x128xf32, #tpu.memory_space<vmem>> -> memref<1x64x128xf32, #tpu.memory_space<vmem>>
        %dma_wait3A_201 = tpu.memref_squeeze %dma_wait3A_200 : memref<1x64x128xf32, #tpu.memory_space<vmem>> -> memref<64x128xf32, #tpu.memory_space<vmem>>
        %dma_wait3A_202 = arith.constant 0 : i32
        %dma_wait3A_203 = tpu.memref_slice %arg9[%rem3A_163, %dma_wait3A_202] : memref<3x64xi32, #tpu.memory_space<vmem>> -> memref<1x64xi32, #tpu.memory_space<vmem>>
        %dma_wait3A_204 = tpu.memref_squeeze %dma_wait3A_203 : memref<1x64xi32, #tpu.memory_space<vmem>> -> memref<64xi32, #tpu.memory_space<vmem>>
        %dma_wait3A_205 = arith.constant 0 : i32
        %dma_wait3A_206 = arith.constant 0 : i32
        %dma_wait3A_207 = tpu.memref_slice %arg3[%dma_wait3A_205, %dma_wait3A_206] : memref<10000x128xf32, #tpu.memory_space<hbm>> -> memref<10000x128xf32, #tpu.memory_space<hbm>>
        tpu.wait_indirect_dma semaphore(%arg19 : memref<!tpu.dma_semaphore, #tpu.memory_space<semaphore_mem>>) src(%dma_wait3A_207 : memref<10000x128xf32, #tpu.memory_space<hbm>>) dst(%dma_wait3A_201 : memref<64x128xf32, #tpu.memory_space<vmem>>)
        %add3A_208 = arith.constant 32 : i32
        %add3A_209 = arith.addi %add3A_159, %add3A_208 : i32
        %lt3A_210 = arith.constant 5000 : i32
        %lt3A_211 = arith.cmpi slt, %add3A_209, %lt3A_210 : i32
        %convert_element_type3A_212 = arith.extui %lt3A_211 : i1 to i32
        %cond3A_213 = arith.constant 0 : i32
        %cond3A_214 = arith.cmpi ne, %convert_element_type3A_212, %cond3A_213 : i32
        scf.if %cond3A_214 {
          %add3A_242 = arith.constant 32 : i32
          %add3A_243 = arith.addi %add3A_159, %add3A_242 : i32
          %mul3A_244 = arith.constant 64 : i32
          %mul3A_245 = arith.muli %add3A_243, %mul3A_244 : i32
          "tpu.region"() ({
            %run_scoped3A_266 = tpu.sem_alloc : memref<!tpu.dma_semaphore, #tpu.memory_space<semaphore_mem>>
            %dma_start3A_267 = arith.constant 0 : i32
            %dma_start3A_268 = tpu.memref_slice %arg9[%rem3A_171, %dma_start3A_267] : memref<3x64xi32, #tpu.memory_space<vmem>> -> memref<1x64xi32, #tpu.memory_space<vmem>>
            %dma_start3A_269 = tpu.memref_squeeze %dma_start3A_268 : memref<1x64xi32, #tpu.memory_space<vmem>> -> memref<64xi32, #tpu.memory_space<vmem>>
            %dma_start3A_270 = tpu.memref_slice %arg5[%mul3A_245] : memref<320000xi32, #tpu.memory_space<hbm>> -> memref<64xi32, #tpu.memory_space<hbm>>
            %dma_start3A_271 = arith.constant 0 : i32
            %dma_start3A_272 = tpu.memref_slice %arg9[%rem3A_171, %dma_start3A_271] : memref<3x64xi32, #tpu.memory_space<vmem>> -> memref<1x64xi32, #tpu.memory_space<vmem>>
            %dma_start3A_273 = tpu.memref_squeeze %dma_start3A_272 : memref<1x64xi32, #tpu.memory_space<vmem>> -> memref<64xi32, #tpu.memory_space<vmem>>
            %dma_start3A_274 = tpu.memref_slice %arg5[%mul3A_245] : memref<320000xi32, #tpu.memory_space<hbm>> -> memref<64xi32, #tpu.memory_space<hbm>>
            tpu.enqueue_dma source(%dma_start3A_274 : memref<64xi32, #tpu.memory_space<hbm>>) target(%dma_start3A_273 : memref<64xi32, #tpu.memory_space<vmem>>) target_semaphore(%run_scoped3A_266 : memref<!tpu.dma_semaphore, #tpu.memory_space<semaphore_mem>>)
            %dma_wait3A_275 = arith.constant 0 : i32
            %dma_wait3A_276 = tpu.memref_slice %arg9[%rem3A_171, %dma_wait3A_275] : memref<3x64xi32, #tpu.memory_space<vmem>> -> memref<1x64xi32, #tpu.memory_space<vmem>>
            %dma_wait3A_277 = tpu.memref_squeeze %dma_wait3A_276 : memref<1x64xi32, #tpu.memory_space<vmem>> -> memref<64xi32, #tpu.memory_space<vmem>>
            %dma_wait3A_278 = tpu.memref_slice %arg5[%mul3A_245] : memref<320000xi32, #tpu.memory_space<hbm>> -> memref<64xi32, #tpu.memory_space<hbm>>
            %dma_wait3A_279 = arith.constant 0 : i32
            %dma_wait3A_280 = tpu.memref_slice %arg9[%rem3A_171, %dma_wait3A_279] : memref<3x64xi32, #tpu.memory_space<vmem>> -> memref<1x64xi32, #tpu.memory_space<vmem>>
            %dma_wait3A_281 = tpu.memref_squeeze %dma_wait3A_280 : memref<1x64xi32, #tpu.memory_space<vmem>> -> memref<64xi32, #tpu.memory_space<vmem>>
            %dma_wait3A_282 = tpu.memref_slice %arg5[%mul3A_245] : memref<320000xi32, #tpu.memory_space<hbm>> -> memref<64xi32, #tpu.memory_space<hbm>>
            tpu.wait_dma2 semaphore(%run_scoped3A_266 : memref<!tpu.dma_semaphore, #tpu.memory_space<semaphore_mem>>) src(%dma_wait3A_282 : memref<64xi32, #tpu.memory_space<hbm>>) dst(%dma_wait3A_281 : memref<64xi32, #tpu.memory_space<vmem>>)
            tpu.yield
          }) : () -> ()
          "tpu.region"() ({
            %run_scoped3A_266 = tpu.sem_alloc : memref<!tpu.dma_semaphore, #tpu.memory_space<semaphore_mem>>
            %dma_start3A_267 = arith.constant 0 : i32
            %dma_start3A_268 = tpu.memref_slice %arg10[%rem3A_171, %dma_start3A_267] : memref<3x64xi32, #tpu.memory_space<vmem>> -> memref<1x64xi32, #tpu.memory_space<vmem>>
            %dma_start3A_269 = tpu.memref_squeeze %dma_start3A_268 : memref<1x64xi32, #tpu.memory_space<vmem>> -> memref<64xi32, #tpu.memory_space<vmem>>
            %dma_start3A_270 = tpu.memref_slice %arg6[%mul3A_245] : memref<320000xi32, #tpu.memory_space<hbm>> -> memref<64xi32, #tpu.memory_space<hbm>>
            %dma_start3A_271 = arith.constant 0 : i32
            %dma_start3A_272 = tpu.memref_slice %arg10[%rem3A_171, %dma_start3A_271] : memref<3x64xi32, #tpu.memory_space<vmem>> -> memref<1x64xi32, #tpu.memory_space<vmem>>
            %dma_start3A_273 = tpu.memref_squeeze %dma_start3A_272 : memref<1x64xi32, #tpu.memory_space<vmem>> -> memref<64xi32, #tpu.memory_space<vmem>>
            %dma_start3A_274 = tpu.memref_slice %arg6[%mul3A_245] : memref<320000xi32, #tpu.memory_space<hbm>> -> memref<64xi32, #tpu.memory_space<hbm>>
            tpu.enqueue_dma source(%dma_start3A_274 : memref<64xi32, #tpu.memory_space<hbm>>) target(%dma_start3A_273 : memref<64xi32, #tpu.memory_space<vmem>>) target_semaphore(%run_scoped3A_266 : memref<!tpu.dma_semaphore, #tpu.memory_space<semaphore_mem>>)
            %dma_wait3A_275 = arith.constant 0 : i32
            %dma_wait3A_276 = tpu.memref_slice %arg10[%rem3A_171, %dma_wait3A_275] : memref<3x64xi32, #tpu.memory_space<vmem>> -> memref<1x64xi32, #tpu.memory_space<vmem>>
            %dma_wait3A_277 = tpu.memref_squeeze %dma_wait3A_276 : memref<1x64xi32, #tpu.memory_space<vmem>> -> memref<64xi32, #tpu.memory_space<vmem>>
            %dma_wait3A_278 = tpu.memref_slice %arg6[%mul3A_245] : memref<320000xi32, #tpu.memory_space<hbm>> -> memref<64xi32, #tpu.memory_space<hbm>>
            %dma_wait3A_279 = arith.constant 0 : i32
            %dma_wait3A_280 = tpu.memref_slice %arg10[%rem3A_171, %dma_wait3A_279] : memref<3x64xi32, #tpu.memory_space<vmem>> -> memref<1x64xi32, #tpu.memory_space<vmem>>
            %dma_wait3A_281 = tpu.memref_squeeze %dma_wait3A_280 : memref<1x64xi32, #tpu.memory_space<vmem>> -> memref<64xi32, #tpu.memory_space<vmem>>
            %dma_wait3A_282 = tpu.memref_slice %arg6[%mul3A_245] : memref<320000xi32, #tpu.memory_space<hbm>> -> memref<64xi32, #tpu.memory_space<hbm>>
            tpu.wait_dma2 semaphore(%run_scoped3A_266 : memref<!tpu.dma_semaphore, #tpu.memory_space<semaphore_mem>>) src(%dma_wait3A_282 : memref<64xi32, #tpu.memory_space<hbm>>) dst(%dma_wait3A_281 : memref<64xi32, #tpu.memory_space<vmem>>)
            tpu.yield
          }) : () -> ()
          %dma_start3A_246 = arith.constant 0 : i32
          %dma_start3A_247 = arith.constant 0 : i32
          %dma_start3A_248 = tpu.memref_slice %arg11[%sub3A_161, %dma_start3A_246, %dma_start3A_247] : memref<2x64x128xf32, #tpu.memory_space<vmem>> -> memref<1x64x128xf32, #tpu.memory_space<vmem>>
          %dma_start3A_249 = tpu.memref_squeeze %dma_start3A_248 : memref<1x64x128xf32, #tpu.memory_space<vmem>> -> memref<64x128xf32, #tpu.memory_space<vmem>>
          %dma_start3A_250 = arith.constant 0 : i32
          %dma_start3A_251 = tpu.memref_slice %arg10[%rem3A_171, %dma_start3A_250] : memref<3x64xi32, #tpu.memory_space<vmem>> -> memref<1x64xi32, #tpu.memory_space<vmem>>
          %dma_start3A_252 = tpu.memref_squeeze %dma_start3A_251 : memref<1x64xi32, #tpu.memory_space<vmem>> -> memref<64xi32, #tpu.memory_space<vmem>>
          %dma_start3A_253 = arith.constant 0 : i32
          %dma_start3A_254 = arith.constant 0 : i32
          %dma_start3A_255 = tpu.memref_slice %arg2[%dma_start3A_253, %dma_start3A_254] : memref<10000x128xf32, #tpu.memory_space<hbm>> -> memref<10000x128xf32, #tpu.memory_space<hbm>>
          tpu.enqueue_indirect_dma source(%dma_start3A_255 : memref<10000x128xf32, #tpu.memory_space<hbm>>) target(%dma_start3A_249 : memref<64x128xf32, #tpu.memory_space<vmem>>) offsets(%dma_start3A_252 : memref<64xi32, #tpu.memory_space<vmem>>) semaphore(%arg19 : memref<!tpu.dma_semaphore, #tpu.memory_space<semaphore_mem>>)
          %dma_start3A_256 = arith.constant 0 : i32
          %dma_start3A_257 = arith.constant 0 : i32
          %dma_start3A_258 = tpu.memref_slice %arg12[%sub3A_161, %dma_start3A_256, %dma_start3A_257] : memref<2x64x128xf32, #tpu.memory_space<vmem>> -> memref<1x64x128xf32, #tpu.memory_space<vmem>>
          %dma_start3A_259 = tpu.memref_squeeze %dma_start3A_258 : memref<1x64x128xf32, #tpu.memory_space<vmem>> -> memref<64x128xf32, #tpu.memory_space<vmem>>
          %dma_start3A_260 = arith.constant 0 : i32
          %dma_start3A_261 = tpu.memref_slice %arg9[%rem3A_171, %dma_start3A_260] : memref<3x64xi32, #tpu.memory_space<vmem>> -> memref<1x64xi32, #tpu.memory_space<vmem>>
          %dma_start3A_262 = tpu.memref_squeeze %dma_start3A_261 : memref<1x64xi32, #tpu.memory_space<vmem>> -> memref<64xi32, #tpu.memory_space<vmem>>
          %dma_start3A_263 = arith.constant 0 : i32
          %dma_start3A_264 = arith.constant 0 : i32
          %dma_start3A_265 = tpu.memref_slice %arg3[%dma_start3A_263, %dma_start3A_264] : memref<10000x128xf32, #tpu.memory_space<hbm>> -> memref<10000x128xf32, #tpu.memory_space<hbm>>
          tpu.enqueue_indirect_dma source(%dma_start3A_265 : memref<10000x128xf32, #tpu.memory_space<hbm>>) target(%dma_start3A_259 : memref<64x128xf32, #tpu.memory_space<vmem>>) offsets(%dma_start3A_262 : memref<64xi32, #tpu.memory_space<vmem>>) semaphore(%arg19 : memref<!tpu.dma_semaphore, #tpu.memory_space<semaphore_mem>>)
        } else {
        }
        %dma_wait3A_215 = arith.constant 0 : i32
        %dma_wait3A_216 = tpu.memref_slice %arg9[%rem3A_163, %dma_wait3A_215] : memref<3x64xi32, #tpu.memory_space<vmem>> -> memref<1x64xi32, #tpu.memory_space<vmem>>
        %dma_wait3A_217 = tpu.memref_squeeze %dma_wait3A_216 : memref<1x64xi32, #tpu.memory_space<vmem>> -> memref<64xi32, #tpu.memory_space<vmem>>
        %dma_wait3A_218 = arith.constant 0 : i32
        %dma_wait3A_219 = arith.constant 0 : i32
        %dma_wait3A_220 = tpu.memref_slice %arg4[%dma_wait3A_218, %dma_wait3A_219] : memref<10000x128xf32, #tpu.memory_space<hbm>> -> memref<10000x128xf32, #tpu.memory_space<hbm>>
        tpu.wait_indirect_dma semaphore(%arg20 : memref<!tpu.dma_semaphore, #tpu.memory_space<semaphore_mem>>) src(%dma_wait3A_220 : memref<10000x128xf32, #tpu.memory_space<hbm>>) dst(%arg13 : memref<64x128xf32, #tpu.memory_space<vmem>>)
        %scan3A_221 = arith.constant 0 : i32
        %scan3A_222 = arith.constant 0 : i32
        %scan3A_223 = arith.constant 4 : i32
        %scan3A_224 = arith.addi %scan3A_222, %scan3A_223 : i32
        %scan3A_225 = arith.constant 1 : i32
        %scan3A_226 = scf.for %scan3A_242 = %scan3A_222 to %scan3A_224 step %scan3A_225 iter_args(%scan3A_243 = %scan3A_221) -> (i32)  : i32 {
          %mul3A_244 = arith.constant 16 : i32
          %mul3A_245 = arith.muli %scan3A_242, %mul3A_244 : i32
          %add3A_246 = arith.constant 0 : i32
          %add3A_247 = arith.addi %mul3A_245, %add3A_246 : i32
          %get3A = arith.index_cast %rem3A_160 : i32 to index
          %get3A_248 = arith.index_cast %add3A_247 : i32 to index
          %get3A_249 = arith.constant 0 : index
          %get3A_250 = tpu.vector_load %arg11[%get3A, %get3A_248, %get3A_249] {strides = array<i32>} : memref<2x64x128xf32, #tpu.memory_space<vmem>>, vector<16xf32>,
          %get3A_251 = arith.index_cast %rem3A_160 : i32 to index
          %get3A_252 = arith.index_cast %add3A_247 : i32 to index
          %get3A_253 = arith.constant 0 : index
          %get3A_254 = tpu.vector_load %arg12[%get3A_251, %get3A_252, %get3A_253] {strides = array<i32>} : memref<2x64x128xf32, #tpu.memory_space<vmem>>, vector<16xf32>,
          %mul3A_255 = arith.mulf %get3A_250, %get3A_254 : vector<16xf32>
          %get3A_256 = arith.index_cast %rem3A_160 : i32 to index
          %get3A_257 = arith.index_cast %add3A_247 : i32 to index
          %get3A_258 = arith.constant 16 : index
          %get3A_259 = tpu.vector_load %arg11[%get3A_256, %get3A_257, %get3A_258] {strides = array<i32>} : memref<2x64x128xf32, #tpu.memory_space<vmem>>, vector<16xf32>,
          %get3A_260 = arith.index_cast %rem3A_160 : i32 to index
          %get3A_261 = arith.index_cast %add3A_247 : i32 to index
          %get3A_262 = arith.constant 16 : index
          %get3A_263 = tpu.vector_load %arg12[%get3A_260, %get3A_261, %get3A_262] {strides = array<i32>} : memref<2x64x128xf32, #tpu.memory_space<vmem>>, vector<16xf32>,
          %mul3A_264 = arith.mulf %get3A_259, %get3A_263 : vector<16xf32>
          %add3A_265 = arith.addf %mul3A_255, %mul3A_264 : vector<16xf32>
          %get3A_266 = arith.index_cast %rem3A_160 : i32 to index
          %get3A_267 = arith.index_cast %add3A_247 : i32 to index
          %get3A_268 = arith.constant 32 : index
          %get3A_269 = tpu.vector_load %arg11[%get3A_266, %get3A_267, %get3A_268] {strides = array<i32>} : memref<2x64x128xf32, #tpu.memory_space<vmem>>, vector<16xf32>,
          %get3A_270 = arith.index_cast %rem3A_160 : i32 to index
          %get3A_271 = arith.index_cast %add3A_247 : i32 to index
          %get3A_272 = arith.constant 32 : index
          %get3A_273 = tpu.vector_load %arg12[%get3A_270, %get3A_271, %get3A_272] {strides = array<i32>} : memref<2x64x128xf32, #tpu.memory_space<vmem>>, vector<16xf32>,
          %mul3A_274 = arith.mulf %get3A_269, %get3A_273 : vector<16xf32>
          %add3A_275 = arith.addf %add3A_265, %mul3A_274 : vector<16xf32>
          %get3A_276 = arith.index_cast %rem3A_160 : i32 to index
          %get3A_277 = arith.index_cast %add3A_247 : i32 to index
          %get3A_278 = arith.constant 48 : index
          %get3A_279 = tpu.vector_load %arg11[%get3A_276, %get3A_277, %get3A_278] {strides = array<i32>} : memref<2x64x128xf32, #tpu.memory_space<vmem>>, vector<16xf32>,
          %get3A_280 = arith.index_cast %rem3A_160 : i32 to index
          %get3A_281 = arith.index_cast %add3A_247 : i32 to index
          %get3A_282 = arith.constant 48 : index
          %get3A_283 = tpu.vector_load %arg12[%get3A_280, %get3A_281, %get3A_282] {strides = array<i32>} : memref<2x64x128xf32, #tpu.memory_space<vmem>>, vector<16xf32>,
          %mul3A_284 = arith.mulf %get3A_279, %get3A_283 : vector<16xf32>
          %add3A_285 = arith.addf %add3A_275, %mul3A_284 : vector<16xf32>
          %get3A_286 = arith.index_cast %rem3A_160 : i32 to index
          %get3A_287 = arith.index_cast %add3A_247 : i32 to index
          %get3A_288 = arith.constant 64 : index
          %get3A_289 = tpu.vector_load %arg11[%get3A_286, %get3A_287, %get3A_288] {strides = array<i32>} : memref<2x64x128xf32, #tpu.memory_space<vmem>>, vector<16xf32>,
          %get3A_290 = arith.index_cast %rem3A_160 : i32 to index
          %get3A_291 = arith.index_cast %add3A_247 : i32 to index
          %get3A_292 = arith.constant 64 : index
          %get3A_293 = tpu.vector_load %arg12[%get3A_290, %get3A_291, %get3A_292] {strides = array<i32>} : memref<2x64x128xf32, #tpu.memory_space<vmem>>, vector<16xf32>,
          %mul3A_294 = arith.mulf %get3A_289, %get3A_293 : vector<16xf32>
          %add3A_295 = arith.addf %add3A_285, %mul3A_294 : vector<16xf32>
          %get3A_296 = arith.index_cast %rem3A_160 : i32 to index
          %get3A_297 = arith.index_cast %add3A_247 : i32 to index
          %get3A_298 = arith.constant 80 : index
          %get3A_299 = tpu.vector_load %arg11[%get3A_296, %get3A_297, %get3A_298] {strides = array<i32>} : memref<2x64x128xf32, #tpu.memory_space<vmem>>, vector<16xf32>,
          %get3A_300 = arith.index_cast %rem3A_160 : i32 to index
          %get3A_301 = arith.index_cast %add3A_247 : i32 to index
          %get3A_302 = arith.constant 80 : index
          %get3A_303 = tpu.vector_load %arg12[%get3A_300, %get3A_301, %get3A_302] {strides = array<i32>} : memref<2x64x128xf32, #tpu.memory_space<vmem>>, vector<16xf32>,
          %mul3A_304 = arith.mulf %get3A_299, %get3A_303 : vector<16xf32>
          %add3A_305 = arith.addf %add3A_295, %mul3A_304 : vector<16xf32>
          %get3A_306 = arith.index_cast %rem3A_160 : i32 to index
          %get3A_307 = arith.index_cast %add3A_247 : i32 to index
          %get3A_308 = arith.constant 96 : index
          %get3A_309 = tpu.vector_load %arg11[%get3A_306, %get3A_307, %get3A_308] {strides = array<i32>} : memref<2x64x128xf32, #tpu.memory_space<vmem>>, vector<16xf32>,
          %get3A_310 = arith.index_cast %rem3A_160 : i32 to index
          %get3A_311 = arith.index_cast %add3A_247 : i32 to index
          %get3A_312 = arith.constant 96 : index
          %get3A_313 = tpu.vector_load %arg12[%get3A_310, %get3A_311, %get3A_312] {strides = array<i32>} : memref<2x64x128xf32, #tpu.memory_space<vmem>>, vector<16xf32>,
          %mul3A_314 = arith.mulf %get3A_309, %get3A_313 : vector<16xf32>
          %add3A_315 = arith.addf %add3A_305, %mul3A_314 : vector<16xf32>
          %get3A_316 = arith.index_cast %rem3A_160 : i32 to index
          %get3A_317 = arith.index_cast %add3A_247 : i32 to index
          %get3A_318 = arith.constant 112 : index
          %get3A_319 = tpu.vector_load %arg11[%get3A_316, %get3A_317, %get3A_318] {strides = array<i32>} : memref<2x64x128xf32, #tpu.memory_space<vmem>>, vector<16xf32>,
          %get3A_320 = arith.index_cast %rem3A_160 : i32 to index
          %get3A_321 = arith.index_cast %add3A_247 : i32 to index
          %get3A_322 = arith.constant 112 : index
          %get3A_323 = tpu.vector_load %arg12[%get3A_320, %get3A_321, %get3A_322] {strides = array<i32>} : memref<2x64x128xf32, #tpu.memory_space<vmem>>, vector<16xf32>,
          %mul3A_324 = arith.mulf %get3A_319, %get3A_323 : vector<16xf32>
          %add3A_325 = arith.addf %add3A_315, %mul3A_324 : vector<16xf32>
          %mul3A_326 = arith.constant 16 : i32
          %mul3A_327 = vector.broadcast %mul3A_326 : i32 to vector<16xi32>
          %mul3A_328 = arith.muli %iota3A, %mul3A_327 : vector<16xi32>
          %add3A_329 = arith.constant 0 : i32
          %add3A_330 = vector.broadcast %add3A_329 : i32 to vector<16xi32>
          %add3A_331 = arith.addi %mul3A_328, %add3A_330 : vector<16xi32>
          tpu.vector_store_idx %arg15[%add3A_331], %add3A_325 : memref<256xf32, #tpu.memory_space<vmem>>[vector<16xi32>], vector<16xf32>,
          %add3A_332 = arith.constant 1 : i32
          %add3A_333 = arith.addi %mul3A_245, %add3A_332 : i32
          %get3A_334 = arith.index_cast %rem3A_160 : i32 to index
          %get3A_335 = arith.index_cast %add3A_333 : i32 to index
          %get3A_336 = arith.constant 0 : index
          %get3A_337 = tpu.vector_load %arg11[%get3A_334, %get3A_335, %get3A_336] {strides = array<i32>} : memref<2x64x128xf32, #tpu.memory_space<vmem>>, vector<16xf32>,
          %get3A_338 = arith.index_cast %rem3A_160 : i32 to index
          %get3A_339 = arith.index_cast %add3A_333 : i32 to index
          %get3A_340 = arith.constant 0 : index
          %get3A_341 = tpu.vector_load %arg12[%get3A_338, %get3A_339, %get3A_340] {strides = array<i32>} : memref<2x64x128xf32, #tpu.memory_space<vmem>>, vector<16xf32>,
          %mul3A_342 = arith.mulf %get3A_337, %get3A_341 : vector<16xf32>
          %get3A_343 = arith.index_cast %rem3A_160 : i32 to index
          %get3A_344 = arith.index_cast %add3A_333 : i32 to index
          %get3A_345 = arith.constant 16 : index
          %get3A_346 = tpu.vector_load %arg11[%get3A_343, %get3A_344, %get3A_345] {strides = array<i32>} : memref<2x64x128xf32, #tpu.memory_space<vmem>>, vector<16xf32>,
          %get3A_347 = arith.index_cast %rem3A_160 : i32 to index
          %get3A_348 = arith.index_cast %add3A_333 : i32 to index
          %get3A_349 = arith.constant 16 : index
          %get3A_350 = tpu.vector_load %arg12[%get3A_347, %get3A_348, %get3A_349] {strides = array<i32>} : memref<2x64x128xf32, #tpu.memory_space<vmem>>, vector<16xf32>,
          %mul3A_351 = arith.mulf %get3A_346, %get3A_350 : vector<16xf32>
          %add3A_352 = arith.addf %mul3A_342, %mul3A_351 : vector<16xf32>
          %get3A_353 = arith.index_cast %rem3A_160 : i32 to index
          %get3A_354 = arith.index_cast %add3A_333 : i32 to index
          %get3A_355 = arith.constant 32 : index
          %get3A_356 = tpu.vector_load %arg11[%get3A_353, %get3A_354, %get3A_355] {strides = array<i32>} : memref<2x64x128xf32, #tpu.memory_space<vmem>>, vector<16xf32>,
          %get3A_357 = arith.index_cast %rem3A_160 : i32 to index
          %get3A_358 = arith.index_cast %add3A_333 : i32 to index
          %get3A_359 = arith.constant 32 : index
          %get3A_360 = tpu.vector_load %arg12[%get3A_357, %get3A_358, %get3A_359] {strides = array<i32>} : memref<2x64x128xf32, #tpu.memory_space<vmem>>, vector<16xf32>,
          %mul3A_361 = arith.mulf %get3A_356, %get3A_360 : vector<16xf32>
          %add3A_362 = arith.addf %add3A_352, %mul3A_361 : vector<16xf32>
          %get3A_363 = arith.index_cast %rem3A_160 : i32 to index
          %get3A_364 = arith.index_cast %add3A_333 : i32 to index
          %get3A_365 = arith.constant 48 : index
          %get3A_366 = tpu.vector_load %arg11[%get3A_363, %get3A_364, %get3A_365] {strides = array<i32>} : memref<2x64x128xf32, #tpu.memory_space<vmem>>, vector<16xf32>,
          %get3A_367 = arith.index_cast %rem3A_160 : i32 to index
          %get3A_368 = arith.index_cast %add3A_333 : i32 to index
          %get3A_369 = arith.constant 48 : index
          %get3A_370 = tpu.vector_load %arg12[%get3A_367, %get3A_368, %get3A_369] {strides = array<i32>} : memref<2x64x128xf32, #tpu.memory_space<vmem>>, vector<16xf32>,
          %mul3A_371 = arith.mulf %get3A_366, %get3A_370 : vector<16xf32>
          %add3A_372 = arith.addf %add3A_362, %mul3A_371 : vector<16xf32>
          %get3A_373 = arith.index_cast %rem3A_160 : i32 to index
          %get3A_374 = arith.index_cast %add3A_333 : i32 to index
          %get3A_375 = arith.constant 64 : index
          %get3A_376 = tpu.vector_load %arg11[%get3A_373, %get3A_374, %get3A_375] {strides = array<i32>} : memref<2x64x128xf32, #tpu.memory_space<vmem>>, vector<16xf32>,
          %get3A_377 = arith.index_cast %rem3A_160 : i32 to index
          %get3A_378 = arith.index_cast %add3A_333 : i32 to index
          %get3A_379 = arith.constant 64 : index
          %get3A_380 = tpu.vector_load %arg12[%get3A_377, %get3A_378, %get3A_379] {strides = array<i32>} : memref<2x64x128xf32, #tpu.memory_space<vmem>>, vector<16xf32>,
          %mul3A_381 = arith.mulf %get3A_376, %get3A_380 : vector<16xf32>
          %add3A_382 = arith.addf %add3A_372, %mul3A_381 : vector<16xf32>
          %get3A_383 = arith.index_cast %rem3A_160 : i32 to index
          %get3A_384 = arith.index_cast %add3A_333 : i32 to index
          %get3A_385 = arith.constant 80 : index
          %get3A_386 = tpu.vector_load %arg11[%get3A_383, %get3A_384, %get3A_385] {strides = array<i32>} : memref<2x64x128xf32, #tpu.memory_space<vmem>>, vector<16xf32>,
          %get3A_387 = arith.index_cast %rem3A_160 : i32 to index
          %get3A_388 = arith.index_cast %add3A_333 : i32 to index
          %get3A_389 = arith.constant 80 : index
          %get3A_390 = tpu.vector_load %arg12[%get3A_387, %get3A_388, %get3A_389] {strides = array<i32>} : memref<2x64x128xf32, #tpu.memory_space<vmem>>, vector<16xf32>,
          %mul3A_391 = arith.mulf %get3A_386, %get3A_390 : vector<16xf32>
          %add3A_392 = arith.addf %add3A_382, %mul3A_391 : vector<16xf32>
          %get3A_393 = arith.index_cast %rem3A_160 : i32 to index
          %get3A_394 = arith.index_cast %add3A_333 : i32 to index
          %get3A_395 = arith.constant 96 : index
          %get3A_396 = tpu.vector_load %arg11[%get3A_393, %get3A_394, %get3A_395] {strides = array<i32>} : memref<2x64x128xf32, #tpu.memory_space<vmem>>, vector<16xf32>,
          %get3A_397 = arith.index_cast %rem3A_160 : i32 to index
          %get3A_398 = arith.index_cast %add3A_333 : i32 to index
          %get3A_399 = arith.constant 96 : index
          %get3A_400 = tpu.vector_load %arg12[%get3A_397, %get3A_398, %get3A_399] {strides = array<i32>} : memref<2x64x128xf32, #tpu.memory_space<vmem>>, vector<16xf32>,
          %mul3A_401 = arith.mulf %get3A_396, %get3A_400 : vector<16xf32>
          %add3A_402 = arith.addf %add3A_392, %mul3A_401 : vector<16xf32>
          %get3A_403 = arith.index_cast %rem3A_160 : i32 to index
          %get3A_404 = arith.index_cast %add3A_333 : i32 to index
          %get3A_405 = arith.constant 112 : index
          %get3A_406 = tpu.vector_load %arg11[%get3A_403, %get3A_404, %get3A_405] {strides = array<i32>} : memref<2x64x128xf32, #tpu.memory_space<vmem>>, vector<16xf32>,
          %get3A_407 = arith.index_cast %rem3A_160 : i32 to index
          %get3A_408 = arith.index_cast %add3A_333 : i32 to index
          %get3A_409 = arith.constant 112 : index
          %get3A_410 = tpu.vector_load %arg12[%get3A_407, %get3A_408, %get3A_409] {strides = array<i32>} : memref<2x64x128xf32, #tpu.memory_space<vmem>>, vector<16xf32>,
          %mul3A_411 = arith.mulf %get3A_406, %get3A_410 : vector<16xf32>
          %add3A_412 = arith.addf %add3A_402, %mul3A_411 : vector<16xf32>
          %mul3A_413 = arith.constant 16 : i32
          %mul3A_414 = vector.broadcast %mul3A_413 : i32 to vector<16xi32>
          %mul3A_415 = arith.muli %iota3A, %mul3A_414 : vector<16xi32>
          %add3A_416 = arith.constant 1 : i32
          %add3A_417 = vector.broadcast %add3A_416 : i32 to vector<16xi32>
          %add3A_418 = arith.addi %mul3A_415, %add3A_417 : vector<16xi32>
          tpu.vector_store_idx %arg15[%add3A_418], %add3A_412 : memref<256xf32, #tpu.memory_space<vmem>>[vector<16xi32>], vector<16xf32>,
          %add3A_419 = arith.constant 2 : i32
          %add3A_420 = arith.addi %mul3A_245, %add3A_419 : i32
          %get3A_421 = arith.index_cast %rem3A_160 : i32 to index
          %get3A_422 = arith.index_cast %add3A_420 : i32 to index
          %get3A_423 = arith.constant 0 : index
          %get3A_424 = tpu.vector_load %arg11[%get3A_421, %get3A_422, %get3A_423] {strides = array<i32>} : memref<2x64x128xf32, #tpu.memory_space<vmem>>, vector<16xf32>,
          %get3A_425 = arith.index_cast %rem3A_160 : i32 to index
          %get3A_426 = arith.index_cast %add3A_420 : i32 to index
          %get3A_427 = arith.constant 0 : index
          %get3A_428 = tpu.vector_load %arg12[%get3A_425, %get3A_426, %get3A_427] {strides = array<i32>} : memref<2x64x128xf32, #tpu.memory_space<vmem>>, vector<16xf32>,
          %mul3A_429 = arith.mulf %get3A_424, %get3A_428 : vector<16xf32>
          %get3A_430 = arith.index_cast %rem3A_160 : i32 to index
          %get3A_431 = arith.index_cast %add3A_420 : i32 to index
          %get3A_432 = arith.constant 16 : index
          %get3A_433 = tpu.vector_load %arg11[%get3A_430, %get3A_431, %get3A_432] {strides = array<i32>} : memref<2x64x128xf32, #tpu.memory_space<vmem>>, vector<16xf32>,
          %get3A_434 = arith.index_cast %rem3A_160 : i32 to index
          %get3A_435 = arith.index_cast %add3A_420 : i32 to index
          %get3A_436 = arith.constant 16 : index
          %get3A_437 = tpu.vector_load %arg12[%get3A_434, %get3A_435, %get3A_436] {strides = array<i32>} : memref<2x64x128xf32, #tpu.memory_space<vmem>>, vector<16xf32>,
          %mul3A_438 = arith.mulf %get3A_433, %get3A_437 : vector<16xf32>
          %add3A_439 = arith.addf %mul3A_429, %mul3A_438 : vector<16xf32>
          %get3A_440 = arith.index_cast %rem3A_160 : i32 to index
          %get3A_441 = arith.index_cast %add3A_420 : i32 to index
          %get3A_442 = arith.constant 32 : index
          %get3A_443 = tpu.vector_load %arg11[%get3A_440, %get3A_441, %get3A_442] {strides = array<i32>} : memref<2x64x128xf32, #tpu.memory_space<vmem>>, vector<16xf32>,
          %get3A_444 = arith.index_cast %rem3A_160 : i32 to index
          %get3A_445 = arith.index_cast %add3A_420 : i32 to index
          %get3A_446 = arith.constant 32 : index
          %get3A_447 = tpu.vector_load %arg12[%get3A_444, %get3A_445, %get3A_446] {strides = array<i32>} : memref<2x64x128xf32, #tpu.memory_space<vmem>>, vector<16xf32>,
          %mul3A_448 = arith.mulf %get3A_443, %get3A_447 : vector<16xf32>
          %add3A_449 = arith.addf %add3A_439, %mul3A_448 : vector<16xf32>
          %get3A_450 = arith.index_cast %rem3A_160 : i32 to index
          %get3A_451 = arith.index_cast %add3A_420 : i32 to index
          %get3A_452 = arith.constant 48 : index
          %get3A_453 = tpu.vector_load %arg11[%get3A_450, %get3A_451, %get3A_452] {strides = array<i32>} : memref<2x64x128xf32, #tpu.memory_space<vmem>>, vector<16xf32>,
          %get3A_454 = arith.index_cast %rem3A_160 : i32 to index
          %get3A_455 = arith.index_cast %add3A_420 : i32 to index
          %get3A_456 = arith.constant 48 : index
          %get3A_457 = tpu.vector_load %arg12[%get3A_454, %get3A_455, %get3A_456] {strides = array<i32>} : memref<2x64x128xf32, #tpu.memory_space<vmem>>, vector<16xf32>,
          %mul3A_458 = arith.mulf %get3A_453, %get3A_457 : vector<16xf32>
          %add3A_459 = arith.addf %add3A_449, %mul3A_458 : vector<16xf32>
          %get3A_460 = arith.index_cast %rem3A_160 : i32 to index
          %get3A_461 = arith.index_cast %add3A_420 : i32 to index
          %get3A_462 = arith.constant 64 : index
          %get3A_463 = tpu.vector_load %arg11[%get3A_460, %get3A_461, %get3A_462] {strides = array<i32>} : memref<2x64x128xf32, #tpu.memory_space<vmem>>, vector<16xf32>,
          %get3A_464 = arith.index_cast %rem3A_160 : i32 to index
          %get3A_465 = arith.index_cast %add3A_420 : i32 to index
          %get3A_466 = arith.constant 64 : index
          %get3A_467 = tpu.vector_load %arg12[%get3A_464, %get3A_465, %get3A_466] {strides = array<i32>} : memref<2x64x128xf32, #tpu.memory_space<vmem>>, vector<16xf32>,
          %mul3A_468 = arith.mulf %get3A_463, %get3A_467 : vector<16xf32>
          %add3A_469 = arith.addf %add3A_459, %mul3A_468 : vector<16xf32>
          %get3A_470 = arith.index_cast %rem3A_160 : i32 to index
          %get3A_471 = arith.index_cast %add3A_420 : i32 to index
          %get3A_472 = arith.constant 80 : index
          %get3A_473 = tpu.vector_load %arg11[%get3A_470, %get3A_471, %get3A_472] {strides = array<i32>} : memref<2x64x128xf32, #tpu.memory_space<vmem>>, vector<16xf32>,
          %get3A_474 = arith.index_cast %rem3A_160 : i32 to index
          %get3A_475 = arith.index_cast %add3A_420 : i32 to index
          %get3A_476 = arith.constant 80 : index
          %get3A_477 = tpu.vector_load %arg12[%get3A_474, %get3A_475, %get3A_476] {strides = array<i32>} : memref<2x64x128xf32, #tpu.memory_space<vmem>>, vector<16xf32>,
          %mul3A_478 = arith.mulf %get3A_473, %get3A_477 : vector<16xf32>
          %add3A_479 = arith.addf %add3A_469, %mul3A_478 : vector<16xf32>
          %get3A_480 = arith.index_cast %rem3A_160 : i32 to index
          %get3A_481 = arith.index_cast %add3A_420 : i32 to index
          %get3A_482 = arith.constant 96 : index
          %get3A_483 = tpu.vector_load %arg11[%get3A_480, %get3A_481, %get3A_482] {strides = array<i32>} : memref<2x64x128xf32, #tpu.memory_space<vmem>>, vector<16xf32>,
          %get3A_484 = arith.index_cast %rem3A_160 : i32 to index
          %get3A_485 = arith.index_cast %add3A_420 : i32 to index
          %get3A_486 = arith.constant 96 : index
          %get3A_487 = tpu.vector_load %arg12[%get3A_484, %get3A_485, %get3A_486] {strides = array<i32>} : memref<2x64x128xf32, #tpu.memory_space<vmem>>, vector<16xf32>,
          %mul3A_488 = arith.mulf %get3A_483, %get3A_487 : vector<16xf32>
          %add3A_489 = arith.addf %add3A_479, %mul3A_488 : vector<16xf32>
          %get3A_490 = arith.index_cast %rem3A_160 : i32 to index
          %get3A_491 = arith.index_cast %add3A_420 : i32 to index
          %get3A_492 = arith.constant 112 : index
          %get3A_493 = tpu.vector_load %arg11[%get3A_490, %get3A_491, %get3A_492] {strides = array<i32>} : memref<2x64x128xf32, #tpu.memory_space<vmem>>, vector<16xf32>,
          %get3A_494 = arith.index_cast %rem3A_160 : i32 to index
          %get3A_495 = arith.index_cast %add3A_420 : i32 to index
          %get3A_496 = arith.constant 112 : index
          %get3A_497 = tpu.vector_load %arg12[%get3A_494, %get3A_495, %get3A_496] {strides = array<i32>} : memref<2x64x128xf32, #tpu.memory_space<vmem>>, vector<16xf32>,
          %mul3A_498 = arith.mulf %get3A_493, %get3A_497 : vector<16xf32>
          %add3A_499 = arith.addf %add3A_489, %mul3A_498 : vector<16xf32>
          %mul3A_500 = arith.constant 16 : i32
          %mul3A_501 = vector.broadcast %mul3A_500 : i32 to vector<16xi32>
          %mul3A_502 = arith.muli %iota3A, %mul3A_501 : vector<16xi32>
          %add3A_503 = arith.constant 2 : i32
          %add3A_504 = vector.broadcast %add3A_503 : i32 to vector<16xi32>
          %add3A_505 = arith.addi %mul3A_502, %add3A_504 : vector<16xi32>
          tpu.vector_store_idx %arg15[%add3A_505], %add3A_499 : memref<256xf32, #tpu.memory_space<vmem>>[vector<16xi32>], vector<16xf32>,
          %add3A_506 = arith.constant 3 : i32
          %add3A_507 = arith.addi %mul3A_245, %add3A_506 : i32
          %get3A_508 = arith.index_cast %rem3A_160 : i32 to index
          %get3A_509 = arith.index_cast %add3A_507 : i32 to index
          %get3A_510 = arith.constant 0 : index
          %get3A_511 = tpu.vector_load %arg11[%get3A_508, %get3A_509, %get3A_510] {strides = array<i32>} : memref<2x64x128xf32, #tpu.memory_space<vmem>>, vector<16xf32>,
          %get3A_512 = arith.index_cast %rem3A_160 : i32 to index
          %get3A_513 = arith.index_cast %add3A_507 : i32 to index
          %get3A_514 = arith.constant 0 : index
          %get3A_515 = tpu.vector_load %arg12[%get3A_512, %get3A_513, %get3A_514] {strides = array<i32>} : memref<2x64x128xf32, #tpu.memory_space<vmem>>, vector<16xf32>,
          %mul3A_516 = arith.mulf %get3A_511, %get3A_515 : vector<16xf32>
          %get3A_517 = arith.index_cast %rem3A_160 : i32 to index
          %get3A_518 = arith.index_cast %add3A_507 : i32 to index
          %get3A_519 = arith.constant 16 : index
          %get3A_520 = tpu.vector_load %arg11[%get3A_517, %get3A_518, %get3A_519] {strides = array<i32>} : memref<2x64x128xf32, #tpu.memory_space<vmem>>, vector<16xf32>,
          %get3A_521 = arith.index_cast %rem3A_160 : i32 to index
          %get3A_522 = arith.index_cast %add3A_507 : i32 to index
          %get3A_523 = arith.constant 16 : index
          %get3A_524 = tpu.vector_load %arg12[%get3A_521, %get3A_522, %get3A_523] {strides = array<i32>} : memref<2x64x128xf32, #tpu.memory_space<vmem>>, vector<16xf32>,
          %mul3A_525 = arith.mulf %get3A_520, %get3A_524 : vector<16xf32>
          %add3A_526 = arith.addf %mul3A_516, %mul3A_525 : vector<16xf32>
          %get3A_527 = arith.index_cast %rem3A_160 : i32 to index
          %get3A_528 = arith.index_cast %add3A_507 : i32 to index
          %get3A_529 = arith.constant 32 : index
          %get3A_530 = tpu.vector_load %arg11[%get3A_527, %get3A_528, %get3A_529] {strides = array<i32>} : memref<2x64x128xf32, #tpu.memory_space<vmem>>, vector<16xf32>,
          %get3A_531 = arith.index_cast %rem3A_160 : i32 to index
          %get3A_532 = arith.index_cast %add3A_507 : i32 to index
          %get3A_533 = arith.constant 32 : index
          %get3A_534 = tpu.vector_load %arg12[%get3A_531, %get3A_532, %get3A_533] {strides = array<i32>} : memref<2x64x128xf32, #tpu.memory_space<vmem>>, vector<16xf32>,
          %mul3A_535 = arith.mulf %get3A_530, %get3A_534 : vector<16xf32>
          %add3A_536 = arith.addf %add3A_526, %mul3A_535 : vector<16xf32>
          %get3A_537 = arith.index_cast %rem3A_160 : i32 to index
          %get3A_538 = arith.index_cast %add3A_507 : i32 to index
          %get3A_539 = arith.constant 48 : index
          %get3A_540 = tpu.vector_load %arg11[%get3A_537, %get3A_538, %get3A_539] {strides = array<i32>} : memref<2x64x128xf32, #tpu.memory_space<vmem>>, vector<16xf32>,
          %get3A_541 = arith.index_cast %rem3A_160 : i32 to index
          %get3A_542 = arith.index_cast %add3A_507 : i32 to index
          %get3A_543 = arith.constant 48 : index
          %get3A_544 = tpu.vector_load %arg12[%get3A_541, %get3A_542, %get3A_543] {strides = array<i32>} : memref<2x64x128xf32, #tpu.memory_space<vmem>>, vector<16xf32>,
          %mul3A_545 = arith.mulf %get3A_540, %get3A_544 : vector<16xf32>
          %add3A_546 = arith.addf %add3A_536, %mul3A_545 : vector<16xf32>
          %get3A_547 = arith.index_cast %rem3A_160 : i32 to index
          %get3A_548 = arith.index_cast %add3A_507 : i32 to index
          %get3A_549 = arith.constant 64 : index
          %get3A_550 = tpu.vector_load %arg11[%get3A_547, %get3A_548, %get3A_549] {strides = array<i32>} : memref<2x64x128xf32, #tpu.memory_space<vmem>>, vector<16xf32>,
          %get3A_551 = arith.index_cast %rem3A_160 : i32 to index
          %get3A_552 = arith.index_cast %add3A_507 : i32 to index
          %get3A_553 = arith.constant 64 : index
          %get3A_554 = tpu.vector_load %arg12[%get3A_551, %get3A_552, %get3A_553] {strides = array<i32>} : memref<2x64x128xf32, #tpu.memory_space<vmem>>, vector<16xf32>,
          %mul3A_555 = arith.mulf %get3A_550, %get3A_554 : vector<16xf32>
          %add3A_556 = arith.addf %add3A_546, %mul3A_555 : vector<16xf32>
          %get3A_557 = arith.index_cast %rem3A_160 : i32 to index
          %get3A_558 = arith.index_cast %add3A_507 : i32 to index
          %get3A_559 = arith.constant 80 : index
          %get3A_560 = tpu.vector_load %arg11[%get3A_557, %get3A_558, %get3A_559] {strides = array<i32>} : memref<2x64x128xf32, #tpu.memory_space<vmem>>, vector<16xf32>,
          %get3A_561 = arith.index_cast %rem3A_160 : i32 to index
          %get3A_562 = arith.index_cast %add3A_507 : i32 to index
          %get3A_563 = arith.constant 80 : index
          %get3A_564 = tpu.vector_load %arg12[%get3A_561, %get3A_562, %get3A_563] {strides = array<i32>} : memref<2x64x128xf32, #tpu.memory_space<vmem>>, vector<16xf32>,
          %mul3A_565 = arith.mulf %get3A_560, %get3A_564 : vector<16xf32>
          %add3A_566 = arith.addf %add3A_556, %mul3A_565 : vector<16xf32>
          %get3A_567 = arith.index_cast %rem3A_160 : i32 to index
          %get3A_568 = arith.index_cast %add3A_507 : i32 to index
          %get3A_569 = arith.constant 96 : index
          %get3A_570 = tpu.vector_load %arg11[%get3A_567, %get3A_568, %get3A_569] {strides = array<i32>} : memref<2x64x128xf32, #tpu.memory_space<vmem>>, vector<16xf32>,
          %get3A_571 = arith.index_cast %rem3A_160 : i32 to index
          %get3A_572 = arith.index_cast %add3A_507 : i32 to index
          %get3A_573 = arith.constant 96 : index
          %get3A_574 = tpu.vector_load %arg12[%get3A_571, %get3A_572, %get3A_573] {strides = array<i32>} : memref<2x64x128xf32, #tpu.memory_space<vmem>>, vector<16xf32>,
          %mul3A_575 = arith.mulf %get3A_570, %get3A_574 : vector<16xf32>
          %add3A_576 = arith.addf %add3A_566, %mul3A_575 : vector<16xf32>
          %get3A_577 = arith.index_cast %rem3A_160 : i32 to index
          %get3A_578 = arith.index_cast %add3A_507 : i32 to index
          %get3A_579 = arith.constant 112 : index
          %get3A_580 = tpu.vector_load %arg11[%get3A_577, %get3A_578, %get3A_579] {strides = array<i32>} : memref<2x64x128xf32, #tpu.memory_space<vmem>>, vector<16xf32>,
          %get3A_581 = arith.index_cast %rem3A_160 : i32 to index
          %get3A_582 = arith.index_cast %add3A_507 : i32 to index
          %get3A_583 = arith.constant 112 : index
          %get3A_584 = tpu.vector_load %arg12[%get3A_581, %get3A_582, %get3A_583] {strides = array<i32>} : memref<2x64x128xf32, #tpu.memory_space<vmem>>, vector<16xf32>,
          %mul3A_585 = arith.mulf %get3A_580, %get3A_584 : vector<16xf32>
          %add3A_586 = arith.addf %add3A_576, %mul3A_585 : vector<16xf32>
          %mul3A_587 = arith.constant 16 : i32
          %mul3A_588 = vector.broadcast %mul3A_587 : i32 to vector<16xi32>
          %mul3A_589 = arith.muli %iota3A, %mul3A_588 : vector<16xi32>
          %add3A_590 = arith.constant 3 : i32
          %add3A_591 = vector.broadcast %add3A_590 : i32 to vector<16xi32>
          %add3A_592 = arith.addi %mul3A_589, %add3A_591 : vector<16xi32>
          tpu.vector_store_idx %arg15[%add3A_592], %add3A_586 : memref<256xf32, #tpu.memory_space<vmem>>[vector<16xi32>], vector<16xf32>,
          %add3A_593 = arith.constant 4 : i32
          %add3A_594 = arith.addi %mul3A_245, %add3A_593 : i32
          %get3A_595 = arith.index_cast %rem3A_160 : i32 to index
          %get3A_596 = arith.index_cast %add3A_594 : i32 to index
          %get3A_597 = arith.constant 0 : index
          %get3A_598 = tpu.vector_load %arg11[%get3A_595, %get3A_596, %get3A_597] {strides = array<i32>} : memref<2x64x128xf32, #tpu.memory_space<vmem>>, vector<16xf32>,
          %get3A_599 = arith.index_cast %rem3A_160 : i32 to index
          %get3A_600 = arith.index_cast %add3A_594 : i32 to index
          %get3A_601 = arith.constant 0 : index
          %get3A_602 = tpu.vector_load %arg12[%get3A_599, %get3A_600, %get3A_601] {strides = array<i32>} : memref<2x64x128xf32, #tpu.memory_space<vmem>>, vector<16xf32>,
          %mul3A_603 = arith.mulf %get3A_598, %get3A_602 : vector<16xf32>
          %get3A_604 = arith.index_cast %rem3A_160 : i32 to index
          %get3A_605 = arith.index_cast %add3A_594 : i32 to index
          %get3A_606 = arith.constant 16 : index
          %get3A_607 = tpu.vector_load %arg11[%get3A_604, %get3A_605, %get3A_606] {strides = array<i32>} : memref<2x64x128xf32, #tpu.memory_space<vmem>>, vector<16xf32>,
          %get3A_608 = arith.index_cast %rem3A_160 : i32 to index
          %get3A_609 = arith.index_cast %add3A_594 : i32 to index
          %get3A_610 = arith.constant 16 : index
          %get3A_611 = tpu.vector_load %arg12[%get3A_608, %get3A_609, %get3A_610] {strides = array<i32>} : memref<2x64x128xf32, #tpu.memory_space<vmem>>, vector<16xf32>,
          %mul3A_612 = arith.mulf %get3A_607, %get3A_611 : vector<16xf32>
          %add3A_613 = arith.addf %mul3A_603, %mul3A_612 : vector<16xf32>
          %get3A_614 = arith.index_cast %rem3A_160 : i32 to index
          %get3A_615 = arith.index_cast %add3A_594 : i32 to index
          %get3A_616 = arith.constant 32 : index
          %get3A_617 = tpu.vector_load %arg11[%get3A_614, %get3A_615, %get3A_616] {strides = array<i32>} : memref<2x64x128xf32, #tpu.memory_space<vmem>>, vector<16xf32>,
          %get3A_618 = arith.index_cast %rem3A_160 : i32 to index
          %get3A_619 = arith.index_cast %add3A_594 : i32 to index
          %get3A_620 = arith.constant 32 : index
          %get3A_621 = tpu.vector_load %arg12[%get3A_618, %get3A_619, %get3A_620] {strides = array<i32>} : memref<2x64x128xf32, #tpu.memory_space<vmem>>, vector<16xf32>,
          %mul3A_622 = arith.mulf %get3A_617, %get3A_621 : vector<16xf32>
          %add3A_623 = arith.addf %add3A_613, %mul3A_622 : vector<16xf32>
          %get3A_624 = arith.index_cast %rem3A_160 : i32 to index
          %get3A_625 = arith.index_cast %add3A_594 : i32 to index
          %get3A_626 = arith.constant 48 : index
          %get3A_627 = tpu.vector_load %arg11[%get3A_624, %get3A_625, %get3A_626] {strides = array<i32>} : memref<2x64x128xf32, #tpu.memory_space<vmem>>, vector<16xf32>,
          %get3A_628 = arith.index_cast %rem3A_160 : i32 to index
          %get3A_629 = arith.index_cast %add3A_594 : i32 to index
          %get3A_630 = arith.constant 48 : index
          %get3A_631 = tpu.vector_load %arg12[%get3A_628, %get3A_629, %get3A_630] {strides = array<i32>} : memref<2x64x128xf32, #tpu.memory_space<vmem>>, vector<16xf32>,
          %mul3A_632 = arith.mulf %get3A_627, %get3A_631 : vector<16xf32>
          %add3A_633 = arith.addf %add3A_623, %mul3A_632 : vector<16xf32>
          %get3A_634 = arith.index_cast %rem3A_160 : i32 to index
          %get3A_635 = arith.index_cast %add3A_594 : i32 to index
          %get3A_636 = arith.constant 64 : index
          %get3A_637 = tpu.vector_load %arg11[%get3A_634, %get3A_635, %get3A_636] {strides = array<i32>} : memref<2x64x128xf32, #tpu.memory_space<vmem>>, vector<16xf32>,
          %get3A_638 = arith.index_cast %rem3A_160 : i32 to index
          %get3A_639 = arith.index_cast %add3A_594 : i32 to index
          %get3A_640 = arith.constant 64 : index
          %get3A_641 = tpu.vector_load %arg12[%get3A_638, %get3A_639, %get3A_640] {strides = array<i32>} : memref<2x64x128xf32, #tpu.memory_space<vmem>>, vector<16xf32>,
          %mul3A_642 = arith.mulf %get3A_637, %get3A_641 : vector<16xf32>
          %add3A_643 = arith.addf %add3A_633, %mul3A_642 : vector<16xf32>
          %get3A_644 = arith.index_cast %rem3A_160 : i32 to index
          %get3A_645 = arith.index_cast %add3A_594 : i32 to index
          %get3A_646 = arith.constant 80 : index
          %get3A_647 = tpu.vector_load %arg11[%get3A_644, %get3A_645, %get3A_646] {strides = array<i32>} : memref<2x64x128xf32, #tpu.memory_space<vmem>>, vector<16xf32>,
          %get3A_648 = arith.index_cast %rem3A_160 : i32 to index
          %get3A_649 = arith.index_cast %add3A_594 : i32 to index
          %get3A_650 = arith.constant 80 : index
          %get3A_651 = tpu.vector_load %arg12[%get3A_648, %get3A_649, %get3A_650] {strides = array<i32>} : memref<2x64x128xf32, #tpu.memory_space<vmem>>, vector<16xf32>,
          %mul3A_652 = arith.mulf %get3A_647, %get3A_651 : vector<16xf32>
          %add3A_653 = arith.addf %add3A_643, %mul3A_652 : vector<16xf32>
          %get3A_654 = arith.index_cast %rem3A_160 : i32 to index
          %get3A_655 = arith.index_cast %add3A_594 : i32 to index
          %get3A_656 = arith.constant 96 : index
          %get3A_657 = tpu.vector_load %arg11[%get3A_654, %get3A_655, %get3A_656] {strides = array<i32>} : memref<2x64x128xf32, #tpu.memory_space<vmem>>, vector<16xf32>,
          %get3A_658 = arith.index_cast %rem3A_160 : i32 to index
          %get3A_659 = arith.index_cast %add3A_594 : i32 to index
          %get3A_660 = arith.constant 96 : index
          %get3A_661 = tpu.vector_load %arg12[%get3A_658, %get3A_659, %get3A_660] {strides = array<i32>} : memref<2x64x128xf32, #tpu.memory_space<vmem>>, vector<16xf32>,
          %mul3A_662 = arith.mulf %get3A_657, %get3A_661 : vector<16xf32>
          %add3A_663 = arith.addf %add3A_653, %mul3A_662 : vector<16xf32>
          %get3A_664 = arith.index_cast %rem3A_160 : i32 to index
          %get3A_665 = arith.index_cast %add3A_594 : i32 to index
          %get3A_666 = arith.constant 112 : index
          %get3A_667 = tpu.vector_load %arg11[%get3A_664, %get3A_665, %get3A_666] {strides = array<i32>} : memref<2x64x128xf32, #tpu.memory_space<vmem>>, vector<16xf32>,
          %get3A_668 = arith.index_cast %rem3A_160 : i32 to index
          %get3A_669 = arith.index_cast %add3A_594 : i32 to index
          %get3A_670 = arith.constant 112 : index
          %get3A_671 = tpu.vector_load %arg12[%get3A_668, %get3A_669, %get3A_670] {strides = array<i32>} : memref<2x64x128xf32, #tpu.memory_space<vmem>>, vector<16xf32>,
          %mul3A_672 = arith.mulf %get3A_667, %get3A_671 : vector<16xf32>
          %add3A_673 = arith.addf %add3A_663, %mul3A_672 : vector<16xf32>
          %mul3A_674 = arith.constant 16 : i32
          %mul3A_675 = vector.broadcast %mul3A_674 : i32 to vector<16xi32>
          %mul3A_676 = arith.muli %iota3A, %mul3A_675 : vector<16xi32>
          %add3A_677 = arith.constant 4 : i32
          %add3A_678 = vector.broadcast %add3A_677 : i32 to vector<16xi32>
          %add3A_679 = arith.addi %mul3A_676, %add3A_678 : vector<16xi32>
          tpu.vector_store_idx %arg15[%add3A_679], %add3A_673 : memref<256xf32, #tpu.memory_space<vmem>>[vector<16xi32>], vector<16xf32>,
          %add3A_680 = arith.constant 5 : i32
          %add3A_681 = arith.addi %mul3A_245, %add3A_680 : i32
          %get3A_682 = arith.index_cast %rem3A_160 : i32 to index
          %get3A_683 = arith.index_cast %add3A_681 : i32 to index
          %get3A_684 = arith.constant 0 : index
          %get3A_685 = tpu.vector_load %arg11[%get3A_682, %get3A_683, %get3A_684] {strides = array<i32>} : memref<2x64x128xf32, #tpu.memory_space<vmem>>, vector<16xf32>,
          %get3A_686 = arith.index_cast %rem3A_160 : i32 to index
          %get3A_687 = arith.index_cast %add3A_681 : i32 to index
          %get3A_688 = arith.constant 0 : index
          %get3A_689 = tpu.vector_load %arg12[%get3A_686, %get3A_687, %get3A_688] {strides = array<i32>} : memref<2x64x128xf32, #tpu.memory_space<vmem>>, vector<16xf32>,
          %mul3A_690 = arith.mulf %get3A_685, %get3A_689 : vector<16xf32>
          %get3A_691 = arith.index_cast %rem3A_160 : i32 to index
          %get3A_692 = arith.index_cast %add3A_681 : i32 to index
          %get3A_693 = arith.constant 16 : index
          %get3A_694 = tpu.vector_load %arg11[%get3A_691, %get3A_692, %get3A_693] {strides = array<i32>} : memref<2x64x128xf32, #tpu.memory_space<vmem>>, vector<16xf32>,
          %get3A_695 = arith.index_cast %rem3A_160 : i32 to index
          %get3A_696 = arith.index_cast %add3A_681 : i32 to index
          %get3A_697 = arith.constant 16 : index
          %get3A_698 = tpu.vector_load %arg12[%get3A_695, %get3A_696, %get3A_697] {strides = array<i32>} : memref<2x64x128xf32, #tpu.memory_space<vmem>>, vector<16xf32>,
          %mul3A_699 = arith.mulf %get3A_694, %get3A_698 : vector<16xf32>
          %add3A_700 = arith.addf %mul3A_690, %mul3A_699 : vector<16xf32>
          %get3A_701 = arith.index_cast %rem3A_160 : i32 to index
          %get3A_702 = arith.index_cast %add3A_681 : i32 to index
          %get3A_703 = arith.constant 32 : index
          %get3A_704 = tpu.vector_load %arg11[%get3A_701, %get3A_702, %get3A_703] {strides = array<i32>} : memref<2x64x128xf32, #tpu.memory_space<vmem>>, vector<16xf32>,
          %get3A_705 = arith.index_cast %rem3A_160 : i32 to index
          %get3A_706 = arith.index_cast %add3A_681 : i32 to index
          %get3A_707 = arith.constant 32 : index
          %get3A_708 = tpu.vector_load %arg12[%get3A_705, %get3A_706, %get3A_707] {strides = array<i32>} : memref<2x64x128xf32, #tpu.memory_space<vmem>>, vector<16xf32>,
          %mul3A_709 = arith.mulf %get3A_704, %get3A_708 : vector<16xf32>
          %add3A_710 = arith.addf %add3A_700, %mul3A_709 : vector<16xf32>
          %get3A_711 = arith.index_cast %rem3A_160 : i32 to index
          %get3A_712 = arith.index_cast %add3A_681 : i32 to index
          %get3A_713 = arith.constant 48 : index
          %get3A_714 = tpu.vector_load %arg11[%get3A_711, %get3A_712, %get3A_713] {strides = array<i32>} : memref<2x64x128xf32, #tpu.memory_space<vmem>>, vector<16xf32>,
          %get3A_715 = arith.index_cast %rem3A_160 : i32 to index
          %get3A_716 = arith.index_cast %add3A_681 : i32 to index
          %get3A_717 = arith.constant 48 : index
          %get3A_718 = tpu.vector_load %arg12[%get3A_715, %get3A_716, %get3A_717] {strides = array<i32>} : memref<2x64x128xf32, #tpu.memory_space<vmem>>, vector<16xf32>,
          %mul3A_719 = arith.mulf %get3A_714, %get3A_718 : vector<16xf32>
          %add3A_720 = arith.addf %add3A_710, %mul3A_719 : vector<16xf32>
          %get3A_721 = arith.index_cast %rem3A_160 : i32 to index
          %get3A_722 = arith.index_cast %add3A_681 : i32 to index
          %get3A_723 = arith.constant 64 : index
          %get3A_724 = tpu.vector_load %arg11[%get3A_721, %get3A_722, %get3A_723] {strides = array<i32>} : memref<2x64x128xf32, #tpu.memory_space<vmem>>, vector<16xf32>,
          %get3A_725 = arith.index_cast %rem3A_160 : i32 to index
          %get3A_726 = arith.index_cast %add3A_681 : i32 to index
          %get3A_727 = arith.constant 64 : index
          %get3A_728 = tpu.vector_load %arg12[%get3A_725, %get3A_726, %get3A_727] {strides = array<i32>} : memref<2x64x128xf32, #tpu.memory_space<vmem>>, vector<16xf32>,
          %mul3A_729 = arith.mulf %get3A_724, %get3A_728 : vector<16xf32>
          %add3A_730 = arith.addf %add3A_720, %mul3A_729 : vector<16xf32>
          %get3A_731 = arith.index_cast %rem3A_160 : i32 to index
          %get3A_732 = arith.index_cast %add3A_681 : i32 to index
          %get3A_733 = arith.constant 80 : index
          %get3A_734 = tpu.vector_load %arg11[%get3A_731, %get3A_732, %get3A_733] {strides = array<i32>} : memref<2x64x128xf32, #tpu.memory_space<vmem>>, vector<16xf32>,
          %get3A_735 = arith.index_cast %rem3A_160 : i32 to index
          %get3A_736 = arith.index_cast %add3A_681 : i32 to index
          %get3A_737 = arith.constant 80 : index
          %get3A_738 = tpu.vector_load %arg12[%get3A_735, %get3A_736, %get3A_737] {strides = array<i32>} : memref<2x64x128xf32, #tpu.memory_space<vmem>>, vector<16xf32>,
          %mul3A_739 = arith.mulf %get3A_734, %get3A_738 : vector<16xf32>
          %add3A_740 = arith.addf %add3A_730, %mul3A_739 : vector<16xf32>
          %get3A_741 = arith.index_cast %rem3A_160 : i32 to index
          %get3A_742 = arith.index_cast %add3A_681 : i32 to index
          %get3A_743 = arith.constant 96 : index
          %get3A_744 = tpu.vector_load %arg11[%get3A_741, %get3A_742, %get3A_743] {strides = array<i32>} : memref<2x64x128xf32, #tpu.memory_space<vmem>>, vector<16xf32>,
          %get3A_745 = arith.index_cast %rem3A_160 : i32 to index
          %get3A_746 = arith.index_cast %add3A_681 : i32 to index
          %get3A_747 = arith.constant 96 : index
          %get3A_748 = tpu.vector_load %arg12[%get3A_745, %get3A_746, %get3A_747] {strides = array<i32>} : memref<2x64x128xf32, #tpu.memory_space<vmem>>, vector<16xf32>,
          %mul3A_749 = arith.mulf %get3A_744, %get3A_748 : vector<16xf32>
          %add3A_750 = arith.addf %add3A_740, %mul3A_749 : vector<16xf32>
          %get3A_751 = arith.index_cast %rem3A_160 : i32 to index
          %get3A_752 = arith.index_cast %add3A_681 : i32 to index
          %get3A_753 = arith.constant 112 : index
          %get3A_754 = tpu.vector_load %arg11[%get3A_751, %get3A_752, %get3A_753] {strides = array<i32>} : memref<2x64x128xf32, #tpu.memory_space<vmem>>, vector<16xf32>,
          %get3A_755 = arith.index_cast %rem3A_160 : i32 to index
          %get3A_756 = arith.index_cast %add3A_681 : i32 to index
          %get3A_757 = arith.constant 112 : index
          %get3A_758 = tpu.vector_load %arg12[%get3A_755, %get3A_756, %get3A_757] {strides = array<i32>} : memref<2x64x128xf32, #tpu.memory_space<vmem>>, vector<16xf32>,
          %mul3A_759 = arith.mulf %get3A_754, %get3A_758 : vector<16xf32>
          %add3A_760 = arith.addf %add3A_750, %mul3A_759 : vector<16xf32>
          %mul3A_761 = arith.constant 16 : i32
          %mul3A_762 = vector.broadcast %mul3A_761 : i32 to vector<16xi32>
          %mul3A_763 = arith.muli %iota3A, %mul3A_762 : vector<16xi32>
          %add3A_764 = arith.constant 5 : i32
          %add3A_765 = vector.broadcast %add3A_764 : i32 to vector<16xi32>
          %add3A_766 = arith.addi %mul3A_763, %add3A_765 : vector<16xi32>
          tpu.vector_store_idx %arg15[%add3A_766], %add3A_760 : memref<256xf32, #tpu.memory_space<vmem>>[vector<16xi32>], vector<16xf32>,
          %add3A_767 = arith.constant 6 : i32
          %add3A_768 = arith.addi %mul3A_245, %add3A_767 : i32
          %get3A_769 = arith.index_cast %rem3A_160 : i32 to index
          %get3A_770 = arith.index_cast %add3A_768 : i32 to index
          %get3A_771 = arith.constant 0 : index
          %get3A_772 = tpu.vector_load %arg11[%get3A_769, %get3A_770, %get3A_771] {strides = array<i32>} : memref<2x64x128xf32, #tpu.memory_space<vmem>>, vector<16xf32>,
          %get3A_773 = arith.index_cast %rem3A_160 : i32 to index
          %get3A_774 = arith.index_cast %add3A_768 : i32 to index
          %get3A_775 = arith.constant 0 : index
          %get3A_776 = tpu.vector_load %arg12[%get3A_773, %get3A_774, %get3A_775] {strides = array<i32>} : memref<2x64x128xf32, #tpu.memory_space<vmem>>, vector<16xf32>,
          %mul3A_777 = arith.mulf %get3A_772, %get3A_776 : vector<16xf32>
          %get3A_778 = arith.index_cast %rem3A_160 : i32 to index
          %get3A_779 = arith.index_cast %add3A_768 : i32 to index
          %get3A_780 = arith.constant 16 : index
          %get3A_781 = tpu.vector_load %arg11[%get3A_778, %get3A_779, %get3A_780] {strides = array<i32>} : memref<2x64x128xf32, #tpu.memory_space<vmem>>, vector<16xf32>,
          %get3A_782 = arith.index_cast %rem3A_160 : i32 to index
          %get3A_783 = arith.index_cast %add3A_768 : i32 to index
          %get3A_784 = arith.constant 16 : index
          %get3A_785 = tpu.vector_load %arg12[%get3A_782, %get3A_783, %get3A_784] {strides = array<i32>} : memref<2x64x128xf32, #tpu.memory_space<vmem>>, vector<16xf32>,
          %mul3A_786 = arith.mulf %get3A_781, %get3A_785 : vector<16xf32>
          %add3A_787 = arith.addf %mul3A_777, %mul3A_786 : vector<16xf32>
          %get3A_788 = arith.index_cast %rem3A_160 : i32 to index
          %get3A_789 = arith.index_cast %add3A_768 : i32 to index
          %get3A_790 = arith.constant 32 : index
          %get3A_791 = tpu.vector_load %arg11[%get3A_788, %get3A_789, %get3A_790] {strides = array<i32>} : memref<2x64x128xf32, #tpu.memory_space<vmem>>, vector<16xf32>,
          %get3A_792 = arith.index_cast %rem3A_160 : i32 to index
          %get3A_793 = arith.index_cast %add3A_768 : i32 to index
          %get3A_794 = arith.constant 32 : index
          %get3A_795 = tpu.vector_load %arg12[%get3A_792, %get3A_793, %get3A_794] {strides = array<i32>} : memref<2x64x128xf32, #tpu.memory_space<vmem>>, vector<16xf32>,
          %mul3A_796 = arith.mulf %get3A_791, %get3A_795 : vector<16xf32>
          %add3A_797 = arith.addf %add3A_787, %mul3A_796 : vector<16xf32>
          %get3A_798 = arith.index_cast %rem3A_160 : i32 to index
          %get3A_799 = arith.index_cast %add3A_768 : i32 to index
          %get3A_800 = arith.constant 48 : index
          %get3A_801 = tpu.vector_load %arg11[%get3A_798, %get3A_799, %get3A_800] {strides = array<i32>} : memref<2x64x128xf32, #tpu.memory_space<vmem>>, vector<16xf32>,
          %get3A_802 = arith.index_cast %rem3A_160 : i32 to index
          %get3A_803 = arith.index_cast %add3A_768 : i32 to index
          %get3A_804 = arith.constant 48 : index
          %get3A_805 = tpu.vector_load %arg12[%get3A_802, %get3A_803, %get3A_804] {strides = array<i32>} : memref<2x64x128xf32, #tpu.memory_space<vmem>>, vector<16xf32>,
          %mul3A_806 = arith.mulf %get3A_801, %get3A_805 : vector<16xf32>
          %add3A_807 = arith.addf %add3A_797, %mul3A_806 : vector<16xf32>
          %get3A_808 = arith.index_cast %rem3A_160 : i32 to index
          %get3A_809 = arith.index_cast %add3A_768 : i32 to index
          %get3A_810 = arith.constant 64 : index
          %get3A_811 = tpu.vector_load %arg11[%get3A_808, %get3A_809, %get3A_810] {strides = array<i32>} : memref<2x64x128xf32, #tpu.memory_space<vmem>>, vector<16xf32>,
          %get3A_812 = arith.index_cast %rem3A_160 : i32 to index
          %get3A_813 = arith.index_cast %add3A_768 : i32 to index
          %get3A_814 = arith.constant 64 : index
          %get3A_815 = tpu.vector_load %arg12[%get3A_812, %get3A_813, %get3A_814] {strides = array<i32>} : memref<2x64x128xf32, #tpu.memory_space<vmem>>, vector<16xf32>,
          %mul3A_816 = arith.mulf %get3A_811, %get3A_815 : vector<16xf32>
          %add3A_817 = arith.addf %add3A_807, %mul3A_816 : vector<16xf32>
          %get3A_818 = arith.index_cast %rem3A_160 : i32 to index
          %get3A_819 = arith.index_cast %add3A_768 : i32 to index
          %get3A_820 = arith.constant 80 : index
          %get3A_821 = tpu.vector_load %arg11[%get3A_818, %get3A_819, %get3A_820] {strides = array<i32>} : memref<2x64x128xf32, #tpu.memory_space<vmem>>, vector<16xf32>,
          %get3A_822 = arith.index_cast %rem3A_160 : i32 to index
          %get3A_823 = arith.index_cast %add3A_768 : i32 to index
          %get3A_824 = arith.constant 80 : index
          %get3A_825 = tpu.vector_load %arg12[%get3A_822, %get3A_823, %get3A_824] {strides = array<i32>} : memref<2x64x128xf32, #tpu.memory_space<vmem>>, vector<16xf32>,
          %mul3A_826 = arith.mulf %get3A_821, %get3A_825 : vector<16xf32>
          %add3A_827 = arith.addf %add3A_817, %mul3A_826 : vector<16xf32>
          %get3A_828 = arith.index_cast %rem3A_160 : i32 to index
          %get3A_829 = arith.index_cast %add3A_768 : i32 to index
          %get3A_830 = arith.constant 96 : index
          %get3A_831 = tpu.vector_load %arg11[%get3A_828, %get3A_829, %get3A_830] {strides = array<i32>} : memref<2x64x128xf32, #tpu.memory_space<vmem>>, vector<16xf32>,
          %get3A_832 = arith.index_cast %rem3A_160 : i32 to index
          %get3A_833 = arith.index_cast %add3A_768 : i32 to index
          %get3A_834 = arith.constant 96 : index
          %get3A_835 = tpu.vector_load %arg12[%get3A_832, %get3A_833, %get3A_834] {strides = array<i32>} : memref<2x64x128xf32, #tpu.memory_space<vmem>>, vector<16xf32>,
          %mul3A_836 = arith.mulf %get3A_831, %get3A_835 : vector<16xf32>
          %add3A_837 = arith.addf %add3A_827, %mul3A_836 : vector<16xf32>
          %get3A_838 = arith.index_cast %rem3A_160 : i32 to index
          %get3A_839 = arith.index_cast %add3A_768 : i32 to index
          %get3A_840 = arith.constant 112 : index
          %get3A_841 = tpu.vector_load %arg11[%get3A_838, %get3A_839, %get3A_840] {strides = array<i32>} : memref<2x64x128xf32, #tpu.memory_space<vmem>>, vector<16xf32>,
          %get3A_842 = arith.index_cast %rem3A_160 : i32 to index
          %get3A_843 = arith.index_cast %add3A_768 : i32 to index
          %get3A_844 = arith.constant 112 : index
          %get3A_845 = tpu.vector_load %arg12[%get3A_842, %get3A_843, %get3A_844] {strides = array<i32>} : memref<2x64x128xf32, #tpu.memory_space<vmem>>, vector<16xf32>,
          %mul3A_846 = arith.mulf %get3A_841, %get3A_845 : vector<16xf32>
          %add3A_847 = arith.addf %add3A_837, %mul3A_846 : vector<16xf32>
          %mul3A_848 = arith.constant 16 : i32
          %mul3A_849 = vector.broadcast %mul3A_848 : i32 to vector<16xi32>
          %mul3A_850 = arith.muli %iota3A, %mul3A_849 : vector<16xi32>
          %add3A_851 = arith.constant 6 : i32
          %add3A_852 = vector.broadcast %add3A_851 : i32 to vector<16xi32>
          %add3A_853 = arith.addi %mul3A_850, %add3A_852 : vector<16xi32>
          tpu.vector_store_idx %arg15[%add3A_853], %add3A_847 : memref<256xf32, #tpu.memory_space<vmem>>[vector<16xi32>], vector<16xf32>,
          %add3A_854 = arith.constant 7 : i32
          %add3A_855 = arith.addi %mul3A_245, %add3A_854 : i32
          %get3A_856 = arith.index_cast %rem3A_160 : i32 to index
          %get3A_857 = arith.index_cast %add3A_855 : i32 to index
          %get3A_858 = arith.constant 0 : index
          %get3A_859 = tpu.vector_load %arg11[%get3A_856, %get3A_857, %get3A_858] {strides = array<i32>} : memref<2x64x128xf32, #tpu.memory_space<vmem>>, vector<16xf32>,
          %get3A_860 = arith.index_cast %rem3A_160 : i32 to index
          %get3A_861 = arith.index_cast %add3A_855 : i32 to index
          %get3A_862 = arith.constant 0 : index
          %get3A_863 = tpu.vector_load %arg12[%get3A_860, %get3A_861, %get3A_862] {strides = array<i32>} : memref<2x64x128xf32, #tpu.memory_space<vmem>>, vector<16xf32>,
          %mul3A_864 = arith.mulf %get3A_859, %get3A_863 : vector<16xf32>
          %get3A_865 = arith.index_cast %rem3A_160 : i32 to index
          %get3A_866 = arith.index_cast %add3A_855 : i32 to index
          %get3A_867 = arith.constant 16 : index
          %get3A_868 = tpu.vector_load %arg11[%get3A_865, %get3A_866, %get3A_867] {strides = array<i32>} : memref<2x64x128xf32, #tpu.memory_space<vmem>>, vector<16xf32>,
          %get3A_869 = arith.index_cast %rem3A_160 : i32 to index
          %get3A_870 = arith.index_cast %add3A_855 : i32 to index
          %get3A_871 = arith.constant 16 : index
          %get3A_872 = tpu.vector_load %arg12[%get3A_869, %get3A_870, %get3A_871] {strides = array<i32>} : memref<2x64x128xf32, #tpu.memory_space<vmem>>, vector<16xf32>,
          %mul3A_873 = arith.mulf %get3A_868, %get3A_872 : vector<16xf32>
          %add3A_874 = arith.addf %mul3A_864, %mul3A_873 : vector<16xf32>
          %get3A_875 = arith.index_cast %rem3A_160 : i32 to index
          %get3A_876 = arith.index_cast %add3A_855 : i32 to index
          %get3A_877 = arith.constant 32 : index
          %get3A_878 = tpu.vector_load %arg11[%get3A_875, %get3A_876, %get3A_877] {strides = array<i32>} : memref<2x64x128xf32, #tpu.memory_space<vmem>>, vector<16xf32>,
          %get3A_879 = arith.index_cast %rem3A_160 : i32 to index
          %get3A_880 = arith.index_cast %add3A_855 : i32 to index
          %get3A_881 = arith.constant 32 : index
          %get3A_882 = tpu.vector_load %arg12[%get3A_879, %get3A_880, %get3A_881] {strides = array<i32>} : memref<2x64x128xf32, #tpu.memory_space<vmem>>, vector<16xf32>,
          %mul3A_883 = arith.mulf %get3A_878, %get3A_882 : vector<16xf32>
          %add3A_884 = arith.addf %add3A_874, %mul3A_883 : vector<16xf32>
          %get3A_885 = arith.index_cast %rem3A_160 : i32 to index
          %get3A_886 = arith.index_cast %add3A_855 : i32 to index
          %get3A_887 = arith.constant 48 : index
          %get3A_888 = tpu.vector_load %arg11[%get3A_885, %get3A_886, %get3A_887] {strides = array<i32>} : memref<2x64x128xf32, #tpu.memory_space<vmem>>, vector<16xf32>,
          %get3A_889 = arith.index_cast %rem3A_160 : i32 to index
          %get3A_890 = arith.index_cast %add3A_855 : i32 to index
          %get3A_891 = arith.constant 48 : index
          %get3A_892 = tpu.vector_load %arg12[%get3A_889, %get3A_890, %get3A_891] {strides = array<i32>} : memref<2x64x128xf32, #tpu.memory_space<vmem>>, vector<16xf32>,
          %mul3A_893 = arith.mulf %get3A_888, %get3A_892 : vector<16xf32>
          %add3A_894 = arith.addf %add3A_884, %mul3A_893 : vector<16xf32>
          %get3A_895 = arith.index_cast %rem3A_160 : i32 to index
          %get3A_896 = arith.index_cast %add3A_855 : i32 to index
          %get3A_897 = arith.constant 64 : index
          %get3A_898 = tpu.vector_load %arg11[%get3A_895, %get3A_896, %get3A_897] {strides = array<i32>} : memref<2x64x128xf32, #tpu.memory_space<vmem>>, vector<16xf32>,
          %get3A_899 = arith.index_cast %rem3A_160 : i32 to index
          %get3A_900 = arith.index_cast %add3A_855 : i32 to index
          %get3A_901 = arith.constant 64 : index
          %get3A_902 = tpu.vector_load %arg12[%get3A_899, %get3A_900, %get3A_901] {strides = array<i32>} : memref<2x64x128xf32, #tpu.memory_space<vmem>>, vector<16xf32>,
          %mul3A_903 = arith.mulf %get3A_898, %get3A_902 : vector<16xf32>
          %add3A_904 = arith.addf %add3A_894, %mul3A_903 : vector<16xf32>
          %get3A_905 = arith.index_cast %rem3A_160 : i32 to index
          %get3A_906 = arith.index_cast %add3A_855 : i32 to index
          %get3A_907 = arith.constant 80 : index
          %get3A_908 = tpu.vector_load %arg11[%get3A_905, %get3A_906, %get3A_907] {strides = array<i32>} : memref<2x64x128xf32, #tpu.memory_space<vmem>>, vector<16xf32>,
          %get3A_909 = arith.index_cast %rem3A_160 : i32 to index
          %get3A_910 = arith.index_cast %add3A_855 : i32 to index
          %get3A_911 = arith.constant 80 : index
          %get3A_912 = tpu.vector_load %arg12[%get3A_909, %get3A_910, %get3A_911] {strides = array<i32>} : memref<2x64x128xf32, #tpu.memory_space<vmem>>, vector<16xf32>,
          %mul3A_913 = arith.mulf %get3A_908, %get3A_912 : vector<16xf32>
          %add3A_914 = arith.addf %add3A_904, %mul3A_913 : vector<16xf32>
          %get3A_915 = arith.index_cast %rem3A_160 : i32 to index
          %get3A_916 = arith.index_cast %add3A_855 : i32 to index
          %get3A_917 = arith.constant 96 : index
          %get3A_918 = tpu.vector_load %arg11[%get3A_915, %get3A_916, %get3A_917] {strides = array<i32>} : memref<2x64x128xf32, #tpu.memory_space<vmem>>, vector<16xf32>,
          %get3A_919 = arith.index_cast %rem3A_160 : i32 to index
          %get3A_920 = arith.index_cast %add3A_855 : i32 to index
          %get3A_921 = arith.constant 96 : index
          %get3A_922 = tpu.vector_load %arg12[%get3A_919, %get3A_920, %get3A_921] {strides = array<i32>} : memref<2x64x128xf32, #tpu.memory_space<vmem>>, vector<16xf32>,
          %mul3A_923 = arith.mulf %get3A_918, %get3A_922 : vector<16xf32>
          %add3A_924 = arith.addf %add3A_914, %mul3A_923 : vector<16xf32>
          %get3A_925 = arith.index_cast %rem3A_160 : i32 to index
          %get3A_926 = arith.index_cast %add3A_855 : i32 to index
          %get3A_927 = arith.constant 112 : index
          %get3A_928 = tpu.vector_load %arg11[%get3A_925, %get3A_926, %get3A_927] {strides = array<i32>} : memref<2x64x128xf32, #tpu.memory_space<vmem>>, vector<16xf32>,
          %get3A_929 = arith.index_cast %rem3A_160 : i32 to index
          %get3A_930 = arith.index_cast %add3A_855 : i32 to index
          %get3A_931 = arith.constant 112 : index
          %get3A_932 = tpu.vector_load %arg12[%get3A_929, %get3A_930, %get3A_931] {strides = array<i32>} : memref<2x64x128xf32, #tpu.memory_space<vmem>>, vector<16xf32>,
          %mul3A_933 = arith.mulf %get3A_928, %get3A_932 : vector<16xf32>
          %add3A_934 = arith.addf %add3A_924, %mul3A_933 : vector<16xf32>
          %mul3A_935 = arith.constant 16 : i32
          %mul3A_936 = vector.broadcast %mul3A_935 : i32 to vector<16xi32>
          %mul3A_937 = arith.muli %iota3A, %mul3A_936 : vector<16xi32>
          %add3A_938 = arith.constant 7 : i32
          %add3A_939 = vector.broadcast %add3A_938 : i32 to vector<16xi32>
          %add3A_940 = arith.addi %mul3A_937, %add3A_939 : vector<16xi32>
          tpu.vector_store_idx %arg15[%add3A_940], %add3A_934 : memref<256xf32, #tpu.memory_space<vmem>>[vector<16xi32>], vector<16xf32>,
          %add3A_941 = arith.constant 8 : i32
          %add3A_942 = arith.addi %mul3A_245, %add3A_941 : i32
          %get3A_943 = arith.index_cast %rem3A_160 : i32 to index
          %get3A_944 = arith.index_cast %add3A_942 : i32 to index
          %get3A_945 = arith.constant 0 : index
          %get3A_946 = tpu.vector_load %arg11[%get3A_943, %get3A_944, %get3A_945] {strides = array<i32>} : memref<2x64x128xf32, #tpu.memory_space<vmem>>, vector<16xf32>,
          %get3A_947 = arith.index_cast %rem3A_160 : i32 to index
          %get3A_948 = arith.index_cast %add3A_942 : i32 to index
          %get3A_949 = arith.constant 0 : index
          %get3A_950 = tpu.vector_load %arg12[%get3A_947, %get3A_948, %get3A_949] {strides = array<i32>} : memref<2x64x128xf32, #tpu.memory_space<vmem>>, vector<16xf32>,
          %mul3A_951 = arith.mulf %get3A_946, %get3A_950 : vector<16xf32>
          %get3A_952 = arith.index_cast %rem3A_160 : i32 to index
          %get3A_953 = arith.index_cast %add3A_942 : i32 to index
          %get3A_954 = arith.constant 16 : index
          %get3A_955 = tpu.vector_load %arg11[%get3A_952, %get3A_953, %get3A_954] {strides = array<i32>} : memref<2x64x128xf32, #tpu.memory_space<vmem>>, vector<16xf32>,
          %get3A_956 = arith.index_cast %rem3A_160 : i32 to index
          %get3A_957 = arith.index_cast %add3A_942 : i32 to index
          %get3A_958 = arith.constant 16 : index
          %get3A_959 = tpu.vector_load %arg12[%get3A_956, %get3A_957, %get3A_958] {strides = array<i32>} : memref<2x64x128xf32, #tpu.memory_space<vmem>>, vector<16xf32>,
          %mul3A_960 = arith.mulf %get3A_955, %get3A_959 : vector<16xf32>
          %add3A_961 = arith.addf %mul3A_951, %mul3A_960 : vector<16xf32>
          %get3A_962 = arith.index_cast %rem3A_160 : i32 to index
          %get3A_963 = arith.index_cast %add3A_942 : i32 to index
          %get3A_964 = arith.constant 32 : index
          %get3A_965 = tpu.vector_load %arg11[%get3A_962, %get3A_963, %get3A_964] {strides = array<i32>} : memref<2x64x128xf32, #tpu.memory_space<vmem>>, vector<16xf32>,
          %get3A_966 = arith.index_cast %rem3A_160 : i32 to index
          %get3A_967 = arith.index_cast %add3A_942 : i32 to index
          %get3A_968 = arith.constant 32 : index
          %get3A_969 = tpu.vector_load %arg12[%get3A_966, %get3A_967, %get3A_968] {strides = array<i32>} : memref<2x64x128xf32, #tpu.memory_space<vmem>>, vector<16xf32>,
          %mul3A_970 = arith.mulf %get3A_965, %get3A_969 : vector<16xf32>
          %add3A_971 = arith.addf %add3A_961, %mul3A_970 : vector<16xf32>
          %get3A_972 = arith.index_cast %rem3A_160 : i32 to index
          %get3A_973 = arith.index_cast %add3A_942 : i32 to index
          %get3A_974 = arith.constant 48 : index
          %get3A_975 = tpu.vector_load %arg11[%get3A_972, %get3A_973, %get3A_974] {strides = array<i32>} : memref<2x64x128xf32, #tpu.memory_space<vmem>>, vector<16xf32>,
          %get3A_976 = arith.index_cast %rem3A_160 : i32 to index
          %get3A_977 = arith.index_cast %add3A_942 : i32 to index
          %get3A_978 = arith.constant 48 : index
          %get3A_979 = tpu.vector_load %arg12[%get3A_976, %get3A_977, %get3A_978] {strides = array<i32>} : memref<2x64x128xf32, #tpu.memory_space<vmem>>, vector<16xf32>,
          %mul3A_980 = arith.mulf %get3A_975, %get3A_979 : vector<16xf32>
          %add3A_981 = arith.addf %add3A_971, %mul3A_980 : vector<16xf32>
          %get3A_982 = arith.index_cast %rem3A_160 : i32 to index
          %get3A_983 = arith.index_cast %add3A_942 : i32 to index
          %get3A_984 = arith.constant 64 : index
          %get3A_985 = tpu.vector_load %arg11[%get3A_982, %get3A_983, %get3A_984] {strides = array<i32>} : memref<2x64x128xf32, #tpu.memory_space<vmem>>, vector<16xf32>,
          %get3A_986 = arith.index_cast %rem3A_160 : i32 to index
          %get3A_987 = arith.index_cast %add3A_942 : i32 to index
          %get3A_988 = arith.constant 64 : index
          %get3A_989 = tpu.vector_load %arg12[%get3A_986, %get3A_987, %get3A_988] {strides = array<i32>} : memref<2x64x128xf32, #tpu.memory_space<vmem>>, vector<16xf32>,
          %mul3A_990 = arith.mulf %get3A_985, %get3A_989 : vector<16xf32>
          %add3A_991 = arith.addf %add3A_981, %mul3A_990 : vector<16xf32>
          %get3A_992 = arith.index_cast %rem3A_160 : i32 to index
          %get3A_993 = arith.index_cast %add3A_942 : i32 to index
          %get3A_994 = arith.constant 80 : index
          %get3A_995 = tpu.vector_load %arg11[%get3A_992, %get3A_993, %get3A_994] {strides = array<i32>} : memref<2x64x128xf32, #tpu.memory_space<vmem>>, vector<16xf32>,
          %get3A_996 = arith.index_cast %rem3A_160 : i32 to index
          %get3A_997 = arith.index_cast %add3A_942 : i32 to index
          %get3A_998 = arith.constant 80 : index
          %get3A_999 = tpu.vector_load %arg12[%get3A_996, %get3A_997, %get3A_998] {strides = array<i32>} : memref<2x64x128xf32, #tpu.memory_space<vmem>>, vector<16xf32>,
          %mul3A_1000 = arith.mulf %get3A_995, %get3A_999 : vector<16xf32>
          %add3A_1001 = arith.addf %add3A_991, %mul3A_1000 : vector<16xf32>
          %get3A_1002 = arith.index_cast %rem3A_160 : i32 to index
          %get3A_1003 = arith.index_cast %add3A_942 : i32 to index
          %get3A_1004 = arith.constant 96 : index
          %get3A_1005 = tpu.vector_load %arg11[%get3A_1002, %get3A_1003, %get3A_1004] {strides = array<i32>} : memref<2x64x128xf32, #tpu.memory_space<vmem>>, vector<16xf32>,
          %get3A_1006 = arith.index_cast %rem3A_160 : i32 to index
          %get3A_1007 = arith.index_cast %add3A_942 : i32 to index
          %get3A_1008 = arith.constant 96 : index
          %get3A_1009 = tpu.vector_load %arg12[%get3A_1006, %get3A_1007, %get3A_1008] {strides = array<i32>} : memref<2x64x128xf32, #tpu.memory_space<vmem>>, vector<16xf32>,
          %mul3A_1010 = arith.mulf %get3A_1005, %get3A_1009 : vector<16xf32>
          %add3A_1011 = arith.addf %add3A_1001, %mul3A_1010 : vector<16xf32>
          %get3A_1012 = arith.index_cast %rem3A_160 : i32 to index
          %get3A_1013 = arith.index_cast %add3A_942 : i32 to index
          %get3A_1014 = arith.constant 112 : index
          %get3A_1015 = tpu.vector_load %arg11[%get3A_1012, %get3A_1013, %get3A_1014] {strides = array<i32>} : memref<2x64x128xf32, #tpu.memory_space<vmem>>, vector<16xf32>,
          %get3A_1016 = arith.index_cast %rem3A_160 : i32 to index
          %get3A_1017 = arith.index_cast %add3A_942 : i32 to index
          %get3A_1018 = arith.constant 112 : index
          %get3A_1019 = tpu.vector_load %arg12[%get3A_1016, %get3A_1017, %get3A_1018] {strides = array<i32>} : memref<2x64x128xf32, #tpu.memory_space<vmem>>, vector<16xf32>,
          %mul3A_1020 = arith.mulf %get3A_1015, %get3A_1019 : vector<16xf32>
          %add3A_1021 = arith.addf %add3A_1011, %mul3A_1020 : vector<16xf32>
          %mul3A_1022 = arith.constant 16 : i32
          %mul3A_1023 = vector.broadcast %mul3A_1022 : i32 to vector<16xi32>
          %mul3A_1024 = arith.muli %iota3A, %mul3A_1023 : vector<16xi32>
          %add3A_1025 = arith.constant 8 : i32
          %add3A_1026 = vector.broadcast %add3A_1025 : i32 to vector<16xi32>
          %add3A_1027 = arith.addi %mul3A_1024, %add3A_1026 : vector<16xi32>
          tpu.vector_store_idx %arg15[%add3A_1027], %add3A_1021 : memref<256xf32, #tpu.memory_space<vmem>>[vector<16xi32>], vector<16xf32>,
          %add3A_1028 = arith.constant 9 : i32
          %add3A_1029 = arith.addi %mul3A_245, %add3A_1028 : i32
          %get3A_1030 = arith.index_cast %rem3A_160 : i32 to index
          %get3A_1031 = arith.index_cast %add3A_1029 : i32 to index
          %get3A_1032 = arith.constant 0 : index
          %get3A_1033 = tpu.vector_load %arg11[%get3A_1030, %get3A_1031, %get3A_1032] {strides = array<i32>} : memref<2x64x128xf32, #tpu.memory_space<vmem>>, vector<16xf32>,
          %get3A_1034 = arith.index_cast %rem3A_160 : i32 to index
          %get3A_1035 = arith.index_cast %add3A_1029 : i32 to index
          %get3A_1036 = arith.constant 0 : index
          %get3A_1037 = tpu.vector_load %arg12[%get3A_1034, %get3A_1035, %get3A_1036] {strides = array<i32>} : memref<2x64x128xf32, #tpu.memory_space<vmem>>, vector<16xf32>,
          %mul3A_1038 = arith.mulf %get3A_1033, %get3A_1037 : vector<16xf32>
          %get3A_1039 = arith.index_cast %rem3A_160 : i32 to index
          %get3A_1040 = arith.index_cast %add3A_1029 : i32 to index
          %get3A_1041 = arith.constant 16 : index
          %get3A_1042 = tpu.vector_load %arg11[%get3A_1039, %get3A_1040, %get3A_1041] {strides = array<i32>} : memref<2x64x128xf32, #tpu.memory_space<vmem>>, vector<16xf32>,
          %get3A_1043 = arith.index_cast %rem3A_160 : i32 to index
          %get3A_1044 = arith.index_cast %add3A_1029 : i32 to index
          %get3A_1045 = arith.constant 16 : index
          %get3A_1046 = tpu.vector_load %arg12[%get3A_1043, %get3A_1044, %get3A_1045] {strides = array<i32>} : memref<2x64x128xf32, #tpu.memory_space<vmem>>, vector<16xf32>,
          %mul3A_1047 = arith.mulf %get3A_1042, %get3A_1046 : vector<16xf32>
          %add3A_1048 = arith.addf %mul3A_1038, %mul3A_1047 : vector<16xf32>
          %get3A_1049 = arith.index_cast %rem3A_160 : i32 to index
          %get3A_1050 = arith.index_cast %add3A_1029 : i32 to index
          %get3A_1051 = arith.constant 32 : index
          %get3A_1052 = tpu.vector_load %arg11[%get3A_1049, %get3A_1050, %get3A_1051] {strides = array<i32>} : memref<2x64x128xf32, #tpu.memory_space<vmem>>, vector<16xf32>,
          %get3A_1053 = arith.index_cast %rem3A_160 : i32 to index
          %get3A_1054 = arith.index_cast %add3A_1029 : i32 to index
          %get3A_1055 = arith.constant 32 : index
          %get3A_1056 = tpu.vector_load %arg12[%get3A_1053, %get3A_1054, %get3A_1055] {strides = array<i32>} : memref<2x64x128xf32, #tpu.memory_space<vmem>>, vector<16xf32>,
          %mul3A_1057 = arith.mulf %get3A_1052, %get3A_1056 : vector<16xf32>
          %add3A_1058 = arith.addf %add3A_1048, %mul3A_1057 : vector<16xf32>
          %get3A_1059 = arith.index_cast %rem3A_160 : i32 to index
          %get3A_1060 = arith.index_cast %add3A_1029 : i32 to index
          %get3A_1061 = arith.constant 48 : index
          %get3A_1062 = tpu.vector_load %arg11[%get3A_1059, %get3A_1060, %get3A_1061] {strides = array<i32>} : memref<2x64x128xf32, #tpu.memory_space<vmem>>, vector<16xf32>,
          %get3A_1063 = arith.index_cast %rem3A_160 : i32 to index
          %get3A_1064 = arith.index_cast %add3A_1029 : i32 to index
          %get3A_1065 = arith.constant 48 : index
          %get3A_1066 = tpu.vector_load %arg12[%get3A_1063, %get3A_1064, %get3A_1065] {strides = array<i32>} : memref<2x64x128xf32, #tpu.memory_space<vmem>>, vector<16xf32>,
          %mul3A_1067 = arith.mulf %get3A_1062, %get3A_1066 : vector<16xf32>
          %add3A_1068 = arith.addf %add3A_1058, %mul3A_1067 : vector<16xf32>
          %get3A_1069 = arith.index_cast %rem3A_160 : i32 to index
          %get3A_1070 = arith.index_cast %add3A_1029 : i32 to index
          %get3A_1071 = arith.constant 64 : index
          %get3A_1072 = tpu.vector_load %arg11[%get3A_1069, %get3A_1070, %get3A_1071] {strides = array<i32>} : memref<2x64x128xf32, #tpu.memory_space<vmem>>, vector<16xf32>,
          %get3A_1073 = arith.index_cast %rem3A_160 : i32 to index
          %get3A_1074 = arith.index_cast %add3A_1029 : i32 to index
          %get3A_1075 = arith.constant 64 : index
          %get3A_1076 = tpu.vector_load %arg12[%get3A_1073, %get3A_1074, %get3A_1075] {strides = array<i32>} : memref<2x64x128xf32, #tpu.memory_space<vmem>>, vector<16xf32>,
          %mul3A_1077 = arith.mulf %get3A_1072, %get3A_1076 : vector<16xf32>
          %add3A_1078 = arith.addf %add3A_1068, %mul3A_1077 : vector<16xf32>
          %get3A_1079 = arith.index_cast %rem3A_160 : i32 to index
          %get3A_1080 = arith.index_cast %add3A_1029 : i32 to index
          %get3A_1081 = arith.constant 80 : index
          %get3A_1082 = tpu.vector_load %arg11[%get3A_1079, %get3A_1080, %get3A_1081] {strides = array<i32>} : memref<2x64x128xf32, #tpu.memory_space<vmem>>, vector<16xf32>,
          %get3A_1083 = arith.index_cast %rem3A_160 : i32 to index
          %get3A_1084 = arith.index_cast %add3A_1029 : i32 to index
          %get3A_1085 = arith.constant 80 : index
          %get3A_1086 = tpu.vector_load %arg12[%get3A_1083, %get3A_1084, %get3A_1085] {strides = array<i32>} : memref<2x64x128xf32, #tpu.memory_space<vmem>>, vector<16xf32>,
          %mul3A_1087 = arith.mulf %get3A_1082, %get3A_1086 : vector<16xf32>
          %add3A_1088 = arith.addf %add3A_1078, %mul3A_1087 : vector<16xf32>
          %get3A_1089 = arith.index_cast %rem3A_160 : i32 to index
          %get3A_1090 = arith.index_cast %add3A_1029 : i32 to index
          %get3A_1091 = arith.constant 96 : index
          %get3A_1092 = tpu.vector_load %arg11[%get3A_1089, %get3A_1090, %get3A_1091] {strides = array<i32>} : memref<2x64x128xf32, #tpu.memory_space<vmem>>, vector<16xf32>,
          %get3A_1093 = arith.index_cast %rem3A_160 : i32 to index
          %get3A_1094 = arith.index_cast %add3A_1029 : i32 to index
          %get3A_1095 = arith.constant 96 : index
          %get3A_1096 = tpu.vector_load %arg12[%get3A_1093, %get3A_1094, %get3A_1095] {strides = array<i32>} : memref<2x64x128xf32, #tpu.memory_space<vmem>>, vector<16xf32>,
          %mul3A_1097 = arith.mulf %get3A_1092, %get3A_1096 : vector<16xf32>
          %add3A_1098 = arith.addf %add3A_1088, %mul3A_1097 : vector<16xf32>
          %get3A_1099 = arith.index_cast %rem3A_160 : i32 to index
          %get3A_1100 = arith.index_cast %add3A_1029 : i32 to index
          %get3A_1101 = arith.constant 112 : index
          %get3A_1102 = tpu.vector_load %arg11[%get3A_1099, %get3A_1100, %get3A_1101] {strides = array<i32>} : memref<2x64x128xf32, #tpu.memory_space<vmem>>, vector<16xf32>,
          %get3A_1103 = arith.index_cast %rem3A_160 : i32 to index
          %get3A_1104 = arith.index_cast %add3A_1029 : i32 to index
          %get3A_1105 = arith.constant 112 : index
          %get3A_1106 = tpu.vector_load %arg12[%get3A_1103, %get3A_1104, %get3A_1105] {strides = array<i32>} : memref<2x64x128xf32, #tpu.memory_space<vmem>>, vector<16xf32>,
          %mul3A_1107 = arith.mulf %get3A_1102, %get3A_1106 : vector<16xf32>
          %add3A_1108 = arith.addf %add3A_1098, %mul3A_1107 : vector<16xf32>
          %mul3A_1109 = arith.constant 16 : i32
          %mul3A_1110 = vector.broadcast %mul3A_1109 : i32 to vector<16xi32>
          %mul3A_1111 = arith.muli %iota3A, %mul3A_1110 : vector<16xi32>
          %add3A_1112 = arith.constant 9 : i32
          %add3A_1113 = vector.broadcast %add3A_1112 : i32 to vector<16xi32>
          %add3A_1114 = arith.addi %mul3A_1111, %add3A_1113 : vector<16xi32>
          tpu.vector_store_idx %arg15[%add3A_1114], %add3A_1108 : memref<256xf32, #tpu.memory_space<vmem>>[vector<16xi32>], vector<16xf32>,
          %add3A_1115 = arith.constant 10 : i32
          %add3A_1116 = arith.addi %mul3A_245, %add3A_1115 : i32
          %get3A_1117 = arith.index_cast %rem3A_160 : i32 to index
          %get3A_1118 = arith.index_cast %add3A_1116 : i32 to index
          %get3A_1119 = arith.constant 0 : index
          %get3A_1120 = tpu.vector_load %arg11[%get3A_1117, %get3A_1118, %get3A_1119] {strides = array<i32>} : memref<2x64x128xf32, #tpu.memory_space<vmem>>, vector<16xf32>,
          %get3A_1121 = arith.index_cast %rem3A_160 : i32 to index
          %get3A_1122 = arith.index_cast %add3A_1116 : i32 to index
          %get3A_1123 = arith.constant 0 : index
          %get3A_1124 = tpu.vector_load %arg12[%get3A_1121, %get3A_1122, %get3A_1123] {strides = array<i32>} : memref<2x64x128xf32, #tpu.memory_space<vmem>>, vector<16xf32>,
          %mul3A_1125 = arith.mulf %get3A_1120, %get3A_1124 : vector<16xf32>
          %get3A_1126 = arith.index_cast %rem3A_160 : i32 to index
          %get3A_1127 = arith.index_cast %add3A_1116 : i32 to index
          %get3A_1128 = arith.constant 16 : index
          %get3A_1129 = tpu.vector_load %arg11[%get3A_1126, %get3A_1127, %get3A_1128] {strides = array<i32>} : memref<2x64x128xf32, #tpu.memory_space<vmem>>, vector<16xf32>,
          %get3A_1130 = arith.index_cast %rem3A_160 : i32 to index
          %get3A_1131 = arith.index_cast %add3A_1116 : i32 to index
          %get3A_1132 = arith.constant 16 : index
          %get3A_1133 = tpu.vector_load %arg12[%get3A_1130, %get3A_1131, %get3A_1132] {strides = array<i32>} : memref<2x64x128xf32, #tpu.memory_space<vmem>>, vector<16xf32>,
          %mul3A_1134 = arith.mulf %get3A_1129, %get3A_1133 : vector<16xf32>
          %add3A_1135 = arith.addf %mul3A_1125, %mul3A_1134 : vector<16xf32>
          %get3A_1136 = arith.index_cast %rem3A_160 : i32 to index
          %get3A_1137 = arith.index_cast %add3A_1116 : i32 to index
          %get3A_1138 = arith.constant 32 : index
          %get3A_1139 = tpu.vector_load %arg11[%get3A_1136, %get3A_1137, %get3A_1138] {strides = array<i32>} : memref<2x64x128xf32, #tpu.memory_space<vmem>>, vector<16xf32>,
          %get3A_1140 = arith.index_cast %rem3A_160 : i32 to index
          %get3A_1141 = arith.index_cast %add3A_1116 : i32 to index
          %get3A_1142 = arith.constant 32 : index
          %get3A_1143 = tpu.vector_load %arg12[%get3A_1140, %get3A_1141, %get3A_1142] {strides = array<i32>} : memref<2x64x128xf32, #tpu.memory_space<vmem>>, vector<16xf32>,
          %mul3A_1144 = arith.mulf %get3A_1139, %get3A_1143 : vector<16xf32>
          %add3A_1145 = arith.addf %add3A_1135, %mul3A_1144 : vector<16xf32>
          %get3A_1146 = arith.index_cast %rem3A_160 : i32 to index
          %get3A_1147 = arith.index_cast %add3A_1116 : i32 to index
          %get3A_1148 = arith.constant 48 : index
          %get3A_1149 = tpu.vector_load %arg11[%get3A_1146, %get3A_1147, %get3A_1148] {strides = array<i32>} : memref<2x64x128xf32, #tpu.memory_space<vmem>>, vector<16xf32>,
          %get3A_1150 = arith.index_cast %rem3A_160 : i32 to index
          %get3A_1151 = arith.index_cast %add3A_1116 : i32 to index
          %get3A_1152 = arith.constant 48 : index
          %get3A_1153 = tpu.vector_load %arg12[%get3A_1150, %get3A_1151, %get3A_1152] {strides = array<i32>} : memref<2x64x128xf32, #tpu.memory_space<vmem>>, vector<16xf32>,
          %mul3A_1154 = arith.mulf %get3A_1149, %get3A_1153 : vector<16xf32>
          %add3A_1155 = arith.addf %add3A_1145, %mul3A_1154 : vector<16xf32>
          %get3A_1156 = arith.index_cast %rem3A_160 : i32 to index
          %get3A_1157 = arith.index_cast %add3A_1116 : i32 to index
          %get3A_1158 = arith.constant 64 : index
          %get3A_1159 = tpu.vector_load %arg11[%get3A_1156, %get3A_1157, %get3A_1158] {strides = array<i32>} : memref<2x64x128xf32, #tpu.memory_space<vmem>>, vector<16xf32>,
          %get3A_1160 = arith.index_cast %rem3A_160 : i32 to index
          %get3A_1161 = arith.index_cast %add3A_1116 : i32 to index
          %get3A_1162 = arith.constant 64 : index
          %get3A_1163 = tpu.vector_load %arg12[%get3A_1160, %get3A_1161, %get3A_1162] {strides = array<i32>} : memref<2x64x128xf32, #tpu.memory_space<vmem>>, vector<16xf32>,
          %mul3A_1164 = arith.mulf %get3A_1159, %get3A_1163 : vector<16xf32>
          %add3A_1165 = arith.addf %add3A_1155, %mul3A_1164 : vector<16xf32>
          %get3A_1166 = arith.index_cast %rem3A_160 : i32 to index
          %get3A_1167 = arith.index_cast %add3A_1116 : i32 to index
          %get3A_1168 = arith.constant 80 : index
          %get3A_1169 = tpu.vector_load %arg11[%get3A_1166, %get3A_1167, %get3A_1168] {strides = array<i32>} : memref<2x64x128xf32, #tpu.memory_space<vmem>>, vector<16xf32>,
          %get3A_1170 = arith.index_cast %rem3A_160 : i32 to index
          %get3A_1171 = arith.index_cast %add3A_1116 : i32 to index
          %get3A_1172 = arith.constant 80 : index
          %get3A_1173 = tpu.vector_load %arg12[%get3A_1170, %get3A_1171, %get3A_1172] {strides = array<i32>} : memref<2x64x128xf32, #tpu.memory_space<vmem>>, vector<16xf32>,
          %mul3A_1174 = arith.mulf %get3A_1169, %get3A_1173 : vector<16xf32>
          %add3A_1175 = arith.addf %add3A_1165, %mul3A_1174 : vector<16xf32>
          %get3A_1176 = arith.index_cast %rem3A_160 : i32 to index
          %get3A_1177 = arith.index_cast %add3A_1116 : i32 to index
          %get3A_1178 = arith.constant 96 : index
          %get3A_1179 = tpu.vector_load %arg11[%get3A_1176, %get3A_1177, %get3A_1178] {strides = array<i32>} : memref<2x64x128xf32, #tpu.memory_space<vmem>>, vector<16xf32>,
          %get3A_1180 = arith.index_cast %rem3A_160 : i32 to index
          %get3A_1181 = arith.index_cast %add3A_1116 : i32 to index
          %get3A_1182 = arith.constant 96 : index
          %get3A_1183 = tpu.vector_load %arg12[%get3A_1180, %get3A_1181, %get3A_1182] {strides = array<i32>} : memref<2x64x128xf32, #tpu.memory_space<vmem>>, vector<16xf32>,
          %mul3A_1184 = arith.mulf %get3A_1179, %get3A_1183 : vector<16xf32>
          %add3A_1185 = arith.addf %add3A_1175, %mul3A_1184 : vector<16xf32>
          %get3A_1186 = arith.index_cast %rem3A_160 : i32 to index
          %get3A_1187 = arith.index_cast %add3A_1116 : i32 to index
          %get3A_1188 = arith.constant 112 : index
          %get3A_1189 = tpu.vector_load %arg11[%get3A_1186, %get3A_1187, %get3A_1188] {strides = array<i32>} : memref<2x64x128xf32, #tpu.memory_space<vmem>>, vector<16xf32>,
          %get3A_1190 = arith.index_cast %rem3A_160 : i32 to index
          %get3A_1191 = arith.index_cast %add3A_1116 : i32 to index
          %get3A_1192 = arith.constant 112 : index
          %get3A_1193 = tpu.vector_load %arg12[%get3A_1190, %get3A_1191, %get3A_1192] {strides = array<i32>} : memref<2x64x128xf32, #tpu.memory_space<vmem>>, vector<16xf32>,
          %mul3A_1194 = arith.mulf %get3A_1189, %get3A_1193 : vector<16xf32>
          %add3A_1195 = arith.addf %add3A_1185, %mul3A_1194 : vector<16xf32>
          %mul3A_1196 = arith.constant 16 : i32
          %mul3A_1197 = vector.broadcast %mul3A_1196 : i32 to vector<16xi32>
          %mul3A_1198 = arith.muli %iota3A, %mul3A_1197 : vector<16xi32>
          %add3A_1199 = arith.constant 10 : i32
          %add3A_1200 = vector.broadcast %add3A_1199 : i32 to vector<16xi32>
          %add3A_1201 = arith.addi %mul3A_1198, %add3A_1200 : vector<16xi32>
          tpu.vector_store_idx %arg15[%add3A_1201], %add3A_1195 : memref<256xf32, #tpu.memory_space<vmem>>[vector<16xi32>], vector<16xf32>,
          %add3A_1202 = arith.constant 11 : i32
          %add3A_1203 = arith.addi %mul3A_245, %add3A_1202 : i32
          %get3A_1204 = arith.index_cast %rem3A_160 : i32 to index
          %get3A_1205 = arith.index_cast %add3A_1203 : i32 to index
          %get3A_1206 = arith.constant 0 : index
          %get3A_1207 = tpu.vector_load %arg11[%get3A_1204, %get3A_1205, %get3A_1206] {strides = array<i32>} : memref<2x64x128xf32, #tpu.memory_space<vmem>>, vector<16xf32>,
          %get3A_1208 = arith.index_cast %rem3A_160 : i32 to index
          %get3A_1209 = arith.index_cast %add3A_1203 : i32 to index
          %get3A_1210 = arith.constant 0 : index
          %get3A_1211 = tpu.vector_load %arg12[%get3A_1208, %get3A_1209, %get3A_1210] {strides = array<i32>} : memref<2x64x128xf32, #tpu.memory_space<vmem>>, vector<16xf32>,
          %mul3A_1212 = arith.mulf %get3A_1207, %get3A_1211 : vector<16xf32>
          %get3A_1213 = arith.index_cast %rem3A_160 : i32 to index
          %get3A_1214 = arith.index_cast %add3A_1203 : i32 to index
          %get3A_1215 = arith.constant 16 : index
          %get3A_1216 = tpu.vector_load %arg11[%get3A_1213, %get3A_1214, %get3A_1215] {strides = array<i32>} : memref<2x64x128xf32, #tpu.memory_space<vmem>>, vector<16xf32>,
          %get3A_1217 = arith.index_cast %rem3A_160 : i32 to index
          %get3A_1218 = arith.index_cast %add3A_1203 : i32 to index
          %get3A_1219 = arith.constant 16 : index
          %get3A_1220 = tpu.vector_load %arg12[%get3A_1217, %get3A_1218, %get3A_1219] {strides = array<i32>} : memref<2x64x128xf32, #tpu.memory_space<vmem>>, vector<16xf32>,
          %mul3A_1221 = arith.mulf %get3A_1216, %get3A_1220 : vector<16xf32>
          %add3A_1222 = arith.addf %mul3A_1212, %mul3A_1221 : vector<16xf32>
          %get3A_1223 = arith.index_cast %rem3A_160 : i32 to index
          %get3A_1224 = arith.index_cast %add3A_1203 : i32 to index
          %get3A_1225 = arith.constant 32 : index
          %get3A_1226 = tpu.vector_load %arg11[%get3A_1223, %get3A_1224, %get3A_1225] {strides = array<i32>} : memref<2x64x128xf32, #tpu.memory_space<vmem>>, vector<16xf32>,
          %get3A_1227 = arith.index_cast %rem3A_160 : i32 to index
          %get3A_1228 = arith.index_cast %add3A_1203 : i32 to index
          %get3A_1229 = arith.constant 32 : index
          %get3A_1230 = tpu.vector_load %arg12[%get3A_1227, %get3A_1228, %get3A_1229] {strides = array<i32>} : memref<2x64x128xf32, #tpu.memory_space<vmem>>, vector<16xf32>,
          %mul3A_1231 = arith.mulf %get3A_1226, %get3A_1230 : vector<16xf32>
          %add3A_1232 = arith.addf %add3A_1222, %mul3A_1231 : vector<16xf32>
          %get3A_1233 = arith.index_cast %rem3A_160 : i32 to index
          %get3A_1234 = arith.index_cast %add3A_1203 : i32 to index
          %get3A_1235 = arith.constant 48 : index
          %get3A_1236 = tpu.vector_load %arg11[%get3A_1233, %get3A_1234, %get3A_1235] {strides = array<i32>} : memref<2x64x128xf32, #tpu.memory_space<vmem>>, vector<16xf32>,
          %get3A_1237 = arith.index_cast %rem3A_160 : i32 to index
          %get3A_1238 = arith.index_cast %add3A_1203 : i32 to index
          %get3A_1239 = arith.constant 48 : index
          %get3A_1240 = tpu.vector_load %arg12[%get3A_1237, %get3A_1238, %get3A_1239] {strides = array<i32>} : memref<2x64x128xf32, #tpu.memory_space<vmem>>, vector<16xf32>,
          %mul3A_1241 = arith.mulf %get3A_1236, %get3A_1240 : vector<16xf32>
          %add3A_1242 = arith.addf %add3A_1232, %mul3A_1241 : vector<16xf32>
          %get3A_1243 = arith.index_cast %rem3A_160 : i32 to index
          %get3A_1244 = arith.index_cast %add3A_1203 : i32 to index
          %get3A_1245 = arith.constant 64 : index
          %get3A_1246 = tpu.vector_load %arg11[%get3A_1243, %get3A_1244, %get3A_1245] {strides = array<i32>} : memref<2x64x128xf32, #tpu.memory_space<vmem>>, vector<16xf32>,
          %get3A_1247 = arith.index_cast %rem3A_160 : i32 to index
          %get3A_1248 = arith.index_cast %add3A_1203 : i32 to index
          %get3A_1249 = arith.constant 64 : index
          %get3A_1250 = tpu.vector_load %arg12[%get3A_1247, %get3A_1248, %get3A_1249] {strides = array<i32>} : memref<2x64x128xf32, #tpu.memory_space<vmem>>, vector<16xf32>,
          %mul3A_1251 = arith.mulf %get3A_1246, %get3A_1250 : vector<16xf32>
          %add3A_1252 = arith.addf %add3A_1242, %mul3A_1251 : vector<16xf32>
          %get3A_1253 = arith.index_cast %rem3A_160 : i32 to index
          %get3A_1254 = arith.index_cast %add3A_1203 : i32 to index
          %get3A_1255 = arith.constant 80 : index
          %get3A_1256 = tpu.vector_load %arg11[%get3A_1253, %get3A_1254, %get3A_1255] {strides = array<i32>} : memref<2x64x128xf32, #tpu.memory_space<vmem>>, vector<16xf32>,
          %get3A_1257 = arith.index_cast %rem3A_160 : i32 to index
          %get3A_1258 = arith.index_cast %add3A_1203 : i32 to index
          %get3A_1259 = arith.constant 80 : index
          %get3A_1260 = tpu.vector_load %arg12[%get3A_1257, %get3A_1258, %get3A_1259] {strides = array<i32>} : memref<2x64x128xf32, #tpu.memory_space<vmem>>, vector<16xf32>,
          %mul3A_1261 = arith.mulf %get3A_1256, %get3A_1260 : vector<16xf32>
          %add3A_1262 = arith.addf %add3A_1252, %mul3A_1261 : vector<16xf32>
          %get3A_1263 = arith.index_cast %rem3A_160 : i32 to index
          %get3A_1264 = arith.index_cast %add3A_1203 : i32 to index
          %get3A_1265 = arith.constant 96 : index
          %get3A_1266 = tpu.vector_load %arg11[%get3A_1263, %get3A_1264, %get3A_1265] {strides = array<i32>} : memref<2x64x128xf32, #tpu.memory_space<vmem>>, vector<16xf32>,
          %get3A_1267 = arith.index_cast %rem3A_160 : i32 to index
          %get3A_1268 = arith.index_cast %add3A_1203 : i32 to index
          %get3A_1269 = arith.constant 96 : index
          %get3A_1270 = tpu.vector_load %arg12[%get3A_1267, %get3A_1268, %get3A_1269] {strides = array<i32>} : memref<2x64x128xf32, #tpu.memory_space<vmem>>, vector<16xf32>,
          %mul3A_1271 = arith.mulf %get3A_1266, %get3A_1270 : vector<16xf32>
          %add3A_1272 = arith.addf %add3A_1262, %mul3A_1271 : vector<16xf32>
          %get3A_1273 = arith.index_cast %rem3A_160 : i32 to index
          %get3A_1274 = arith.index_cast %add3A_1203 : i32 to index
          %get3A_1275 = arith.constant 112 : index
          %get3A_1276 = tpu.vector_load %arg11[%get3A_1273, %get3A_1274, %get3A_1275] {strides = array<i32>} : memref<2x64x128xf32, #tpu.memory_space<vmem>>, vector<16xf32>,
          %get3A_1277 = arith.index_cast %rem3A_160 : i32 to index
          %get3A_1278 = arith.index_cast %add3A_1203 : i32 to index
          %get3A_1279 = arith.constant 112 : index
          %get3A_1280 = tpu.vector_load %arg12[%get3A_1277, %get3A_1278, %get3A_1279] {strides = array<i32>} : memref<2x64x128xf32, #tpu.memory_space<vmem>>, vector<16xf32>,
          %mul3A_1281 = arith.mulf %get3A_1276, %get3A_1280 : vector<16xf32>
          %add3A_1282 = arith.addf %add3A_1272, %mul3A_1281 : vector<16xf32>
          %mul3A_1283 = arith.constant 16 : i32
          %mul3A_1284 = vector.broadcast %mul3A_1283 : i32 to vector<16xi32>
          %mul3A_1285 = arith.muli %iota3A, %mul3A_1284 : vector<16xi32>
          %add3A_1286 = arith.constant 11 : i32
          %add3A_1287 = vector.broadcast %add3A_1286 : i32 to vector<16xi32>
          %add3A_1288 = arith.addi %mul3A_1285, %add3A_1287 : vector<16xi32>
          tpu.vector_store_idx %arg15[%add3A_1288], %add3A_1282 : memref<256xf32, #tpu.memory_space<vmem>>[vector<16xi32>], vector<16xf32>,
          %add3A_1289 = arith.constant 12 : i32
          %add3A_1290 = arith.addi %mul3A_245, %add3A_1289 : i32
          %get3A_1291 = arith.index_cast %rem3A_160 : i32 to index
          %get3A_1292 = arith.index_cast %add3A_1290 : i32 to index
          %get3A_1293 = arith.constant 0 : index
          %get3A_1294 = tpu.vector_load %arg11[%get3A_1291, %get3A_1292, %get3A_1293] {strides = array<i32>} : memref<2x64x128xf32, #tpu.memory_space<vmem>>, vector<16xf32>,
          %get3A_1295 = arith.index_cast %rem3A_160 : i32 to index
          %get3A_1296 = arith.index_cast %add3A_1290 : i32 to index
          %get3A_1297 = arith.constant 0 : index
          %get3A_1298 = tpu.vector_load %arg12[%get3A_1295, %get3A_1296, %get3A_1297] {strides = array<i32>} : memref<2x64x128xf32, #tpu.memory_space<vmem>>, vector<16xf32>,
          %mul3A_1299 = arith.mulf %get3A_1294, %get3A_1298 : vector<16xf32>
          %get3A_1300 = arith.index_cast %rem3A_160 : i32 to index
          %get3A_1301 = arith.index_cast %add3A_1290 : i32 to index
          %get3A_1302 = arith.constant 16 : index
          %get3A_1303 = tpu.vector_load %arg11[%get3A_1300, %get3A_1301, %get3A_1302] {strides = array<i32>} : memref<2x64x128xf32, #tpu.memory_space<vmem>>, vector<16xf32>,
          %get3A_1304 = arith.index_cast %rem3A_160 : i32 to index
          %get3A_1305 = arith.index_cast %add3A_1290 : i32 to index
          %get3A_1306 = arith.constant 16 : index
          %get3A_1307 = tpu.vector_load %arg12[%get3A_1304, %get3A_1305, %get3A_1306] {strides = array<i32>} : memref<2x64x128xf32, #tpu.memory_space<vmem>>, vector<16xf32>,
          %mul3A_1308 = arith.mulf %get3A_1303, %get3A_1307 : vector<16xf32>
          %add3A_1309 = arith.addf %mul3A_1299, %mul3A_1308 : vector<16xf32>
          %get3A_1310 = arith.index_cast %rem3A_160 : i32 to index
          %get3A_1311 = arith.index_cast %add3A_1290 : i32 to index
          %get3A_1312 = arith.constant 32 : index
          %get3A_1313 = tpu.vector_load %arg11[%get3A_1310, %get3A_1311, %get3A_1312] {strides = array<i32>} : memref<2x64x128xf32, #tpu.memory_space<vmem>>, vector<16xf32>,
          %get3A_1314 = arith.index_cast %rem3A_160 : i32 to index
          %get3A_1315 = arith.index_cast %add3A_1290 : i32 to index
          %get3A_1316 = arith.constant 32 : index
          %get3A_1317 = tpu.vector_load %arg12[%get3A_1314, %get3A_1315, %get3A_1316] {strides = array<i32>} : memref<2x64x128xf32, #tpu.memory_space<vmem>>, vector<16xf32>,
          %mul3A_1318 = arith.mulf %get3A_1313, %get3A_1317 : vector<16xf32>
          %add3A_1319 = arith.addf %add3A_1309, %mul3A_1318 : vector<16xf32>
          %get3A_1320 = arith.index_cast %rem3A_160 : i32 to index
          %get3A_1321 = arith.index_cast %add3A_1290 : i32 to index
          %get3A_1322 = arith.constant 48 : index
          %get3A_1323 = tpu.vector_load %arg11[%get3A_1320, %get3A_1321, %get3A_1322] {strides = array<i32>} : memref<2x64x128xf32, #tpu.memory_space<vmem>>, vector<16xf32>,
          %get3A_1324 = arith.index_cast %rem3A_160 : i32 to index
          %get3A_1325 = arith.index_cast %add3A_1290 : i32 to index
          %get3A_1326 = arith.constant 48 : index
          %get3A_1327 = tpu.vector_load %arg12[%get3A_1324, %get3A_1325, %get3A_1326] {strides = array<i32>} : memref<2x64x128xf32, #tpu.memory_space<vmem>>, vector<16xf32>,
          %mul3A_1328 = arith.mulf %get3A_1323, %get3A_1327 : vector<16xf32>
          %add3A_1329 = arith.addf %add3A_1319, %mul3A_1328 : vector<16xf32>
          %get3A_1330 = arith.index_cast %rem3A_160 : i32 to index
          %get3A_1331 = arith.index_cast %add3A_1290 : i32 to index
          %get3A_1332 = arith.constant 64 : index
          %get3A_1333 = tpu.vector_load %arg11[%get3A_1330, %get3A_1331, %get3A_1332] {strides = array<i32>} : memref<2x64x128xf32, #tpu.memory_space<vmem>>, vector<16xf32>,
          %get3A_1334 = arith.index_cast %rem3A_160 : i32 to index
          %get3A_1335 = arith.index_cast %add3A_1290 : i32 to index
          %get3A_1336 = arith.constant 64 : index
          %get3A_1337 = tpu.vector_load %arg12[%get3A_1334, %get3A_1335, %get3A_1336] {strides = array<i32>} : memref<2x64x128xf32, #tpu.memory_space<vmem>>, vector<16xf32>,
          %mul3A_1338 = arith.mulf %get3A_1333, %get3A_1337 : vector<16xf32>
          %add3A_1339 = arith.addf %add3A_1329, %mul3A_1338 : vector<16xf32>
          %get3A_1340 = arith.index_cast %rem3A_160 : i32 to index
          %get3A_1341 = arith.index_cast %add3A_1290 : i32 to index
          %get3A_1342 = arith.constant 80 : index
          %get3A_1343 = tpu.vector_load %arg11[%get3A_1340, %get3A_1341, %get3A_1342] {strides = array<i32>} : memref<2x64x128xf32, #tpu.memory_space<vmem>>, vector<16xf32>,
          %get3A_1344 = arith.index_cast %rem3A_160 : i32 to index
          %get3A_1345 = arith.index_cast %add3A_1290 : i32 to index
          %get3A_1346 = arith.constant 80 : index
          %get3A_1347 = tpu.vector_load %arg12[%get3A_1344, %get3A_1345, %get3A_1346] {strides = array<i32>} : memref<2x64x128xf32, #tpu.memory_space<vmem>>, vector<16xf32>,
          %mul3A_1348 = arith.mulf %get3A_1343, %get3A_1347 : vector<16xf32>
          %add3A_1349 = arith.addf %add3A_1339, %mul3A_1348 : vector<16xf32>
          %get3A_1350 = arith.index_cast %rem3A_160 : i32 to index
          %get3A_1351 = arith.index_cast %add3A_1290 : i32 to index
          %get3A_1352 = arith.constant 96 : index
          %get3A_1353 = tpu.vector_load %arg11[%get3A_1350, %get3A_1351, %get3A_1352] {strides = array<i32>} : memref<2x64x128xf32, #tpu.memory_space<vmem>>, vector<16xf32>,
          %get3A_1354 = arith.index_cast %rem3A_160 : i32 to index
          %get3A_1355 = arith.index_cast %add3A_1290 : i32 to index
          %get3A_1356 = arith.constant 96 : index
          %get3A_1357 = tpu.vector_load %arg12[%get3A_1354, %get3A_1355, %get3A_1356] {strides = array<i32>} : memref<2x64x128xf32, #tpu.memory_space<vmem>>, vector<16xf32>,
          %mul3A_1358 = arith.mulf %get3A_1353, %get3A_1357 : vector<16xf32>
          %add3A_1359 = arith.addf %add3A_1349, %mul3A_1358 : vector<16xf32>
          %get3A_1360 = arith.index_cast %rem3A_160 : i32 to index
          %get3A_1361 = arith.index_cast %add3A_1290 : i32 to index
          %get3A_1362 = arith.constant 112 : index
          %get3A_1363 = tpu.vector_load %arg11[%get3A_1360, %get3A_1361, %get3A_1362] {strides = array<i32>} : memref<2x64x128xf32, #tpu.memory_space<vmem>>, vector<16xf32>,
          %get3A_1364 = arith.index_cast %rem3A_160 : i32 to index
          %get3A_1365 = arith.index_cast %add3A_1290 : i32 to index
          %get3A_1366 = arith.constant 112 : index
          %get3A_1367 = tpu.vector_load %arg12[%get3A_1364, %get3A_1365, %get3A_1366] {strides = array<i32>} : memref<2x64x128xf32, #tpu.memory_space<vmem>>, vector<16xf32>,
          %mul3A_1368 = arith.mulf %get3A_1363, %get3A_1367 : vector<16xf32>
          %add3A_1369 = arith.addf %add3A_1359, %mul3A_1368 : vector<16xf32>
          %mul3A_1370 = arith.constant 16 : i32
          %mul3A_1371 = vector.broadcast %mul3A_1370 : i32 to vector<16xi32>
          %mul3A_1372 = arith.muli %iota3A, %mul3A_1371 : vector<16xi32>
          %add3A_1373 = arith.constant 12 : i32
          %add3A_1374 = vector.broadcast %add3A_1373 : i32 to vector<16xi32>
          %add3A_1375 = arith.addi %mul3A_1372, %add3A_1374 : vector<16xi32>
          tpu.vector_store_idx %arg15[%add3A_1375], %add3A_1369 : memref<256xf32, #tpu.memory_space<vmem>>[vector<16xi32>], vector<16xf32>,
          %add3A_1376 = arith.constant 13 : i32
          %add3A_1377 = arith.addi %mul3A_245, %add3A_1376 : i32
          %get3A_1378 = arith.index_cast %rem3A_160 : i32 to index
          %get3A_1379 = arith.index_cast %add3A_1377 : i32 to index
          %get3A_1380 = arith.constant 0 : index
          %get3A_1381 = tpu.vector_load %arg11[%get3A_1378, %get3A_1379, %get3A_1380] {strides = array<i32>} : memref<2x64x128xf32, #tpu.memory_space<vmem>>, vector<16xf32>,
          %get3A_1382 = arith.index_cast %rem3A_160 : i32 to index
          %get3A_1383 = arith.index_cast %add3A_1377 : i32 to index
          %get3A_1384 = arith.constant 0 : index
          %get3A_1385 = tpu.vector_load %arg12[%get3A_1382, %get3A_1383, %get3A_1384] {strides = array<i32>} : memref<2x64x128xf32, #tpu.memory_space<vmem>>, vector<16xf32>,
          %mul3A_1386 = arith.mulf %get3A_1381, %get3A_1385 : vector<16xf32>
          %get3A_1387 = arith.index_cast %rem3A_160 : i32 to index
          %get3A_1388 = arith.index_cast %add3A_1377 : i32 to index
          %get3A_1389 = arith.constant 16 : index
          %get3A_1390 = tpu.vector_load %arg11[%get3A_1387, %get3A_1388, %get3A_1389] {strides = array<i32>} : memref<2x64x128xf32, #tpu.memory_space<vmem>>, vector<16xf32>,
          %get3A_1391 = arith.index_cast %rem3A_160 : i32 to index
          %get3A_1392 = arith.index_cast %add3A_1377 : i32 to index
          %get3A_1393 = arith.constant 16 : index
          %get3A_1394 = tpu.vector_load %arg12[%get3A_1391, %get3A_1392, %get3A_1393] {strides = array<i32>} : memref<2x64x128xf32, #tpu.memory_space<vmem>>, vector<16xf32>,
          %mul3A_1395 = arith.mulf %get3A_1390, %get3A_1394 : vector<16xf32>
          %add3A_1396 = arith.addf %mul3A_1386, %mul3A_1395 : vector<16xf32>
          %get3A_1397 = arith.index_cast %rem3A_160 : i32 to index
          %get3A_1398 = arith.index_cast %add3A_1377 : i32 to index
          %get3A_1399 = arith.constant 32 : index
          %get3A_1400 = tpu.vector_load %arg11[%get3A_1397, %get3A_1398, %get3A_1399] {strides = array<i32>} : memref<2x64x128xf32, #tpu.memory_space<vmem>>, vector<16xf32>,
          %get3A_1401 = arith.index_cast %rem3A_160 : i32 to index
          %get3A_1402 = arith.index_cast %add3A_1377 : i32 to index
          %get3A_1403 = arith.constant 32 : index
          %get3A_1404 = tpu.vector_load %arg12[%get3A_1401, %get3A_1402, %get3A_1403] {strides = array<i32>} : memref<2x64x128xf32, #tpu.memory_space<vmem>>, vector<16xf32>,
          %mul3A_1405 = arith.mulf %get3A_1400, %get3A_1404 : vector<16xf32>
          %add3A_1406 = arith.addf %add3A_1396, %mul3A_1405 : vector<16xf32>
          %get3A_1407 = arith.index_cast %rem3A_160 : i32 to index
          %get3A_1408 = arith.index_cast %add3A_1377 : i32 to index
          %get3A_1409 = arith.constant 48 : index
          %get3A_1410 = tpu.vector_load %arg11[%get3A_1407, %get3A_1408, %get3A_1409] {strides = array<i32>} : memref<2x64x128xf32, #tpu.memory_space<vmem>>, vector<16xf32>,
          %get3A_1411 = arith.index_cast %rem3A_160 : i32 to index
          %get3A_1412 = arith.index_cast %add3A_1377 : i32 to index
          %get3A_1413 = arith.constant 48 : index
          %get3A_1414 = tpu.vector_load %arg12[%get3A_1411, %get3A_1412, %get3A_1413] {strides = array<i32>} : memref<2x64x128xf32, #tpu.memory_space<vmem>>, vector<16xf32>,
          %mul3A_1415 = arith.mulf %get3A_1410, %get3A_1414 : vector<16xf32>
          %add3A_1416 = arith.addf %add3A_1406, %mul3A_1415 : vector<16xf32>
          %get3A_1417 = arith.index_cast %rem3A_160 : i32 to index
          %get3A_1418 = arith.index_cast %add3A_1377 : i32 to index
          %get3A_1419 = arith.constant 64 : index
          %get3A_1420 = tpu.vector_load %arg11[%get3A_1417, %get3A_1418, %get3A_1419] {strides = array<i32>} : memref<2x64x128xf32, #tpu.memory_space<vmem>>, vector<16xf32>,
          %get3A_1421 = arith.index_cast %rem3A_160 : i32 to index
          %get3A_1422 = arith.index_cast %add3A_1377 : i32 to index
          %get3A_1423 = arith.constant 64 : index
          %get3A_1424 = tpu.vector_load %arg12[%get3A_1421, %get3A_1422, %get3A_1423] {strides = array<i32>} : memref<2x64x128xf32, #tpu.memory_space<vmem>>, vector<16xf32>,
          %mul3A_1425 = arith.mulf %get3A_1420, %get3A_1424 : vector<16xf32>
          %add3A_1426 = arith.addf %add3A_1416, %mul3A_1425 : vector<16xf32>
          %get3A_1427 = arith.index_cast %rem3A_160 : i32 to index
          %get3A_1428 = arith.index_cast %add3A_1377 : i32 to index
          %get3A_1429 = arith.constant 80 : index
          %get3A_1430 = tpu.vector_load %arg11[%get3A_1427, %get3A_1428, %get3A_1429] {strides = array<i32>} : memref<2x64x128xf32, #tpu.memory_space<vmem>>, vector<16xf32>,
          %get3A_1431 = arith.index_cast %rem3A_160 : i32 to index
          %get3A_1432 = arith.index_cast %add3A_1377 : i32 to index
          %get3A_1433 = arith.constant 80 : index
          %get3A_1434 = tpu.vector_load %arg12[%get3A_1431, %get3A_1432, %get3A_1433] {strides = array<i32>} : memref<2x64x128xf32, #tpu.memory_space<vmem>>, vector<16xf32>,
          %mul3A_1435 = arith.mulf %get3A_1430, %get3A_1434 : vector<16xf32>
          %add3A_1436 = arith.addf %add3A_1426, %mul3A_1435 : vector<16xf32>
          %get3A_1437 = arith.index_cast %rem3A_160 : i32 to index
          %get3A_1438 = arith.index_cast %add3A_1377 : i32 to index
          %get3A_1439 = arith.constant 96 : index
          %get3A_1440 = tpu.vector_load %arg11[%get3A_1437, %get3A_1438, %get3A_1439] {strides = array<i32>} : memref<2x64x128xf32, #tpu.memory_space<vmem>>, vector<16xf32>,
          %get3A_1441 = arith.index_cast %rem3A_160 : i32 to index
          %get3A_1442 = arith.index_cast %add3A_1377 : i32 to index
          %get3A_1443 = arith.constant 96 : index
          %get3A_1444 = tpu.vector_load %arg12[%get3A_1441, %get3A_1442, %get3A_1443] {strides = array<i32>} : memref<2x64x128xf32, #tpu.memory_space<vmem>>, vector<16xf32>,
          %mul3A_1445 = arith.mulf %get3A_1440, %get3A_1444 : vector<16xf32>
          %add3A_1446 = arith.addf %add3A_1436, %mul3A_1445 : vector<16xf32>
          %get3A_1447 = arith.index_cast %rem3A_160 : i32 to index
          %get3A_1448 = arith.index_cast %add3A_1377 : i32 to index
          %get3A_1449 = arith.constant 112 : index
          %get3A_1450 = tpu.vector_load %arg11[%get3A_1447, %get3A_1448, %get3A_1449] {strides = array<i32>} : memref<2x64x128xf32, #tpu.memory_space<vmem>>, vector<16xf32>,
          %get3A_1451 = arith.index_cast %rem3A_160 : i32 to index
          %get3A_1452 = arith.index_cast %add3A_1377 : i32 to index
          %get3A_1453 = arith.constant 112 : index
          %get3A_1454 = tpu.vector_load %arg12[%get3A_1451, %get3A_1452, %get3A_1453] {strides = array<i32>} : memref<2x64x128xf32, #tpu.memory_space<vmem>>, vector<16xf32>,
          %mul3A_1455 = arith.mulf %get3A_1450, %get3A_1454 : vector<16xf32>
          %add3A_1456 = arith.addf %add3A_1446, %mul3A_1455 : vector<16xf32>
          %mul3A_1457 = arith.constant 16 : i32
          %mul3A_1458 = vector.broadcast %mul3A_1457 : i32 to vector<16xi32>
          %mul3A_1459 = arith.muli %iota3A, %mul3A_1458 : vector<16xi32>
          %add3A_1460 = arith.constant 13 : i32
          %add3A_1461 = vector.broadcast %add3A_1460 : i32 to vector<16xi32>
          %add3A_1462 = arith.addi %mul3A_1459, %add3A_1461 : vector<16xi32>
          tpu.vector_store_idx %arg15[%add3A_1462], %add3A_1456 : memref<256xf32, #tpu.memory_space<vmem>>[vector<16xi32>], vector<16xf32>,
          %add3A_1463 = arith.constant 14 : i32
          %add3A_1464 = arith.addi %mul3A_245, %add3A_1463 : i32
          %get3A_1465 = arith.index_cast %rem3A_160 : i32 to index
          %get3A_1466 = arith.index_cast %add3A_1464 : i32 to index
          %get3A_1467 = arith.constant 0 : index
          %get3A_1468 = tpu.vector_load %arg11[%get3A_1465, %get3A_1466, %get3A_1467] {strides = array<i32>} : memref<2x64x128xf32, #tpu.memory_space<vmem>>, vector<16xf32>,
          %get3A_1469 = arith.index_cast %rem3A_160 : i32 to index
          %get3A_1470 = arith.index_cast %add3A_1464 : i32 to index
          %get3A_1471 = arith.constant 0 : index
          %get3A_1472 = tpu.vector_load %arg12[%get3A_1469, %get3A_1470, %get3A_1471] {strides = array<i32>} : memref<2x64x128xf32, #tpu.memory_space<vmem>>, vector<16xf32>,
          %mul3A_1473 = arith.mulf %get3A_1468, %get3A_1472 : vector<16xf32>
          %get3A_1474 = arith.index_cast %rem3A_160 : i32 to index
          %get3A_1475 = arith.index_cast %add3A_1464 : i32 to index
          %get3A_1476 = arith.constant 16 : index
          %get3A_1477 = tpu.vector_load %arg11[%get3A_1474, %get3A_1475, %get3A_1476] {strides = array<i32>} : memref<2x64x128xf32, #tpu.memory_space<vmem>>, vector<16xf32>,
          %get3A_1478 = arith.index_cast %rem3A_160 : i32 to index
          %get3A_1479 = arith.index_cast %add3A_1464 : i32 to index
          %get3A_1480 = arith.constant 16 : index
          %get3A_1481 = tpu.vector_load %arg12[%get3A_1478, %get3A_1479, %get3A_1480] {strides = array<i32>} : memref<2x64x128xf32, #tpu.memory_space<vmem>>, vector<16xf32>,
          %mul3A_1482 = arith.mulf %get3A_1477, %get3A_1481 : vector<16xf32>
          %add3A_1483 = arith.addf %mul3A_1473, %mul3A_1482 : vector<16xf32>
          %get3A_1484 = arith.index_cast %rem3A_160 : i32 to index
          %get3A_1485 = arith.index_cast %add3A_1464 : i32 to index
          %get3A_1486 = arith.constant 32 : index
          %get3A_1487 = tpu.vector_load %arg11[%get3A_1484, %get3A_1485, %get3A_1486] {strides = array<i32>} : memref<2x64x128xf32, #tpu.memory_space<vmem>>, vector<16xf32>,
          %get3A_1488 = arith.index_cast %rem3A_160 : i32 to index
          %get3A_1489 = arith.index_cast %add3A_1464 : i32 to index
          %get3A_1490 = arith.constant 32 : index
          %get3A_1491 = tpu.vector_load %arg12[%get3A_1488, %get3A_1489, %get3A_1490] {strides = array<i32>} : memref<2x64x128xf32, #tpu.memory_space<vmem>>, vector<16xf32>,
          %mul3A_1492 = arith.mulf %get3A_1487, %get3A_1491 : vector<16xf32>
          %add3A_1493 = arith.addf %add3A_1483, %mul3A_1492 : vector<16xf32>
          %get3A_1494 = arith.index_cast %rem3A_160 : i32 to index
          %get3A_1495 = arith.index_cast %add3A_1464 : i32 to index
          %get3A_1496 = arith.constant 48 : index
          %get3A_1497 = tpu.vector_load %arg11[%get3A_1494, %get3A_1495, %get3A_1496] {strides = array<i32>} : memref<2x64x128xf32, #tpu.memory_space<vmem>>, vector<16xf32>,
          %get3A_1498 = arith.index_cast %rem3A_160 : i32 to index
          %get3A_1499 = arith.index_cast %add3A_1464 : i32 to index
          %get3A_1500 = arith.constant 48 : index
          %get3A_1501 = tpu.vector_load %arg12[%get3A_1498, %get3A_1499, %get3A_1500] {strides = array<i32>} : memref<2x64x128xf32, #tpu.memory_space<vmem>>, vector<16xf32>,
          %mul3A_1502 = arith.mulf %get3A_1497, %get3A_1501 : vector<16xf32>
          %add3A_1503 = arith.addf %add3A_1493, %mul3A_1502 : vector<16xf32>
          %get3A_1504 = arith.index_cast %rem3A_160 : i32 to index
          %get3A_1505 = arith.index_cast %add3A_1464 : i32 to index
          %get3A_1506 = arith.constant 64 : index
          %get3A_1507 = tpu.vector_load %arg11[%get3A_1504, %get3A_1505, %get3A_1506] {strides = array<i32>} : memref<2x64x128xf32, #tpu.memory_space<vmem>>, vector<16xf32>,
          %get3A_1508 = arith.index_cast %rem3A_160 : i32 to index
          %get3A_1509 = arith.index_cast %add3A_1464 : i32 to index
          %get3A_1510 = arith.constant 64 : index
          %get3A_1511 = tpu.vector_load %arg12[%get3A_1508, %get3A_1509, %get3A_1510] {strides = array<i32>} : memref<2x64x128xf32, #tpu.memory_space<vmem>>, vector<16xf32>,
          %mul3A_1512 = arith.mulf %get3A_1507, %get3A_1511 : vector<16xf32>
          %add3A_1513 = arith.addf %add3A_1503, %mul3A_1512 : vector<16xf32>
          %get3A_1514 = arith.index_cast %rem3A_160 : i32 to index
          %get3A_1515 = arith.index_cast %add3A_1464 : i32 to index
          %get3A_1516 = arith.constant 80 : index
          %get3A_1517 = tpu.vector_load %arg11[%get3A_1514, %get3A_1515, %get3A_1516] {strides = array<i32>} : memref<2x64x128xf32, #tpu.memory_space<vmem>>, vector<16xf32>,
          %get3A_1518 = arith.index_cast %rem3A_160 : i32 to index
          %get3A_1519 = arith.index_cast %add3A_1464 : i32 to index
          %get3A_1520 = arith.constant 80 : index
          %get3A_1521 = tpu.vector_load %arg12[%get3A_1518, %get3A_1519, %get3A_1520] {strides = array<i32>} : memref<2x64x128xf32, #tpu.memory_space<vmem>>, vector<16xf32>,
          %mul3A_1522 = arith.mulf %get3A_1517, %get3A_1521 : vector<16xf32>
          %add3A_1523 = arith.addf %add3A_1513, %mul3A_1522 : vector<16xf32>
          %get3A_1524 = arith.index_cast %rem3A_160 : i32 to index
          %get3A_1525 = arith.index_cast %add3A_1464 : i32 to index
          %get3A_1526 = arith.constant 96 : index
          %get3A_1527 = tpu.vector_load %arg11[%get3A_1524, %get3A_1525, %get3A_1526] {strides = array<i32>} : memref<2x64x128xf32, #tpu.memory_space<vmem>>, vector<16xf32>,
          %get3A_1528 = arith.index_cast %rem3A_160 : i32 to index
          %get3A_1529 = arith.index_cast %add3A_1464 : i32 to index
          %get3A_1530 = arith.constant 96 : index
          %get3A_1531 = tpu.vector_load %arg12[%get3A_1528, %get3A_1529, %get3A_1530] {strides = array<i32>} : memref<2x64x128xf32, #tpu.memory_space<vmem>>, vector<16xf32>,
          %mul3A_1532 = arith.mulf %get3A_1527, %get3A_1531 : vector<16xf32>
          %add3A_1533 = arith.addf %add3A_1523, %mul3A_1532 : vector<16xf32>
          %get3A_1534 = arith.index_cast %rem3A_160 : i32 to index
          %get3A_1535 = arith.index_cast %add3A_1464 : i32 to index
          %get3A_1536 = arith.constant 112 : index
          %get3A_1537 = tpu.vector_load %arg11[%get3A_1534, %get3A_1535, %get3A_1536] {strides = array<i32>} : memref<2x64x128xf32, #tpu.memory_space<vmem>>, vector<16xf32>,
          %get3A_1538 = arith.index_cast %rem3A_160 : i32 to index
          %get3A_1539 = arith.index_cast %add3A_1464 : i32 to index
          %get3A_1540 = arith.constant 112 : index
          %get3A_1541 = tpu.vector_load %arg12[%get3A_1538, %get3A_1539, %get3A_1540] {strides = array<i32>} : memref<2x64x128xf32, #tpu.memory_space<vmem>>, vector<16xf32>,
          %mul3A_1542 = arith.mulf %get3A_1537, %get3A_1541 : vector<16xf32>
          %add3A_1543 = arith.addf %add3A_1533, %mul3A_1542 : vector<16xf32>
          %mul3A_1544 = arith.constant 16 : i32
          %mul3A_1545 = vector.broadcast %mul3A_1544 : i32 to vector<16xi32>
          %mul3A_1546 = arith.muli %iota3A, %mul3A_1545 : vector<16xi32>
          %add3A_1547 = arith.constant 14 : i32
          %add3A_1548 = vector.broadcast %add3A_1547 : i32 to vector<16xi32>
          %add3A_1549 = arith.addi %mul3A_1546, %add3A_1548 : vector<16xi32>
          tpu.vector_store_idx %arg15[%add3A_1549], %add3A_1543 : memref<256xf32, #tpu.memory_space<vmem>>[vector<16xi32>], vector<16xf32>,
          %add3A_1550 = arith.constant 15 : i32
          %add3A_1551 = arith.addi %mul3A_245, %add3A_1550 : i32
          %get3A_1552 = arith.index_cast %rem3A_160 : i32 to index
          %get3A_1553 = arith.index_cast %add3A_1551 : i32 to index
          %get3A_1554 = arith.constant 0 : index
          %get3A_1555 = tpu.vector_load %arg11[%get3A_1552, %get3A_1553, %get3A_1554] {strides = array<i32>} : memref<2x64x128xf32, #tpu.memory_space<vmem>>, vector<16xf32>,
          %get3A_1556 = arith.index_cast %rem3A_160 : i32 to index
          %get3A_1557 = arith.index_cast %add3A_1551 : i32 to index
          %get3A_1558 = arith.constant 0 : index
          %get3A_1559 = tpu.vector_load %arg12[%get3A_1556, %get3A_1557, %get3A_1558] {strides = array<i32>} : memref<2x64x128xf32, #tpu.memory_space<vmem>>, vector<16xf32>,
          %mul3A_1560 = arith.mulf %get3A_1555, %get3A_1559 : vector<16xf32>
          %get3A_1561 = arith.index_cast %rem3A_160 : i32 to index
          %get3A_1562 = arith.index_cast %add3A_1551 : i32 to index
          %get3A_1563 = arith.constant 16 : index
          %get3A_1564 = tpu.vector_load %arg11[%get3A_1561, %get3A_1562, %get3A_1563] {strides = array<i32>} : memref<2x64x128xf32, #tpu.memory_space<vmem>>, vector<16xf32>,
          %get3A_1565 = arith.index_cast %rem3A_160 : i32 to index
          %get3A_1566 = arith.index_cast %add3A_1551 : i32 to index
          %get3A_1567 = arith.constant 16 : index
          %get3A_1568 = tpu.vector_load %arg12[%get3A_1565, %get3A_1566, %get3A_1567] {strides = array<i32>} : memref<2x64x128xf32, #tpu.memory_space<vmem>>, vector<16xf32>,
          %mul3A_1569 = arith.mulf %get3A_1564, %get3A_1568 : vector<16xf32>
          %add3A_1570 = arith.addf %mul3A_1560, %mul3A_1569 : vector<16xf32>
          %get3A_1571 = arith.index_cast %rem3A_160 : i32 to index
          %get3A_1572 = arith.index_cast %add3A_1551 : i32 to index
          %get3A_1573 = arith.constant 32 : index
          %get3A_1574 = tpu.vector_load %arg11[%get3A_1571, %get3A_1572, %get3A_1573] {strides = array<i32>} : memref<2x64x128xf32, #tpu.memory_space<vmem>>, vector<16xf32>,
          %get3A_1575 = arith.index_cast %rem3A_160 : i32 to index
          %get3A_1576 = arith.index_cast %add3A_1551 : i32 to index
          %get3A_1577 = arith.constant 32 : index
          %get3A_1578 = tpu.vector_load %arg12[%get3A_1575, %get3A_1576, %get3A_1577] {strides = array<i32>} : memref<2x64x128xf32, #tpu.memory_space<vmem>>, vector<16xf32>,
          %mul3A_1579 = arith.mulf %get3A_1574, %get3A_1578 : vector<16xf32>
          %add3A_1580 = arith.addf %add3A_1570, %mul3A_1579 : vector<16xf32>
          %get3A_1581 = arith.index_cast %rem3A_160 : i32 to index
          %get3A_1582 = arith.index_cast %add3A_1551 : i32 to index
          %get3A_1583 = arith.constant 48 : index
          %get3A_1584 = tpu.vector_load %arg11[%get3A_1581, %get3A_1582, %get3A_1583] {strides = array<i32>} : memref<2x64x128xf32, #tpu.memory_space<vmem>>, vector<16xf32>,
          %get3A_1585 = arith.index_cast %rem3A_160 : i32 to index
          %get3A_1586 = arith.index_cast %add3A_1551 : i32 to index
          %get3A_1587 = arith.constant 48 : index
          %get3A_1588 = tpu.vector_load %arg12[%get3A_1585, %get3A_1586, %get3A_1587] {strides = array<i32>} : memref<2x64x128xf32, #tpu.memory_space<vmem>>, vector<16xf32>,
          %mul3A_1589 = arith.mulf %get3A_1584, %get3A_1588 : vector<16xf32>
          %add3A_1590 = arith.addf %add3A_1580, %mul3A_1589 : vector<16xf32>
          %get3A_1591 = arith.index_cast %rem3A_160 : i32 to index
          %get3A_1592 = arith.index_cast %add3A_1551 : i32 to index
          %get3A_1593 = arith.constant 64 : index
          %get3A_1594 = tpu.vector_load %arg11[%get3A_1591, %get3A_1592, %get3A_1593] {strides = array<i32>} : memref<2x64x128xf32, #tpu.memory_space<vmem>>, vector<16xf32>,
          %get3A_1595 = arith.index_cast %rem3A_160 : i32 to index
          %get3A_1596 = arith.index_cast %add3A_1551 : i32 to index
          %get3A_1597 = arith.constant 64 : index
          %get3A_1598 = tpu.vector_load %arg12[%get3A_1595, %get3A_1596, %get3A_1597] {strides = array<i32>} : memref<2x64x128xf32, #tpu.memory_space<vmem>>, vector<16xf32>,
          %mul3A_1599 = arith.mulf %get3A_1594, %get3A_1598 : vector<16xf32>
          %add3A_1600 = arith.addf %add3A_1590, %mul3A_1599 : vector<16xf32>
          %get3A_1601 = arith.index_cast %rem3A_160 : i32 to index
          %get3A_1602 = arith.index_cast %add3A_1551 : i32 to index
          %get3A_1603 = arith.constant 80 : index
          %get3A_1604 = tpu.vector_load %arg11[%get3A_1601, %get3A_1602, %get3A_1603] {strides = array<i32>} : memref<2x64x128xf32, #tpu.memory_space<vmem>>, vector<16xf32>,
          %get3A_1605 = arith.index_cast %rem3A_160 : i32 to index
          %get3A_1606 = arith.index_cast %add3A_1551 : i32 to index
          %get3A_1607 = arith.constant 80 : index
          %get3A_1608 = tpu.vector_load %arg12[%get3A_1605, %get3A_1606, %get3A_1607] {strides = array<i32>} : memref<2x64x128xf32, #tpu.memory_space<vmem>>, vector<16xf32>,
          %mul3A_1609 = arith.mulf %get3A_1604, %get3A_1608 : vector<16xf32>
          %add3A_1610 = arith.addf %add3A_1600, %mul3A_1609 : vector<16xf32>
          %get3A_1611 = arith.index_cast %rem3A_160 : i32 to index
          %get3A_1612 = arith.index_cast %add3A_1551 : i32 to index
          %get3A_1613 = arith.constant 96 : index
          %get3A_1614 = tpu.vector_load %arg11[%get3A_1611, %get3A_1612, %get3A_1613] {strides = array<i32>} : memref<2x64x128xf32, #tpu.memory_space<vmem>>, vector<16xf32>,
          %get3A_1615 = arith.index_cast %rem3A_160 : i32 to index
          %get3A_1616 = arith.index_cast %add3A_1551 : i32 to index
          %get3A_1617 = arith.constant 96 : index
          %get3A_1618 = tpu.vector_load %arg12[%get3A_1615, %get3A_1616, %get3A_1617] {strides = array<i32>} : memref<2x64x128xf32, #tpu.memory_space<vmem>>, vector<16xf32>,
          %mul3A_1619 = arith.mulf %get3A_1614, %get3A_1618 : vector<16xf32>
          %add3A_1620 = arith.addf %add3A_1610, %mul3A_1619 : vector<16xf32>
          %get3A_1621 = arith.index_cast %rem3A_160 : i32 to index
          %get3A_1622 = arith.index_cast %add3A_1551 : i32 to index
          %get3A_1623 = arith.constant 112 : index
          %get3A_1624 = tpu.vector_load %arg11[%get3A_1621, %get3A_1622, %get3A_1623] {strides = array<i32>} : memref<2x64x128xf32, #tpu.memory_space<vmem>>, vector<16xf32>,
          %get3A_1625 = arith.index_cast %rem3A_160 : i32 to index
          %get3A_1626 = arith.index_cast %add3A_1551 : i32 to index
          %get3A_1627 = arith.constant 112 : index
          %get3A_1628 = tpu.vector_load %arg12[%get3A_1625, %get3A_1626, %get3A_1627] {strides = array<i32>} : memref<2x64x128xf32, #tpu.memory_space<vmem>>, vector<16xf32>,
          %mul3A_1629 = arith.mulf %get3A_1624, %get3A_1628 : vector<16xf32>
          %add3A_1630 = arith.addf %add3A_1620, %mul3A_1629 : vector<16xf32>
          %mul3A_1631 = arith.constant 16 : i32
          %mul3A_1632 = vector.broadcast %mul3A_1631 : i32 to vector<16xi32>
          %mul3A_1633 = arith.muli %iota3A, %mul3A_1632 : vector<16xi32>
          %add3A_1634 = arith.constant 15 : i32
          %add3A_1635 = vector.broadcast %add3A_1634 : i32 to vector<16xi32>
          %add3A_1636 = arith.addi %mul3A_1633, %add3A_1635 : vector<16xi32>
          tpu.vector_store_idx %arg15[%add3A_1636], %add3A_1630 : memref<256xf32, #tpu.memory_space<vmem>>[vector<16xi32>], vector<16xf32>,
          %get3A_1637 = arith.constant 0 : index
          %get3A_1638 = tpu.vector_load %arg15[%get3A_1637] {strides = array<i32>} : memref<256xf32, #tpu.memory_space<vmem>>, vector<16xf32>,
          %get3A_1639 = arith.constant 16 : index
          %get3A_1640 = tpu.vector_load %arg15[%get3A_1639] {strides = array<i32>} : memref<256xf32, #tpu.memory_space<vmem>>, vector<16xf32>,
          %add3A_1641 = arith.addf %get3A_1638, %get3A_1640 : vector<16xf32>
          %get3A_1642 = arith.constant 32 : index
          %get3A_1643 = tpu.vector_load %arg15[%get3A_1642] {strides = array<i32>} : memref<256xf32, #tpu.memory_space<vmem>>, vector<16xf32>,
          %add3A_1644 = arith.addf %add3A_1641, %get3A_1643 : vector<16xf32>
          %get3A_1645 = arith.constant 48 : index
          %get3A_1646 = tpu.vector_load %arg15[%get3A_1645] {strides = array<i32>} : memref<256xf32, #tpu.memory_space<vmem>>, vector<16xf32>,
          %add3A_1647 = arith.addf %add3A_1644, %get3A_1646 : vector<16xf32>
          %get3A_1648 = arith.constant 64 : index
          %get3A_1649 = tpu.vector_load %arg15[%get3A_1648] {strides = array<i32>} : memref<256xf32, #tpu.memory_space<vmem>>, vector<16xf32>,
          %add3A_1650 = arith.addf %add3A_1647, %get3A_1649 : vector<16xf32>
          %get3A_1651 = arith.constant 80 : index
          %get3A_1652 = tpu.vector_load %arg15[%get3A_1651] {strides = array<i32>} : memref<256xf32, #tpu.memory_space<vmem>>, vector<16xf32>,
          %add3A_1653 = arith.addf %add3A_1650, %get3A_1652 : vector<16xf32>
          %get3A_1654 = arith.constant 96 : index
          %get3A_1655 = tpu.vector_load %arg15[%get3A_1654] {strides = array<i32>} : memref<256xf32, #tpu.memory_space<vmem>>, vector<16xf32>,
          %add3A_1656 = arith.addf %add3A_1653, %get3A_1655 : vector<16xf32>
          %get3A_1657 = arith.constant 112 : index
          %get3A_1658 = tpu.vector_load %arg15[%get3A_1657] {strides = array<i32>} : memref<256xf32, #tpu.memory_space<vmem>>, vector<16xf32>,
          %add3A_1659 = arith.addf %add3A_1656, %get3A_1658 : vector<16xf32>
          %get3A_1660 = arith.constant 128 : index
          %get3A_1661 = tpu.vector_load %arg15[%get3A_1660] {strides = array<i32>} : memref<256xf32, #tpu.memory_space<vmem>>, vector<16xf32>,
          %add3A_1662 = arith.addf %add3A_1659, %get3A_1661 : vector<16xf32>
          %get3A_1663 = arith.constant 144 : index
          %get3A_1664 = tpu.vector_load %arg15[%get3A_1663] {strides = array<i32>} : memref<256xf32, #tpu.memory_space<vmem>>, vector<16xf32>,
          %add3A_1665 = arith.addf %add3A_1662, %get3A_1664 : vector<16xf32>
          %get3A_1666 = arith.constant 160 : index
          %get3A_1667 = tpu.vector_load %arg15[%get3A_1666] {strides = array<i32>} : memref<256xf32, #tpu.memory_space<vmem>>, vector<16xf32>,
          %add3A_1668 = arith.addf %add3A_1665, %get3A_1667 : vector<16xf32>
          %get3A_1669 = arith.constant 176 : index
          %get3A_1670 = tpu.vector_load %arg15[%get3A_1669] {strides = array<i32>} : memref<256xf32, #tpu.memory_space<vmem>>, vector<16xf32>,
          %add3A_1671 = arith.addf %add3A_1668, %get3A_1670 : vector<16xf32>
          %get3A_1672 = arith.constant 192 : index
          %get3A_1673 = tpu.vector_load %arg15[%get3A_1672] {strides = array<i32>} : memref<256xf32, #tpu.memory_space<vmem>>, vector<16xf32>,
          %add3A_1674 = arith.addf %add3A_1671, %get3A_1673 : vector<16xf32>
          %get3A_1675 = arith.constant 208 : index
          %get3A_1676 = tpu.vector_load %arg15[%get3A_1675] {strides = array<i32>} : memref<256xf32, #tpu.memory_space<vmem>>, vector<16xf32>,
          %add3A_1677 = arith.addf %add3A_1674, %get3A_1676 : vector<16xf32>
          %get3A_1678 = arith.constant 224 : index
          %get3A_1679 = tpu.vector_load %arg15[%get3A_1678] {strides = array<i32>} : memref<256xf32, #tpu.memory_space<vmem>>, vector<16xf32>,
          %add3A_1680 = arith.addf %add3A_1677, %get3A_1679 : vector<16xf32>
          %get3A_1681 = arith.constant 240 : index
          %get3A_1682 = tpu.vector_load %arg15[%get3A_1681] {strides = array<i32>} : memref<256xf32, #tpu.memory_space<vmem>>, vector<16xf32>,
          %add3A_1683 = arith.addf %add3A_1680, %get3A_1682 : vector<16xf32>
          %mul3A_1684 = arith.constant 0.0883883461 : f32
          %mul3A_1685 = vector.broadcast %mul3A_1684 : f32 to vector<16xf32>
          %mul3A_1686 = arith.mulf %add3A_1683, %mul3A_1685 : vector<16xf32>
          %jit3A = arith.constant -6.000000e+01 : f32
          %jit3A_1687 = arith.constant 6.000000e+01 : f32
          %max3A = vector.broadcast %jit3A : f32 to vector<16xf32>
          %max3A_1688 = arith.maximumf %max3A, %mul3A_1686 : vector<16xf32>
          %min3A = vector.broadcast %jit3A_1687 : f32 to vector<16xf32>
          %min3A_1689 = arith.minimumf %min3A, %max3A_1688 : vector<16xf32>
          %exp3A = math.exp %min3A_1689 : vector<16xf32>
          %swap3A_1690 = arith.index_cast %rem3A_160 : i32 to index
          %swap3A_1691 = arith.index_cast %mul3A_245 : i32 to index
          %swap3A_1692 = tpu.vector_load %arg14[%swap3A_1690, %swap3A_1691] {strides = array<i32>} : memref<2x64xf32, #tpu.memory_space<vmem>>, vector<16xf32>,
          tpu.vector_store %arg14[%swap3A_1690, %swap3A_1691], %exp3A {strides = array<i32>} : memref<2x64xf32, #tpu.memory_space<vmem>>, vector<16xf32>,
          %add3A_1693 = arith.constant 0 : i32
          %add3A_1694 = arith.addi %mul3A_245, %add3A_1693 : i32
          %broadcast_in_dim3A_1695 = vector.broadcast %add3A_1694 : i32 to vector<16xi32>
          %gather3A = arith.constant 0 : i32
          %gather3A_1696 = tpu.memref_slice %arg14[%rem3A_160, %gather3A] : memref<2x64xf32, #tpu.memory_space<vmem>> -> memref<1x64xf32, #tpu.memory_space<vmem>>
          %gather3A_1697 = tpu.memref_squeeze %gather3A_1696 : memref<1x64xf32, #tpu.memory_space<vmem>> -> memref<64xf32, #tpu.memory_space<vmem>>
          %gather3A_1698 = tpu.vector_load_idx %gather3A_1697[%broadcast_in_dim3A_1695] : memref<64xf32, #tpu.memory_space<vmem>>[vector<16xi32>], vector<16xf32>,
          %get3A_1699 = arith.index_cast %add3A_1694 : i32 to index
          %get3A_1700 = arith.constant 0 : index
          %get3A_1701 = tpu.vector_load %arg13[%get3A_1699, %get3A_1700] {strides = array<i32>} : memref<64x128xf32, #tpu.memory_space<vmem>>, vector<16xf32>,
          %mul3A_1702 = arith.mulf %get3A_1701, %gather3A_1698 : vector<16xf32>
          %swap3A_1703 = arith.index_cast %add3A_1694 : i32 to index
          %swap3A_1704 = arith.constant 0 : index
          %swap3A_1705 = tpu.vector_load %arg13[%swap3A_1703, %swap3A_1704] {strides = array<i32>} : memref<64x128xf32, #tpu.memory_space<vmem>>, vector<16xf32>,
          tpu.vector_store %arg13[%swap3A_1703, %swap3A_1704], %mul3A_1702 {strides = array<i32>} : memref<64x128xf32, #tpu.memory_space<vmem>>, vector<16xf32>,
          %get3A_1706 = arith.index_cast %add3A_1694 : i32 to index
          %get3A_1707 = arith.constant 16 : index
          %get3A_1708 = tpu.vector_load %arg13[%get3A_1706, %get3A_1707] {strides = array<i32>} : memref<64x128xf32, #tpu.memory_space<vmem>>, vector<16xf32>,
          %mul3A_1709 = arith.mulf %get3A_1708, %gather3A_1698 : vector<16xf32>
          %swap3A_1710 = arith.index_cast %add3A_1694 : i32 to index
          %swap3A_1711 = arith.constant 16 : index
          %swap3A_1712 = tpu.vector_load %arg13[%swap3A_1710, %swap3A_1711] {strides = array<i32>} : memref<64x128xf32, #tpu.memory_space<vmem>>, vector<16xf32>,
          tpu.vector_store %arg13[%swap3A_1710, %swap3A_1711], %mul3A_1709 {strides = array<i32>} : memref<64x128xf32, #tpu.memory_space<vmem>>, vector<16xf32>,
          %get3A_1713 = arith.index_cast %add3A_1694 : i32 to index
          %get3A_1714 = arith.constant 32 : index
          %get3A_1715 = tpu.vector_load %arg13[%get3A_1713, %get3A_1714] {strides = array<i32>} : memref<64x128xf32, #tpu.memory_space<vmem>>, vector<16xf32>,
          %mul3A_1716 = arith.mulf %get3A_1715, %gather3A_1698 : vector<16xf32>
          %swap3A_1717 = arith.index_cast %add3A_1694 : i32 to index
          %swap3A_1718 = arith.constant 32 : index
          %swap3A_1719 = tpu.vector_load %arg13[%swap3A_1717, %swap3A_1718] {strides = array<i32>} : memref<64x128xf32, #tpu.memory_space<vmem>>, vector<16xf32>,
          tpu.vector_store %arg13[%swap3A_1717, %swap3A_1718], %mul3A_1716 {strides = array<i32>} : memref<64x128xf32, #tpu.memory_space<vmem>>, vector<16xf32>,
          %get3A_1720 = arith.index_cast %add3A_1694 : i32 to index
          %get3A_1721 = arith.constant 48 : index
          %get3A_1722 = tpu.vector_load %arg13[%get3A_1720, %get3A_1721] {strides = array<i32>} : memref<64x128xf32, #tpu.memory_space<vmem>>, vector<16xf32>,
          %mul3A_1723 = arith.mulf %get3A_1722, %gather3A_1698 : vector<16xf32>
          %swap3A_1724 = arith.index_cast %add3A_1694 : i32 to index
          %swap3A_1725 = arith.constant 48 : index
          %swap3A_1726 = tpu.vector_load %arg13[%swap3A_1724, %swap3A_1725] {strides = array<i32>} : memref<64x128xf32, #tpu.memory_space<vmem>>, vector<16xf32>,
          tpu.vector_store %arg13[%swap3A_1724, %swap3A_1725], %mul3A_1723 {strides = array<i32>} : memref<64x128xf32, #tpu.memory_space<vmem>>, vector<16xf32>,
          %get3A_1727 = arith.index_cast %add3A_1694 : i32 to index
          %get3A_1728 = arith.constant 64 : index
          %get3A_1729 = tpu.vector_load %arg13[%get3A_1727, %get3A_1728] {strides = array<i32>} : memref<64x128xf32, #tpu.memory_space<vmem>>, vector<16xf32>,
          %mul3A_1730 = arith.mulf %get3A_1729, %gather3A_1698 : vector<16xf32>
          %swap3A_1731 = arith.index_cast %add3A_1694 : i32 to index
          %swap3A_1732 = arith.constant 64 : index
          %swap3A_1733 = tpu.vector_load %arg13[%swap3A_1731, %swap3A_1732] {strides = array<i32>} : memref<64x128xf32, #tpu.memory_space<vmem>>, vector<16xf32>,
          tpu.vector_store %arg13[%swap3A_1731, %swap3A_1732], %mul3A_1730 {strides = array<i32>} : memref<64x128xf32, #tpu.memory_space<vmem>>, vector<16xf32>,
          %get3A_1734 = arith.index_cast %add3A_1694 : i32 to index
          %get3A_1735 = arith.constant 80 : index
          %get3A_1736 = tpu.vector_load %arg13[%get3A_1734, %get3A_1735] {strides = array<i32>} : memref<64x128xf32, #tpu.memory_space<vmem>>, vector<16xf32>,
          %mul3A_1737 = arith.mulf %get3A_1736, %gather3A_1698 : vector<16xf32>
          %swap3A_1738 = arith.index_cast %add3A_1694 : i32 to index
          %swap3A_1739 = arith.constant 80 : index
          %swap3A_1740 = tpu.vector_load %arg13[%swap3A_1738, %swap3A_1739] {strides = array<i32>} : memref<64x128xf32, #tpu.memory_space<vmem>>, vector<16xf32>,
          tpu.vector_store %arg13[%swap3A_1738, %swap3A_1739], %mul3A_1737 {strides = array<i32>} : memref<64x128xf32, #tpu.memory_space<vmem>>, vector<16xf32>,
          %get3A_1741 = arith.index_cast %add3A_1694 : i32 to index
          %get3A_1742 = arith.constant 96 : index
          %get3A_1743 = tpu.vector_load %arg13[%get3A_1741, %get3A_1742] {strides = array<i32>} : memref<64x128xf32, #tpu.memory_space<vmem>>, vector<16xf32>,
          %mul3A_1744 = arith.mulf %get3A_1743, %gather3A_1698 : vector<16xf32>
          %swap3A_1745 = arith.index_cast %add3A_1694 : i32 to index
          %swap3A_1746 = arith.constant 96 : index
          %swap3A_1747 = tpu.vector_load %arg13[%swap3A_1745, %swap3A_1746] {strides = array<i32>} : memref<64x128xf32, #tpu.memory_space<vmem>>, vector<16xf32>,
          tpu.vector_store %arg13[%swap3A_1745, %swap3A_1746], %mul3A_1744 {strides = array<i32>} : memref<64x128xf32, #tpu.memory_space<vmem>>, vector<16xf32>,
          %get3A_1748 = arith.index_cast %add3A_1694 : i32 to index
          %get3A_1749 = arith.constant 112 : index
          %get3A_1750 = tpu.vector_load %arg13[%get3A_1748, %get3A_1749] {strides = array<i32>} : memref<64x128xf32, #tpu.memory_space<vmem>>, vector<16xf32>,
          %mul3A_1751 = arith.mulf %get3A_1750, %gather3A_1698 : vector<16xf32>
          %swap3A_1752 = arith.index_cast %add3A_1694 : i32 to index
          %swap3A_1753 = arith.constant 112 : index
          %swap3A_1754 = tpu.vector_load %arg13[%swap3A_1752, %swap3A_1753] {strides = array<i32>} : memref<64x128xf32, #tpu.memory_space<vmem>>, vector<16xf32>,
          tpu.vector_store %arg13[%swap3A_1752, %swap3A_1753], %mul3A_1751 {strides = array<i32>} : memref<64x128xf32, #tpu.memory_space<vmem>>, vector<16xf32>,
          %add3A_1755 = arith.constant 1 : i32
          %add3A_1756 = arith.addi %mul3A_245, %add3A_1755 : i32
          %broadcast_in_dim3A_1757 = vector.broadcast %add3A_1756 : i32 to vector<16xi32>
          %gather3A_1758 = arith.constant 0 : i32
          %gather3A_1759 = tpu.memref_slice %arg14[%rem3A_160, %gather3A_1758] : memref<2x64xf32, #tpu.memory_space<vmem>> -> memref<1x64xf32, #tpu.memory_space<vmem>>
          %gather3A_1760 = tpu.memref_squeeze %gather3A_1759 : memref<1x64xf32, #tpu.memory_space<vmem>> -> memref<64xf32, #tpu.memory_space<vmem>>
          %gather3A_1761 = tpu.vector_load_idx %gather3A_1760[%broadcast_in_dim3A_1757] : memref<64xf32, #tpu.memory_space<vmem>>[vector<16xi32>], vector<16xf32>,
          %get3A_1762 = arith.index_cast %add3A_1756 : i32 to index
          %get3A_1763 = arith.constant 0 : index
          %get3A_1764 = tpu.vector_load %arg13[%get3A_1762, %get3A_1763] {strides = array<i32>} : memref<64x128xf32, #tpu.memory_space<vmem>>, vector<16xf32>,
          %mul3A_1765 = arith.mulf %get3A_1764, %gather3A_1761 : vector<16xf32>
          %swap3A_1766 = arith.index_cast %add3A_1756 : i32 to index
          %swap3A_1767 = arith.constant 0 : index
          %swap3A_1768 = tpu.vector_load %arg13[%swap3A_1766, %swap3A_1767] {strides = array<i32>} : memref<64x128xf32, #tpu.memory_space<vmem>>, vector<16xf32>,
          tpu.vector_store %arg13[%swap3A_1766, %swap3A_1767], %mul3A_1765 {strides = array<i32>} : memref<64x128xf32, #tpu.memory_space<vmem>>, vector<16xf32>,
          %get3A_1769 = arith.index_cast %add3A_1756 : i32 to index
          %get3A_1770 = arith.constant 16 : index
          %get3A_1771 = tpu.vector_load %arg13[%get3A_1769, %get3A_1770] {strides = array<i32>} : memref<64x128xf32, #tpu.memory_space<vmem>>, vector<16xf32>,
          %mul3A_1772 = arith.mulf %get3A_1771, %gather3A_1761 : vector<16xf32>
          %swap3A_1773 = arith.index_cast %add3A_1756 : i32 to index
          %swap3A_1774 = arith.constant 16 : index
          %swap3A_1775 = tpu.vector_load %arg13[%swap3A_1773, %swap3A_1774] {strides = array<i32>} : memref<64x128xf32, #tpu.memory_space<vmem>>, vector<16xf32>,
          tpu.vector_store %arg13[%swap3A_1773, %swap3A_1774], %mul3A_1772 {strides = array<i32>} : memref<64x128xf32, #tpu.memory_space<vmem>>, vector<16xf32>,
          %get3A_1776 = arith.index_cast %add3A_1756 : i32 to index
          %get3A_1777 = arith.constant 32 : index
          %get3A_1778 = tpu.vector_load %arg13[%get3A_1776, %get3A_1777] {strides = array<i32>} : memref<64x128xf32, #tpu.memory_space<vmem>>, vector<16xf32>,
          %mul3A_1779 = arith.mulf %get3A_1778, %gather3A_1761 : vector<16xf32>
          %swap3A_1780 = arith.index_cast %add3A_1756 : i32 to index
          %swap3A_1781 = arith.constant 32 : index
          %swap3A_1782 = tpu.vector_load %arg13[%swap3A_1780, %swap3A_1781] {strides = array<i32>} : memref<64x128xf32, #tpu.memory_space<vmem>>, vector<16xf32>,
          tpu.vector_store %arg13[%swap3A_1780, %swap3A_1781], %mul3A_1779 {strides = array<i32>} : memref<64x128xf32, #tpu.memory_space<vmem>>, vector<16xf32>,
          %get3A_1783 = arith.index_cast %add3A_1756 : i32 to index
          %get3A_1784 = arith.constant 48 : index
          %get3A_1785 = tpu.vector_load %arg13[%get3A_1783, %get3A_1784] {strides = array<i32>} : memref<64x128xf32, #tpu.memory_space<vmem>>, vector<16xf32>,
          %mul3A_1786 = arith.mulf %get3A_1785, %gather3A_1761 : vector<16xf32>
          %swap3A_1787 = arith.index_cast %add3A_1756 : i32 to index
          %swap3A_1788 = arith.constant 48 : index
          %swap3A_1789 = tpu.vector_load %arg13[%swap3A_1787, %swap3A_1788] {strides = array<i32>} : memref<64x128xf32, #tpu.memory_space<vmem>>, vector<16xf32>,
          tpu.vector_store %arg13[%swap3A_1787, %swap3A_1788], %mul3A_1786 {strides = array<i32>} : memref<64x128xf32, #tpu.memory_space<vmem>>, vector<16xf32>,
          %get3A_1790 = arith.index_cast %add3A_1756 : i32 to index
          %get3A_1791 = arith.constant 64 : index
          %get3A_1792 = tpu.vector_load %arg13[%get3A_1790, %get3A_1791] {strides = array<i32>} : memref<64x128xf32, #tpu.memory_space<vmem>>, vector<16xf32>,
          %mul3A_1793 = arith.mulf %get3A_1792, %gather3A_1761 : vector<16xf32>
          %swap3A_1794 = arith.index_cast %add3A_1756 : i32 to index
          %swap3A_1795 = arith.constant 64 : index
          %swap3A_1796 = tpu.vector_load %arg13[%swap3A_1794, %swap3A_1795] {strides = array<i32>} : memref<64x128xf32, #tpu.memory_space<vmem>>, vector<16xf32>,
          tpu.vector_store %arg13[%swap3A_1794, %swap3A_1795], %mul3A_1793 {strides = array<i32>} : memref<64x128xf32, #tpu.memory_space<vmem>>, vector<16xf32>,
          %get3A_1797 = arith.index_cast %add3A_1756 : i32 to index
          %get3A_1798 = arith.constant 80 : index
          %get3A_1799 = tpu.vector_load %arg13[%get3A_1797, %get3A_1798] {strides = array<i32>} : memref<64x128xf32, #tpu.memory_space<vmem>>, vector<16xf32>,
          %mul3A_1800 = arith.mulf %get3A_1799, %gather3A_1761 : vector<16xf32>
          %swap3A_1801 = arith.index_cast %add3A_1756 : i32 to index
          %swap3A_1802 = arith.constant 80 : index
          %swap3A_1803 = tpu.vector_load %arg13[%swap3A_1801, %swap3A_1802] {strides = array<i32>} : memref<64x128xf32, #tpu.memory_space<vmem>>, vector<16xf32>,
          tpu.vector_store %arg13[%swap3A_1801, %swap3A_1802], %mul3A_1800 {strides = array<i32>} : memref<64x128xf32, #tpu.memory_space<vmem>>, vector<16xf32>,
          %get3A_1804 = arith.index_cast %add3A_1756 : i32 to index
          %get3A_1805 = arith.constant 96 : index
          %get3A_1806 = tpu.vector_load %arg13[%get3A_1804, %get3A_1805] {strides = array<i32>} : memref<64x128xf32, #tpu.memory_space<vmem>>, vector<16xf32>,
          %mul3A_1807 = arith.mulf %get3A_1806, %gather3A_1761 : vector<16xf32>
          %swap3A_1808 = arith.index_cast %add3A_1756 : i32 to index
          %swap3A_1809 = arith.constant 96 : index
          %swap3A_1810 = tpu.vector_load %arg13[%swap3A_1808, %swap3A_1809] {strides = array<i32>} : memref<64x128xf32, #tpu.memory_space<vmem>>, vector<16xf32>,
          tpu.vector_store %arg13[%swap3A_1808, %swap3A_1809], %mul3A_1807 {strides = array<i32>} : memref<64x128xf32, #tpu.memory_space<vmem>>, vector<16xf32>,
          %get3A_1811 = arith.index_cast %add3A_1756 : i32 to index
          %get3A_1812 = arith.constant 112 : index
          %get3A_1813 = tpu.vector_load %arg13[%get3A_1811, %get3A_1812] {strides = array<i32>} : memref<64x128xf32, #tpu.memory_space<vmem>>, vector<16xf32>,
          %mul3A_1814 = arith.mulf %get3A_1813, %gather3A_1761 : vector<16xf32>
          %swap3A_1815 = arith.index_cast %add3A_1756 : i32 to index
          %swap3A_1816 = arith.constant 112 : index
          %swap3A_1817 = tpu.vector_load %arg13[%swap3A_1815, %swap3A_1816] {strides = array<i32>} : memref<64x128xf32, #tpu.memory_space<vmem>>, vector<16xf32>,
          tpu.vector_store %arg13[%swap3A_1815, %swap3A_1816], %mul3A_1814 {strides = array<i32>} : memref<64x128xf32, #tpu.memory_space<vmem>>, vector<16xf32>,
          %add3A_1818 = arith.constant 2 : i32
          %add3A_1819 = arith.addi %mul3A_245, %add3A_1818 : i32
          %broadcast_in_dim3A_1820 = vector.broadcast %add3A_1819 : i32 to vector<16xi32>
          %gather3A_1821 = arith.constant 0 : i32
          %gather3A_1822 = tpu.memref_slice %arg14[%rem3A_160, %gather3A_1821] : memref<2x64xf32, #tpu.memory_space<vmem>> -> memref<1x64xf32, #tpu.memory_space<vmem>>
          %gather3A_1823 = tpu.memref_squeeze %gather3A_1822 : memref<1x64xf32, #tpu.memory_space<vmem>> -> memref<64xf32, #tpu.memory_space<vmem>>
          %gather3A_1824 = tpu.vector_load_idx %gather3A_1823[%broadcast_in_dim3A_1820] : memref<64xf32, #tpu.memory_space<vmem>>[vector<16xi32>], vector<16xf32>,
          %get3A_1825 = arith.index_cast %add3A_1819 : i32 to index
          %get3A_1826 = arith.constant 0 : index
          %get3A_1827 = tpu.vector_load %arg13[%get3A_1825, %get3A_1826] {strides = array<i32>} : memref<64x128xf32, #tpu.memory_space<vmem>>, vector<16xf32>,
          %mul3A_1828 = arith.mulf %get3A_1827, %gather3A_1824 : vector<16xf32>
          %swap3A_1829 = arith.index_cast %add3A_1819 : i32 to index
          %swap3A_1830 = arith.constant 0 : index
          %swap3A_1831 = tpu.vector_load %arg13[%swap3A_1829, %swap3A_1830] {strides = array<i32>} : memref<64x128xf32, #tpu.memory_space<vmem>>, vector<16xf32>,
          tpu.vector_store %arg13[%swap3A_1829, %swap3A_1830], %mul3A_1828 {strides = array<i32>} : memref<64x128xf32, #tpu.memory_space<vmem>>, vector<16xf32>,
          %get3A_1832 = arith.index_cast %add3A_1819 : i32 to index
          %get3A_1833 = arith.constant 16 : index
          %get3A_1834 = tpu.vector_load %arg13[%get3A_1832, %get3A_1833] {strides = array<i32>} : memref<64x128xf32, #tpu.memory_space<vmem>>, vector<16xf32>,
          %mul3A_1835 = arith.mulf %get3A_1834, %gather3A_1824 : vector<16xf32>
          %swap3A_1836 = arith.index_cast %add3A_1819 : i32 to index
          %swap3A_1837 = arith.constant 16 : index
          %swap3A_1838 = tpu.vector_load %arg13[%swap3A_1836, %swap3A_1837] {strides = array<i32>} : memref<64x128xf32, #tpu.memory_space<vmem>>, vector<16xf32>,
          tpu.vector_store %arg13[%swap3A_1836, %swap3A_1837], %mul3A_1835 {strides = array<i32>} : memref<64x128xf32, #tpu.memory_space<vmem>>, vector<16xf32>,
          %get3A_1839 = arith.index_cast %add3A_1819 : i32 to index
          %get3A_1840 = arith.constant 32 : index
          %get3A_1841 = tpu.vector_load %arg13[%get3A_1839, %get3A_1840] {strides = array<i32>} : memref<64x128xf32, #tpu.memory_space<vmem>>, vector<16xf32>,
          %mul3A_1842 = arith.mulf %get3A_1841, %gather3A_1824 : vector<16xf32>
          %swap3A_1843 = arith.index_cast %add3A_1819 : i32 to index
          %swap3A_1844 = arith.constant 32 : index
          %swap3A_1845 = tpu.vector_load %arg13[%swap3A_1843, %swap3A_1844] {strides = array<i32>} : memref<64x128xf32, #tpu.memory_space<vmem>>, vector<16xf32>,
          tpu.vector_store %arg13[%swap3A_1843, %swap3A_1844], %mul3A_1842 {strides = array<i32>} : memref<64x128xf32, #tpu.memory_space<vmem>>, vector<16xf32>,
          %get3A_1846 = arith.index_cast %add3A_1819 : i32 to index
          %get3A_1847 = arith.constant 48 : index
          %get3A_1848 = tpu.vector_load %arg13[%get3A_1846, %get3A_1847] {strides = array<i32>} : memref<64x128xf32, #tpu.memory_space<vmem>>, vector<16xf32>,
          %mul3A_1849 = arith.mulf %get3A_1848, %gather3A_1824 : vector<16xf32>
          %swap3A_1850 = arith.index_cast %add3A_1819 : i32 to index
          %swap3A_1851 = arith.constant 48 : index
          %swap3A_1852 = tpu.vector_load %arg13[%swap3A_1850, %swap3A_1851] {strides = array<i32>} : memref<64x128xf32, #tpu.memory_space<vmem>>, vector<16xf32>,
          tpu.vector_store %arg13[%swap3A_1850, %swap3A_1851], %mul3A_1849 {strides = array<i32>} : memref<64x128xf32, #tpu.memory_space<vmem>>, vector<16xf32>,
          %get3A_1853 = arith.index_cast %add3A_1819 : i32 to index
          %get3A_1854 = arith.constant 64 : index
          %get3A_1855 = tpu.vector_load %arg13[%get3A_1853, %get3A_1854] {strides = array<i32>} : memref<64x128xf32, #tpu.memory_space<vmem>>, vector<16xf32>,
          %mul3A_1856 = arith.mulf %get3A_1855, %gather3A_1824 : vector<16xf32>
          %swap3A_1857 = arith.index_cast %add3A_1819 : i32 to index
          %swap3A_1858 = arith.constant 64 : index
          %swap3A_1859 = tpu.vector_load %arg13[%swap3A_1857, %swap3A_1858] {strides = array<i32>} : memref<64x128xf32, #tpu.memory_space<vmem>>, vector<16xf32>,
          tpu.vector_store %arg13[%swap3A_1857, %swap3A_1858], %mul3A_1856 {strides = array<i32>} : memref<64x128xf32, #tpu.memory_space<vmem>>, vector<16xf32>,
          %get3A_1860 = arith.index_cast %add3A_1819 : i32 to index
          %get3A_1861 = arith.constant 80 : index
          %get3A_1862 = tpu.vector_load %arg13[%get3A_1860, %get3A_1861] {strides = array<i32>} : memref<64x128xf32, #tpu.memory_space<vmem>>, vector<16xf32>,
          %mul3A_1863 = arith.mulf %get3A_1862, %gather3A_1824 : vector<16xf32>
          %swap3A_1864 = arith.index_cast %add3A_1819 : i32 to index
          %swap3A_1865 = arith.constant 80 : index
          %swap3A_1866 = tpu.vector_load %arg13[%swap3A_1864, %swap3A_1865] {strides = array<i32>} : memref<64x128xf32, #tpu.memory_space<vmem>>, vector<16xf32>,
          tpu.vector_store %arg13[%swap3A_1864, %swap3A_1865], %mul3A_1863 {strides = array<i32>} : memref<64x128xf32, #tpu.memory_space<vmem>>, vector<16xf32>,
          %get3A_1867 = arith.index_cast %add3A_1819 : i32 to index
          %get3A_1868 = arith.constant 96 : index
          %get3A_1869 = tpu.vector_load %arg13[%get3A_1867, %get3A_1868] {strides = array<i32>} : memref<64x128xf32, #tpu.memory_space<vmem>>, vector<16xf32>,
          %mul3A_1870 = arith.mulf %get3A_1869, %gather3A_1824 : vector<16xf32>
          %swap3A_1871 = arith.index_cast %add3A_1819 : i32 to index
          %swap3A_1872 = arith.constant 96 : index
          %swap3A_1873 = tpu.vector_load %arg13[%swap3A_1871, %swap3A_1872] {strides = array<i32>} : memref<64x128xf32, #tpu.memory_space<vmem>>, vector<16xf32>,
          tpu.vector_store %arg13[%swap3A_1871, %swap3A_1872], %mul3A_1870 {strides = array<i32>} : memref<64x128xf32, #tpu.memory_space<vmem>>, vector<16xf32>,
          %get3A_1874 = arith.index_cast %add3A_1819 : i32 to index
          %get3A_1875 = arith.constant 112 : index
          %get3A_1876 = tpu.vector_load %arg13[%get3A_1874, %get3A_1875] {strides = array<i32>} : memref<64x128xf32, #tpu.memory_space<vmem>>, vector<16xf32>,
          %mul3A_1877 = arith.mulf %get3A_1876, %gather3A_1824 : vector<16xf32>
          %swap3A_1878 = arith.index_cast %add3A_1819 : i32 to index
          %swap3A_1879 = arith.constant 112 : index
          %swap3A_1880 = tpu.vector_load %arg13[%swap3A_1878, %swap3A_1879] {strides = array<i32>} : memref<64x128xf32, #tpu.memory_space<vmem>>, vector<16xf32>,
          tpu.vector_store %arg13[%swap3A_1878, %swap3A_1879], %mul3A_1877 {strides = array<i32>} : memref<64x128xf32, #tpu.memory_space<vmem>>, vector<16xf32>,
          %add3A_1881 = arith.constant 3 : i32
          %add3A_1882 = arith.addi %mul3A_245, %add3A_1881 : i32
          %broadcast_in_dim3A_1883 = vector.broadcast %add3A_1882 : i32 to vector<16xi32>
          %gather3A_1884 = arith.constant 0 : i32
          %gather3A_1885 = tpu.memref_slice %arg14[%rem3A_160, %gather3A_1884] : memref<2x64xf32, #tpu.memory_space<vmem>> -> memref<1x64xf32, #tpu.memory_space<vmem>>
          %gather3A_1886 = tpu.memref_squeeze %gather3A_1885 : memref<1x64xf32, #tpu.memory_space<vmem>> -> memref<64xf32, #tpu.memory_space<vmem>>
          %gather3A_1887 = tpu.vector_load_idx %gather3A_1886[%broadcast_in_dim3A_1883] : memref<64xf32, #tpu.memory_space<vmem>>[vector<16xi32>], vector<16xf32>,
          %get3A_1888 = arith.index_cast %add3A_1882 : i32 to index
          %get3A_1889 = arith.constant 0 : index
          %get3A_1890 = tpu.vector_load %arg13[%get3A_1888, %get3A_1889] {strides = array<i32>} : memref<64x128xf32, #tpu.memory_space<vmem>>, vector<16xf32>,
          %mul3A_1891 = arith.mulf %get3A_1890, %gather3A_1887 : vector<16xf32>
          %swap3A_1892 = arith.index_cast %add3A_1882 : i32 to index
          %swap3A_1893 = arith.constant 0 : index
          %swap3A_1894 = tpu.vector_load %arg13[%swap3A_1892, %swap3A_1893] {strides = array<i32>} : memref<64x128xf32, #tpu.memory_space<vmem>>, vector<16xf32>,
          tpu.vector_store %arg13[%swap3A_1892, %swap3A_1893], %mul3A_1891 {strides = array<i32>} : memref<64x128xf32, #tpu.memory_space<vmem>>, vector<16xf32>,
          %get3A_1895 = arith.index_cast %add3A_1882 : i32 to index
          %get3A_1896 = arith.constant 16 : index
          %get3A_1897 = tpu.vector_load %arg13[%get3A_1895, %get3A_1896] {strides = array<i32>} : memref<64x128xf32, #tpu.memory_space<vmem>>, vector<16xf32>,
          %mul3A_1898 = arith.mulf %get3A_1897, %gather3A_1887 : vector<16xf32>
          %swap3A_1899 = arith.index_cast %add3A_1882 : i32 to index
          %swap3A_1900 = arith.constant 16 : index
          %swap3A_1901 = tpu.vector_load %arg13[%swap3A_1899, %swap3A_1900] {strides = array<i32>} : memref<64x128xf32, #tpu.memory_space<vmem>>, vector<16xf32>,
          tpu.vector_store %arg13[%swap3A_1899, %swap3A_1900], %mul3A_1898 {strides = array<i32>} : memref<64x128xf32, #tpu.memory_space<vmem>>, vector<16xf32>,
          %get3A_1902 = arith.index_cast %add3A_1882 : i32 to index
          %get3A_1903 = arith.constant 32 : index
          %get3A_1904 = tpu.vector_load %arg13[%get3A_1902, %get3A_1903] {strides = array<i32>} : memref<64x128xf32, #tpu.memory_space<vmem>>, vector<16xf32>,
          %mul3A_1905 = arith.mulf %get3A_1904, %gather3A_1887 : vector<16xf32>
          %swap3A_1906 = arith.index_cast %add3A_1882 : i32 to index
          %swap3A_1907 = arith.constant 32 : index
          %swap3A_1908 = tpu.vector_load %arg13[%swap3A_1906, %swap3A_1907] {strides = array<i32>} : memref<64x128xf32, #tpu.memory_space<vmem>>, vector<16xf32>,
          tpu.vector_store %arg13[%swap3A_1906, %swap3A_1907], %mul3A_1905 {strides = array<i32>} : memref<64x128xf32, #tpu.memory_space<vmem>>, vector<16xf32>,
          %get3A_1909 = arith.index_cast %add3A_1882 : i32 to index
          %get3A_1910 = arith.constant 48 : index
          %get3A_1911 = tpu.vector_load %arg13[%get3A_1909, %get3A_1910] {strides = array<i32>} : memref<64x128xf32, #tpu.memory_space<vmem>>, vector<16xf32>,
          %mul3A_1912 = arith.mulf %get3A_1911, %gather3A_1887 : vector<16xf32>
          %swap3A_1913 = arith.index_cast %add3A_1882 : i32 to index
          %swap3A_1914 = arith.constant 48 : index
          %swap3A_1915 = tpu.vector_load %arg13[%swap3A_1913, %swap3A_1914] {strides = array<i32>} : memref<64x128xf32, #tpu.memory_space<vmem>>, vector<16xf32>,
          tpu.vector_store %arg13[%swap3A_1913, %swap3A_1914], %mul3A_1912 {strides = array<i32>} : memref<64x128xf32, #tpu.memory_space<vmem>>, vector<16xf32>,
          %get3A_1916 = arith.index_cast %add3A_1882 : i32 to index
          %get3A_1917 = arith.constant 64 : index
          %get3A_1918 = tpu.vector_load %arg13[%get3A_1916, %get3A_1917] {strides = array<i32>} : memref<64x128xf32, #tpu.memory_space<vmem>>, vector<16xf32>,
          %mul3A_1919 = arith.mulf %get3A_1918, %gather3A_1887 : vector<16xf32>
          %swap3A_1920 = arith.index_cast %add3A_1882 : i32 to index
          %swap3A_1921 = arith.constant 64 : index
          %swap3A_1922 = tpu.vector_load %arg13[%swap3A_1920, %swap3A_1921] {strides = array<i32>} : memref<64x128xf32, #tpu.memory_space<vmem>>, vector<16xf32>,
          tpu.vector_store %arg13[%swap3A_1920, %swap3A_1921], %mul3A_1919 {strides = array<i32>} : memref<64x128xf32, #tpu.memory_space<vmem>>, vector<16xf32>,
          %get3A_1923 = arith.index_cast %add3A_1882 : i32 to index
          %get3A_1924 = arith.constant 80 : index
          %get3A_1925 = tpu.vector_load %arg13[%get3A_1923, %get3A_1924] {strides = array<i32>} : memref<64x128xf32, #tpu.memory_space<vmem>>, vector<16xf32>,
          %mul3A_1926 = arith.mulf %get3A_1925, %gather3A_1887 : vector<16xf32>
          %swap3A_1927 = arith.index_cast %add3A_1882 : i32 to index
          %swap3A_1928 = arith.constant 80 : index
          %swap3A_1929 = tpu.vector_load %arg13[%swap3A_1927, %swap3A_1928] {strides = array<i32>} : memref<64x128xf32, #tpu.memory_space<vmem>>, vector<16xf32>,
          tpu.vector_store %arg13[%swap3A_1927, %swap3A_1928], %mul3A_1926 {strides = array<i32>} : memref<64x128xf32, #tpu.memory_space<vmem>>, vector<16xf32>,
          %get3A_1930 = arith.index_cast %add3A_1882 : i32 to index
          %get3A_1931 = arith.constant 96 : index
          %get3A_1932 = tpu.vector_load %arg13[%get3A_1930, %get3A_1931] {strides = array<i32>} : memref<64x128xf32, #tpu.memory_space<vmem>>, vector<16xf32>,
          %mul3A_1933 = arith.mulf %get3A_1932, %gather3A_1887 : vector<16xf32>
          %swap3A_1934 = arith.index_cast %add3A_1882 : i32 to index
          %swap3A_1935 = arith.constant 96 : index
          %swap3A_1936 = tpu.vector_load %arg13[%swap3A_1934, %swap3A_1935] {strides = array<i32>} : memref<64x128xf32, #tpu.memory_space<vmem>>, vector<16xf32>,
          tpu.vector_store %arg13[%swap3A_1934, %swap3A_1935], %mul3A_1933 {strides = array<i32>} : memref<64x128xf32, #tpu.memory_space<vmem>>, vector<16xf32>,
          %get3A_1937 = arith.index_cast %add3A_1882 : i32 to index
          %get3A_1938 = arith.constant 112 : index
          %get3A_1939 = tpu.vector_load %arg13[%get3A_1937, %get3A_1938] {strides = array<i32>} : memref<64x128xf32, #tpu.memory_space<vmem>>, vector<16xf32>,
          %mul3A_1940 = arith.mulf %get3A_1939, %gather3A_1887 : vector<16xf32>
          %swap3A_1941 = arith.index_cast %add3A_1882 : i32 to index
          %swap3A_1942 = arith.constant 112 : index
          %swap3A_1943 = tpu.vector_load %arg13[%swap3A_1941, %swap3A_1942] {strides = array<i32>} : memref<64x128xf32, #tpu.memory_space<vmem>>, vector<16xf32>,
          tpu.vector_store %arg13[%swap3A_1941, %swap3A_1942], %mul3A_1940 {strides = array<i32>} : memref<64x128xf32, #tpu.memory_space<vmem>>, vector<16xf32>,
          %add3A_1944 = arith.constant 4 : i32
          %add3A_1945 = arith.addi %mul3A_245, %add3A_1944 : i32
          %broadcast_in_dim3A_1946 = vector.broadcast %add3A_1945 : i32 to vector<16xi32>
          %gather3A_1947 = arith.constant 0 : i32
          %gather3A_1948 = tpu.memref_slice %arg14[%rem3A_160, %gather3A_1947] : memref<2x64xf32, #tpu.memory_space<vmem>> -> memref<1x64xf32, #tpu.memory_space<vmem>>
          %gather3A_1949 = tpu.memref_squeeze %gather3A_1948 : memref<1x64xf32, #tpu.memory_space<vmem>> -> memref<64xf32, #tpu.memory_space<vmem>>
          %gather3A_1950 = tpu.vector_load_idx %gather3A_1949[%broadcast_in_dim3A_1946] : memref<64xf32, #tpu.memory_space<vmem>>[vector<16xi32>], vector<16xf32>,
          %get3A_1951 = arith.index_cast %add3A_1945 : i32 to index
          %get3A_1952 = arith.constant 0 : index
          %get3A_1953 = tpu.vector_load %arg13[%get3A_1951, %get3A_1952] {strides = array<i32>} : memref<64x128xf32, #tpu.memory_space<vmem>>, vector<16xf32>,
          %mul3A_1954 = arith.mulf %get3A_1953, %gather3A_1950 : vector<16xf32>
          %swap3A_1955 = arith.index_cast %add3A_1945 : i32 to index
          %swap3A_1956 = arith.constant 0 : index
          %swap3A_1957 = tpu.vector_load %arg13[%swap3A_1955, %swap3A_1956] {strides = array<i32>} : memref<64x128xf32, #tpu.memory_space<vmem>>, vector<16xf32>,
          tpu.vector_store %arg13[%swap3A_1955, %swap3A_1956], %mul3A_1954 {strides = array<i32>} : memref<64x128xf32, #tpu.memory_space<vmem>>, vector<16xf32>,
          %get3A_1958 = arith.index_cast %add3A_1945 : i32 to index
          %get3A_1959 = arith.constant 16 : index
          %get3A_1960 = tpu.vector_load %arg13[%get3A_1958, %get3A_1959] {strides = array<i32>} : memref<64x128xf32, #tpu.memory_space<vmem>>, vector<16xf32>,
          %mul3A_1961 = arith.mulf %get3A_1960, %gather3A_1950 : vector<16xf32>
          %swap3A_1962 = arith.index_cast %add3A_1945 : i32 to index
          %swap3A_1963 = arith.constant 16 : index
          %swap3A_1964 = tpu.vector_load %arg13[%swap3A_1962, %swap3A_1963] {strides = array<i32>} : memref<64x128xf32, #tpu.memory_space<vmem>>, vector<16xf32>,
          tpu.vector_store %arg13[%swap3A_1962, %swap3A_1963], %mul3A_1961 {strides = array<i32>} : memref<64x128xf32, #tpu.memory_space<vmem>>, vector<16xf32>,
          %get3A_1965 = arith.index_cast %add3A_1945 : i32 to index
          %get3A_1966 = arith.constant 32 : index
          %get3A_1967 = tpu.vector_load %arg13[%get3A_1965, %get3A_1966] {strides = array<i32>} : memref<64x128xf32, #tpu.memory_space<vmem>>, vector<16xf32>,
          %mul3A_1968 = arith.mulf %get3A_1967, %gather3A_1950 : vector<16xf32>
          %swap3A_1969 = arith.index_cast %add3A_1945 : i32 to index
          %swap3A_1970 = arith.constant 32 : index
          %swap3A_1971 = tpu.vector_load %arg13[%swap3A_1969, %swap3A_1970] {strides = array<i32>} : memref<64x128xf32, #tpu.memory_space<vmem>>, vector<16xf32>,
          tpu.vector_store %arg13[%swap3A_1969, %swap3A_1970], %mul3A_1968 {strides = array<i32>} : memref<64x128xf32, #tpu.memory_space<vmem>>, vector<16xf32>,
          %get3A_1972 = arith.index_cast %add3A_1945 : i32 to index
          %get3A_1973 = arith.constant 48 : index
          %get3A_1974 = tpu.vector_load %arg13[%get3A_1972, %get3A_1973] {strides = array<i32>} : memref<64x128xf32, #tpu.memory_space<vmem>>, vector<16xf32>,
          %mul3A_1975 = arith.mulf %get3A_1974, %gather3A_1950 : vector<16xf32>
          %swap3A_1976 = arith.index_cast %add3A_1945 : i32 to index
          %swap3A_1977 = arith.constant 48 : index
          %swap3A_1978 = tpu.vector_load %arg13[%swap3A_1976, %swap3A_1977] {strides = array<i32>} : memref<64x128xf32, #tpu.memory_space<vmem>>, vector<16xf32>,
          tpu.vector_store %arg13[%swap3A_1976, %swap3A_1977], %mul3A_1975 {strides = array<i32>} : memref<64x128xf32, #tpu.memory_space<vmem>>, vector<16xf32>,
          %get3A_1979 = arith.index_cast %add3A_1945 : i32 to index
          %get3A_1980 = arith.constant 64 : index
          %get3A_1981 = tpu.vector_load %arg13[%get3A_1979, %get3A_1980] {strides = array<i32>} : memref<64x128xf32, #tpu.memory_space<vmem>>, vector<16xf32>,
          %mul3A_1982 = arith.mulf %get3A_1981, %gather3A_1950 : vector<16xf32>
          %swap3A_1983 = arith.index_cast %add3A_1945 : i32 to index
          %swap3A_1984 = arith.constant 64 : index
          %swap3A_1985 = tpu.vector_load %arg13[%swap3A_1983, %swap3A_1984] {strides = array<i32>} : memref<64x128xf32, #tpu.memory_space<vmem>>, vector<16xf32>,
          tpu.vector_store %arg13[%swap3A_1983, %swap3A_1984], %mul3A_1982 {strides = array<i32>} : memref<64x128xf32, #tpu.memory_space<vmem>>, vector<16xf32>,
          %get3A_1986 = arith.index_cast %add3A_1945 : i32 to index
          %get3A_1987 = arith.constant 80 : index
          %get3A_1988 = tpu.vector_load %arg13[%get3A_1986, %get3A_1987] {strides = array<i32>} : memref<64x128xf32, #tpu.memory_space<vmem>>, vector<16xf32>,
          %mul3A_1989 = arith.mulf %get3A_1988, %gather3A_1950 : vector<16xf32>
          %swap3A_1990 = arith.index_cast %add3A_1945 : i32 to index
          %swap3A_1991 = arith.constant 80 : index
          %swap3A_1992 = tpu.vector_load %arg13[%swap3A_1990, %swap3A_1991] {strides = array<i32>} : memref<64x128xf32, #tpu.memory_space<vmem>>, vector<16xf32>,
          tpu.vector_store %arg13[%swap3A_1990, %swap3A_1991], %mul3A_1989 {strides = array<i32>} : memref<64x128xf32, #tpu.memory_space<vmem>>, vector<16xf32>,
          %get3A_1993 = arith.index_cast %add3A_1945 : i32 to index
          %get3A_1994 = arith.constant 96 : index
          %get3A_1995 = tpu.vector_load %arg13[%get3A_1993, %get3A_1994] {strides = array<i32>} : memref<64x128xf32, #tpu.memory_space<vmem>>, vector<16xf32>,
          %mul3A_1996 = arith.mulf %get3A_1995, %gather3A_1950 : vector<16xf32>
          %swap3A_1997 = arith.index_cast %add3A_1945 : i32 to index
          %swap3A_1998 = arith.constant 96 : index
          %swap3A_1999 = tpu.vector_load %arg13[%swap3A_1997, %swap3A_1998] {strides = array<i32>} : memref<64x128xf32, #tpu.memory_space<vmem>>, vector<16xf32>,
          tpu.vector_store %arg13[%swap3A_1997, %swap3A_1998], %mul3A_1996 {strides = array<i32>} : memref<64x128xf32, #tpu.memory_space<vmem>>, vector<16xf32>,
          %get3A_2000 = arith.index_cast %add3A_1945 : i32 to index
          %get3A_2001 = arith.constant 112 : index
          %get3A_2002 = tpu.vector_load %arg13[%get3A_2000, %get3A_2001] {strides = array<i32>} : memref<64x128xf32, #tpu.memory_space<vmem>>, vector<16xf32>,
          %mul3A_2003 = arith.mulf %get3A_2002, %gather3A_1950 : vector<16xf32>
          %swap3A_2004 = arith.index_cast %add3A_1945 : i32 to index
          %swap3A_2005 = arith.constant 112 : index
          %swap3A_2006 = tpu.vector_load %arg13[%swap3A_2004, %swap3A_2005] {strides = array<i32>} : memref<64x128xf32, #tpu.memory_space<vmem>>, vector<16xf32>,
          tpu.vector_store %arg13[%swap3A_2004, %swap3A_2005], %mul3A_2003 {strides = array<i32>} : memref<64x128xf32, #tpu.memory_space<vmem>>, vector<16xf32>,
          %add3A_2007 = arith.constant 5 : i32
          %add3A_2008 = arith.addi %mul3A_245, %add3A_2007 : i32
          %broadcast_in_dim3A_2009 = vector.broadcast %add3A_2008 : i32 to vector<16xi32>
          %gather3A_2010 = arith.constant 0 : i32
          %gather3A_2011 = tpu.memref_slice %arg14[%rem3A_160, %gather3A_2010] : memref<2x64xf32, #tpu.memory_space<vmem>> -> memref<1x64xf32, #tpu.memory_space<vmem>>
          %gather3A_2012 = tpu.memref_squeeze %gather3A_2011 : memref<1x64xf32, #tpu.memory_space<vmem>> -> memref<64xf32, #tpu.memory_space<vmem>>
          %gather3A_2013 = tpu.vector_load_idx %gather3A_2012[%broadcast_in_dim3A_2009] : memref<64xf32, #tpu.memory_space<vmem>>[vector<16xi32>], vector<16xf32>,
          %get3A_2014 = arith.index_cast %add3A_2008 : i32 to index
          %get3A_2015 = arith.constant 0 : index
          %get3A_2016 = tpu.vector_load %arg13[%get3A_2014, %get3A_2015] {strides = array<i32>} : memref<64x128xf32, #tpu.memory_space<vmem>>, vector<16xf32>,
          %mul3A_2017 = arith.mulf %get3A_2016, %gather3A_2013 : vector<16xf32>
          %swap3A_2018 = arith.index_cast %add3A_2008 : i32 to index
          %swap3A_2019 = arith.constant 0 : index
          %swap3A_2020 = tpu.vector_load %arg13[%swap3A_2018, %swap3A_2019] {strides = array<i32>} : memref<64x128xf32, #tpu.memory_space<vmem>>, vector<16xf32>,
          tpu.vector_store %arg13[%swap3A_2018, %swap3A_2019], %mul3A_2017 {strides = array<i32>} : memref<64x128xf32, #tpu.memory_space<vmem>>, vector<16xf32>,
          %get3A_2021 = arith.index_cast %add3A_2008 : i32 to index
          %get3A_2022 = arith.constant 16 : index
          %get3A_2023 = tpu.vector_load %arg13[%get3A_2021, %get3A_2022] {strides = array<i32>} : memref<64x128xf32, #tpu.memory_space<vmem>>, vector<16xf32>,
          %mul3A_2024 = arith.mulf %get3A_2023, %gather3A_2013 : vector<16xf32>
          %swap3A_2025 = arith.index_cast %add3A_2008 : i32 to index
          %swap3A_2026 = arith.constant 16 : index
          %swap3A_2027 = tpu.vector_load %arg13[%swap3A_2025, %swap3A_2026] {strides = array<i32>} : memref<64x128xf32, #tpu.memory_space<vmem>>, vector<16xf32>,
          tpu.vector_store %arg13[%swap3A_2025, %swap3A_2026], %mul3A_2024 {strides = array<i32>} : memref<64x128xf32, #tpu.memory_space<vmem>>, vector<16xf32>,
          %get3A_2028 = arith.index_cast %add3A_2008 : i32 to index
          %get3A_2029 = arith.constant 32 : index
          %get3A_2030 = tpu.vector_load %arg13[%get3A_2028, %get3A_2029] {strides = array<i32>} : memref<64x128xf32, #tpu.memory_space<vmem>>, vector<16xf32>,
          %mul3A_2031 = arith.mulf %get3A_2030, %gather3A_2013 : vector<16xf32>
          %swap3A_2032 = arith.index_cast %add3A_2008 : i32 to index
          %swap3A_2033 = arith.constant 32 : index
          %swap3A_2034 = tpu.vector_load %arg13[%swap3A_2032, %swap3A_2033] {strides = array<i32>} : memref<64x128xf32, #tpu.memory_space<vmem>>, vector<16xf32>,
          tpu.vector_store %arg13[%swap3A_2032, %swap3A_2033], %mul3A_2031 {strides = array<i32>} : memref<64x128xf32, #tpu.memory_space<vmem>>, vector<16xf32>,
          %get3A_2035 = arith.index_cast %add3A_2008 : i32 to index
          %get3A_2036 = arith.constant 48 : index
          %get3A_2037 = tpu.vector_load %arg13[%get3A_2035, %get3A_2036] {strides = array<i32>} : memref<64x128xf32, #tpu.memory_space<vmem>>, vector<16xf32>,
          %mul3A_2038 = arith.mulf %get3A_2037, %gather3A_2013 : vector<16xf32>
          %swap3A_2039 = arith.index_cast %add3A_2008 : i32 to index
          %swap3A_2040 = arith.constant 48 : index
          %swap3A_2041 = tpu.vector_load %arg13[%swap3A_2039, %swap3A_2040] {strides = array<i32>} : memref<64x128xf32, #tpu.memory_space<vmem>>, vector<16xf32>,
          tpu.vector_store %arg13[%swap3A_2039, %swap3A_2040], %mul3A_2038 {strides = array<i32>} : memref<64x128xf32, #tpu.memory_space<vmem>>, vector<16xf32>,
          %get3A_2042 = arith.index_cast %add3A_2008 : i32 to index
          %get3A_2043 = arith.constant 64 : index
          %get3A_2044 = tpu.vector_load %arg13[%get3A_2042, %get3A_2043] {strides = array<i32>} : memref<64x128xf32, #tpu.memory_space<vmem>>, vector<16xf32>,
          %mul3A_2045 = arith.mulf %get3A_2044, %gather3A_2013 : vector<16xf32>
          %swap3A_2046 = arith.index_cast %add3A_2008 : i32 to index
          %swap3A_2047 = arith.constant 64 : index
          %swap3A_2048 = tpu.vector_load %arg13[%swap3A_2046, %swap3A_2047] {strides = array<i32>} : memref<64x128xf32, #tpu.memory_space<vmem>>, vector<16xf32>,
          tpu.vector_store %arg13[%swap3A_2046, %swap3A_2047], %mul3A_2045 {strides = array<i32>} : memref<64x128xf32, #tpu.memory_space<vmem>>, vector<16xf32>,
          %get3A_2049 = arith.index_cast %add3A_2008 : i32 to index
          %get3A_2050 = arith.constant 80 : index
          %get3A_2051 = tpu.vector_load %arg13[%get3A_2049, %get3A_2050] {strides = array<i32>} : memref<64x128xf32, #tpu.memory_space<vmem>>, vector<16xf32>,
          %mul3A_2052 = arith.mulf %get3A_2051, %gather3A_2013 : vector<16xf32>
          %swap3A_2053 = arith.index_cast %add3A_2008 : i32 to index
          %swap3A_2054 = arith.constant 80 : index
          %swap3A_2055 = tpu.vector_load %arg13[%swap3A_2053, %swap3A_2054] {strides = array<i32>} : memref<64x128xf32, #tpu.memory_space<vmem>>, vector<16xf32>,
          tpu.vector_store %arg13[%swap3A_2053, %swap3A_2054], %mul3A_2052 {strides = array<i32>} : memref<64x128xf32, #tpu.memory_space<vmem>>, vector<16xf32>,
          %get3A_2056 = arith.index_cast %add3A_2008 : i32 to index
          %get3A_2057 = arith.constant 96 : index
          %get3A_2058 = tpu.vector_load %arg13[%get3A_2056, %get3A_2057] {strides = array<i32>} : memref<64x128xf32, #tpu.memory_space<vmem>>, vector<16xf32>,
          %mul3A_2059 = arith.mulf %get3A_2058, %gather3A_2013 : vector<16xf32>
          %swap3A_2060 = arith.index_cast %add3A_2008 : i32 to index
          %swap3A_2061 = arith.constant 96 : index
          %swap3A_2062 = tpu.vector_load %arg13[%swap3A_2060, %swap3A_2061] {strides = array<i32>} : memref<64x128xf32, #tpu.memory_space<vmem>>, vector<16xf32>,
          tpu.vector_store %arg13[%swap3A_2060, %swap3A_2061], %mul3A_2059 {strides = array<i32>} : memref<64x128xf32, #tpu.memory_space<vmem>>, vector<16xf32>,
          %get3A_2063 = arith.index_cast %add3A_2008 : i32 to index
          %get3A_2064 = arith.constant 112 : index
          %get3A_2065 = tpu.vector_load %arg13[%get3A_2063, %get3A_2064] {strides = array<i32>} : memref<64x128xf32, #tpu.memory_space<vmem>>, vector<16xf32>,
          %mul3A_2066 = arith.mulf %get3A_2065, %gather3A_2013 : vector<16xf32>
          %swap3A_2067 = arith.index_cast %add3A_2008 : i32 to index
          %swap3A_2068 = arith.constant 112 : index
          %swap3A_2069 = tpu.vector_load %arg13[%swap3A_2067, %swap3A_2068] {strides = array<i32>} : memref<64x128xf32, #tpu.memory_space<vmem>>, vector<16xf32>,
          tpu.vector_store %arg13[%swap3A_2067, %swap3A_2068], %mul3A_2066 {strides = array<i32>} : memref<64x128xf32, #tpu.memory_space<vmem>>, vector<16xf32>,
          %add3A_2070 = arith.constant 6 : i32
          %add3A_2071 = arith.addi %mul3A_245, %add3A_2070 : i32
          %broadcast_in_dim3A_2072 = vector.broadcast %add3A_2071 : i32 to vector<16xi32>
          %gather3A_2073 = arith.constant 0 : i32
          %gather3A_2074 = tpu.memref_slice %arg14[%rem3A_160, %gather3A_2073] : memref<2x64xf32, #tpu.memory_space<vmem>> -> memref<1x64xf32, #tpu.memory_space<vmem>>
          %gather3A_2075 = tpu.memref_squeeze %gather3A_2074 : memref<1x64xf32, #tpu.memory_space<vmem>> -> memref<64xf32, #tpu.memory_space<vmem>>
          %gather3A_2076 = tpu.vector_load_idx %gather3A_2075[%broadcast_in_dim3A_2072] : memref<64xf32, #tpu.memory_space<vmem>>[vector<16xi32>], vector<16xf32>,
          %get3A_2077 = arith.index_cast %add3A_2071 : i32 to index
          %get3A_2078 = arith.constant 0 : index
          %get3A_2079 = tpu.vector_load %arg13[%get3A_2077, %get3A_2078] {strides = array<i32>} : memref<64x128xf32, #tpu.memory_space<vmem>>, vector<16xf32>,
          %mul3A_2080 = arith.mulf %get3A_2079, %gather3A_2076 : vector<16xf32>
          %swap3A_2081 = arith.index_cast %add3A_2071 : i32 to index
          %swap3A_2082 = arith.constant 0 : index
          %swap3A_2083 = tpu.vector_load %arg13[%swap3A_2081, %swap3A_2082] {strides = array<i32>} : memref<64x128xf32, #tpu.memory_space<vmem>>, vector<16xf32>,
          tpu.vector_store %arg13[%swap3A_2081, %swap3A_2082], %mul3A_2080 {strides = array<i32>} : memref<64x128xf32, #tpu.memory_space<vmem>>, vector<16xf32>,
          %get3A_2084 = arith.index_cast %add3A_2071 : i32 to index
          %get3A_2085 = arith.constant 16 : index
          %get3A_2086 = tpu.vector_load %arg13[%get3A_2084, %get3A_2085] {strides = array<i32>} : memref<64x128xf32, #tpu.memory_space<vmem>>, vector<16xf32>,
          %mul3A_2087 = arith.mulf %get3A_2086, %gather3A_2076 : vector<16xf32>
          %swap3A_2088 = arith.index_cast %add3A_2071 : i32 to index
          %swap3A_2089 = arith.constant 16 : index
          %swap3A_2090 = tpu.vector_load %arg13[%swap3A_2088, %swap3A_2089] {strides = array<i32>} : memref<64x128xf32, #tpu.memory_space<vmem>>, vector<16xf32>,
          tpu.vector_store %arg13[%swap3A_2088, %swap3A_2089], %mul3A_2087 {strides = array<i32>} : memref<64x128xf32, #tpu.memory_space<vmem>>, vector<16xf32>,
          %get3A_2091 = arith.index_cast %add3A_2071 : i32 to index
          %get3A_2092 = arith.constant 32 : index
          %get3A_2093 = tpu.vector_load %arg13[%get3A_2091, %get3A_2092] {strides = array<i32>} : memref<64x128xf32, #tpu.memory_space<vmem>>, vector<16xf32>,
          %mul3A_2094 = arith.mulf %get3A_2093, %gather3A_2076 : vector<16xf32>
          %swap3A_2095 = arith.index_cast %add3A_2071 : i32 to index
          %swap3A_2096 = arith.constant 32 : index
          %swap3A_2097 = tpu.vector_load %arg13[%swap3A_2095, %swap3A_2096] {strides = array<i32>} : memref<64x128xf32, #tpu.memory_space<vmem>>, vector<16xf32>,
          tpu.vector_store %arg13[%swap3A_2095, %swap3A_2096], %mul3A_2094 {strides = array<i32>} : memref<64x128xf32, #tpu.memory_space<vmem>>, vector<16xf32>,
          %get3A_2098 = arith.index_cast %add3A_2071 : i32 to index
          %get3A_2099 = arith.constant 48 : index
          %get3A_2100 = tpu.vector_load %arg13[%get3A_2098, %get3A_2099] {strides = array<i32>} : memref<64x128xf32, #tpu.memory_space<vmem>>, vector<16xf32>,
          %mul3A_2101 = arith.mulf %get3A_2100, %gather3A_2076 : vector<16xf32>
          %swap3A_2102 = arith.index_cast %add3A_2071 : i32 to index
          %swap3A_2103 = arith.constant 48 : index
          %swap3A_2104 = tpu.vector_load %arg13[%swap3A_2102, %swap3A_2103] {strides = array<i32>} : memref<64x128xf32, #tpu.memory_space<vmem>>, vector<16xf32>,
          tpu.vector_store %arg13[%swap3A_2102, %swap3A_2103], %mul3A_2101 {strides = array<i32>} : memref<64x128xf32, #tpu.memory_space<vmem>>, vector<16xf32>,
          %get3A_2105 = arith.index_cast %add3A_2071 : i32 to index
          %get3A_2106 = arith.constant 64 : index
          %get3A_2107 = tpu.vector_load %arg13[%get3A_2105, %get3A_2106] {strides = array<i32>} : memref<64x128xf32, #tpu.memory_space<vmem>>, vector<16xf32>,
          %mul3A_2108 = arith.mulf %get3A_2107, %gather3A_2076 : vector<16xf32>
          %swap3A_2109 = arith.index_cast %add3A_2071 : i32 to index
          %swap3A_2110 = arith.constant 64 : index
          %swap3A_2111 = tpu.vector_load %arg13[%swap3A_2109, %swap3A_2110] {strides = array<i32>} : memref<64x128xf32, #tpu.memory_space<vmem>>, vector<16xf32>,
          tpu.vector_store %arg13[%swap3A_2109, %swap3A_2110], %mul3A_2108 {strides = array<i32>} : memref<64x128xf32, #tpu.memory_space<vmem>>, vector<16xf32>,
          %get3A_2112 = arith.index_cast %add3A_2071 : i32 to index
          %get3A_2113 = arith.constant 80 : index
          %get3A_2114 = tpu.vector_load %arg13[%get3A_2112, %get3A_2113] {strides = array<i32>} : memref<64x128xf32, #tpu.memory_space<vmem>>, vector<16xf32>,
          %mul3A_2115 = arith.mulf %get3A_2114, %gather3A_2076 : vector<16xf32>
          %swap3A_2116 = arith.index_cast %add3A_2071 : i32 to index
          %swap3A_2117 = arith.constant 80 : index
          %swap3A_2118 = tpu.vector_load %arg13[%swap3A_2116, %swap3A_2117] {strides = array<i32>} : memref<64x128xf32, #tpu.memory_space<vmem>>, vector<16xf32>,
          tpu.vector_store %arg13[%swap3A_2116, %swap3A_2117], %mul3A_2115 {strides = array<i32>} : memref<64x128xf32, #tpu.memory_space<vmem>>, vector<16xf32>,
          %get3A_2119 = arith.index_cast %add3A_2071 : i32 to index
          %get3A_2120 = arith.constant 96 : index
          %get3A_2121 = tpu.vector_load %arg13[%get3A_2119, %get3A_2120] {strides = array<i32>} : memref<64x128xf32, #tpu.memory_space<vmem>>, vector<16xf32>,
          %mul3A_2122 = arith.mulf %get3A_2121, %gather3A_2076 : vector<16xf32>
          %swap3A_2123 = arith.index_cast %add3A_2071 : i32 to index
          %swap3A_2124 = arith.constant 96 : index
          %swap3A_2125 = tpu.vector_load %arg13[%swap3A_2123, %swap3A_2124] {strides = array<i32>} : memref<64x128xf32, #tpu.memory_space<vmem>>, vector<16xf32>,
          tpu.vector_store %arg13[%swap3A_2123, %swap3A_2124], %mul3A_2122 {strides = array<i32>} : memref<64x128xf32, #tpu.memory_space<vmem>>, vector<16xf32>,
          %get3A_2126 = arith.index_cast %add3A_2071 : i32 to index
          %get3A_2127 = arith.constant 112 : index
          %get3A_2128 = tpu.vector_load %arg13[%get3A_2126, %get3A_2127] {strides = array<i32>} : memref<64x128xf32, #tpu.memory_space<vmem>>, vector<16xf32>,
          %mul3A_2129 = arith.mulf %get3A_2128, %gather3A_2076 : vector<16xf32>
          %swap3A_2130 = arith.index_cast %add3A_2071 : i32 to index
          %swap3A_2131 = arith.constant 112 : index
          %swap3A_2132 = tpu.vector_load %arg13[%swap3A_2130, %swap3A_2131] {strides = array<i32>} : memref<64x128xf32, #tpu.memory_space<vmem>>, vector<16xf32>,
          tpu.vector_store %arg13[%swap3A_2130, %swap3A_2131], %mul3A_2129 {strides = array<i32>} : memref<64x128xf32, #tpu.memory_space<vmem>>, vector<16xf32>,
          %add3A_2133 = arith.constant 7 : i32
          %add3A_2134 = arith.addi %mul3A_245, %add3A_2133 : i32
          %broadcast_in_dim3A_2135 = vector.broadcast %add3A_2134 : i32 to vector<16xi32>
          %gather3A_2136 = arith.constant 0 : i32
          %gather3A_2137 = tpu.memref_slice %arg14[%rem3A_160, %gather3A_2136] : memref<2x64xf32, #tpu.memory_space<vmem>> -> memref<1x64xf32, #tpu.memory_space<vmem>>
          %gather3A_2138 = tpu.memref_squeeze %gather3A_2137 : memref<1x64xf32, #tpu.memory_space<vmem>> -> memref<64xf32, #tpu.memory_space<vmem>>
          %gather3A_2139 = tpu.vector_load_idx %gather3A_2138[%broadcast_in_dim3A_2135] : memref<64xf32, #tpu.memory_space<vmem>>[vector<16xi32>], vector<16xf32>,
          %get3A_2140 = arith.index_cast %add3A_2134 : i32 to index
          %get3A_2141 = arith.constant 0 : index
          %get3A_2142 = tpu.vector_load %arg13[%get3A_2140, %get3A_2141] {strides = array<i32>} : memref<64x128xf32, #tpu.memory_space<vmem>>, vector<16xf32>,
          %mul3A_2143 = arith.mulf %get3A_2142, %gather3A_2139 : vector<16xf32>
          %swap3A_2144 = arith.index_cast %add3A_2134 : i32 to index
          %swap3A_2145 = arith.constant 0 : index
          %swap3A_2146 = tpu.vector_load %arg13[%swap3A_2144, %swap3A_2145] {strides = array<i32>} : memref<64x128xf32, #tpu.memory_space<vmem>>, vector<16xf32>,
          tpu.vector_store %arg13[%swap3A_2144, %swap3A_2145], %mul3A_2143 {strides = array<i32>} : memref<64x128xf32, #tpu.memory_space<vmem>>, vector<16xf32>,
          %get3A_2147 = arith.index_cast %add3A_2134 : i32 to index
          %get3A_2148 = arith.constant 16 : index
          %get3A_2149 = tpu.vector_load %arg13[%get3A_2147, %get3A_2148] {strides = array<i32>} : memref<64x128xf32, #tpu.memory_space<vmem>>, vector<16xf32>,
          %mul3A_2150 = arith.mulf %get3A_2149, %gather3A_2139 : vector<16xf32>
          %swap3A_2151 = arith.index_cast %add3A_2134 : i32 to index
          %swap3A_2152 = arith.constant 16 : index
          %swap3A_2153 = tpu.vector_load %arg13[%swap3A_2151, %swap3A_2152] {strides = array<i32>} : memref<64x128xf32, #tpu.memory_space<vmem>>, vector<16xf32>,
          tpu.vector_store %arg13[%swap3A_2151, %swap3A_2152], %mul3A_2150 {strides = array<i32>} : memref<64x128xf32, #tpu.memory_space<vmem>>, vector<16xf32>,
          %get3A_2154 = arith.index_cast %add3A_2134 : i32 to index
          %get3A_2155 = arith.constant 32 : index
          %get3A_2156 = tpu.vector_load %arg13[%get3A_2154, %get3A_2155] {strides = array<i32>} : memref<64x128xf32, #tpu.memory_space<vmem>>, vector<16xf32>,
          %mul3A_2157 = arith.mulf %get3A_2156, %gather3A_2139 : vector<16xf32>
          %swap3A_2158 = arith.index_cast %add3A_2134 : i32 to index
          %swap3A_2159 = arith.constant 32 : index
          %swap3A_2160 = tpu.vector_load %arg13[%swap3A_2158, %swap3A_2159] {strides = array<i32>} : memref<64x128xf32, #tpu.memory_space<vmem>>, vector<16xf32>,
          tpu.vector_store %arg13[%swap3A_2158, %swap3A_2159], %mul3A_2157 {strides = array<i32>} : memref<64x128xf32, #tpu.memory_space<vmem>>, vector<16xf32>,
          %get3A_2161 = arith.index_cast %add3A_2134 : i32 to index
          %get3A_2162 = arith.constant 48 : index
          %get3A_2163 = tpu.vector_load %arg13[%get3A_2161, %get3A_2162] {strides = array<i32>} : memref<64x128xf32, #tpu.memory_space<vmem>>, vector<16xf32>,
          %mul3A_2164 = arith.mulf %get3A_2163, %gather3A_2139 : vector<16xf32>
          %swap3A_2165 = arith.index_cast %add3A_2134 : i32 to index
          %swap3A_2166 = arith.constant 48 : index
          %swap3A_2167 = tpu.vector_load %arg13[%swap3A_2165, %swap3A_2166] {strides = array<i32>} : memref<64x128xf32, #tpu.memory_space<vmem>>, vector<16xf32>,
          tpu.vector_store %arg13[%swap3A_2165, %swap3A_2166], %mul3A_2164 {strides = array<i32>} : memref<64x128xf32, #tpu.memory_space<vmem>>, vector<16xf32>,
          %get3A_2168 = arith.index_cast %add3A_2134 : i32 to index
          %get3A_2169 = arith.constant 64 : index
          %get3A_2170 = tpu.vector_load %arg13[%get3A_2168, %get3A_2169] {strides = array<i32>} : memref<64x128xf32, #tpu.memory_space<vmem>>, vector<16xf32>,
          %mul3A_2171 = arith.mulf %get3A_2170, %gather3A_2139 : vector<16xf32>
          %swap3A_2172 = arith.index_cast %add3A_2134 : i32 to index
          %swap3A_2173 = arith.constant 64 : index
          %swap3A_2174 = tpu.vector_load %arg13[%swap3A_2172, %swap3A_2173] {strides = array<i32>} : memref<64x128xf32, #tpu.memory_space<vmem>>, vector<16xf32>,
          tpu.vector_store %arg13[%swap3A_2172, %swap3A_2173], %mul3A_2171 {strides = array<i32>} : memref<64x128xf32, #tpu.memory_space<vmem>>, vector<16xf32>,
          %get3A_2175 = arith.index_cast %add3A_2134 : i32 to index
          %get3A_2176 = arith.constant 80 : index
          %get3A_2177 = tpu.vector_load %arg13[%get3A_2175, %get3A_2176] {strides = array<i32>} : memref<64x128xf32, #tpu.memory_space<vmem>>, vector<16xf32>,
          %mul3A_2178 = arith.mulf %get3A_2177, %gather3A_2139 : vector<16xf32>
          %swap3A_2179 = arith.index_cast %add3A_2134 : i32 to index
          %swap3A_2180 = arith.constant 80 : index
          %swap3A_2181 = tpu.vector_load %arg13[%swap3A_2179, %swap3A_2180] {strides = array<i32>} : memref<64x128xf32, #tpu.memory_space<vmem>>, vector<16xf32>,
          tpu.vector_store %arg13[%swap3A_2179, %swap3A_2180], %mul3A_2178 {strides = array<i32>} : memref<64x128xf32, #tpu.memory_space<vmem>>, vector<16xf32>,
          %get3A_2182 = arith.index_cast %add3A_2134 : i32 to index
          %get3A_2183 = arith.constant 96 : index
          %get3A_2184 = tpu.vector_load %arg13[%get3A_2182, %get3A_2183] {strides = array<i32>} : memref<64x128xf32, #tpu.memory_space<vmem>>, vector<16xf32>,
          %mul3A_2185 = arith.mulf %get3A_2184, %gather3A_2139 : vector<16xf32>
          %swap3A_2186 = arith.index_cast %add3A_2134 : i32 to index
          %swap3A_2187 = arith.constant 96 : index
          %swap3A_2188 = tpu.vector_load %arg13[%swap3A_2186, %swap3A_2187] {strides = array<i32>} : memref<64x128xf32, #tpu.memory_space<vmem>>, vector<16xf32>,
          tpu.vector_store %arg13[%swap3A_2186, %swap3A_2187], %mul3A_2185 {strides = array<i32>} : memref<64x128xf32, #tpu.memory_space<vmem>>, vector<16xf32>,
          %get3A_2189 = arith.index_cast %add3A_2134 : i32 to index
          %get3A_2190 = arith.constant 112 : index
          %get3A_2191 = tpu.vector_load %arg13[%get3A_2189, %get3A_2190] {strides = array<i32>} : memref<64x128xf32, #tpu.memory_space<vmem>>, vector<16xf32>,
          %mul3A_2192 = arith.mulf %get3A_2191, %gather3A_2139 : vector<16xf32>
          %swap3A_2193 = arith.index_cast %add3A_2134 : i32 to index
          %swap3A_2194 = arith.constant 112 : index
          %swap3A_2195 = tpu.vector_load %arg13[%swap3A_2193, %swap3A_2194] {strides = array<i32>} : memref<64x128xf32, #tpu.memory_space<vmem>>, vector<16xf32>,
          tpu.vector_store %arg13[%swap3A_2193, %swap3A_2194], %mul3A_2192 {strides = array<i32>} : memref<64x128xf32, #tpu.memory_space<vmem>>, vector<16xf32>,
          %add3A_2196 = arith.constant 8 : i32
          %add3A_2197 = arith.addi %mul3A_245, %add3A_2196 : i32
          %broadcast_in_dim3A_2198 = vector.broadcast %add3A_2197 : i32 to vector<16xi32>
          %gather3A_2199 = arith.constant 0 : i32
          %gather3A_2200 = tpu.memref_slice %arg14[%rem3A_160, %gather3A_2199] : memref<2x64xf32, #tpu.memory_space<vmem>> -> memref<1x64xf32, #tpu.memory_space<vmem>>
          %gather3A_2201 = tpu.memref_squeeze %gather3A_2200 : memref<1x64xf32, #tpu.memory_space<vmem>> -> memref<64xf32, #tpu.memory_space<vmem>>
          %gather3A_2202 = tpu.vector_load_idx %gather3A_2201[%broadcast_in_dim3A_2198] : memref<64xf32, #tpu.memory_space<vmem>>[vector<16xi32>], vector<16xf32>,
          %get3A_2203 = arith.index_cast %add3A_2197 : i32 to index
          %get3A_2204 = arith.constant 0 : index
          %get3A_2205 = tpu.vector_load %arg13[%get3A_2203, %get3A_2204] {strides = array<i32>} : memref<64x128xf32, #tpu.memory_space<vmem>>, vector<16xf32>,
          %mul3A_2206 = arith.mulf %get3A_2205, %gather3A_2202 : vector<16xf32>
          %swap3A_2207 = arith.index_cast %add3A_2197 : i32 to index
          %swap3A_2208 = arith.constant 0 : index
          %swap3A_2209 = tpu.vector_load %arg13[%swap3A_2207, %swap3A_2208] {strides = array<i32>} : memref<64x128xf32, #tpu.memory_space<vmem>>, vector<16xf32>,
          tpu.vector_store %arg13[%swap3A_2207, %swap3A_2208], %mul3A_2206 {strides = array<i32>} : memref<64x128xf32, #tpu.memory_space<vmem>>, vector<16xf32>,
          %get3A_2210 = arith.index_cast %add3A_2197 : i32 to index
          %get3A_2211 = arith.constant 16 : index
          %get3A_2212 = tpu.vector_load %arg13[%get3A_2210, %get3A_2211] {strides = array<i32>} : memref<64x128xf32, #tpu.memory_space<vmem>>, vector<16xf32>,
          %mul3A_2213 = arith.mulf %get3A_2212, %gather3A_2202 : vector<16xf32>
          %swap3A_2214 = arith.index_cast %add3A_2197 : i32 to index
          %swap3A_2215 = arith.constant 16 : index
          %swap3A_2216 = tpu.vector_load %arg13[%swap3A_2214, %swap3A_2215] {strides = array<i32>} : memref<64x128xf32, #tpu.memory_space<vmem>>, vector<16xf32>,
          tpu.vector_store %arg13[%swap3A_2214, %swap3A_2215], %mul3A_2213 {strides = array<i32>} : memref<64x128xf32, #tpu.memory_space<vmem>>, vector<16xf32>,
          %get3A_2217 = arith.index_cast %add3A_2197 : i32 to index
          %get3A_2218 = arith.constant 32 : index
          %get3A_2219 = tpu.vector_load %arg13[%get3A_2217, %get3A_2218] {strides = array<i32>} : memref<64x128xf32, #tpu.memory_space<vmem>>, vector<16xf32>,
          %mul3A_2220 = arith.mulf %get3A_2219, %gather3A_2202 : vector<16xf32>
          %swap3A_2221 = arith.index_cast %add3A_2197 : i32 to index
          %swap3A_2222 = arith.constant 32 : index
          %swap3A_2223 = tpu.vector_load %arg13[%swap3A_2221, %swap3A_2222] {strides = array<i32>} : memref<64x128xf32, #tpu.memory_space<vmem>>, vector<16xf32>,
          tpu.vector_store %arg13[%swap3A_2221, %swap3A_2222], %mul3A_2220 {strides = array<i32>} : memref<64x128xf32, #tpu.memory_space<vmem>>, vector<16xf32>,
          %get3A_2224 = arith.index_cast %add3A_2197 : i32 to index
          %get3A_2225 = arith.constant 48 : index
          %get3A_2226 = tpu.vector_load %arg13[%get3A_2224, %get3A_2225] {strides = array<i32>} : memref<64x128xf32, #tpu.memory_space<vmem>>, vector<16xf32>,
          %mul3A_2227 = arith.mulf %get3A_2226, %gather3A_2202 : vector<16xf32>
          %swap3A_2228 = arith.index_cast %add3A_2197 : i32 to index
          %swap3A_2229 = arith.constant 48 : index
          %swap3A_2230 = tpu.vector_load %arg13[%swap3A_2228, %swap3A_2229] {strides = array<i32>} : memref<64x128xf32, #tpu.memory_space<vmem>>, vector<16xf32>,
          tpu.vector_store %arg13[%swap3A_2228, %swap3A_2229], %mul3A_2227 {strides = array<i32>} : memref<64x128xf32, #tpu.memory_space<vmem>>, vector<16xf32>,
          %get3A_2231 = arith.index_cast %add3A_2197 : i32 to index
          %get3A_2232 = arith.constant 64 : index
          %get3A_2233 = tpu.vector_load %arg13[%get3A_2231, %get3A_2232] {strides = array<i32>} : memref<64x128xf32, #tpu.memory_space<vmem>>, vector<16xf32>,
          %mul3A_2234 = arith.mulf %get3A_2233, %gather3A_2202 : vector<16xf32>
          %swap3A_2235 = arith.index_cast %add3A_2197 : i32 to index
          %swap3A_2236 = arith.constant 64 : index
          %swap3A_2237 = tpu.vector_load %arg13[%swap3A_2235, %swap3A_2236] {strides = array<i32>} : memref<64x128xf32, #tpu.memory_space<vmem>>, vector<16xf32>,
          tpu.vector_store %arg13[%swap3A_2235, %swap3A_2236], %mul3A_2234 {strides = array<i32>} : memref<64x128xf32, #tpu.memory_space<vmem>>, vector<16xf32>,
          %get3A_2238 = arith.index_cast %add3A_2197 : i32 to index
          %get3A_2239 = arith.constant 80 : index
          %get3A_2240 = tpu.vector_load %arg13[%get3A_2238, %get3A_2239] {strides = array<i32>} : memref<64x128xf32, #tpu.memory_space<vmem>>, vector<16xf32>,
          %mul3A_2241 = arith.mulf %get3A_2240, %gather3A_2202 : vector<16xf32>
          %swap3A_2242 = arith.index_cast %add3A_2197 : i32 to index
          %swap3A_2243 = arith.constant 80 : index
          %swap3A_2244 = tpu.vector_load %arg13[%swap3A_2242, %swap3A_2243] {strides = array<i32>} : memref<64x128xf32, #tpu.memory_space<vmem>>, vector<16xf32>,
          tpu.vector_store %arg13[%swap3A_2242, %swap3A_2243], %mul3A_2241 {strides = array<i32>} : memref<64x128xf32, #tpu.memory_space<vmem>>, vector<16xf32>,
          %get3A_2245 = arith.index_cast %add3A_2197 : i32 to index
          %get3A_2246 = arith.constant 96 : index
          %get3A_2247 = tpu.vector_load %arg13[%get3A_2245, %get3A_2246] {strides = array<i32>} : memref<64x128xf32, #tpu.memory_space<vmem>>, vector<16xf32>,
          %mul3A_2248 = arith.mulf %get3A_2247, %gather3A_2202 : vector<16xf32>
          %swap3A_2249 = arith.index_cast %add3A_2197 : i32 to index
          %swap3A_2250 = arith.constant 96 : index
          %swap3A_2251 = tpu.vector_load %arg13[%swap3A_2249, %swap3A_2250] {strides = array<i32>} : memref<64x128xf32, #tpu.memory_space<vmem>>, vector<16xf32>,
          tpu.vector_store %arg13[%swap3A_2249, %swap3A_2250], %mul3A_2248 {strides = array<i32>} : memref<64x128xf32, #tpu.memory_space<vmem>>, vector<16xf32>,
          %get3A_2252 = arith.index_cast %add3A_2197 : i32 to index
          %get3A_2253 = arith.constant 112 : index
          %get3A_2254 = tpu.vector_load %arg13[%get3A_2252, %get3A_2253] {strides = array<i32>} : memref<64x128xf32, #tpu.memory_space<vmem>>, vector<16xf32>,
          %mul3A_2255 = arith.mulf %get3A_2254, %gather3A_2202 : vector<16xf32>
          %swap3A_2256 = arith.index_cast %add3A_2197 : i32 to index
          %swap3A_2257 = arith.constant 112 : index
          %swap3A_2258 = tpu.vector_load %arg13[%swap3A_2256, %swap3A_2257] {strides = array<i32>} : memref<64x128xf32, #tpu.memory_space<vmem>>, vector<16xf32>,
          tpu.vector_store %arg13[%swap3A_2256, %swap3A_2257], %mul3A_2255 {strides = array<i32>} : memref<64x128xf32, #tpu.memory_space<vmem>>, vector<16xf32>,
          %add3A_2259 = arith.constant 9 : i32
          %add3A_2260 = arith.addi %mul3A_245, %add3A_2259 : i32
          %broadcast_in_dim3A_2261 = vector.broadcast %add3A_2260 : i32 to vector<16xi32>
          %gather3A_2262 = arith.constant 0 : i32
          %gather3A_2263 = tpu.memref_slice %arg14[%rem3A_160, %gather3A_2262] : memref<2x64xf32, #tpu.memory_space<vmem>> -> memref<1x64xf32, #tpu.memory_space<vmem>>
          %gather3A_2264 = tpu.memref_squeeze %gather3A_2263 : memref<1x64xf32, #tpu.memory_space<vmem>> -> memref<64xf32, #tpu.memory_space<vmem>>
          %gather3A_2265 = tpu.vector_load_idx %gather3A_2264[%broadcast_in_dim3A_2261] : memref<64xf32, #tpu.memory_space<vmem>>[vector<16xi32>], vector<16xf32>,
          %get3A_2266 = arith.index_cast %add3A_2260 : i32 to index
          %get3A_2267 = arith.constant 0 : index
          %get3A_2268 = tpu.vector_load %arg13[%get3A_2266, %get3A_2267] {strides = array<i32>} : memref<64x128xf32, #tpu.memory_space<vmem>>, vector<16xf32>,
          %mul3A_2269 = arith.mulf %get3A_2268, %gather3A_2265 : vector<16xf32>
          %swap3A_2270 = arith.index_cast %add3A_2260 : i32 to index
          %swap3A_2271 = arith.constant 0 : index
          %swap3A_2272 = tpu.vector_load %arg13[%swap3A_2270, %swap3A_2271] {strides = array<i32>} : memref<64x128xf32, #tpu.memory_space<vmem>>, vector<16xf32>,
          tpu.vector_store %arg13[%swap3A_2270, %swap3A_2271], %mul3A_2269 {strides = array<i32>} : memref<64x128xf32, #tpu.memory_space<vmem>>, vector<16xf32>,
          %get3A_2273 = arith.index_cast %add3A_2260 : i32 to index
          %get3A_2274 = arith.constant 16 : index
          %get3A_2275 = tpu.vector_load %arg13[%get3A_2273, %get3A_2274] {strides = array<i32>} : memref<64x128xf32, #tpu.memory_space<vmem>>, vector<16xf32>,
          %mul3A_2276 = arith.mulf %get3A_2275, %gather3A_2265 : vector<16xf32>
          %swap3A_2277 = arith.index_cast %add3A_2260 : i32 to index
          %swap3A_2278 = arith.constant 16 : index
          %swap3A_2279 = tpu.vector_load %arg13[%swap3A_2277, %swap3A_2278] {strides = array<i32>} : memref<64x128xf32, #tpu.memory_space<vmem>>, vector<16xf32>,
          tpu.vector_store %arg13[%swap3A_2277, %swap3A_2278], %mul3A_2276 {strides = array<i32>} : memref<64x128xf32, #tpu.memory_space<vmem>>, vector<16xf32>,
          %get3A_2280 = arith.index_cast %add3A_2260 : i32 to index
          %get3A_2281 = arith.constant 32 : index
          %get3A_2282 = tpu.vector_load %arg13[%get3A_2280, %get3A_2281] {strides = array<i32>} : memref<64x128xf32, #tpu.memory_space<vmem>>, vector<16xf32>,
          %mul3A_2283 = arith.mulf %get3A_2282, %gather3A_2265 : vector<16xf32>
          %swap3A_2284 = arith.index_cast %add3A_2260 : i32 to index
          %swap3A_2285 = arith.constant 32 : index
          %swap3A_2286 = tpu.vector_load %arg13[%swap3A_2284, %swap3A_2285] {strides = array<i32>} : memref<64x128xf32, #tpu.memory_space<vmem>>, vector<16xf32>,
          tpu.vector_store %arg13[%swap3A_2284, %swap3A_2285], %mul3A_2283 {strides = array<i32>} : memref<64x128xf32, #tpu.memory_space<vmem>>, vector<16xf32>,
          %get3A_2287 = arith.index_cast %add3A_2260 : i32 to index
          %get3A_2288 = arith.constant 48 : index
          %get3A_2289 = tpu.vector_load %arg13[%get3A_2287, %get3A_2288] {strides = array<i32>} : memref<64x128xf32, #tpu.memory_space<vmem>>, vector<16xf32>,
          %mul3A_2290 = arith.mulf %get3A_2289, %gather3A_2265 : vector<16xf32>
          %swap3A_2291 = arith.index_cast %add3A_2260 : i32 to index
          %swap3A_2292 = arith.constant 48 : index
          %swap3A_2293 = tpu.vector_load %arg13[%swap3A_2291, %swap3A_2292] {strides = array<i32>} : memref<64x128xf32, #tpu.memory_space<vmem>>, vector<16xf32>,
          tpu.vector_store %arg13[%swap3A_2291, %swap3A_2292], %mul3A_2290 {strides = array<i32>} : memref<64x128xf32, #tpu.memory_space<vmem>>, vector<16xf32>,
          %get3A_2294 = arith.index_cast %add3A_2260 : i32 to index
          %get3A_2295 = arith.constant 64 : index
          %get3A_2296 = tpu.vector_load %arg13[%get3A_2294, %get3A_2295] {strides = array<i32>} : memref<64x128xf32, #tpu.memory_space<vmem>>, vector<16xf32>,
          %mul3A_2297 = arith.mulf %get3A_2296, %gather3A_2265 : vector<16xf32>
          %swap3A_2298 = arith.index_cast %add3A_2260 : i32 to index
          %swap3A_2299 = arith.constant 64 : index
          %swap3A_2300 = tpu.vector_load %arg13[%swap3A_2298, %swap3A_2299] {strides = array<i32>} : memref<64x128xf32, #tpu.memory_space<vmem>>, vector<16xf32>,
          tpu.vector_store %arg13[%swap3A_2298, %swap3A_2299], %mul3A_2297 {strides = array<i32>} : memref<64x128xf32, #tpu.memory_space<vmem>>, vector<16xf32>,
          %get3A_2301 = arith.index_cast %add3A_2260 : i32 to index
          %get3A_2302 = arith.constant 80 : index
          %get3A_2303 = tpu.vector_load %arg13[%get3A_2301, %get3A_2302] {strides = array<i32>} : memref<64x128xf32, #tpu.memory_space<vmem>>, vector<16xf32>,
          %mul3A_2304 = arith.mulf %get3A_2303, %gather3A_2265 : vector<16xf32>
          %swap3A_2305 = arith.index_cast %add3A_2260 : i32 to index
          %swap3A_2306 = arith.constant 80 : index
          %swap3A_2307 = tpu.vector_load %arg13[%swap3A_2305, %swap3A_2306] {strides = array<i32>} : memref<64x128xf32, #tpu.memory_space<vmem>>, vector<16xf32>,
          tpu.vector_store %arg13[%swap3A_2305, %swap3A_2306], %mul3A_2304 {strides = array<i32>} : memref<64x128xf32, #tpu.memory_space<vmem>>, vector<16xf32>,
          %get3A_2308 = arith.index_cast %add3A_2260 : i32 to index
          %get3A_2309 = arith.constant 96 : index
          %get3A_2310 = tpu.vector_load %arg13[%get3A_2308, %get3A_2309] {strides = array<i32>} : memref<64x128xf32, #tpu.memory_space<vmem>>, vector<16xf32>,
          %mul3A_2311 = arith.mulf %get3A_2310, %gather3A_2265 : vector<16xf32>
          %swap3A_2312 = arith.index_cast %add3A_2260 : i32 to index
          %swap3A_2313 = arith.constant 96 : index
          %swap3A_2314 = tpu.vector_load %arg13[%swap3A_2312, %swap3A_2313] {strides = array<i32>} : memref<64x128xf32, #tpu.memory_space<vmem>>, vector<16xf32>,
          tpu.vector_store %arg13[%swap3A_2312, %swap3A_2313], %mul3A_2311 {strides = array<i32>} : memref<64x128xf32, #tpu.memory_space<vmem>>, vector<16xf32>,
          %get3A_2315 = arith.index_cast %add3A_2260 : i32 to index
          %get3A_2316 = arith.constant 112 : index
          %get3A_2317 = tpu.vector_load %arg13[%get3A_2315, %get3A_2316] {strides = array<i32>} : memref<64x128xf32, #tpu.memory_space<vmem>>, vector<16xf32>,
          %mul3A_2318 = arith.mulf %get3A_2317, %gather3A_2265 : vector<16xf32>
          %swap3A_2319 = arith.index_cast %add3A_2260 : i32 to index
          %swap3A_2320 = arith.constant 112 : index
          %swap3A_2321 = tpu.vector_load %arg13[%swap3A_2319, %swap3A_2320] {strides = array<i32>} : memref<64x128xf32, #tpu.memory_space<vmem>>, vector<16xf32>,
          tpu.vector_store %arg13[%swap3A_2319, %swap3A_2320], %mul3A_2318 {strides = array<i32>} : memref<64x128xf32, #tpu.memory_space<vmem>>, vector<16xf32>,
          %add3A_2322 = arith.constant 10 : i32
          %add3A_2323 = arith.addi %mul3A_245, %add3A_2322 : i32
          %broadcast_in_dim3A_2324 = vector.broadcast %add3A_2323 : i32 to vector<16xi32>
          %gather3A_2325 = arith.constant 0 : i32
          %gather3A_2326 = tpu.memref_slice %arg14[%rem3A_160, %gather3A_2325] : memref<2x64xf32, #tpu.memory_space<vmem>> -> memref<1x64xf32, #tpu.memory_space<vmem>>
          %gather3A_2327 = tpu.memref_squeeze %gather3A_2326 : memref<1x64xf32, #tpu.memory_space<vmem>> -> memref<64xf32, #tpu.memory_space<vmem>>
          %gather3A_2328 = tpu.vector_load_idx %gather3A_2327[%broadcast_in_dim3A_2324] : memref<64xf32, #tpu.memory_space<vmem>>[vector<16xi32>], vector<16xf32>,
          %get3A_2329 = arith.index_cast %add3A_2323 : i32 to index
          %get3A_2330 = arith.constant 0 : index
          %get3A_2331 = tpu.vector_load %arg13[%get3A_2329, %get3A_2330] {strides = array<i32>} : memref<64x128xf32, #tpu.memory_space<vmem>>, vector<16xf32>,
          %mul3A_2332 = arith.mulf %get3A_2331, %gather3A_2328 : vector<16xf32>
          %swap3A_2333 = arith.index_cast %add3A_2323 : i32 to index
          %swap3A_2334 = arith.constant 0 : index
          %swap3A_2335 = tpu.vector_load %arg13[%swap3A_2333, %swap3A_2334] {strides = array<i32>} : memref<64x128xf32, #tpu.memory_space<vmem>>, vector<16xf32>,
          tpu.vector_store %arg13[%swap3A_2333, %swap3A_2334], %mul3A_2332 {strides = array<i32>} : memref<64x128xf32, #tpu.memory_space<vmem>>, vector<16xf32>,
          %get3A_2336 = arith.index_cast %add3A_2323 : i32 to index
          %get3A_2337 = arith.constant 16 : index
          %get3A_2338 = tpu.vector_load %arg13[%get3A_2336, %get3A_2337] {strides = array<i32>} : memref<64x128xf32, #tpu.memory_space<vmem>>, vector<16xf32>,
          %mul3A_2339 = arith.mulf %get3A_2338, %gather3A_2328 : vector<16xf32>
          %swap3A_2340 = arith.index_cast %add3A_2323 : i32 to index
          %swap3A_2341 = arith.constant 16 : index
          %swap3A_2342 = tpu.vector_load %arg13[%swap3A_2340, %swap3A_2341] {strides = array<i32>} : memref<64x128xf32, #tpu.memory_space<vmem>>, vector<16xf32>,
          tpu.vector_store %arg13[%swap3A_2340, %swap3A_2341], %mul3A_2339 {strides = array<i32>} : memref<64x128xf32, #tpu.memory_space<vmem>>, vector<16xf32>,
          %get3A_2343 = arith.index_cast %add3A_2323 : i32 to index
          %get3A_2344 = arith.constant 32 : index
          %get3A_2345 = tpu.vector_load %arg13[%get3A_2343, %get3A_2344] {strides = array<i32>} : memref<64x128xf32, #tpu.memory_space<vmem>>, vector<16xf32>,
          %mul3A_2346 = arith.mulf %get3A_2345, %gather3A_2328 : vector<16xf32>
          %swap3A_2347 = arith.index_cast %add3A_2323 : i32 to index
          %swap3A_2348 = arith.constant 32 : index
          %swap3A_2349 = tpu.vector_load %arg13[%swap3A_2347, %swap3A_2348] {strides = array<i32>} : memref<64x128xf32, #tpu.memory_space<vmem>>, vector<16xf32>,
          tpu.vector_store %arg13[%swap3A_2347, %swap3A_2348], %mul3A_2346 {strides = array<i32>} : memref<64x128xf32, #tpu.memory_space<vmem>>, vector<16xf32>,
          %get3A_2350 = arith.index_cast %add3A_2323 : i32 to index
          %get3A_2351 = arith.constant 48 : index
          %get3A_2352 = tpu.vector_load %arg13[%get3A_2350, %get3A_2351] {strides = array<i32>} : memref<64x128xf32, #tpu.memory_space<vmem>>, vector<16xf32>,
          %mul3A_2353 = arith.mulf %get3A_2352, %gather3A_2328 : vector<16xf32>
          %swap3A_2354 = arith.index_cast %add3A_2323 : i32 to index
          %swap3A_2355 = arith.constant 48 : index
          %swap3A_2356 = tpu.vector_load %arg13[%swap3A_2354, %swap3A_2355] {strides = array<i32>} : memref<64x128xf32, #tpu.memory_space<vmem>>, vector<16xf32>,
          tpu.vector_store %arg13[%swap3A_2354, %swap3A_2355], %mul3A_2353 {strides = array<i32>} : memref<64x128xf32, #tpu.memory_space<vmem>>, vector<16xf32>,
          %get3A_2357 = arith.index_cast %add3A_2323 : i32 to index
          %get3A_2358 = arith.constant 64 : index
          %get3A_2359 = tpu.vector_load %arg13[%get3A_2357, %get3A_2358] {strides = array<i32>} : memref<64x128xf32, #tpu.memory_space<vmem>>, vector<16xf32>,
          %mul3A_2360 = arith.mulf %get3A_2359, %gather3A_2328 : vector<16xf32>
          %swap3A_2361 = arith.index_cast %add3A_2323 : i32 to index
          %swap3A_2362 = arith.constant 64 : index
          %swap3A_2363 = tpu.vector_load %arg13[%swap3A_2361, %swap3A_2362] {strides = array<i32>} : memref<64x128xf32, #tpu.memory_space<vmem>>, vector<16xf32>,
          tpu.vector_store %arg13[%swap3A_2361, %swap3A_2362], %mul3A_2360 {strides = array<i32>} : memref<64x128xf32, #tpu.memory_space<vmem>>, vector<16xf32>,
          %get3A_2364 = arith.index_cast %add3A_2323 : i32 to index
          %get3A_2365 = arith.constant 80 : index
          %get3A_2366 = tpu.vector_load %arg13[%get3A_2364, %get3A_2365] {strides = array<i32>} : memref<64x128xf32, #tpu.memory_space<vmem>>, vector<16xf32>,
          %mul3A_2367 = arith.mulf %get3A_2366, %gather3A_2328 : vector<16xf32>
          %swap3A_2368 = arith.index_cast %add3A_2323 : i32 to index
          %swap3A_2369 = arith.constant 80 : index
          %swap3A_2370 = tpu.vector_load %arg13[%swap3A_2368, %swap3A_2369] {strides = array<i32>} : memref<64x128xf32, #tpu.memory_space<vmem>>, vector<16xf32>,
          tpu.vector_store %arg13[%swap3A_2368, %swap3A_2369], %mul3A_2367 {strides = array<i32>} : memref<64x128xf32, #tpu.memory_space<vmem>>, vector<16xf32>,
          %get3A_2371 = arith.index_cast %add3A_2323 : i32 to index
          %get3A_2372 = arith.constant 96 : index
          %get3A_2373 = tpu.vector_load %arg13[%get3A_2371, %get3A_2372] {strides = array<i32>} : memref<64x128xf32, #tpu.memory_space<vmem>>, vector<16xf32>,
          %mul3A_2374 = arith.mulf %get3A_2373, %gather3A_2328 : vector<16xf32>
          %swap3A_2375 = arith.index_cast %add3A_2323 : i32 to index
          %swap3A_2376 = arith.constant 96 : index
          %swap3A_2377 = tpu.vector_load %arg13[%swap3A_2375, %swap3A_2376] {strides = array<i32>} : memref<64x128xf32, #tpu.memory_space<vmem>>, vector<16xf32>,
          tpu.vector_store %arg13[%swap3A_2375, %swap3A_2376], %mul3A_2374 {strides = array<i32>} : memref<64x128xf32, #tpu.memory_space<vmem>>, vector<16xf32>,
          %get3A_2378 = arith.index_cast %add3A_2323 : i32 to index
          %get3A_2379 = arith.constant 112 : index
          %get3A_2380 = tpu.vector_load %arg13[%get3A_2378, %get3A_2379] {strides = array<i32>} : memref<64x128xf32, #tpu.memory_space<vmem>>, vector<16xf32>,
          %mul3A_2381 = arith.mulf %get3A_2380, %gather3A_2328 : vector<16xf32>
          %swap3A_2382 = arith.index_cast %add3A_2323 : i32 to index
          %swap3A_2383 = arith.constant 112 : index
          %swap3A_2384 = tpu.vector_load %arg13[%swap3A_2382, %swap3A_2383] {strides = array<i32>} : memref<64x128xf32, #tpu.memory_space<vmem>>, vector<16xf32>,
          tpu.vector_store %arg13[%swap3A_2382, %swap3A_2383], %mul3A_2381 {strides = array<i32>} : memref<64x128xf32, #tpu.memory_space<vmem>>, vector<16xf32>,
          %add3A_2385 = arith.constant 11 : i32
          %add3A_2386 = arith.addi %mul3A_245, %add3A_2385 : i32
          %broadcast_in_dim3A_2387 = vector.broadcast %add3A_2386 : i32 to vector<16xi32>
          %gather3A_2388 = arith.constant 0 : i32
          %gather3A_2389 = tpu.memref_slice %arg14[%rem3A_160, %gather3A_2388] : memref<2x64xf32, #tpu.memory_space<vmem>> -> memref<1x64xf32, #tpu.memory_space<vmem>>
          %gather3A_2390 = tpu.memref_squeeze %gather3A_2389 : memref<1x64xf32, #tpu.memory_space<vmem>> -> memref<64xf32, #tpu.memory_space<vmem>>
          %gather3A_2391 = tpu.vector_load_idx %gather3A_2390[%broadcast_in_dim3A_2387] : memref<64xf32, #tpu.memory_space<vmem>>[vector<16xi32>], vector<16xf32>,
          %get3A_2392 = arith.index_cast %add3A_2386 : i32 to index
          %get3A_2393 = arith.constant 0 : index
          %get3A_2394 = tpu.vector_load %arg13[%get3A_2392, %get3A_2393] {strides = array<i32>} : memref<64x128xf32, #tpu.memory_space<vmem>>, vector<16xf32>,
          %mul3A_2395 = arith.mulf %get3A_2394, %gather3A_2391 : vector<16xf32>
          %swap3A_2396 = arith.index_cast %add3A_2386 : i32 to index
          %swap3A_2397 = arith.constant 0 : index
          %swap3A_2398 = tpu.vector_load %arg13[%swap3A_2396, %swap3A_2397] {strides = array<i32>} : memref<64x128xf32, #tpu.memory_space<vmem>>, vector<16xf32>,
          tpu.vector_store %arg13[%swap3A_2396, %swap3A_2397], %mul3A_2395 {strides = array<i32>} : memref<64x128xf32, #tpu.memory_space<vmem>>, vector<16xf32>,
          %get3A_2399 = arith.index_cast %add3A_2386 : i32 to index
          %get3A_2400 = arith.constant 16 : index
          %get3A_2401 = tpu.vector_load %arg13[%get3A_2399, %get3A_2400] {strides = array<i32>} : memref<64x128xf32, #tpu.memory_space<vmem>>, vector<16xf32>,
          %mul3A_2402 = arith.mulf %get3A_2401, %gather3A_2391 : vector<16xf32>
          %swap3A_2403 = arith.index_cast %add3A_2386 : i32 to index
          %swap3A_2404 = arith.constant 16 : index
          %swap3A_2405 = tpu.vector_load %arg13[%swap3A_2403, %swap3A_2404] {strides = array<i32>} : memref<64x128xf32, #tpu.memory_space<vmem>>, vector<16xf32>,
          tpu.vector_store %arg13[%swap3A_2403, %swap3A_2404], %mul3A_2402 {strides = array<i32>} : memref<64x128xf32, #tpu.memory_space<vmem>>, vector<16xf32>,
          %get3A_2406 = arith.index_cast %add3A_2386 : i32 to index
          %get3A_2407 = arith.constant 32 : index
          %get3A_2408 = tpu.vector_load %arg13[%get3A_2406, %get3A_2407] {strides = array<i32>} : memref<64x128xf32, #tpu.memory_space<vmem>>, vector<16xf32>,
          %mul3A_2409 = arith.mulf %get3A_2408, %gather3A_2391 : vector<16xf32>
          %swap3A_2410 = arith.index_cast %add3A_2386 : i32 to index
          %swap3A_2411 = arith.constant 32 : index
          %swap3A_2412 = tpu.vector_load %arg13[%swap3A_2410, %swap3A_2411] {strides = array<i32>} : memref<64x128xf32, #tpu.memory_space<vmem>>, vector<16xf32>,
          tpu.vector_store %arg13[%swap3A_2410, %swap3A_2411], %mul3A_2409 {strides = array<i32>} : memref<64x128xf32, #tpu.memory_space<vmem>>, vector<16xf32>,
          %get3A_2413 = arith.index_cast %add3A_2386 : i32 to index
          %get3A_2414 = arith.constant 48 : index
          %get3A_2415 = tpu.vector_load %arg13[%get3A_2413, %get3A_2414] {strides = array<i32>} : memref<64x128xf32, #tpu.memory_space<vmem>>, vector<16xf32>,
          %mul3A_2416 = arith.mulf %get3A_2415, %gather3A_2391 : vector<16xf32>
          %swap3A_2417 = arith.index_cast %add3A_2386 : i32 to index
          %swap3A_2418 = arith.constant 48 : index
          %swap3A_2419 = tpu.vector_load %arg13[%swap3A_2417, %swap3A_2418] {strides = array<i32>} : memref<64x128xf32, #tpu.memory_space<vmem>>, vector<16xf32>,
          tpu.vector_store %arg13[%swap3A_2417, %swap3A_2418], %mul3A_2416 {strides = array<i32>} : memref<64x128xf32, #tpu.memory_space<vmem>>, vector<16xf32>,
          %get3A_2420 = arith.index_cast %add3A_2386 : i32 to index
          %get3A_2421 = arith.constant 64 : index
          %get3A_2422 = tpu.vector_load %arg13[%get3A_2420, %get3A_2421] {strides = array<i32>} : memref<64x128xf32, #tpu.memory_space<vmem>>, vector<16xf32>,
          %mul3A_2423 = arith.mulf %get3A_2422, %gather3A_2391 : vector<16xf32>
          %swap3A_2424 = arith.index_cast %add3A_2386 : i32 to index
          %swap3A_2425 = arith.constant 64 : index
          %swap3A_2426 = tpu.vector_load %arg13[%swap3A_2424, %swap3A_2425] {strides = array<i32>} : memref<64x128xf32, #tpu.memory_space<vmem>>, vector<16xf32>,
          tpu.vector_store %arg13[%swap3A_2424, %swap3A_2425], %mul3A_2423 {strides = array<i32>} : memref<64x128xf32, #tpu.memory_space<vmem>>, vector<16xf32>,
          %get3A_2427 = arith.index_cast %add3A_2386 : i32 to index
          %get3A_2428 = arith.constant 80 : index
          %get3A_2429 = tpu.vector_load %arg13[%get3A_2427, %get3A_2428] {strides = array<i32>} : memref<64x128xf32, #tpu.memory_space<vmem>>, vector<16xf32>,
          %mul3A_2430 = arith.mulf %get3A_2429, %gather3A_2391 : vector<16xf32>
          %swap3A_2431 = arith.index_cast %add3A_2386 : i32 to index
          %swap3A_2432 = arith.constant 80 : index
          %swap3A_2433 = tpu.vector_load %arg13[%swap3A_2431, %swap3A_2432] {strides = array<i32>} : memref<64x128xf32, #tpu.memory_space<vmem>>, vector<16xf32>,
          tpu.vector_store %arg13[%swap3A_2431, %swap3A_2432], %mul3A_2430 {strides = array<i32>} : memref<64x128xf32, #tpu.memory_space<vmem>>, vector<16xf32>,
          %get3A_2434 = arith.index_cast %add3A_2386 : i32 to index
          %get3A_2435 = arith.constant 96 : index
          %get3A_2436 = tpu.vector_load %arg13[%get3A_2434, %get3A_2435] {strides = array<i32>} : memref<64x128xf32, #tpu.memory_space<vmem>>, vector<16xf32>,
          %mul3A_2437 = arith.mulf %get3A_2436, %gather3A_2391 : vector<16xf32>
          %swap3A_2438 = arith.index_cast %add3A_2386 : i32 to index
          %swap3A_2439 = arith.constant 96 : index
          %swap3A_2440 = tpu.vector_load %arg13[%swap3A_2438, %swap3A_2439] {strides = array<i32>} : memref<64x128xf32, #tpu.memory_space<vmem>>, vector<16xf32>,
          tpu.vector_store %arg13[%swap3A_2438, %swap3A_2439], %mul3A_2437 {strides = array<i32>} : memref<64x128xf32, #tpu.memory_space<vmem>>, vector<16xf32>,
          %get3A_2441 = arith.index_cast %add3A_2386 : i32 to index
          %get3A_2442 = arith.constant 112 : index
          %get3A_2443 = tpu.vector_load %arg13[%get3A_2441, %get3A_2442] {strides = array<i32>} : memref<64x128xf32, #tpu.memory_space<vmem>>, vector<16xf32>,
          %mul3A_2444 = arith.mulf %get3A_2443, %gather3A_2391 : vector<16xf32>
          %swap3A_2445 = arith.index_cast %add3A_2386 : i32 to index
          %swap3A_2446 = arith.constant 112 : index
          %swap3A_2447 = tpu.vector_load %arg13[%swap3A_2445, %swap3A_2446] {strides = array<i32>} : memref<64x128xf32, #tpu.memory_space<vmem>>, vector<16xf32>,
          tpu.vector_store %arg13[%swap3A_2445, %swap3A_2446], %mul3A_2444 {strides = array<i32>} : memref<64x128xf32, #tpu.memory_space<vmem>>, vector<16xf32>,
          %add3A_2448 = arith.constant 12 : i32
          %add3A_2449 = arith.addi %mul3A_245, %add3A_2448 : i32
          %broadcast_in_dim3A_2450 = vector.broadcast %add3A_2449 : i32 to vector<16xi32>
          %gather3A_2451 = arith.constant 0 : i32
          %gather3A_2452 = tpu.memref_slice %arg14[%rem3A_160, %gather3A_2451] : memref<2x64xf32, #tpu.memory_space<vmem>> -> memref<1x64xf32, #tpu.memory_space<vmem>>
          %gather3A_2453 = tpu.memref_squeeze %gather3A_2452 : memref<1x64xf32, #tpu.memory_space<vmem>> -> memref<64xf32, #tpu.memory_space<vmem>>
          %gather3A_2454 = tpu.vector_load_idx %gather3A_2453[%broadcast_in_dim3A_2450] : memref<64xf32, #tpu.memory_space<vmem>>[vector<16xi32>], vector<16xf32>,
          %get3A_2455 = arith.index_cast %add3A_2449 : i32 to index
          %get3A_2456 = arith.constant 0 : index
          %get3A_2457 = tpu.vector_load %arg13[%get3A_2455, %get3A_2456] {strides = array<i32>} : memref<64x128xf32, #tpu.memory_space<vmem>>, vector<16xf32>,
          %mul3A_2458 = arith.mulf %get3A_2457, %gather3A_2454 : vector<16xf32>
          %swap3A_2459 = arith.index_cast %add3A_2449 : i32 to index
          %swap3A_2460 = arith.constant 0 : index
          %swap3A_2461 = tpu.vector_load %arg13[%swap3A_2459, %swap3A_2460] {strides = array<i32>} : memref<64x128xf32, #tpu.memory_space<vmem>>, vector<16xf32>,
          tpu.vector_store %arg13[%swap3A_2459, %swap3A_2460], %mul3A_2458 {strides = array<i32>} : memref<64x128xf32, #tpu.memory_space<vmem>>, vector<16xf32>,
          %get3A_2462 = arith.index_cast %add3A_2449 : i32 to index
          %get3A_2463 = arith.constant 16 : index
          %get3A_2464 = tpu.vector_load %arg13[%get3A_2462, %get3A_2463] {strides = array<i32>} : memref<64x128xf32, #tpu.memory_space<vmem>>, vector<16xf32>,
          %mul3A_2465 = arith.mulf %get3A_2464, %gather3A_2454 : vector<16xf32>
          %swap3A_2466 = arith.index_cast %add3A_2449 : i32 to index
          %swap3A_2467 = arith.constant 16 : index
          %swap3A_2468 = tpu.vector_load %arg13[%swap3A_2466, %swap3A_2467] {strides = array<i32>} : memref<64x128xf32, #tpu.memory_space<vmem>>, vector<16xf32>,
          tpu.vector_store %arg13[%swap3A_2466, %swap3A_2467], %mul3A_2465 {strides = array<i32>} : memref<64x128xf32, #tpu.memory_space<vmem>>, vector<16xf32>,
          %get3A_2469 = arith.index_cast %add3A_2449 : i32 to index
          %get3A_2470 = arith.constant 32 : index
          %get3A_2471 = tpu.vector_load %arg13[%get3A_2469, %get3A_2470] {strides = array<i32>} : memref<64x128xf32, #tpu.memory_space<vmem>>, vector<16xf32>,
          %mul3A_2472 = arith.mulf %get3A_2471, %gather3A_2454 : vector<16xf32>
          %swap3A_2473 = arith.index_cast %add3A_2449 : i32 to index
          %swap3A_2474 = arith.constant 32 : index
          %swap3A_2475 = tpu.vector_load %arg13[%swap3A_2473, %swap3A_2474] {strides = array<i32>} : memref<64x128xf32, #tpu.memory_space<vmem>>, vector<16xf32>,
          tpu.vector_store %arg13[%swap3A_2473, %swap3A_2474], %mul3A_2472 {strides = array<i32>} : memref<64x128xf32, #tpu.memory_space<vmem>>, vector<16xf32>,
          %get3A_2476 = arith.index_cast %add3A_2449 : i32 to index
          %get3A_2477 = arith.constant 48 : index
          %get3A_2478 = tpu.vector_load %arg13[%get3A_2476, %get3A_2477] {strides = array<i32>} : memref<64x128xf32, #tpu.memory_space<vmem>>, vector<16xf32>,
          %mul3A_2479 = arith.mulf %get3A_2478, %gather3A_2454 : vector<16xf32>
          %swap3A_2480 = arith.index_cast %add3A_2449 : i32 to index
          %swap3A_2481 = arith.constant 48 : index
          %swap3A_2482 = tpu.vector_load %arg13[%swap3A_2480, %swap3A_2481] {strides = array<i32>} : memref<64x128xf32, #tpu.memory_space<vmem>>, vector<16xf32>,
          tpu.vector_store %arg13[%swap3A_2480, %swap3A_2481], %mul3A_2479 {strides = array<i32>} : memref<64x128xf32, #tpu.memory_space<vmem>>, vector<16xf32>,
          %get3A_2483 = arith.index_cast %add3A_2449 : i32 to index
          %get3A_2484 = arith.constant 64 : index
          %get3A_2485 = tpu.vector_load %arg13[%get3A_2483, %get3A_2484] {strides = array<i32>} : memref<64x128xf32, #tpu.memory_space<vmem>>, vector<16xf32>,
          %mul3A_2486 = arith.mulf %get3A_2485, %gather3A_2454 : vector<16xf32>
          %swap3A_2487 = arith.index_cast %add3A_2449 : i32 to index
          %swap3A_2488 = arith.constant 64 : index
          %swap3A_2489 = tpu.vector_load %arg13[%swap3A_2487, %swap3A_2488] {strides = array<i32>} : memref<64x128xf32, #tpu.memory_space<vmem>>, vector<16xf32>,
          tpu.vector_store %arg13[%swap3A_2487, %swap3A_2488], %mul3A_2486 {strides = array<i32>} : memref<64x128xf32, #tpu.memory_space<vmem>>, vector<16xf32>,
          %get3A_2490 = arith.index_cast %add3A_2449 : i32 to index
          %get3A_2491 = arith.constant 80 : index
          %get3A_2492 = tpu.vector_load %arg13[%get3A_2490, %get3A_2491] {strides = array<i32>} : memref<64x128xf32, #tpu.memory_space<vmem>>, vector<16xf32>,
          %mul3A_2493 = arith.mulf %get3A_2492, %gather3A_2454 : vector<16xf32>
          %swap3A_2494 = arith.index_cast %add3A_2449 : i32 to index
          %swap3A_2495 = arith.constant 80 : index
          %swap3A_2496 = tpu.vector_load %arg13[%swap3A_2494, %swap3A_2495] {strides = array<i32>} : memref<64x128xf32, #tpu.memory_space<vmem>>, vector<16xf32>,
          tpu.vector_store %arg13[%swap3A_2494, %swap3A_2495], %mul3A_2493 {strides = array<i32>} : memref<64x128xf32, #tpu.memory_space<vmem>>, vector<16xf32>,
          %get3A_2497 = arith.index_cast %add3A_2449 : i32 to index
          %get3A_2498 = arith.constant 96 : index
          %get3A_2499 = tpu.vector_load %arg13[%get3A_2497, %get3A_2498] {strides = array<i32>} : memref<64x128xf32, #tpu.memory_space<vmem>>, vector<16xf32>,
          %mul3A_2500 = arith.mulf %get3A_2499, %gather3A_2454 : vector<16xf32>
          %swap3A_2501 = arith.index_cast %add3A_2449 : i32 to index
          %swap3A_2502 = arith.constant 96 : index
          %swap3A_2503 = tpu.vector_load %arg13[%swap3A_2501, %swap3A_2502] {strides = array<i32>} : memref<64x128xf32, #tpu.memory_space<vmem>>, vector<16xf32>,
          tpu.vector_store %arg13[%swap3A_2501, %swap3A_2502], %mul3A_2500 {strides = array<i32>} : memref<64x128xf32, #tpu.memory_space<vmem>>, vector<16xf32>,
          %get3A_2504 = arith.index_cast %add3A_2449 : i32 to index
          %get3A_2505 = arith.constant 112 : index
          %get3A_2506 = tpu.vector_load %arg13[%get3A_2504, %get3A_2505] {strides = array<i32>} : memref<64x128xf32, #tpu.memory_space<vmem>>, vector<16xf32>,
          %mul3A_2507 = arith.mulf %get3A_2506, %gather3A_2454 : vector<16xf32>
          %swap3A_2508 = arith.index_cast %add3A_2449 : i32 to index
          %swap3A_2509 = arith.constant 112 : index
          %swap3A_2510 = tpu.vector_load %arg13[%swap3A_2508, %swap3A_2509] {strides = array<i32>} : memref<64x128xf32, #tpu.memory_space<vmem>>, vector<16xf32>,
          tpu.vector_store %arg13[%swap3A_2508, %swap3A_2509], %mul3A_2507 {strides = array<i32>} : memref<64x128xf32, #tpu.memory_space<vmem>>, vector<16xf32>,
          %add3A_2511 = arith.constant 13 : i32
          %add3A_2512 = arith.addi %mul3A_245, %add3A_2511 : i32
          %broadcast_in_dim3A_2513 = vector.broadcast %add3A_2512 : i32 to vector<16xi32>
          %gather3A_2514 = arith.constant 0 : i32
          %gather3A_2515 = tpu.memref_slice %arg14[%rem3A_160, %gather3A_2514] : memref<2x64xf32, #tpu.memory_space<vmem>> -> memref<1x64xf32, #tpu.memory_space<vmem>>
          %gather3A_2516 = tpu.memref_squeeze %gather3A_2515 : memref<1x64xf32, #tpu.memory_space<vmem>> -> memref<64xf32, #tpu.memory_space<vmem>>
          %gather3A_2517 = tpu.vector_load_idx %gather3A_2516[%broadcast_in_dim3A_2513] : memref<64xf32, #tpu.memory_space<vmem>>[vector<16xi32>], vector<16xf32>,
          %get3A_2518 = arith.index_cast %add3A_2512 : i32 to index
          %get3A_2519 = arith.constant 0 : index
          %get3A_2520 = tpu.vector_load %arg13[%get3A_2518, %get3A_2519] {strides = array<i32>} : memref<64x128xf32, #tpu.memory_space<vmem>>, vector<16xf32>,
          %mul3A_2521 = arith.mulf %get3A_2520, %gather3A_2517 : vector<16xf32>
          %swap3A_2522 = arith.index_cast %add3A_2512 : i32 to index
          %swap3A_2523 = arith.constant 0 : index
          %swap3A_2524 = tpu.vector_load %arg13[%swap3A_2522, %swap3A_2523] {strides = array<i32>} : memref<64x128xf32, #tpu.memory_space<vmem>>, vector<16xf32>,
          tpu.vector_store %arg13[%swap3A_2522, %swap3A_2523], %mul3A_2521 {strides = array<i32>} : memref<64x128xf32, #tpu.memory_space<vmem>>, vector<16xf32>,
          %get3A_2525 = arith.index_cast %add3A_2512 : i32 to index
          %get3A_2526 = arith.constant 16 : index
          %get3A_2527 = tpu.vector_load %arg13[%get3A_2525, %get3A_2526] {strides = array<i32>} : memref<64x128xf32, #tpu.memory_space<vmem>>, vector<16xf32>,
          %mul3A_2528 = arith.mulf %get3A_2527, %gather3A_2517 : vector<16xf32>
          %swap3A_2529 = arith.index_cast %add3A_2512 : i32 to index
          %swap3A_2530 = arith.constant 16 : index
          %swap3A_2531 = tpu.vector_load %arg13[%swap3A_2529, %swap3A_2530] {strides = array<i32>} : memref<64x128xf32, #tpu.memory_space<vmem>>, vector<16xf32>,
          tpu.vector_store %arg13[%swap3A_2529, %swap3A_2530], %mul3A_2528 {strides = array<i32>} : memref<64x128xf32, #tpu.memory_space<vmem>>, vector<16xf32>,
          %get3A_2532 = arith.index_cast %add3A_2512 : i32 to index
          %get3A_2533 = arith.constant 32 : index
          %get3A_2534 = tpu.vector_load %arg13[%get3A_2532, %get3A_2533] {strides = array<i32>} : memref<64x128xf32, #tpu.memory_space<vmem>>, vector<16xf32>,
          %mul3A_2535 = arith.mulf %get3A_2534, %gather3A_2517 : vector<16xf32>
          %swap3A_2536 = arith.index_cast %add3A_2512 : i32 to index
          %swap3A_2537 = arith.constant 32 : index
          %swap3A_2538 = tpu.vector_load %arg13[%swap3A_2536, %swap3A_2537] {strides = array<i32>} : memref<64x128xf32, #tpu.memory_space<vmem>>, vector<16xf32>,
          tpu.vector_store %arg13[%swap3A_2536, %swap3A_2537], %mul3A_2535 {strides = array<i32>} : memref<64x128xf32, #tpu.memory_space<vmem>>, vector<16xf32>,
          %get3A_2539 = arith.index_cast %add3A_2512 : i32 to index
          %get3A_2540 = arith.constant 48 : index
          %get3A_2541 = tpu.vector_load %arg13[%get3A_2539, %get3A_2540] {strides = array<i32>} : memref<64x128xf32, #tpu.memory_space<vmem>>, vector<16xf32>,
          %mul3A_2542 = arith.mulf %get3A_2541, %gather3A_2517 : vector<16xf32>
          %swap3A_2543 = arith.index_cast %add3A_2512 : i32 to index
          %swap3A_2544 = arith.constant 48 : index
          %swap3A_2545 = tpu.vector_load %arg13[%swap3A_2543, %swap3A_2544] {strides = array<i32>} : memref<64x128xf32, #tpu.memory_space<vmem>>, vector<16xf32>,
          tpu.vector_store %arg13[%swap3A_2543, %swap3A_2544], %mul3A_2542 {strides = array<i32>} : memref<64x128xf32, #tpu.memory_space<vmem>>, vector<16xf32>,
          %get3A_2546 = arith.index_cast %add3A_2512 : i32 to index
          %get3A_2547 = arith.constant 64 : index
          %get3A_2548 = tpu.vector_load %arg13[%get3A_2546, %get3A_2547] {strides = array<i32>} : memref<64x128xf32, #tpu.memory_space<vmem>>, vector<16xf32>,
          %mul3A_2549 = arith.mulf %get3A_2548, %gather3A_2517 : vector<16xf32>
          %swap3A_2550 = arith.index_cast %add3A_2512 : i32 to index
          %swap3A_2551 = arith.constant 64 : index
          %swap3A_2552 = tpu.vector_load %arg13[%swap3A_2550, %swap3A_2551] {strides = array<i32>} : memref<64x128xf32, #tpu.memory_space<vmem>>, vector<16xf32>,
          tpu.vector_store %arg13[%swap3A_2550, %swap3A_2551], %mul3A_2549 {strides = array<i32>} : memref<64x128xf32, #tpu.memory_space<vmem>>, vector<16xf32>,
          %get3A_2553 = arith.index_cast %add3A_2512 : i32 to index
          %get3A_2554 = arith.constant 80 : index
          %get3A_2555 = tpu.vector_load %arg13[%get3A_2553, %get3A_2554] {strides = array<i32>} : memref<64x128xf32, #tpu.memory_space<vmem>>, vector<16xf32>,
          %mul3A_2556 = arith.mulf %get3A_2555, %gather3A_2517 : vector<16xf32>
          %swap3A_2557 = arith.index_cast %add3A_2512 : i32 to index
          %swap3A_2558 = arith.constant 80 : index
          %swap3A_2559 = tpu.vector_load %arg13[%swap3A_2557, %swap3A_2558] {strides = array<i32>} : memref<64x128xf32, #tpu.memory_space<vmem>>, vector<16xf32>,
          tpu.vector_store %arg13[%swap3A_2557, %swap3A_2558], %mul3A_2556 {strides = array<i32>} : memref<64x128xf32, #tpu.memory_space<vmem>>, vector<16xf32>,
          %get3A_2560 = arith.index_cast %add3A_2512 : i32 to index
          %get3A_2561 = arith.constant 96 : index
          %get3A_2562 = tpu.vector_load %arg13[%get3A_2560, %get3A_2561] {strides = array<i32>} : memref<64x128xf32, #tpu.memory_space<vmem>>, vector<16xf32>,
          %mul3A_2563 = arith.mulf %get3A_2562, %gather3A_2517 : vector<16xf32>
          %swap3A_2564 = arith.index_cast %add3A_2512 : i32 to index
          %swap3A_2565 = arith.constant 96 : index
          %swap3A_2566 = tpu.vector_load %arg13[%swap3A_2564, %swap3A_2565] {strides = array<i32>} : memref<64x128xf32, #tpu.memory_space<vmem>>, vector<16xf32>,
          tpu.vector_store %arg13[%swap3A_2564, %swap3A_2565], %mul3A_2563 {strides = array<i32>} : memref<64x128xf32, #tpu.memory_space<vmem>>, vector<16xf32>,
          %get3A_2567 = arith.index_cast %add3A_2512 : i32 to index
          %get3A_2568 = arith.constant 112 : index
          %get3A_2569 = tpu.vector_load %arg13[%get3A_2567, %get3A_2568] {strides = array<i32>} : memref<64x128xf32, #tpu.memory_space<vmem>>, vector<16xf32>,
          %mul3A_2570 = arith.mulf %get3A_2569, %gather3A_2517 : vector<16xf32>
          %swap3A_2571 = arith.index_cast %add3A_2512 : i32 to index
          %swap3A_2572 = arith.constant 112 : index
          %swap3A_2573 = tpu.vector_load %arg13[%swap3A_2571, %swap3A_2572] {strides = array<i32>} : memref<64x128xf32, #tpu.memory_space<vmem>>, vector<16xf32>,
          tpu.vector_store %arg13[%swap3A_2571, %swap3A_2572], %mul3A_2570 {strides = array<i32>} : memref<64x128xf32, #tpu.memory_space<vmem>>, vector<16xf32>,
          %add3A_2574 = arith.constant 14 : i32
          %add3A_2575 = arith.addi %mul3A_245, %add3A_2574 : i32
          %broadcast_in_dim3A_2576 = vector.broadcast %add3A_2575 : i32 to vector<16xi32>
          %gather3A_2577 = arith.constant 0 : i32
          %gather3A_2578 = tpu.memref_slice %arg14[%rem3A_160, %gather3A_2577] : memref<2x64xf32, #tpu.memory_space<vmem>> -> memref<1x64xf32, #tpu.memory_space<vmem>>
          %gather3A_2579 = tpu.memref_squeeze %gather3A_2578 : memref<1x64xf32, #tpu.memory_space<vmem>> -> memref<64xf32, #tpu.memory_space<vmem>>
          %gather3A_2580 = tpu.vector_load_idx %gather3A_2579[%broadcast_in_dim3A_2576] : memref<64xf32, #tpu.memory_space<vmem>>[vector<16xi32>], vector<16xf32>,
          %get3A_2581 = arith.index_cast %add3A_2575 : i32 to index
          %get3A_2582 = arith.constant 0 : index
          %get3A_2583 = tpu.vector_load %arg13[%get3A_2581, %get3A_2582] {strides = array<i32>} : memref<64x128xf32, #tpu.memory_space<vmem>>, vector<16xf32>,
          %mul3A_2584 = arith.mulf %get3A_2583, %gather3A_2580 : vector<16xf32>
          %swap3A_2585 = arith.index_cast %add3A_2575 : i32 to index
          %swap3A_2586 = arith.constant 0 : index
          %swap3A_2587 = tpu.vector_load %arg13[%swap3A_2585, %swap3A_2586] {strides = array<i32>} : memref<64x128xf32, #tpu.memory_space<vmem>>, vector<16xf32>,
          tpu.vector_store %arg13[%swap3A_2585, %swap3A_2586], %mul3A_2584 {strides = array<i32>} : memref<64x128xf32, #tpu.memory_space<vmem>>, vector<16xf32>,
          %get3A_2588 = arith.index_cast %add3A_2575 : i32 to index
          %get3A_2589 = arith.constant 16 : index
          %get3A_2590 = tpu.vector_load %arg13[%get3A_2588, %get3A_2589] {strides = array<i32>} : memref<64x128xf32, #tpu.memory_space<vmem>>, vector<16xf32>,
          %mul3A_2591 = arith.mulf %get3A_2590, %gather3A_2580 : vector<16xf32>
          %swap3A_2592 = arith.index_cast %add3A_2575 : i32 to index
          %swap3A_2593 = arith.constant 16 : index
          %swap3A_2594 = tpu.vector_load %arg13[%swap3A_2592, %swap3A_2593] {strides = array<i32>} : memref<64x128xf32, #tpu.memory_space<vmem>>, vector<16xf32>,
          tpu.vector_store %arg13[%swap3A_2592, %swap3A_2593], %mul3A_2591 {strides = array<i32>} : memref<64x128xf32, #tpu.memory_space<vmem>>, vector<16xf32>,
          %get3A_2595 = arith.index_cast %add3A_2575 : i32 to index
          %get3A_2596 = arith.constant 32 : index
          %get3A_2597 = tpu.vector_load %arg13[%get3A_2595, %get3A_2596] {strides = array<i32>} : memref<64x128xf32, #tpu.memory_space<vmem>>, vector<16xf32>,
          %mul3A_2598 = arith.mulf %get3A_2597, %gather3A_2580 : vector<16xf32>
          %swap3A_2599 = arith.index_cast %add3A_2575 : i32 to index
          %swap3A_2600 = arith.constant 32 : index
          %swap3A_2601 = tpu.vector_load %arg13[%swap3A_2599, %swap3A_2600] {strides = array<i32>} : memref<64x128xf32, #tpu.memory_space<vmem>>, vector<16xf32>,
          tpu.vector_store %arg13[%swap3A_2599, %swap3A_2600], %mul3A_2598 {strides = array<i32>} : memref<64x128xf32, #tpu.memory_space<vmem>>, vector<16xf32>,
          %get3A_2602 = arith.index_cast %add3A_2575 : i32 to index
          %get3A_2603 = arith.constant 48 : index
          %get3A_2604 = tpu.vector_load %arg13[%get3A_2602, %get3A_2603] {strides = array<i32>} : memref<64x128xf32, #tpu.memory_space<vmem>>, vector<16xf32>,
          %mul3A_2605 = arith.mulf %get3A_2604, %gather3A_2580 : vector<16xf32>
          %swap3A_2606 = arith.index_cast %add3A_2575 : i32 to index
          %swap3A_2607 = arith.constant 48 : index
          %swap3A_2608 = tpu.vector_load %arg13[%swap3A_2606, %swap3A_2607] {strides = array<i32>} : memref<64x128xf32, #tpu.memory_space<vmem>>, vector<16xf32>,
          tpu.vector_store %arg13[%swap3A_2606, %swap3A_2607], %mul3A_2605 {strides = array<i32>} : memref<64x128xf32, #tpu.memory_space<vmem>>, vector<16xf32>,
          %get3A_2609 = arith.index_cast %add3A_2575 : i32 to index
          %get3A_2610 = arith.constant 64 : index
          %get3A_2611 = tpu.vector_load %arg13[%get3A_2609, %get3A_2610] {strides = array<i32>} : memref<64x128xf32, #tpu.memory_space<vmem>>, vector<16xf32>,
          %mul3A_2612 = arith.mulf %get3A_2611, %gather3A_2580 : vector<16xf32>
          %swap3A_2613 = arith.index_cast %add3A_2575 : i32 to index
          %swap3A_2614 = arith.constant 64 : index
          %swap3A_2615 = tpu.vector_load %arg13[%swap3A_2613, %swap3A_2614] {strides = array<i32>} : memref<64x128xf32, #tpu.memory_space<vmem>>, vector<16xf32>,
          tpu.vector_store %arg13[%swap3A_2613, %swap3A_2614], %mul3A_2612 {strides = array<i32>} : memref<64x128xf32, #tpu.memory_space<vmem>>, vector<16xf32>,
          %get3A_2616 = arith.index_cast %add3A_2575 : i32 to index
          %get3A_2617 = arith.constant 80 : index
          %get3A_2618 = tpu.vector_load %arg13[%get3A_2616, %get3A_2617] {strides = array<i32>} : memref<64x128xf32, #tpu.memory_space<vmem>>, vector<16xf32>,
          %mul3A_2619 = arith.mulf %get3A_2618, %gather3A_2580 : vector<16xf32>
          %swap3A_2620 = arith.index_cast %add3A_2575 : i32 to index
          %swap3A_2621 = arith.constant 80 : index
          %swap3A_2622 = tpu.vector_load %arg13[%swap3A_2620, %swap3A_2621] {strides = array<i32>} : memref<64x128xf32, #tpu.memory_space<vmem>>, vector<16xf32>,
          tpu.vector_store %arg13[%swap3A_2620, %swap3A_2621], %mul3A_2619 {strides = array<i32>} : memref<64x128xf32, #tpu.memory_space<vmem>>, vector<16xf32>,
          %get3A_2623 = arith.index_cast %add3A_2575 : i32 to index
          %get3A_2624 = arith.constant 96 : index
          %get3A_2625 = tpu.vector_load %arg13[%get3A_2623, %get3A_2624] {strides = array<i32>} : memref<64x128xf32, #tpu.memory_space<vmem>>, vector<16xf32>,
          %mul3A_2626 = arith.mulf %get3A_2625, %gather3A_2580 : vector<16xf32>
          %swap3A_2627 = arith.index_cast %add3A_2575 : i32 to index
          %swap3A_2628 = arith.constant 96 : index
          %swap3A_2629 = tpu.vector_load %arg13[%swap3A_2627, %swap3A_2628] {strides = array<i32>} : memref<64x128xf32, #tpu.memory_space<vmem>>, vector<16xf32>,
          tpu.vector_store %arg13[%swap3A_2627, %swap3A_2628], %mul3A_2626 {strides = array<i32>} : memref<64x128xf32, #tpu.memory_space<vmem>>, vector<16xf32>,
          %get3A_2630 = arith.index_cast %add3A_2575 : i32 to index
          %get3A_2631 = arith.constant 112 : index
          %get3A_2632 = tpu.vector_load %arg13[%get3A_2630, %get3A_2631] {strides = array<i32>} : memref<64x128xf32, #tpu.memory_space<vmem>>, vector<16xf32>,
          %mul3A_2633 = arith.mulf %get3A_2632, %gather3A_2580 : vector<16xf32>
          %swap3A_2634 = arith.index_cast %add3A_2575 : i32 to index
          %swap3A_2635 = arith.constant 112 : index
          %swap3A_2636 = tpu.vector_load %arg13[%swap3A_2634, %swap3A_2635] {strides = array<i32>} : memref<64x128xf32, #tpu.memory_space<vmem>>, vector<16xf32>,
          tpu.vector_store %arg13[%swap3A_2634, %swap3A_2635], %mul3A_2633 {strides = array<i32>} : memref<64x128xf32, #tpu.memory_space<vmem>>, vector<16xf32>,
          %add3A_2637 = arith.constant 15 : i32
          %add3A_2638 = arith.addi %mul3A_245, %add3A_2637 : i32
          %broadcast_in_dim3A_2639 = vector.broadcast %add3A_2638 : i32 to vector<16xi32>
          %gather3A_2640 = arith.constant 0 : i32
          %gather3A_2641 = tpu.memref_slice %arg14[%rem3A_160, %gather3A_2640] : memref<2x64xf32, #tpu.memory_space<vmem>> -> memref<1x64xf32, #tpu.memory_space<vmem>>
          %gather3A_2642 = tpu.memref_squeeze %gather3A_2641 : memref<1x64xf32, #tpu.memory_space<vmem>> -> memref<64xf32, #tpu.memory_space<vmem>>
          %gather3A_2643 = tpu.vector_load_idx %gather3A_2642[%broadcast_in_dim3A_2639] : memref<64xf32, #tpu.memory_space<vmem>>[vector<16xi32>], vector<16xf32>,
          %get3A_2644 = arith.index_cast %add3A_2638 : i32 to index
          %get3A_2645 = arith.constant 0 : index
          %get3A_2646 = tpu.vector_load %arg13[%get3A_2644, %get3A_2645] {strides = array<i32>} : memref<64x128xf32, #tpu.memory_space<vmem>>, vector<16xf32>,
          %mul3A_2647 = arith.mulf %get3A_2646, %gather3A_2643 : vector<16xf32>
          %swap3A_2648 = arith.index_cast %add3A_2638 : i32 to index
          %swap3A_2649 = arith.constant 0 : index
          %swap3A_2650 = tpu.vector_load %arg13[%swap3A_2648, %swap3A_2649] {strides = array<i32>} : memref<64x128xf32, #tpu.memory_space<vmem>>, vector<16xf32>,
          tpu.vector_store %arg13[%swap3A_2648, %swap3A_2649], %mul3A_2647 {strides = array<i32>} : memref<64x128xf32, #tpu.memory_space<vmem>>, vector<16xf32>,
          %get3A_2651 = arith.index_cast %add3A_2638 : i32 to index
          %get3A_2652 = arith.constant 16 : index
          %get3A_2653 = tpu.vector_load %arg13[%get3A_2651, %get3A_2652] {strides = array<i32>} : memref<64x128xf32, #tpu.memory_space<vmem>>, vector<16xf32>,
          %mul3A_2654 = arith.mulf %get3A_2653, %gather3A_2643 : vector<16xf32>
          %swap3A_2655 = arith.index_cast %add3A_2638 : i32 to index
          %swap3A_2656 = arith.constant 16 : index
          %swap3A_2657 = tpu.vector_load %arg13[%swap3A_2655, %swap3A_2656] {strides = array<i32>} : memref<64x128xf32, #tpu.memory_space<vmem>>, vector<16xf32>,
          tpu.vector_store %arg13[%swap3A_2655, %swap3A_2656], %mul3A_2654 {strides = array<i32>} : memref<64x128xf32, #tpu.memory_space<vmem>>, vector<16xf32>,
          %get3A_2658 = arith.index_cast %add3A_2638 : i32 to index
          %get3A_2659 = arith.constant 32 : index
          %get3A_2660 = tpu.vector_load %arg13[%get3A_2658, %get3A_2659] {strides = array<i32>} : memref<64x128xf32, #tpu.memory_space<vmem>>, vector<16xf32>,
          %mul3A_2661 = arith.mulf %get3A_2660, %gather3A_2643 : vector<16xf32>
          %swap3A_2662 = arith.index_cast %add3A_2638 : i32 to index
          %swap3A_2663 = arith.constant 32 : index
          %swap3A_2664 = tpu.vector_load %arg13[%swap3A_2662, %swap3A_2663] {strides = array<i32>} : memref<64x128xf32, #tpu.memory_space<vmem>>, vector<16xf32>,
          tpu.vector_store %arg13[%swap3A_2662, %swap3A_2663], %mul3A_2661 {strides = array<i32>} : memref<64x128xf32, #tpu.memory_space<vmem>>, vector<16xf32>,
          %get3A_2665 = arith.index_cast %add3A_2638 : i32 to index
          %get3A_2666 = arith.constant 48 : index
          %get3A_2667 = tpu.vector_load %arg13[%get3A_2665, %get3A_2666] {strides = array<i32>} : memref<64x128xf32, #tpu.memory_space<vmem>>, vector<16xf32>,
          %mul3A_2668 = arith.mulf %get3A_2667, %gather3A_2643 : vector<16xf32>
          %swap3A_2669 = arith.index_cast %add3A_2638 : i32 to index
          %swap3A_2670 = arith.constant 48 : index
          %swap3A_2671 = tpu.vector_load %arg13[%swap3A_2669, %swap3A_2670] {strides = array<i32>} : memref<64x128xf32, #tpu.memory_space<vmem>>, vector<16xf32>,
          tpu.vector_store %arg13[%swap3A_2669, %swap3A_2670], %mul3A_2668 {strides = array<i32>} : memref<64x128xf32, #tpu.memory_space<vmem>>, vector<16xf32>,
          %get3A_2672 = arith.index_cast %add3A_2638 : i32 to index
          %get3A_2673 = arith.constant 64 : index
          %get3A_2674 = tpu.vector_load %arg13[%get3A_2672, %get3A_2673] {strides = array<i32>} : memref<64x128xf32, #tpu.memory_space<vmem>>, vector<16xf32>,
          %mul3A_2675 = arith.mulf %get3A_2674, %gather3A_2643 : vector<16xf32>
          %swap3A_2676 = arith.index_cast %add3A_2638 : i32 to index
          %swap3A_2677 = arith.constant 64 : index
          %swap3A_2678 = tpu.vector_load %arg13[%swap3A_2676, %swap3A_2677] {strides = array<i32>} : memref<64x128xf32, #tpu.memory_space<vmem>>, vector<16xf32>,
          tpu.vector_store %arg13[%swap3A_2676, %swap3A_2677], %mul3A_2675 {strides = array<i32>} : memref<64x128xf32, #tpu.memory_space<vmem>>, vector<16xf32>,
          %get3A_2679 = arith.index_cast %add3A_2638 : i32 to index
          %get3A_2680 = arith.constant 80 : index
          %get3A_2681 = tpu.vector_load %arg13[%get3A_2679, %get3A_2680] {strides = array<i32>} : memref<64x128xf32, #tpu.memory_space<vmem>>, vector<16xf32>,
          %mul3A_2682 = arith.mulf %get3A_2681, %gather3A_2643 : vector<16xf32>
          %swap3A_2683 = arith.index_cast %add3A_2638 : i32 to index
          %swap3A_2684 = arith.constant 80 : index
          %swap3A_2685 = tpu.vector_load %arg13[%swap3A_2683, %swap3A_2684] {strides = array<i32>} : memref<64x128xf32, #tpu.memory_space<vmem>>, vector<16xf32>,
          tpu.vector_store %arg13[%swap3A_2683, %swap3A_2684], %mul3A_2682 {strides = array<i32>} : memref<64x128xf32, #tpu.memory_space<vmem>>, vector<16xf32>,
          %get3A_2686 = arith.index_cast %add3A_2638 : i32 to index
          %get3A_2687 = arith.constant 96 : index
          %get3A_2688 = tpu.vector_load %arg13[%get3A_2686, %get3A_2687] {strides = array<i32>} : memref<64x128xf32, #tpu.memory_space<vmem>>, vector<16xf32>,
          %mul3A_2689 = arith.mulf %get3A_2688, %gather3A_2643 : vector<16xf32>
          %swap3A_2690 = arith.index_cast %add3A_2638 : i32 to index
          %swap3A_2691 = arith.constant 96 : index
          %swap3A_2692 = tpu.vector_load %arg13[%swap3A_2690, %swap3A_2691] {strides = array<i32>} : memref<64x128xf32, #tpu.memory_space<vmem>>, vector<16xf32>,
          tpu.vector_store %arg13[%swap3A_2690, %swap3A_2691], %mul3A_2689 {strides = array<i32>} : memref<64x128xf32, #tpu.memory_space<vmem>>, vector<16xf32>,
          %get3A_2693 = arith.index_cast %add3A_2638 : i32 to index
          %get3A_2694 = arith.constant 112 : index
          %get3A_2695 = tpu.vector_load %arg13[%get3A_2693, %get3A_2694] {strides = array<i32>} : memref<64x128xf32, #tpu.memory_space<vmem>>, vector<16xf32>,
          %mul3A_2696 = arith.mulf %get3A_2695, %gather3A_2643 : vector<16xf32>
          %swap3A_2697 = arith.index_cast %add3A_2638 : i32 to index
          %swap3A_2698 = arith.constant 112 : index
          %swap3A_2699 = tpu.vector_load %arg13[%swap3A_2697, %swap3A_2698] {strides = array<i32>} : memref<64x128xf32, #tpu.memory_space<vmem>>, vector<16xf32>,
          tpu.vector_store %arg13[%swap3A_2697, %swap3A_2698], %mul3A_2696 {strides = array<i32>} : memref<64x128xf32, #tpu.memory_space<vmem>>, vector<16xf32>,
          %scan3A_2700 = arith.constant 0 : i32
          scf.yield %scan3A_2700 : i32
        }
        %scan3A_227 = arith.constant 4 : i32
        %dma_start3A_228 = arith.constant 0 : i32
        %dma_start3A_229 = tpu.memref_slice %arg10[%rem3A_163, %dma_start3A_228] : memref<3x64xi32, #tpu.memory_space<vmem>> -> memref<1x64xi32, #tpu.memory_space<vmem>>
        %dma_start3A_230 = tpu.memref_squeeze %dma_start3A_229 : memref<1x64xi32, #tpu.memory_space<vmem>> -> memref<64xi32, #tpu.memory_space<vmem>>
        %dma_start3A_231 = arith.constant 0 : i32
        %dma_start3A_232 = arith.constant 0 : i32
        %dma_start3A_233 = tpu.memref_slice %arg17[%dma_start3A_231, %dma_start3A_232] : memref<10000x128xf32, #tpu.memory_space<vmem_shared>> -> memref<10000x128xf32, #tpu.memory_space<vmem_shared>>
        tpu.enqueue_indirect_dma source(%arg13 : memref<64x128xf32, #tpu.memory_space<vmem>>) target(%dma_start3A_233 : memref<10000x128xf32, #tpu.memory_space<vmem_shared>>) offsets(%dma_start3A_230 : memref<64xi32, #tpu.memory_space<vmem>>) semaphore(%arg21 : memref<!tpu.dma_semaphore, #tpu.memory_space<semaphore_mem>>) {add = true}
        %dma_start3A_234 = arith.constant 0 : i32
        %dma_start3A_235 = tpu.memref_slice %arg14[%rem3A_160, %dma_start3A_234] : memref<2x64xf32, #tpu.memory_space<vmem>> -> memref<1x64xf32, #tpu.memory_space<vmem>>
        %dma_start3A_236 = tpu.memref_squeeze %dma_start3A_235 : memref<1x64xf32, #tpu.memory_space<vmem>> -> memref<64xf32, #tpu.memory_space<vmem>>
        %dma_start3A_237 = arith.constant 0 : i32
        %dma_start3A_238 = tpu.memref_slice %arg10[%rem3A_163, %dma_start3A_237] : memref<3x64xi32, #tpu.memory_space<vmem>> -> memref<1x64xi32, #tpu.memory_space<vmem>>
        %dma_start3A_239 = tpu.memref_squeeze %dma_start3A_238 : memref<1x64xi32, #tpu.memory_space<vmem>> -> memref<64xi32, #tpu.memory_space<vmem>>
        %dma_start3A_240 = arith.constant 0 : i32
        %dma_start3A_241 = tpu.memref_slice %arg18[%dma_start3A_240] : memref<10240xf32, #tpu.memory_space<vmem_shared>> -> memref<10240xf32, #tpu.memory_space<vmem_shared>>
        tpu.enqueue_indirect_dma source(%dma_start3A_236 : memref<64xf32, #tpu.memory_space<vmem>>) target(%dma_start3A_241 : memref<10240xf32, #tpu.memory_space<vmem_shared>>) offsets(%dma_start3A_239 : memref<64xi32, #tpu.memory_space<vmem>>) semaphore(%arg21 : memref<!tpu.dma_semaphore, #tpu.memory_space<semaphore_mem>>) {add = true}
      } else {
      }
      %scan3A_177 = arith.constant 0 : i32
      scf.yield %scan3A_177 : i32
    }
    %scan3A_143 = arith.constant 157 : i32
    %lt3A = arith.constant 8 : i32
    %lt3A_144 = arith.cmpi slt, %add3A, %lt3A : i32
    %convert_element_type3A = arith.extui %lt3A_144 : i1 to i32
    %cond3A = arith.constant 0 : i32
    %cond3A_145 = arith.cmpi ne, %convert_element_type3A, %cond3A : i32
    scf.if %cond3A_145 {
      %dma_wait3A = arith.constant 0 : i32
      %dma_wait3A_155 = arith.constant 0 : i32
      %dma_wait3A_156 = tpu.memref_slice %arg10[%dma_wait3A, %dma_wait3A_155] : memref<3x64xi32, #tpu.memory_space<vmem>> -> memref<1x64xi32, #tpu.memory_space<vmem>>
      %dma_wait3A_157 = tpu.memref_squeeze %dma_wait3A_156 : memref<1x64xi32, #tpu.memory_space<vmem>> -> memref<64xi32, #tpu.memory_space<vmem>>
      %dma_wait3A_158 = arith.constant 0 : i32
      %dma_wait3A_159 = arith.constant 0 : i32
      %dma_wait3A_160 = tpu.memref_slice %arg17[%dma_wait3A_158, %dma_wait3A_159] : memref<10000x128xf32, #tpu.memory_space<vmem_shared>> -> memref<10000x128xf32, #tpu.memory_space<vmem_shared>>
      tpu.wait_indirect_dma semaphore(%arg21 : memref<!tpu.dma_semaphore, #tpu.memory_space<semaphore_mem>>) src(%arg13 : memref<64x128xf32, #tpu.memory_space<vmem>>) dst(%dma_wait3A_160 : memref<10000x128xf32, #tpu.memory_space<vmem_shared>>)
      %dma_wait3A_161 = arith.constant 0 : i32
      %dma_wait3A_162 = arith.constant 0 : i32
      %dma_wait3A_163 = arith.constant 0 : i32
      %dma_wait3A_164 = tpu.memref_slice %arg14[%dma_wait3A_161, %dma_wait3A_163] : memref<2x64xf32, #tpu.memory_space<vmem>> -> memref<1x64xf32, #tpu.memory_space<vmem>>
      %dma_wait3A_165 = tpu.memref_squeeze %dma_wait3A_164 : memref<1x64xf32, #tpu.memory_space<vmem>> -> memref<64xf32, #tpu.memory_space<vmem>>
      %dma_wait3A_166 = arith.constant 0 : i32
      %dma_wait3A_167 = tpu.memref_slice %arg10[%dma_wait3A_162, %dma_wait3A_166] : memref<3x64xi32, #tpu.memory_space<vmem>> -> memref<1x64xi32, #tpu.memory_space<vmem>>
      %dma_wait3A_168 = tpu.memref_squeeze %dma_wait3A_167 : memref<1x64xi32, #tpu.memory_space<vmem>> -> memref<64xi32, #tpu.memory_space<vmem>>
      %dma_wait3A_169 = arith.constant 0 : i32
      %dma_wait3A_170 = tpu.memref_slice %arg18[%dma_wait3A_169] : memref<10240xf32, #tpu.memory_space<vmem_shared>> -> memref<10240xf32, #tpu.memory_space<vmem_shared>>
      tpu.wait_indirect_dma semaphore(%arg21 : memref<!tpu.dma_semaphore, #tpu.memory_space<semaphore_mem>>) src(%dma_wait3A_165 : memref<64xf32, #tpu.memory_space<vmem>>) dst(%dma_wait3A_170 : memref<10240xf32, #tpu.memory_space<vmem_shared>>)
    } else {
    }
    %ge3A = arith.constant 8 : i32
    %ge3A_146 = arith.cmpi sge, %add3A, %ge3A : i32
    %convert_element_type3A_147 = arith.extui %ge3A_146 : i1 to i32
    %cond3A_148 = arith.constant 0 : i32
    %cond3A_149 = arith.cmpi ne, %convert_element_type3A_147, %cond3A_148 : i32
    scf.if %cond3A_149 {
      %dma_wait3A = arith.constant 2 : i32
      %dma_wait3A_155 = arith.constant 0 : i32
      %dma_wait3A_156 = tpu.memref_slice %arg10[%dma_wait3A, %dma_wait3A_155] : memref<3x64xi32, #tpu.memory_space<vmem>> -> memref<1x64xi32, #tpu.memory_space<vmem>>
      %dma_wait3A_157 = tpu.memref_squeeze %dma_wait3A_156 : memref<1x64xi32, #tpu.memory_space<vmem>> -> memref<64xi32, #tpu.memory_space<vmem>>
      %dma_wait3A_158 = arith.constant 0 : i32
      %dma_wait3A_159 = arith.constant 0 : i32
      %dma_wait3A_160 = tpu.memref_slice %arg17[%dma_wait3A_158, %dma_wait3A_159] : memref<10000x128xf32, #tpu.memory_space<vmem_shared>> -> memref<10000x128xf32, #tpu.memory_space<vmem_shared>>
      tpu.wait_indirect_dma semaphore(%arg21 : memref<!tpu.dma_semaphore, #tpu.memory_space<semaphore_mem>>) src(%arg13 : memref<64x128xf32, #tpu.memory_space<vmem>>) dst(%dma_wait3A_160 : memref<10000x128xf32, #tpu.memory_space<vmem_shared>>)
      %dma_wait3A_161 = arith.constant 1 : i32
      %dma_wait3A_162 = arith.constant 2 : i32
      %dma_wait3A_163 = arith.constant 0 : i32
      %dma_wait3A_164 = tpu.memref_slice %arg14[%dma_wait3A_161, %dma_wait3A_163] : memref<2x64xf32, #tpu.memory_space<vmem>> -> memref<1x64xf32, #tpu.memory_space<vmem>>
      %dma_wait3A_165 = tpu.memref_squeeze %dma_wait3A_164 : memref<1x64xf32, #tpu.memory_space<vmem>> -> memref<64xf32, #tpu.memory_space<vmem>>
      %dma_wait3A_166 = arith.constant 0 : i32
      %dma_wait3A_167 = tpu.memref_slice %arg10[%dma_wait3A_162, %dma_wait3A_166] : memref<3x64xi32, #tpu.memory_space<vmem>> -> memref<1x64xi32, #tpu.memory_space<vmem>>
      %dma_wait3A_168 = tpu.memref_squeeze %dma_wait3A_167 : memref<1x64xi32, #tpu.memory_space<vmem>> -> memref<64xi32, #tpu.memory_space<vmem>>
      %dma_wait3A_169 = arith.constant 0 : i32
      %dma_wait3A_170 = tpu.memref_slice %arg18[%dma_wait3A_169] : memref<10240xf32, #tpu.memory_space<vmem_shared>> -> memref<10240xf32, #tpu.memory_space<vmem_shared>>
      tpu.wait_indirect_dma semaphore(%arg21 : memref<!tpu.dma_semaphore, #tpu.memory_space<semaphore_mem>>) src(%dma_wait3A_165 : memref<64xf32, #tpu.memory_space<vmem>>) dst(%dma_wait3A_170 : memref<10240xf32, #tpu.memory_space<vmem_shared>>)
    } else {
    }
    %barrier3A_150 = arith.constant 0 : index
    tpu.barrier barrier_id(%barrier3A_150)
    "tpu.region"() ({
      %run_scoped3A_155 = tpu.sem_alloc : memref<!tpu.dma_semaphore, #tpu.memory_space<semaphore_mem>>
      %dma_start3A_156 = arith.constant 0 : i32
      %dma_start3A_157 = arith.constant 0 : i32
      %dma_start3A_158 = tpu.memref_slice %arg7[%arg0, %dma_start3A_156, %dma_start3A_157] : memref<2x10000x128xf32, #tpu.memory_space<hbm>> -> memref<1x10000x128xf32, #tpu.memory_space<hbm>>
      %dma_start3A_159 = tpu.memref_squeeze %dma_start3A_158 : memref<1x10000x128xf32, #tpu.memory_space<hbm>> -> memref<10000x128xf32, #tpu.memory_space<hbm>>
      %dma_start3A_160 = arith.constant 0 : i32
      %dma_start3A_161 = tpu.memref_slice %dma_start3A_159[%mul3A_88, %dma_start3A_160] : memref<10000x128xf32, #tpu.memory_space<hbm>> -> memref<640x128xf32, #tpu.memory_space<hbm>>
      %dma_start3A_162 = arith.constant 0 : i32
      %dma_start3A_163 = tpu.memref_slice %arg17[%mul3A_88, %dma_start3A_162] : memref<10000x128xf32, #tpu.memory_space<vmem_shared>> -> memref<640x128xf32, #tpu.memory_space<vmem_shared>>
      tpu.enqueue_dma source(%dma_start3A_163 : memref<640x128xf32, #tpu.memory_space<vmem_shared>>) target(%dma_start3A_161 : memref<640x128xf32, #tpu.memory_space<hbm>>) target_semaphore(%run_scoped3A_155 : memref<!tpu.dma_semaphore, #tpu.memory_space<semaphore_mem>>)
      %dma_wait3A = arith.constant 0 : i32
      %dma_wait3A_164 = arith.constant 0 : i32
      %dma_wait3A_165 = tpu.memref_slice %arg7[%arg0, %dma_wait3A, %dma_wait3A_164] : memref<2x10000x128xf32, #tpu.memory_space<hbm>> -> memref<1x10000x128xf32, #tpu.memory_space<hbm>>
      %dma_wait3A_166 = tpu.memref_squeeze %dma_wait3A_165 : memref<1x10000x128xf32, #tpu.memory_space<hbm>> -> memref<10000x128xf32, #tpu.memory_space<hbm>>
      %dma_wait3A_167 = arith.constant 0 : i32
      %dma_wait3A_168 = tpu.memref_slice %dma_wait3A_166[%mul3A_88, %dma_wait3A_167] : memref<10000x128xf32, #tpu.memory_space<hbm>> -> memref<640x128xf32, #tpu.memory_space<hbm>>
      %dma_wait3A_169 = arith.constant 0 : i32
      %dma_wait3A_170 = tpu.memref_slice %arg17[%mul3A_88, %dma_wait3A_169] : memref<10000x128xf32, #tpu.memory_space<vmem_shared>> -> memref<640x128xf32, #tpu.memory_space<vmem_shared>>
      tpu.wait_dma2 semaphore(%run_scoped3A_155 : memref<!tpu.dma_semaphore, #tpu.memory_space<semaphore_mem>>) src(%dma_wait3A_170 : memref<640x128xf32, #tpu.memory_space<vmem_shared>>) dst(%dma_wait3A_168 : memref<640x128xf32, #tpu.memory_space<hbm>>)
      tpu.yield
    }) : () -> ()
    %mul3A_151 = arith.constant 640 : i32
    %mul3A_152 = arith.muli %arg1, %mul3A_151 : i32
    %mul3A_153 = arith.constant 640 : i32
    %mul3A_154 = arith.muli %arg1, %mul3A_153 : i32
    "tpu.region"() ({
      %run_scoped3A_155 = tpu.sem_alloc : memref<!tpu.dma_semaphore, #tpu.memory_space<semaphore_mem>>
      %dma_start3A_156 = arith.constant 0 : i32
      %dma_start3A_157 = tpu.memref_slice %arg8[%arg0, %dma_start3A_156] : memref<2x10240xf32, #tpu.memory_space<hbm>> -> memref<1x10240xf32, #tpu.memory_space<hbm>>
      %dma_start3A_158 = tpu.memref_squeeze %dma_start3A_157 : memref<1x10240xf32, #tpu.memory_space<hbm>> -> memref<10240xf32, #tpu.memory_space<hbm>>
      %dma_start3A_159 = tpu.memref_slice %dma_start3A_158[%mul3A_154] : memref<10240xf32, #tpu.memory_space<hbm>> -> memref<640xf32, #tpu.memory_space<hbm>>
      %dma_start3A_160 = tpu.memref_slice %arg18[%mul3A_152] : memref<10240xf32, #tpu.memory_space<vmem_shared>> -> memref<640xf32, #tpu.memory_space<vmem_shared>>
      tpu.enqueue_dma source(%dma_start3A_160 : memref<640xf32, #tpu.memory_space<vmem_shared>>) target(%dma_start3A_159 : memref<640xf32, #tpu.memory_space<hbm>>) target_semaphore(%run_scoped3A_155 : memref<!tpu.dma_semaphore, #tpu.memory_space<semaphore_mem>>)
      %dma_wait3A = arith.constant 0 : i32
      %dma_wait3A_161 = tpu.memref_slice %arg8[%arg0, %dma_wait3A] : memref<2x10240xf32, #tpu.memory_space<hbm>> -> memref<1x10240xf32, #tpu.memory_space<hbm>>
      %dma_wait3A_162 = tpu.memref_squeeze %dma_wait3A_161 : memref<1x10240xf32, #tpu.memory_space<hbm>> -> memref<10240xf32, #tpu.memory_space<hbm>>
      %dma_wait3A_163 = tpu.memref_slice %dma_wait3A_162[%mul3A_154] : memref<10240xf32, #tpu.memory_space<hbm>> -> memref<640xf32, #tpu.memory_space<hbm>>
      %dma_wait3A_164 = tpu.memref_slice %arg18[%mul3A_152] : memref<10240xf32, #tpu.memory_space<vmem_shared>> -> memref<640xf32, #tpu.memory_space<vmem_shared>>
      tpu.wait_dma2 semaphore(%run_scoped3A_155 : memref<!tpu.dma_semaphore, #tpu.memory_space<semaphore_mem>>) src(%dma_wait3A_164 : memref<640xf32, #tpu.memory_space<vmem_shared>>) dst(%dma_wait3A_163 : memref<640xf32, #tpu.memory_space<hbm>>)
      tpu.yield
    }) : () -> ()
    return
  }
}

module attributes {stable_mosaic.version = 14 : i64} {
  func.func @_proj_body(%arg0: i32, %arg1: memref<1000x128xf32, #tpu.memory_space<vmem>>, %arg2: memref<128x128xf32, #tpu.memory_space<vmem>>, %arg3: memref<128x128xf32, #tpu.memory_space<vmem>>, %arg4: memref<128x128xf32, #tpu.memory_space<vmem>>, %arg5: memref<128x128xf32, #tpu.memory_space<vmem>>, %arg6: memref<1x128xf32, #tpu.memory_space<vmem>>, %arg7: memref<1x128xf32, #tpu.memory_space<vmem>>, %arg8: memref<1x128xf32, #tpu.memory_space<vmem>>, %arg9: memref<1x128xf32, #tpu.memory_space<vmem>>, %arg10: memref<1000x128xf32, #tpu.memory_space<vmem>>, %arg11: memref<1000x128xf32, #tpu.memory_space<vmem>>, %arg12: memref<1000x128xf32, #tpu.memory_space<vmem>>, %arg13: memref<1000x128xf32, #tpu.memory_space<vmem>>) attributes {dimension_semantics = [#tpu.dimension_semantics<arbitrary>], iteration_bounds = array<i64: 10>, scalar_prefetch = 0 : i64, scratch_operands = 0 : i64, tpu.core_type = #tpu.core_type<tc>, window_params = [{transform_indices = @transform_0, window_bounds = array<i64: 1000, 128>}, {pipeline_mode = #tpu.pipeline_mode<synchronous>, transform_indices = @transform_1, window_bounds = array<i64: 128, 128>}, {pipeline_mode = #tpu.pipeline_mode<synchronous>, transform_indices = @transform_2, window_bounds = array<i64: 128, 128>}, {pipeline_mode = #tpu.pipeline_mode<synchronous>, transform_indices = @transform_3, window_bounds = array<i64: 128, 128>}, {pipeline_mode = #tpu.pipeline_mode<synchronous>, transform_indices = @transform_4, window_bounds = array<i64: 128, 128>}, {pipeline_mode = #tpu.pipeline_mode<synchronous>, transform_indices = @transform_5, window_bounds = array<i64: 1, 128>}, {pipeline_mode = #tpu.pipeline_mode<synchronous>, transform_indices = @transform_6, window_bounds = array<i64: 1, 128>}, {pipeline_mode = #tpu.pipeline_mode<synchronous>, transform_indices = @transform_7, window_bounds = array<i64: 1, 128>}, {pipeline_mode = #tpu.pipeline_mode<synchronous>, transform_indices = @transform_8, window_bounds = array<i64: 1, 128>}, {transform_indices = @transform_9, window_bounds = array<i64: 1000, 128>}, {transform_indices = @transform_10, window_bounds = array<i64: 1000, 128>}, {transform_indices = @transform_11, window_bounds = array<i64: 1000, 128>}, {transform_indices = @transform_12, window_bounds = array<i64: 1000, 128>}]} {
    %get3A = arith.constant 0 : index
    %get3A_0 = arith.constant 0 : index
    %get3A_1 = vector.load %arg1[%get3A, %get3A_0] : memref<1000x128xf32, #tpu.memory_space<vmem>>, vector<1000x128xf32>
    %get3A_2 = arith.constant 0 : index
    %get3A_3 = arith.constant 0 : index
    %get3A_4 = vector.load %arg2[%get3A_2, %get3A_3] : memref<128x128xf32, #tpu.memory_space<vmem>>, vector<128x128xf32>
    %dot_general3A = arith.constant dense<0.000000e+00> : vector<1000x128xf32>
    %dot_general3A_5 = tpu.matmul %get3A_1, %get3A_4, %dot_general3A {dimension_numbers = #tpu.dot_dimension_numbers<[1], [0], [0], [1], [0, 0, 1, 1], [], []>, transpose_lhs_hint = false} : vector<1000x128xf32>, vector<128x128xf32>, vector<1000x128xf32> -> vector<1000x128xf32>
    %get3A_6 = arith.constant 0 : index
    %get3A_7 = arith.constant 0 : index
    %get3A_8 = vector.load %arg6[%get3A_6, %get3A_7] : memref<1x128xf32, #tpu.memory_space<vmem>>, vector<1x128xf32>
    %add3A = vector.broadcast %get3A_8 : vector<1x128xf32> to vector<1000x128xf32>
    %add3A_9 = arith.addf %dot_general3A_5, %add3A : vector<1000x128xf32>
    %swap3A = arith.constant 0 : index
    %swap3A_10 = arith.constant 0 : index
    %swap3A_11 = vector.load %arg10[%swap3A, %swap3A_10] : memref<1000x128xf32, #tpu.memory_space<vmem>>, vector<1000x128xf32>
    tpu.vector_store %arg10[%swap3A, %swap3A_10], %add3A_9 {strides = array<i32>} : memref<1000x128xf32, #tpu.memory_space<vmem>>, vector<1000x128xf32>,
    %get3A_12 = arith.constant 0 : index
    %get3A_13 = arith.constant 0 : index
    %get3A_14 = vector.load %arg3[%get3A_12, %get3A_13] : memref<128x128xf32, #tpu.memory_space<vmem>>, vector<128x128xf32>
    %dot_general3A_15 = arith.constant dense<0.000000e+00> : vector<1000x128xf32>
    %dot_general3A_16 = tpu.matmul %get3A_1, %get3A_14, %dot_general3A_15 {dimension_numbers = #tpu.dot_dimension_numbers<[1], [0], [0], [1], [0, 0, 1, 1], [], []>, transpose_lhs_hint = false} : vector<1000x128xf32>, vector<128x128xf32>, vector<1000x128xf32> -> vector<1000x128xf32>
    %get3A_17 = arith.constant 0 : index
    %get3A_18 = arith.constant 0 : index
    %get3A_19 = vector.load %arg7[%get3A_17, %get3A_18] : memref<1x128xf32, #tpu.memory_space<vmem>>, vector<1x128xf32>
    %add3A_20 = vector.broadcast %get3A_19 : vector<1x128xf32> to vector<1000x128xf32>
    %add3A_21 = arith.addf %dot_general3A_16, %add3A_20 : vector<1000x128xf32>
    %swap3A_22 = arith.constant 0 : index
    %swap3A_23 = arith.constant 0 : index
    %swap3A_24 = vector.load %arg11[%swap3A_22, %swap3A_23] : memref<1000x128xf32, #tpu.memory_space<vmem>>, vector<1000x128xf32>
    tpu.vector_store %arg11[%swap3A_22, %swap3A_23], %add3A_21 {strides = array<i32>} : memref<1000x128xf32, #tpu.memory_space<vmem>>, vector<1000x128xf32>,
    %get3A_25 = arith.constant 0 : index
    %get3A_26 = arith.constant 0 : index
    %get3A_27 = vector.load %arg4[%get3A_25, %get3A_26] : memref<128x128xf32, #tpu.memory_space<vmem>>, vector<128x128xf32>
    %dot_general3A_28 = arith.constant dense<0.000000e+00> : vector<1000x128xf32>
    %dot_general3A_29 = tpu.matmul %get3A_1, %get3A_27, %dot_general3A_28 {dimension_numbers = #tpu.dot_dimension_numbers<[1], [0], [0], [1], [0, 0, 1, 1], [], []>, transpose_lhs_hint = false} : vector<1000x128xf32>, vector<128x128xf32>, vector<1000x128xf32> -> vector<1000x128xf32>
    %get3A_30 = arith.constant 0 : index
    %get3A_31 = arith.constant 0 : index
    %get3A_32 = vector.load %arg8[%get3A_30, %get3A_31] : memref<1x128xf32, #tpu.memory_space<vmem>>, vector<1x128xf32>
    %add3A_33 = vector.broadcast %get3A_32 : vector<1x128xf32> to vector<1000x128xf32>
    %add3A_34 = arith.addf %dot_general3A_29, %add3A_33 : vector<1000x128xf32>
    %swap3A_35 = arith.constant 0 : index
    %swap3A_36 = arith.constant 0 : index
    %swap3A_37 = vector.load %arg12[%swap3A_35, %swap3A_36] : memref<1000x128xf32, #tpu.memory_space<vmem>>, vector<1000x128xf32>
    tpu.vector_store %arg12[%swap3A_35, %swap3A_36], %add3A_34 {strides = array<i32>} : memref<1000x128xf32, #tpu.memory_space<vmem>>, vector<1000x128xf32>,
    %get3A_38 = arith.constant 0 : index
    %get3A_39 = arith.constant 0 : index
    %get3A_40 = vector.load %arg5[%get3A_38, %get3A_39] : memref<128x128xf32, #tpu.memory_space<vmem>>, vector<128x128xf32>
    %dot_general3A_41 = arith.constant dense<0.000000e+00> : vector<1000x128xf32>
    %dot_general3A_42 = tpu.matmul %get3A_1, %get3A_40, %dot_general3A_41 {dimension_numbers = #tpu.dot_dimension_numbers<[1], [0], [0], [1], [0, 0, 1, 1], [], []>, transpose_lhs_hint = false} : vector<1000x128xf32>, vector<128x128xf32>, vector<1000x128xf32> -> vector<1000x128xf32>
    %get3A_43 = arith.constant 0 : index
    %get3A_44 = arith.constant 0 : index
    %get3A_45 = vector.load %arg9[%get3A_43, %get3A_44] : memref<1x128xf32, #tpu.memory_space<vmem>>, vector<1x128xf32>
    %add3A_46 = vector.broadcast %get3A_45 : vector<1x128xf32> to vector<1000x128xf32>
    %add3A_47 = arith.addf %dot_general3A_42, %add3A_46 : vector<1000x128xf32>
    %swap3A_48 = arith.constant 0 : index
    %swap3A_49 = arith.constant 0 : index
    %swap3A_50 = vector.load %arg13[%swap3A_48, %swap3A_49] : memref<1000x128xf32, #tpu.memory_space<vmem>>, vector<1000x128xf32>
    tpu.vector_store %arg13[%swap3A_48, %swap3A_49], %add3A_47 {strides = array<i32>} : memref<1000x128xf32, #tpu.memory_space<vmem>>, vector<1000x128xf32>,
    return
  }
  func.func @transform_0(%arg0: i32) -> (i32, i32) {
    %c0_i32 = arith.constant 0 : i32
    %c0_i32_0 = arith.constant 0 : i32
    return %arg0, %c0_i32 : i32, i32
  }
  func.func @transform_1(%arg0: i32) -> (i32, i32) {
    %c0_i32 = arith.constant 0 : i32
    %c0_i32_0 = arith.constant 0 : i32
    %c0_i32_1 = arith.constant 0 : i32
    return %c0_i32, %c0_i32_0 : i32, i32
  }
  func.func @transform_2(%arg0: i32) -> (i32, i32) {
    %c0_i32 = arith.constant 0 : i32
    %c0_i32_0 = arith.constant 0 : i32
    %c0_i32_1 = arith.constant 0 : i32
    return %c0_i32, %c0_i32_0 : i32, i32
  }
  func.func @transform_3(%arg0: i32) -> (i32, i32) {
    %c0_i32 = arith.constant 0 : i32
    %c0_i32_0 = arith.constant 0 : i32
    %c0_i32_1 = arith.constant 0 : i32
    return %c0_i32, %c0_i32_0 : i32, i32
  }
  func.func @transform_4(%arg0: i32) -> (i32, i32) {
    %c0_i32 = arith.constant 0 : i32
    %c0_i32_0 = arith.constant 0 : i32
    %c0_i32_1 = arith.constant 0 : i32
    return %c0_i32, %c0_i32_0 : i32, i32
  }
  func.func @transform_5(%arg0: i32) -> (i32, i32) {
    %c0_i32 = arith.constant 0 : i32
    %c0_i32_0 = arith.constant 0 : i32
    %c0_i32_1 = arith.constant 0 : i32
    return %c0_i32, %c0_i32_0 : i32, i32
  }
  func.func @transform_6(%arg0: i32) -> (i32, i32) {
    %c0_i32 = arith.constant 0 : i32
    %c0_i32_0 = arith.constant 0 : i32
    %c0_i32_1 = arith.constant 0 : i32
    return %c0_i32, %c0_i32_0 : i32, i32
  }
  func.func @transform_7(%arg0: i32) -> (i32, i32) {
    %c0_i32 = arith.constant 0 : i32
    %c0_i32_0 = arith.constant 0 : i32
    %c0_i32_1 = arith.constant 0 : i32
    return %c0_i32, %c0_i32_0 : i32, i32
  }
  func.func @transform_8(%arg0: i32) -> (i32, i32) {
    %c0_i32 = arith.constant 0 : i32
    %c0_i32_0 = arith.constant 0 : i32
    %c0_i32_1 = arith.constant 0 : i32
    return %c0_i32, %c0_i32_0 : i32, i32
  }
  func.func @transform_9(%arg0: i32) -> (i32, i32) {
    %c0_i32 = arith.constant 0 : i32
    %c0_i32_0 = arith.constant 0 : i32
    return %arg0, %c0_i32 : i32, i32
  }
  func.func @transform_10(%arg0: i32) -> (i32, i32) {
    %c0_i32 = arith.constant 0 : i32
    %c0_i32_0 = arith.constant 0 : i32
    return %arg0, %c0_i32 : i32, i32
  }
  func.func @transform_11(%arg0: i32) -> (i32, i32) {
    %c0_i32 = arith.constant 0 : i32
    %c0_i32_0 = arith.constant 0 : i32
    return %arg0, %c0_i32 : i32, i32
  }
  func.func @transform_12(%arg0: i32) -> (i32, i32) {
    %c0_i32 = arith.constant 0 : i32
    %c0_i32_0 = arith.constant 0 : i32
    return %arg0, %c0_i32 : i32, i32
  }
}

module attributes {stable_mosaic.version = 14 : i64} {
  func.func @_finish_body(%arg0: memref<2x10000x128xf32, #tpu.memory_space<vmem>>, %arg1: memref<2x10000x1xf32, #tpu.memory_space<vmem>>, %arg2: memref<10000x128xf32, #tpu.memory_space<vmem>>, %arg3: memref<1x10000xi32, #tpu.memory_space<vmem>>, %arg4: memref<64x128xf32, #tpu.memory_space<vmem>>) attributes {dimension_semantics = [], scalar_prefetch = 0 : i64, scratch_operands = 0 : i64, tpu.core_type = #tpu.core_type<tc>} {
    %get3A = arith.constant 0 : index
    %get3A_0 = arith.constant 0 : index
    %get3A_1 = arith.constant 0 : index
    %get3A_2 = vector.load %arg0[%get3A, %get3A_0, %get3A_1] : memref<2x10000x128xf32, #tpu.memory_space<vmem>>, vector<1x10000x128xf32>
    %get3A_3 = vector.shape_cast %get3A_2 : vector<1x10000x128xf32> to vector<10000x128xf32>
    %get3A_4 = arith.constant 1 : index
    %get3A_5 = arith.constant 0 : index
    %get3A_6 = arith.constant 0 : index
    %get3A_7 = vector.load %arg0[%get3A_4, %get3A_5, %get3A_6] : memref<2x10000x128xf32, #tpu.memory_space<vmem>>, vector<1x10000x128xf32>
    %get3A_8 = vector.shape_cast %get3A_7 : vector<1x10000x128xf32> to vector<10000x128xf32>
    %add3A = arith.addf %get3A_3, %get3A_8 : vector<10000x128xf32>
    %get3A_9 = arith.constant 0 : index
    %get3A_10 = arith.constant 0 : index
    %get3A_11 = arith.constant 0 : index
    %get3A_12 = vector.load %arg1[%get3A_9, %get3A_10, %get3A_11] : memref<2x10000x1xf32, #tpu.memory_space<vmem>>, vector<1x10000x1xf32>
    %get3A_13 = vector.shape_cast %get3A_12 : vector<1x10000x1xf32> to vector<10000x1xf32>
    %get3A_14 = arith.constant 1 : index
    %get3A_15 = arith.constant 0 : index
    %get3A_16 = arith.constant 0 : index
    %get3A_17 = vector.load %arg1[%get3A_14, %get3A_15, %get3A_16] : memref<2x10000x1xf32, #tpu.memory_space<vmem>>, vector<1x10000x1xf32>
    %get3A_18 = vector.shape_cast %get3A_17 : vector<1x10000x1xf32> to vector<10000x1xf32>
    %add3A_19 = arith.addf %get3A_13, %get3A_18 : vector<10000x1xf32>
    %add3A_20 = arith.constant 1.000000e-16 : f32
    %add3A_21 = vector.broadcast %add3A_20 : f32 to vector<10000x1xf32>
    %add3A_22 = arith.addf %add3A_19, %add3A_21 : vector<10000x1xf32>
    %div3A = vector.broadcast %add3A_22 : vector<10000x1xf32> to vector<10000x128xf32>
    %div3A_23 = arith.divf %add3A, %div3A : vector<10000x128xf32>
    %get3A_24 = arith.constant 0 : index
    %get3A_25 = arith.constant 0 : index
    %get3A_26 = vector.load %arg2[%get3A_24, %get3A_25] : memref<10000x128xf32, #tpu.memory_space<vmem>>, vector<10000x128xf32>
    %add3A_27 = arith.addf %div3A_23, %get3A_26 : vector<10000x128xf32>
    %max3A = arith.constant 0.000000e+00 : f32
    %max3A_28 = vector.broadcast %max3A : f32 to vector<10000x128xf32>
    %max3A_29 = arith.maximumf %add3A_27, %max3A_28 : vector<10000x128xf32>
    %get3A_30 = arith.constant 0 : index
    %get3A_31 = arith.constant 0 : index
    %get3A_32 = vector.load %arg3[%get3A_30, %get3A_31] : memref<1x10000xi32, #tpu.memory_space<vmem>>, vector<1x10000xi32>
    %iota3A = tpu.iota {dimensions = array<i32: 0>} : vector<64x10000xi32>
    %eq3A = vector.broadcast %get3A_32 : vector<1x10000xi32> to vector<64x10000xi32>
    %eq3A_33 = arith.cmpi eq, %eq3A, %iota3A : vector<64x10000xi32>
    %convert_element_type3A = arith.extui %eq3A_33 : vector<64x10000xi1> to vector<64x10000xi32>
    %convert_element_type3A_34 = arith.sitofp %convert_element_type3A : vector<64x10000xi32> to vector<64x10000xf32>
    %reduce_sum3A = arith.constant dense<0.000000e+00> : vector<64xf32>
    %reduce_sum3A_35 = vector.multi_reduction <add>, %convert_element_type3A_34, %reduce_sum3A [1] : vector<64x10000xf32> to vector<64xf32>
    %broadcast_in_dim3A = vector.shape_cast %reduce_sum3A_35 : vector<64xf32> to vector<64x1xf32>
    %dot_general3A = arith.constant dense<0.000000e+00> : vector<64x128xf32>
    %dot_general3A_36 = tpu.matmul %convert_element_type3A_34, %max3A_29, %dot_general3A {dimension_numbers = #tpu.dot_dimension_numbers<[1], [0], [0], [1], [0, 0, 1, 1], [], []>, transpose_lhs_hint = false} : vector<64x10000xf32>, vector<10000x128xf32>, vector<64x128xf32> -> vector<64x128xf32>
    %max3A_37 = arith.constant 1.000000e+00 : f32
    %max3A_38 = vector.broadcast %max3A_37 : f32 to vector<64x1xf32>
    %max3A_39 = arith.maximumf %broadcast_in_dim3A, %max3A_38 : vector<64x1xf32>
    %div3A_40 = vector.broadcast %max3A_39 : vector<64x1xf32> to vector<64x128xf32>
    %div3A_41 = arith.divf %dot_general3A_36, %div3A_40 : vector<64x128xf32>
    %swap3A = arith.constant 0 : index
    %swap3A_42 = arith.constant 0 : index
    %swap3A_43 = vector.load %arg4[%swap3A, %swap3A_42] : memref<64x128xf32, #tpu.memory_space<vmem>>, vector<64x128xf32>
    tpu.vector_store %arg4[%swap3A, %swap3A_42], %div3A_41 {strides = array<i32>} : memref<64x128xf32, #tpu.memory_space<vmem>>, vector<64x128xf32>,
    return
  }
}

</mosaic_0001>

<sc_bundles>
// kernel: kernel.5.cloned.1.call-start
scs
__scs_entry_jumppad:
0x0: {  	(pc) =	sbr.rel $0x88, $3  }
0x1: {  	(tag) =	ssettag $0x0;
	lr =	simm.s32 $0x1  }
0x2: {  	[smem:$0x3F96] =	sst lr;
	_ =	strace $0xD0000000  }
0x3: {  	_ = 	snop  }
0x4: {  	_ = 	snop  }
0x5: {  	_ = 	snop  }
0x6: {  	_ = 	snop  }
0x7: {  	_ = 	snop  }
__scs_overlays_trampoline_lowered:
0x8: {  	[smem:$0x3FA5] =	sst s0  }
0x9: {  	[smem:$0x3FA6] =	sst s1  }
0xa: {  	[smem:$0x3FA7] =	sst s2  }
0xb: {  	[smem:$0x3FA8] =	sst s3  }
0xc: {  	[smem:$0x3FA9] =	sst s4  }
0xd: {  	[smem:$0x3FAA] =	sst s5  }
0xe: {  	[smem:$0x3FAB] =	sst s6  }
0xf: {  	[smem:$0x3FAC] =	sst s7  }
0x10: {  	[smem:$0x3FAD] =	sst s8  }
0x11: {  	[smem:$0x3FAE] =	sst s9;
	s0 =	simm.s32 @!p0 $0x0  }
0x12: {  	s1 =	sld [smem:$0x3F94];
	s0 =	simm.s32 @p0 $0x1  }
0x13: {  	[smem:$0x3FAF] =	sst s0;
	s0 =	simm.s32 @!p1 $0x0  }
0x14: {  	s2 =	sld [smem:$0x3F93];
	s0 =	simm.s32 @p1 $0x1  }
0x15: {  	[smem:$0x3FB0] =	sst s0;
	s0 =	simm.s32 @!p2 $0x0  }
0x16: {  	s3 =	sld [smem:$0x3FDB];
	s0 =	simm.s32 @p2 $0x1  }
0x17: {  	s4 =	simm.s32 $0x1BF5;
	[smem:$0x3FB2] =	sst s0  }
0x18: {  	s0 =	sld [smem:$0x3F95];
	_ =	swait.ge [sflag:s4], $0x0  }
0x19: {  	s7 =	sld [smem:$0x3F96]  }
0x1a: {  	s8 =	sadd.s32 $0xFFFFE003, lr  }
0x1b: {  	s9 =	sadd.s32 $0xFFFFFEF7, lr;
	s5 =	simm.s32 $0xFFFFFFFF;
	p2 =	slt.u32 s8, $0xFFFFF086  }
0x1c: {  	p1 =	slt.u32 s9, $0xF7A;
	s5 =	simm.s32 @!p2 $0x0  }
0x1d: {  	s5 =	simm.s32 @p1 $0x1;
	p0 =	seq.s32 s7, s2  }
0x1e: {  	s7 =	smul.u32 @!p0 $0xF7A, s2;
	p2 =	seq.s32 @!p0 s5, $0x0  }
0x1f: {  	s9 =	smul.u32 $0xF7A, s1;
	s8 =	simm.s32 @!p0 $0x1BF5;
	p2 =	por !p2, p0  }
0x20: {  	[sflag:s8] =	ssyncset.s32 @!p0 $0xFFFFF086;
	s6 =	sadd.s32 @!p0 s3, s7;
	s7 =	simm.s32 @!p0 $0x108  }
0x21: {  	s3 =	sadd.s32 s3, s9;
	s6 =	sadd.s32 @!p0 $0x88, s6;
	s7 =	simm.s32 @p2 $0x1082  }
0x22: {  	[simem:s7], [sflag:s8] =	dma.local @!p0 [hbm:s6], $0xF7A  }
0x23: {  	s9 =	sor.u32 $0xD0000000, s2;
	s6 =	simm.s32 $0x108;
	_ =	swait.ge @!p0 [sflag:s8], $0x0  }
0x24: {  	s3 =	sadd.s32 $0x88, s3;
	s6 =	simm.s32 @!p1 $0x1082;
	[sflag:s4] =	ssyncset.s32 $0xFFFFF086  }
0x25: {  	[simem:s6], [sflag:s4] =	dma.local [hbm:s3], $0xF7A  }
0x26: {  	[smem:$0x3F96] =	sst s1;
	(tag) =	ssettag s2;
	_ =	strace s9  }
0x27: {  	s1 =	sld [smem:$0x3FA6]  }
0x28: {  	s2 =	sld [smem:$0x3FA7]  }
0x29: {  	s4 =	sld [smem:$0x3FA9]  }
0x2a: {  	p0 =	seq.s32 s5, $0x0;
	s5 =	sld [smem:$0x3FAA]  }
0x2b: {  	s6 =	sld [smem:$0x3FAB]  }
0x2c: {  	s7 =	sld [smem:$0x3FAC]  }
0x2d: {  	s3 =	simm.s32 $0x108;
	s8 =	sld [smem:$0x3FAD]  }
0x2e: {  	s3 =	simm.s32 @!p0 $0x1082;
	s9 =	sld [smem:$0x3FAE]  }
0x2f: {  	lr =	sadd.s32 s0, s3;
	s0 =	sld [smem:$0x3FA5]  }
0x30: {  	s3 =	sld [smem:$0x3FA8]  }
0x31: {  	[smem:$0x3FB1] =	sst s10  }
0x32: {  	s10 =	sld [smem:$0x3FAF];
	_ =	sdelay $0x3  }
0x33: {  	p0 =	seq.s32 s10, $0x1;
	s10 =	sld [smem:$0x3FB1];
	_ =	sdelay $0x3  }
0x34: {  	[smem:$0x3FB1] =	sst s10  }
0x35: {  	s10 =	sld [smem:$0x3FB0];
	_ =	sdelay $0x3  }
0x36: {  	p1 =	seq.s32 s10, $0x1;
	s10 =	sld [smem:$0x3FB1];
	_ =	sdelay $0x3  }
0x37: {  	[smem:$0x3FB1] =	sst s10  }
0x38: {  	s10 =	sld [smem:$0x3FB2]  }
0x39: {  	_ = 	snop;
	(pc) =	sbr.ind lr, $3  }
0x3a: {  	_ = 	snop  }
0x3b: {  	_ = 	snop  }
0x3c: {  	p2 =	seq.s32 s10, $0x1;
	s10 =	sld [smem:$0x3FB1]  }
0x3d: {  	_ =	shalt  }
0x3e: {  	_ =	shalt  }
0x3f: {  	_ =	shalt  }
0x40: {  	_ =	shalt  }
0x41: {  	_ =	shalt  }
0x42: {  	_ =	shalt  }
0x43: {  	_ =	shalt  }
0x44: {  	_ =	shalt  }
0x45: {  	_ =	shalt  }
0x46: {  	_ =	shalt  }
0x47: {  	_ =	shalt  }
0x48: {  	_ =	shalt  }
0x49: {  	_ =	shalt  }
0x4a: {  	_ =	shalt  }
0x4b: {  	_ =	shalt  }
0x4c: {  	_ =	shalt  }
0x4d: {  	_ =	shalt  }
0x4e: {  	_ =	shalt  }
0x4f: {  	_ =	shalt  }
0x50: {  	_ =	shalt  }
0x51: {  	_ =	shalt  }
0x52: {  	_ =	shalt  }
0x53: {  	_ =	shalt  }
0x54: {  	_ =	shalt  }
0x55: {  	_ =	shalt  }
0x56: {  	_ =	shalt  }
0x57: {  	_ =	shalt  }
0x58: {  	_ =	shalt  }
0x59: {  	_ =	shalt  }
0x5a: {  	_ =	shalt  }
0x5b: {  	_ =	shalt  }
0x5c: {  	_ =	shalt  }
0x5d: {  	_ =	shalt  }
0x5e: {  	_ =	shalt  }
0x5f: {  	_ =	shalt  }
0x60: {  	_ =	shalt  }
0x61: {  	_ =	shalt  }
0x62: {  	_ =	shalt  }
0x63: {  	_ =	shalt  }
0x64: {  	_ =	shalt  }
0x65: {  	_ =	shalt  }
0x66: {  	_ =	shalt  }
0x67: {  	_ =	shalt  }
0x68: {  	_ =	shalt  }
0x69: {  	_ =	shalt  }
0x6a: {  	_ =	shalt  }
0x6b: {  	_ =	shalt  }
0x6c: {  	_ =	shalt  }
0x6d: {  	_ =	shalt  }
0x6e: {  	_ =	shalt  }
0x6f: {  	_ =	shalt  }
0x70: {  	_ =	shalt  }
0x71: {  	_ =	shalt  }
0x72: {  	_ =	shalt  }
0x73: {  	_ =	shalt  }
0x74: {  	_ =	shalt  }
0x75: {  	_ =	shalt  }
0x76: {  	_ =	shalt  }
0x77: {  	_ =	shalt  }
0x78: {  	_ =	shalt  }
0x79: {  	_ =	shalt  }
0x7a: {  	_ =	shalt  }
0x7b: {  	_ =	shalt  }
0x7c: {  	_ =	shalt  }
0x7d: {  	_ =	shalt  }
0x7e: {  	_ =	shalt  }
0x7f: {  	_ =	shalt  }
0x80: {  	_ =	shalt  }
0x81: {  	_ =	shalt  }
0x82: {  	_ =	shalt  }
0x83: {  	_ =	shalt  }
0x84: {  	_ =	shalt  }
0x85: {  	_ =	shalt  }
0x86: {  	_ =	shalt  }
0x87: {  	_ =	shalt  }
.Lfunc_end0:
.L_simem_size_0:
called_computation_lowered:
.L_overlay_start_0:
0x88: {  	s2 =	sld [smem:$0x3FD9]  }
0x89: {  	s3 =	sld [smem:$0x3FFE];
	_ =	sdelay $0x1  }
0x8a: {  	s1 =	srdreg.scid  }
0x8b: {  	s0 =	sand.u32 $0x1, s1  }
0x8c: {  	s16 =	sshll.u32 s0, $0xA;
	s2 =	sadd.s32 s3, s2  }
0x8d: {  	s2 =	sadd.s32 s2, s16  }
0x8e: {  	[smem:$0x3FBD] =	sst s2  }
0x8f: {  	_ = 	snop  }
0x90: {  	(tm) =	ssettm $0x1  }
0x91: {  	s17 =	sld [smem:$0x3FFB];
	_ =	sdelay $0x3  }
0x92: {  	_ =	strace s17  }
0x93: {  	s2 =	sld [smem:$0x3FFC];
	_ =	sdelay $0x3  }
0x94: {  	_ =	strace s2  }
0x95: {  	s2 =	sld [smem:$0x3FFD];
	_ =	sdelay $0x3  }
0x96: {  	_ =	strace s2  }
0x97: {  	_ =	strace $0x8FFFFFFF  }
0x98: {  	s18 =	sld [smem:$0x3FDB];
	_ =	sdelay $0x1  }
0x99: {  	s19 =	simm.s32 $_scs_section_size  }
0x9a: {  	s4 =	simm.s32 $_size__tile_overlayer_lowered;
	s5 =	simm.s32 $_tile_overlayer_lowered  }
0x9b: {  	s22 =	simm.s32 $0x1BFF;
	s21 =	sshll.u32 s5, $0x1;
	s2 =	sadd.s32 s19, s18  }
0x9c: {  	s6 =	simm.s32 $0x0;
	s20 =	sshll.u32 s4, $0x1;
	s4 =	sadd.s32 s21, s2  }
0x9d: {  	[timem:s6], [sflag:s22] =	dma.local [hbm:s4], s20  }
0x9e: {  	_ =	swait.ge [sflag:s22], s20  }
0x9f: {  	s3 =	ssub.s32 $0x0, s20;
	[sflag:s22] =	ssyncset.done $0x0  }
0xa0: {  	[sflag:s22] =	ssyncadd.s32 s3;
	_ =	sdelay $0x1  }
0xa1: {  	s23 =	simm.s32 $0x1B8B  }
0xa2: {  	_ =	swait.ge [sflag:s23], $0x1  }
0xa3: {  	[sflag:s23] =	ssyncset.done $0x0  }
0xa4: {  	s25 =	simm.s32 $0x1B8E;
	s24 =	sld [smem:$0x3FFE];
	[sflag:s23] =	ssyncadd.s32 $0xFFFFFFFF  }
0xa5: {  	s26 =	simm.s32 $execute0_lowered;
	[smem:$0x3FD2] =	sst s25  }
0xa6: {  	s4 =	sshll.u32 s26, $0x1;
	_ =	strace $0x80000046;
	[dreg:$0x1] =	wrdreg $0xFFFFFFFF  }
0xa7: {  	s28 =	simm.s32 $_size_execute0_lowered;
	s2 =	sadd.s32 s2, s4;
	[dreg:$0x0] =	wrdreg $0x0  }
0xa8: {  	s4 =	sshll.u32 s28, $0x1;
	[dreg:$0x2] =	wrdreg s2  }
0xa9: {  	[dreg:$0x3] =	wrdreg s4  }
0xaa: {  	[dreg:$0x4] =	wrdreg $0xC0  }
0xab: {  	_ =	task [dreg:s6], $0x5FFFF  }
0xac: {  	[dreg:$0x1] =	wrdreg $0xFFFFFFFF  }
0xad: {  	[dreg:$0x0] =	wrdreg $0x60  }
0xae: {  	[dreg:$0x2] =	wrdreg s24  }
0xaf: {  	[dreg:$0x3] =	wrdreg $0xA8800  }
0xb0: {  	[dreg:$0x4] =	wrdreg $0x1E1000  }
0xb1: {  	[dreg:$0x5] =	wrdreg $0x9  }
0xb2: {  	_ =	task.clear_ibuf [dreg:s6], $0x6FFFF;
	_ =	strace $0x90000046  }
0xb3: {  	s29 =	simm.s32 $0x9;
	_ =	strace $0x80000048  }
0xb4: {  	_ =	swait.ge [sflag:s29], $0x1  }
0xb5: {  	[sflag:s29] =	ssyncadd.s32 $0xFFFFFFFF  }
0xb6: {  	_ =	strace $0x90000048  }
0xb7: {  	_ =	sfence  }
0xb8: {  	s30 =	sld [smem:$0x0];
	_ =	sdelay $0x2  }
0xb9: {  	s31 =	sshll.u32 s1, $0xD;
	s1 =	sshrl.u32 s1, $0x2  }
0xba: {  	s3 =	sand.u32 $0x4000, s31;
	s1 =	sadd.s32 s1, s30  }
0xbb: {  	s0 =	sor.u32 s3, s0;
	s1 =	sshll.u32 s1, $0x11  }
0xbc: {  	s0 =	sor.u32 s1, s0  }
0xbd: {  	s0 =	sadd.s32 $0x8F2B, s0  }
0xbe: {  	[sflag:s0] =	ssyncadd.remote.s32 $0x1  }
0xbf: {  	_ =	sfence.sel $0xFFFF  }
0xc0: {  	[dreg:$0x0] =	wrdreg $0xFFFFFFFF;
	(pc) =	sbr.abs _section_cstart, $3  }
0xc1: {  	[dreg:$0x1] =	wrdreg $0xFFFFFFFF  }
0xc2: {  	_ =	task.clear_ibuf [dreg:s6], $0x2FFFF;
	_ =	strace $0x9FFFFFFF  }
0xc3: {  	(tm) =	ssettm $0x7FFFFFFF  }
tec
execute0_lowered:
.L_overlay_start_1:
0x0: {  	(tag) =	ssettag $0x1  }
0x1: {  	s0 =	rddreg [dreg:$0x0]  }
0x2: {  	s6 =	rddreg [dreg:$0x1]  }
0x3: {  	s7 =	rddreg [dreg:$0x2];
	s1 =	simm.s32 $0x0  }
0x4: {  	s2 =	simm.s32 $0x0;
	s8 =	srdreg.scid;
	[dreg:$0x4] =	wrdreg s1  }
0x5: {  	[smem:$0x7FF] =	sst s2;
	s9 =	sadd.s32 $0x15800, s0;
	s10 =	sadd.s32 $0x3CA00, s0  }
0x6: {  	s1 =	sand.u32 $0x1, s8;
	_ =	strace $0x80000047;
	[dreg:$0x5] =	wrdreg s9  }
0x7: {  	s11 =	sadd.s32 $0x63C00, s0;
	s8 =	stileid.u32;
	[dreg:$0x6] =	wrdreg s10  }
0x8: {  	[dreg:$0x7] =	wrdreg s11;
	s12 =	smul.u32 $0x27100, s1  }
0x9: {  	s9 =	sadd.s32 $0xBA00, s0;
	s10 =	sadd.s32 $0x1C00, s0;
	s3 =	smul.u32 $0x4E000, s8  }
0xa: {  	s4 =	sshll.u32 s1, $0x4;
	s5 =	ssub.s32 $0x2, s1;
	s14 =	sshll.u32 s8, $0x1  }
0xb: {  	s19 =	smul.u32 $0xA00, s8;
	s13 =	sshrl.u32 s5, $0x1;
	[dreg:$0x8] =	wrdreg s9  }
0xc: {  	[dreg:$0x9] =	wrdreg s10;
	s2 =	sadd.s32 s12, s0;
	s0 =	sadd.s32 s4, s0  }
0xd: {  	s4 =	ssub.s32 s5, s13;
	s5 =	sor.u32 s1, s14;
	s1 =	sshrl.u32 s19, $0x2  }
0xe: {  	s1 =	sadd.s32 s1, s7;
	[dreg:$0xb] =	wrdreg s5  }
0xf: {  	s3 =	sshrl.u32 s3, $0x2;
	s30 =	smax.u32 s4, $0x1;
	[dreg:$0x14] =	wrdreg s1  }
0x10: {  	s6 =	sadd.s32 s3, s6;
	[dreg:$0x19] =	wrdreg s30  }
0x11: {  	s15 =	sadd.s32 $0x2000, s6;
	[dreg:$0xa] =	wrdreg s6  }
0x12: {  	s16 =	sadd.s32 $0x4000, s6;
	[dreg:$0xc] =	wrdreg s15  }
0x13: {  	s17 =	sadd.s32 $0x6000, s6;
	[dreg:$0xd] =	wrdreg s16  }
0x14: {  	s18 =	sadd.s32 $0x8000, s6;
	[dreg:$0xe] =	wrdreg s17  }
0x15: {  	s23 =	smul.u32 $0x2700, s8;
	s3 =	sadd.s32 $0xA000, s6;
	[dreg:$0xf] =	wrdreg s18  }
0x16: {  	s25 =	smul.u32 $0xA0, s8;
	s20 =	sadd.s32 $0xC000, s6;
	[dreg:$0x10] =	wrdreg s3  }
0x17: {  	v0 =	vlaneseq.u32;
	s24 =	sadd.s32 $0x8B800, s2;
	s21 =	sadd.s32 $0xE000, s6;
	[dreg:$0x11] =	wrdreg s20  }
0x18: {  	v0 =	vmul.u32 $0x10, v0;
	s26 =	sshll.u32 s5, $0x3;
	s22 =	sadd.s32 $0x10000, s6;
	[dreg:$0x12] =	wrdreg s21  }
0x19: {  	v1 =	vimm.f32 $0.0e+00;
	s0 =	sadd.s32 $0x8AE00, s0;
	s1 =	sadd.s32 s23, s24;
	[dreg:$0x13] =	wrdreg s22  }
.Ltmp0:
0x1a: {  	v2 =	vor.u32 $0x1, v0;
	v3 =	vor.u32 $0x2, v0;
	v4 =	vor.u32 $0x3, v0;
	s0 =	sadd.s32 s25, s0;
	[dreg:$0x15] =	wrdreg s1;
	(pc) =	sbr.rel .LBB2_1-.Ltmp0, $4  }
0x1b: {  	v5 =	vor.u32 $0x4, v0;
	v6 =	vor.u32 $0x5, v0;
	v7 =	vor.u32 $0x6, v0;
	s28 =	sadd.s32 s9, s26;
	[dreg:$0x16] =	wrdreg s0  }
0x1c: {  	v8 =	vor.u32 $0x7, v0;
	v9 =	vor.u32 $0x8, v0;
	v10 =	vor.u32 $0x9, v0;
	s29 =	sadd.s32 s10, s26;
	[dreg:$0x17] =	wrdreg s28  }
0x1d: {  	v11 =	vor.u32 $0xA, v0;
	v12 =	vor.u32 $0xB, v0;
	v13 =	vor.u32 $0xC, v0;
	s7 =	simm.s32 $0x40;
	s31 =	sadd.s32 $0x12000, s6;
	[dreg:$0x18] =	wrdreg s29  }
0x1e: {  	v14 =	vor.u32 $0xD, v0;
	v15 =	vor.u32 $0xE, v0;
	v16 =	vor.u32 $0xF, v0;
	s6 =	simm.s32 $0x8400;
	s25 =	simm.s32 $0xA500;
	[dreg:$0x1a] =	wrdreg s31  }
.LBB2_9:
0x1f: {  	s0 =	simm.s32 $0x3  }
0x20: {  	_ =	swait.ge [sflag:s0], $0x2000  }
0x21: {  	[sflag:s0] =	ssyncset.done $0x0  }
0x22: {  	[sflag:s0] =	ssyncadd.s32 $0xFFFFE000  }
0x23: {  	_ =	swait.ge [sflag:s0], $0x40  }
0x24: {  	[sflag:s0] =	ssyncset.done $0x0  }
0x25: {  	[sflag:s0] =	ssyncadd.s32 $0xFFFFFFC0  }
0x26: {  	s26 =	stileid.u32;
	[bflag:$0x0] =	sbarrier.arrive $0xFFFF  }
0x27: {  	s3 =	simm.s32 $0x4;
	s0 =	sshll.u32 s26, $0x6;
	s1 =	rddreg [dreg:$0xa]  }
0x28: {  	s0 =	sor.u32 $0x1C04, s0;
	s2 =	rddreg [dreg:$0x15];
	s1 =	sshrl.u32 s1, $0x3  }
0x29: {  	[hbm:s2], [sflag:s0] =	dma.local [spmem:s1], $0x2800  }
0x2a: {  	s4 =	simm.s32 $0x1;
	s8 =	simm.s32 $0x20;
	_ =	swait.ge [sflag:s3], $0x2800  }
0x2b: {  	s9 =	simm.s32 $0x10;
	[sflag:s3] =	ssyncset.done $0x0;
	s28 =	rddreg [dreg:$0x14]  }
0x2c: {  	s29 =	rddreg [dreg:$0x16];
	[sflag:s3] =	ssyncadd.s32 $0xFFFFD800;
	s1 =	sshrl.u32 s28, $0x3  }
0x2d: {  	[hbm:s29@s8], [sflag:s0] =	dma.strided [spmem:s1@s9], $0x50, s4, $0x10   }
0x2e: {  	_ =	swait.ge [sflag:s3], $0x50  }
0x2f: {  	s30 =	rddreg [dreg:$0x4]  }
0x30: {  	s31 =	rddreg [dreg:$0x19];
	s0 =	sadd.s32 $0x1, s30  }
0x31: {  	p0 =	sne.s32 s0, s31  }
.Ltmp1:
0x32: {  	_ = 	snop;
	(pc) =	sbr.rel @!p0 .LBB2_10-.Ltmp1, $3  }
0x33: {  	_ =	sdelay $0x1  }
0x34: {  	[sflag:s3] =	ssyncset.done $0x0  }
0x35: {  	[sflag:s3] =	ssyncadd.s32 $0xFFFFFFB0;
	[dreg:$0x4] =	wrdreg s0  }
.LBB2_1:
0x36: {  	s0 =	simm.s32 $0x0;
	s1 =	simm.s32 $0x200  }
.LBB2_2:
0x37: {  	p0 =	sne.s32 s1, $0x7E00;
	[tilespmem:s0+$0x8470] =	vst v1  }
0x38: {  	[tilespmem:s0+$0x8400] =	vst v1  }
0x39: {  	[tilespmem:s0+$0x8410] =	vst v1  }
.Ltmp2:
0x3a: {  	[tilespmem:s0+$0x8420] =	vst v1;
	(pc) =	sbr.rel @p0 .LBB2_2-.Ltmp2, $4  }
0x3b: {  	[tilespmem:s0+$0x8430] =	vst v1  }
0x3c: {  	[tilespmem:s0+$0x8440] =	vst v1  }
0x3d: {  	[tilespmem:s0+$0x8450] =	vst v1  }
0x3e: {  	[tilespmem:s0+$0x8460] =	vst v1;
	s0 =	sshra.s32 s1, $0x2;
	s1 =	sadd.s32 $0x200, s1  }
0x3f: {  	[tilespmem:s0+$0x8470] =	vst v1  }
0x40: {  	[tilespmem:s0+$0x8400] =	vst v1  }
0x41: {  	[tilespmem:s0+$0x8410] =	vst v1  }
0x42: {  	[tilespmem:s0+$0x8420] =	vst v1  }
0x43: {  	[tilespmem:s0+$0x8430] =	vst v1  }
0x44: {  	[tilespmem:s0+$0x8440] =	vst v1  }
0x45: {  	[tilespmem:s0+$0x8450] =	vst v1  }
0x46: {  	[tilespmem:s0+$0x8460] =	vst v1  }
0x47: {  	[tilespmem:$0xA600] =	vst v1  }
0x48: {  	[tilespmem:$0xA610] =	vst v1  }
0x49: {  	[tilespmem:$0xA620] =	vst v1  }
0x4a: {  	[tilespmem:$0xA630] =	vst v1  }
0x4b: {  	[tilespmem:$0xA640] =	vst v1  }
0x4c: {  	[tilespmem:$0xA650] =	vst v1  }
0x4d: {  	[tilespmem:$0xA660] =	vst v1  }
0x4e: {  	[tilespmem:$0xA670] =	vst v1  }
0x4f: {  	[tilespmem:$0xA680] =	vst v1  }
0x50: {  	[tilespmem:$0xA690] =	vst v1  }
0x51: {  	[tilespmem:$0xA6A0] =	vst v1  }
0x52: {  	[tilespmem:$0xA6B0] =	vst v1  }
0x53: {  	[tilespmem:$0xA6C0] =	vst v1  }
0x54: {  	[tilespmem:$0xA6D0] =	vst v1  }
0x55: {  	[tilespmem:$0xA6E0] =	vst v1  }
0x56: {  	[tilespmem:$0xA6F0] =	vst v1  }
0x57: {  	[tilespmem:$0xA700] =	vst v1  }
0x58: {  	[tilespmem:$0xA710] =	vst v1  }
0x59: {  	[tilespmem:$0xA720] =	vst v1  }
0x5a: {  	[tilespmem:$0xA730] =	vst v1  }
0x5b: {  	[tilespmem:$0xA740] =	vst v1  }
0x5c: {  	[tilespmem:$0xA750] =	vst v1  }
0x5d: {  	[tilespmem:$0xA760] =	vst v1  }
0x5e: {  	[tilespmem:$0xA770] =	vst v1  }
0x5f: {  	[tilespmem:$0xA780] =	vst v1  }
0x60: {  	[tilespmem:$0xA790] =	vst v1  }
0x61: {  	[tilespmem:$0xA7A0] =	vst v1  }
0x62: {  	[tilespmem:$0xA7B0] =	vst v1  }
0x63: {  	[tilespmem:$0xA7C0] =	vst v1  }
0x64: {  	[tilespmem:$0xA7D0] =	vst v1  }
0x65: {  	[tilespmem:$0xA7E0] =	vst v1  }
0x66: {  	[tilespmem:$0xA7F0] =	vst v1  }
0x67: {  	[tilespmem:$0xA800] =	vst v1  }
0x68: {  	[tilespmem:$0xA810] =	vst v1  }
0x69: {  	[tilespmem:$0xA820] =	vst v1  }
0x6a: {  	[tilespmem:$0xA830] =	vst v1  }
0x6b: {  	[tilespmem:$0xA840] =	vst v1  }
0x6c: {  	[tilespmem:$0xA850] =	vst v1  }
0x6d: {  	[tilespmem:$0xA860] =	vst v1  }
0x6e: {  	s13 =	rddreg [dreg:$0xa];
	s2 =	simm.s32 $0x4;
	[tilespmem:$0xA870] =	vst v1  }
0x6f: {  	[spmem:s13] =	stream.linear.scatter [tilespmem:s6], [sflag:$0x4], $0x2000, $0x38;
	[tilespmem:$0x1E380] =	vst v63  }
0x70: {  	_ =	swait.ge [sflag:s2], $0x2000  }
0x71: {  	[sflag:s2] =	ssyncset.done $0x0  }
0x72: {  	s14 =	rddreg [dreg:$0xc];
	[sflag:s2] =	ssyncadd.s32 $0xFFFFE000  }
0x73: {  	[spmem:s14] =	stream.linear.scatter [tilespmem:s6], [sflag:$0x4], $0x2000, $0x38;
	[tilespmem:$0x1E380] =	vst v63  }
0x74: {  	_ =	swait.ge [sflag:s2], $0x2000  }
0x75: {  	[sflag:s2] =	ssyncset.done $0x0  }
0x76: {  	s15 =	rddreg [dreg:$0xd];
	[sflag:s2] =	ssyncadd.s32 $0xFFFFE000  }
0x77: {  	[spmem:s15] =	stream.linear.scatter [tilespmem:s6], [sflag:$0x4], $0x2000, $0x38;
	[tilespmem:$0x1E380] =	vst v63  }
0x78: {  	_ =	swait.ge [sflag:s2], $0x2000  }
0x79: {  	[sflag:s2] =	ssyncset.done $0x0  }
0x7a: {  	s16 =	rddreg [dreg:$0xe];
	[sflag:s2] =	ssyncadd.s32 $0xFFFFE000  }
0x7b: {  	[spmem:s16] =	stream.linear.scatter [tilespmem:s6], [sflag:$0x4], $0x2000, $0x38;
	[tilespmem:$0x1E380] =	vst v63  }
0x7c: {  	_ =	swait.ge [sflag:s2], $0x2000  }
0x7d: {  	[sflag:s2] =	ssyncset.done $0x0  }
0x7e: {  	s17 =	rddreg [dreg:$0xf];
	[sflag:s2] =	ssyncadd.s32 $0xFFFFE000  }
0x7f: {  	[spmem:s17] =	stream.linear.scatter [tilespmem:s6], [sflag:$0x4], $0x2000, $0x38;
	[tilespmem:$0x1E380] =	vst v63  }
0x80: {  	_ =	swait.ge [sflag:s2], $0x2000  }
0x81: {  	[sflag:s2] =	ssyncset.done $0x0  }
0x82: {  	s18 =	rddreg [dreg:$0x10];
	[sflag:s2] =	ssyncadd.s32 $0xFFFFE000  }
0x83: {  	[spmem:s18] =	stream.linear.scatter [tilespmem:s6], [sflag:$0x4], $0x2000, $0x38;
	[tilespmem:$0x1E380] =	vst v63  }
0x84: {  	_ =	swait.ge [sflag:s2], $0x2000  }
0x85: {  	[sflag:s2] =	ssyncset.done $0x0  }
0x86: {  	s19 =	rddreg [dreg:$0x11];
	[sflag:s2] =	ssyncadd.s32 $0xFFFFE000  }
0x87: {  	[spmem:s19] =	stream.linear.scatter [tilespmem:s6], [sflag:$0x4], $0x2000, $0x38;
	[tilespmem:$0x1E380] =	vst v63  }
0x88: {  	_ =	swait.ge [sflag:s2], $0x2000  }
0x89: {  	[sflag:s2] =	ssyncset.done $0x0  }
0x8a: {  	s20 =	rddreg [dreg:$0x12];
	[sflag:s2] =	ssyncadd.s32 $0xFFFFE000  }
0x8b: {  	[spmem:s20] =	stream.linear.scatter [tilespmem:s6], [sflag:$0x4], $0x2000, $0x38;
	[tilespmem:$0x1E380] =	vst v63  }
0x8c: {  	_ =	swait.ge [sflag:s2], $0x2000  }
0x8d: {  	[sflag:s2] =	ssyncset.done $0x0  }
0x8e: {  	s21 =	rddreg [dreg:$0x13];
	[sflag:s2] =	ssyncadd.s32 $0xFFFFE000  }
0x8f: {  	[spmem:s21] =	stream.linear.scatter [tilespmem:s6], [sflag:$0x4], $0x2000, $0x38;
	[tilespmem:$0x1E380] =	vst v63  }
0x90: {  	_ =	swait.ge [sflag:s2], $0x2000  }
0x91: {  	[sflag:s2] =	ssyncset.done $0x0  }
0x92: {  	s22 =	rddreg [dreg:$0x1a];
	[sflag:s2] =	ssyncadd.s32 $0xFFFFE000  }
0x93: {  	[spmem:s22] =	stream.linear.scatter [tilespmem:s6], [sflag:$0x4], $0x2000, $0x38;
	[tilespmem:$0x1E380] =	vst v63  }
0x94: {  	_ =	swait.ge [sflag:s2], $0x2000  }
0x95: {  	[sflag:s2] =	ssyncset.done $0x0  }
0x96: {  	s1 =	simm.s32 $0xA600;
	s23 =	rddreg [dreg:$0x14];
	[sflag:s2] =	ssyncadd.s32 $0xFFFFE000  }
0x97: {  	[spmem:s23] =	stream.linear.scatter [tilespmem:s1], [sflag:$0x4], $0x280, $0x38;
	[tilespmem:$0x1E380] =	vst v63  }
0x98: {  	_ =	swait.ge [sflag:s2], $0x280  }
0x99: {  	[sflag:s2] =	ssyncset.done $0x0  }
0x9a: {  	[sflag:s2] =	ssyncadd.s32 $0xFFFFFD80  }
0x9b: {  	[bflag:$0x0] =	sbarrier.arrive $0xFFFF  }
0x9c: {  	s0 =	simm.s32 $0x0;
	s24 =	rddreg [dreg:$0x17]  }
0x9d: {  	[tilespmem:s0], [sflag:$0x4] =	stream.linear.gather [hbm4b:s24+s0], $0x40, $0x38;
	[tilespmem:$0x1E380] =	vst v63  }
0x9e: {  	_ =	swait.ge [sflag:s2], $0x40  }
0x9f: {  	[sflag:s2] =	ssyncset.done $0x0  }
0xa0: {  	s3 =	simm.s32 $0x200;
	s26 =	rddreg [dreg:$0x18];
	[sflag:s2] =	ssyncadd.s32 $0xFFFFFFC0  }
0xa1: {  	[tilespmem:s3], [sflag:$0x4] =	stream.linear.gather [hbm4b:s26+s0], $0x40, $0x38;
	[tilespmem:$0x1E380] =	vst v63  }
0xa2: {  	_ =	swait.ge [sflag:s2], $0x40  }
.Ltmp3:
0xa3: {  	[sflag:s2] =	ssyncset.done $0x0;
	(pc) =	sbr.rel .LBB2_4-.Ltmp3, $4  }
0xa4: {  	s29 =	simm.s32 $0x400;
	s28 =	rddreg [dreg:$0x5];
	[sflag:s2] =	ssyncadd.s32 $0xFFFFFFC0  }
0xa5: {  	[tilespmem:s29], [sflag:$0x1] =	stream.indirect.gather [hbm4b:s28+s7], $0x80, s3, s7, $0xb8;
	[tilespmem:$0x1E380] =	vst v63  }
0xa6: {  	s31 =	simm.s32 $0x4400;
	s30 =	rddreg [dreg:$0x6]  }
0xa7: {  	[tilespmem:s31], [sflag:$0x1] =	stream.indirect.gather [hbm4b:s30+s7], $0x80, s0, s7, $0xb8;
	[tilespmem:$0x1E380] =	vst v63  }
.LBB2_8:
0xa8: {  	p0 =	sne.s32 s8, $0x9D  }
.Ltmp4:
0xa9: {  	_ = 	snop;
	(pc) =	sbr.rel @!p0 .LBB2_9-.Ltmp4, $2  }
0xaa: {  	_ =	sdelay $0x2  }
0xab: {  	s0 =	smov.u32 s8  }
.LBB2_4:
0xac: {  	s1 =	sshll.u32 s0, $0x5  }
0xad: {  	s1 =	sor.u32 s5, s1  }
0xae: {  	p0 =	sgt.u32 s1, $0x1387  }
.Ltmp5:
0xaf: {  	_ = 	snop;
	(pc) =	sbr.rel @p0 .LBB2_8-.Ltmp5, $2  }
0xb0: {  	_ =	sdelay $0x2  }
0xb1: {  	s8 =	sadd.s32 $0x1, s0  }
0xb2: {  	s2 =	smul.u32 $0xAB, s0;
	_ =	sdelay $0x1  }
0xb3: {  	p0 =	seq.s32 s0, $0x0;
	s2 =	sshrl.u32 s2, $0x9  }
0xb4: {  	s3 =	simm.s32 @!p0 $0x3;
	s2 =	sand.u32 $0x7F, s2  }
0xb5: {  	_ =	swait.ge @!p0 [sflag:s3], $0x2000;
	s2 =	smul.u32 $0x3, s2  }
0xb6: {  	[sflag:s3] =	ssyncset.done @!p0 $0x0  }
0xb7: {  	s4 =	sand.u32 $0xFF, s8;
	[sflag:s3] =	ssyncadd.s32 @!p0 $0xFFFFE000;
	s2 =	ssub.s32 s0, s2  }
0xb8: {  	s28 =	simm.s32 $0x1;
	_ =	swait.ge @!p0 [sflag:s3], $0x40;
	s2 =	sand.u32 $0xFF, s2  }
0xb9: {  	[sflag:s3] =	ssyncset.done @!p0 $0x0;
	s26 =	rddreg [dreg:$0x7];
	s24 =	sshll.u32 s2, $0x7  }
0xba: {  	s4 =	smul.u32 $0xAB, s4;
	[sflag:s3] =	ssyncadd.s32 @!p0 $0xFFFFFFC0;
	[dreg:$0x1c] =	wrdreg s24  }
0xbb: {  	[tilespmem:s6], [sflag:$0x2] =	stream.indirect.gather [hbm4b:s26+s7], $0x80, s24, s7, $0xb8;
	[tilespmem:$0x1E380] =	vst v63  }
0xbc: {  	s29 =	sshrl.u32 s4, $0x9;
	_ =	swait.ge [sflag:s28], $0x2000  }
0xbd: {  	p0 =	slt.u32 s1, $0x1368;
	s2 =	smul.u32 $0x3, s29;
	[sflag:s28] =	ssyncset.done $0x0  }
0xbe: {  	s1 =	sshll.u32 @p0 s1, $0x3;
	s4 =	simm.s32 @p0 $0x0;
	[sflag:s28] =	ssyncadd.s32 $0xFFFFE000  }
0xbf: {  	s1 =	sadd.s32 @p0 $0x100, s1;
	s2 =	ssub.s32 s8, s2;
	_ =	swait.ge [sflag:s28], $0x2000  }
0xc0: {  	s2 =	sand.u32 $0xFF, s2;
	[sflag:s28] =	ssyncset.done $0x0;
	s3 =	rddreg [dreg:$0x8]  }
0xc1: {  	s2 =	sshll.u32 @p0 s2, $0x7;
	[sflag:s28] =	ssyncadd.s32 $0xFFFFE000;
	s3 =	sadd.s32 @p0 s3, s1  }
0xc2: {  	[tilespmem:s2], [sflag:$0x4] =	stream.linear.gather @p0 [hbm4b:s3+s4], $0x40, $0x38;
	[tilespmem:$0x1E380] =	vst v63  }
0xc3: {  	[dreg:$0x1b] =	wrdreg s8;
	s3 =	simm.s32 @p0 $0x4  }
0xc4: {  	_ =	swait.ge @p0 [sflag:s3], $0x40  }
0xc5: {  	[sflag:s3] =	ssyncset.done @p0 $0x0;
	s6 =	rddreg [dreg:$0x9]  }
0xc6: {  	s5 =	sadd.s32 @p0 $0x200, s2;
	[sflag:s3] =	ssyncadd.s32 @p0 $0xFFFFFFC0;
	s1 =	sadd.s32 @p0 s6, s1  }
0xc7: {  	[tilespmem:s5], [sflag:$0x4] =	stream.linear.gather @p0 [hbm4b:s1+s4], $0x40, $0x38;
	[tilespmem:$0x1E380] =	vst v63  }
0xc8: {  	s0 =	sand.u32 $0x1, s0;
	_ =	swait.ge @p0 [sflag:s3], $0x40  }
0xc9: {  	s1 =	sshll.u32 @p0 s0, $0xD;
	s4 =	simm.s32 @p0 $0x40;
	[sflag:s3] =	ssyncset.done @p0 $0x0  }
0xca: {  	s6 =	rddreg [dreg:$0x5];
	[sflag:s3] =	ssyncadd.s32 @p0 $0xFFFFFFC0;
	s3 =	sxor.u32 @p0 $0x2400, s1  }
0xcb: {  	[tilespmem:s3], [sflag:$0x1] =	stream.indirect.gather @p0 [hbm4b:s6+s4], $0x80, s5, s4, $0xb8;
	[tilespmem:$0x1E380] =	vst v63  }
0xcc: {  	s30 =	simm.s32 $0x2;
	s3 =	sxor.u32 @p0 $0x6400, s1;
	s5 =	rddreg [dreg:$0x6]  }
0xcd: {  	[tilespmem:s3], [sflag:$0x1] =	stream.indirect.gather @p0 [hbm4b:s5+s4], $0x80, s2, s4, $0xb8;
	[tilespmem:$0x1E380] =	vst v63  }
0xce: {  	s31 =	sshll.u32 s0, $0x7;
	_ =	swait.ge [sflag:s30], $0x2000  }
0xcf: {  	s17 =	sshll.u32 @!p0 s0, $0xD;
	s16 =	sor.u32 $0xA400, s31;
	[sflag:s30] =	ssyncset.done $0x0  }
0xd0: {  	s18 =	simm.s32 $0x0;
	v17 =	vmov s16;
	s17 =	smov.u32 @p0 s1;
	[sflag:s30] =	ssyncadd.s32 $0xFFFFE000  }
.LBB2_6:
0xd1: {  	s19 =	sshll.u32 s18, $0xB  }
0xd2: {  	s0 =	sor.u32 s17, s19  }
0xd3: {  	v18 =	vld [tilespmem:s0+$0x400]  }
0xd4: {  	v19 =	vld [tilespmem:s0+$0x4400]  }
0xd5: {  	v20 =	vld [tilespmem:s0+$0x410]  }
0xd6: {  	v21 =	vld [tilespmem:s0+$0x4410]  }
0xd7: {  	v22 =	vld [tilespmem:s0+$0x420]  }
0xd8: {  	v23 =	vld [tilespmem:s0+$0x4420]  }
0xd9: {  	v24 =	vld [tilespmem:s0+$0x430]  }
0xda: {  	v25 =	vld [tilespmem:s0+$0x4430]  }
0xdb: {  	v44 =	vld [tilespmem:s0+$0x440];
	v18 =	vmul.f32 v19, v18;
	v19 =	vmul.f32 v21, v20  }
0xdc: {  	v45 =	vld [tilespmem:s0+$0x4440]  }
0xdd: {  	v46 =	vld [tilespmem:s0+$0x450];
	v18 =	vadd.f32 v19, v18;
	v19 =	vmul.f32 v23, v22  }
0xde: {  	v47 =	vld [tilespmem:s0+$0x4450]  }
0xdf: {  	v48 =	vld [tilespmem:s0+$0x460];
	v18 =	vadd.f32 v19, v18;
	v19 =	vmul.f32 v25, v24  }
0xe0: {  	v49 =	vld [tilespmem:s0+$0x4460]  }
0xe1: {  	v50 =	vld [tilespmem:s0+$0x470];
	v18 =	vadd.f32 v19, v18;
	v19 =	vmul.f32 v45, v44  }
0xe2: {  	v51 =	vld [tilespmem:s0+$0x4470]  }
0xe3: {  	v18 =	vadd.f32 v19, v18;
	v19 =	vmul.f32 v47, v46;
	_ =	sdelay $0x1  }
0xe4: {  	v18 =	vadd.f32 v19, v18;
	v19 =	vmul.f32 v49, v48;
	_ =	sdelay $0x1  }
0xe5: {  	v18 =	vadd.f32 v19, v18;
	v19 =	vmul.f32 v51, v50  }
0xe6: {  	s13 =	sshll.u32 s18, $0x4  }
0xe7: {  	s9 =	sor.u32 $0x1, s13;
	v18 =	vadd.f32 v19, v18  }
0xe8: {  	s31 =	sshll.u32 s9, $0x7  }
0xe9: {  	s0 =	sor.u32 s17, s31;
	[tilespmem:v0+s25+$0x0] =	vst.idx.msk $0xffff, v18  }
0xea: {  	v18 =	vld [tilespmem:s0+$0x400]  }
0xeb: {  	v19 =	vld [tilespmem:s0+$0x4400]  }
0xec: {  	v52 =	vld [tilespmem:s0+$0x410]  }
0xed: {  	v53 =	vld [tilespmem:s0+$0x4410]  }
0xee: {  	v54 =	vld [tilespmem:s0+$0x420]  }
0xef: {  	v55 =	vld [tilespmem:s0+$0x4420]  }
0xf0: {  	v56 =	vld [tilespmem:s0+$0x430]  }
0xf1: {  	v57 =	vld [tilespmem:s0+$0x4430]  }
0xf2: {  	v58 =	vld [tilespmem:s0+$0x440];
	v18 =	vmul.f32 v19, v18;
	v19 =	vmul.f32 v53, v52  }
0xf3: {  	v59 =	vld [tilespmem:s0+$0x4440]  }
0xf4: {  	v60 =	vld [tilespmem:s0+$0x450];
	v18 =	vadd.f32 v19, v18;
	v19 =	vmul.f32 v55, v54  }
0xf5: {  	v61 =	vld [tilespmem:s0+$0x4450]  }
0xf6: {  	v62 =	vld [tilespmem:s0+$0x460];
	v18 =	vadd.f32 v19, v18;
	v19 =	vmul.f32 v57, v56  }
0xf7: {  	v63 =	vld [tilespmem:s0+$0x4460]  }
0xf8: {  	v26 =	vld [tilespmem:s0+$0x470];
	v18 =	vadd.f32 v19, v18;
	v19 =	vmul.f32 v59, v58  }
0xf9: {  	v27 =	vld [tilespmem:s0+$0x4470]  }
0xfa: {  	v18 =	vadd.f32 v19, v18;
	v19 =	vmul.f32 v61, v60;
	_ =	sdelay $0x1  }
0xfb: {  	v18 =	vadd.f32 v19, v18;
	v19 =	vmul.f32 v63, v62;
	_ =	sdelay $0x1  }
0xfc: {  	v18 =	vadd.f32 v19, v18;
	v19 =	vmul.f32 v27, v26;
	_ =	sdelay $0x1  }
0xfd: {  	s10 =	sor.u32 $0x2, s13;
	v18 =	vadd.f32 v19, v18  }
0xfe: {  	s21 =	sshll.u32 s10, $0x7  }
0xff: {  	s0 =	sor.u32 s17, s21;
	[tilespmem:v2+s25+$0x0] =	vst.idx.msk $0xffff, v18  }
0x100: {  	v18 =	vld [tilespmem:s0+$0x400]  }
0x101: {  	v19 =	vld [tilespmem:s0+$0x4400]  }
0x102: {  	v28 =	vld [tilespmem:s0+$0x410]  }
0x103: {  	v29 =	vld [tilespmem:s0+$0x4410]  }
0x104: {  	v30 =	vld [tilespmem:s0+$0x420]  }
0x105: {  	v31 =	vld [tilespmem:s0+$0x4420]  }
0x106: {  	v32 =	vld [tilespmem:s0+$0x430]  }
0x107: {  	v33 =	vld [tilespmem:s0+$0x4430]  }
0x108: {  	v34 =	vld [tilespmem:s0+$0x440];
	v18 =	vmul.f32 v19, v18;
	v19 =	vmul.f32 v29, v28  }
0x109: {  	v35 =	vld [tilespmem:s0+$0x4440]  }
0x10a: {  	v36 =	vld [tilespmem:s0+$0x450];
	v18 =	vadd.f32 v19, v18;
	v19 =	vmul.f32 v31, v30  }
0x10b: {  	v37 =	vld [tilespmem:s0+$0x4450]  }
0x10c: {  	v38 =	vld [tilespmem:s0+$0x460];
	v18 =	vadd.f32 v19, v18;
	v19 =	vmul.f32 v33, v32  }
0x10d: {  	v39 =	vld [tilespmem:s0+$0x4460]  }
0x10e: {  	v40 =	vld [tilespmem:s0+$0x470];
	v18 =	vadd.f32 v19, v18;
	v19 =	vmul.f32 v35, v34  }
0x10f: {  	v41 =	vld [tilespmem:s0+$0x4470]  }
0x110: {  	v18 =	vadd.f32 v19, v18;
	v19 =	vmul.f32 v37, v36;
	_ =	sdelay $0x1  }
0x111: {  	v18 =	vadd.f32 v19, v18;
	v19 =	vmul.f32 v39, v38;
	_ =	sdelay $0x1  }
0x112: {  	v18 =	vadd.f32 v19, v18;
	v19 =	vmul.f32 v41, v40;
	_ =	sdelay $0x1  }
0x113: {  	s11 =	sor.u32 $0x3, s13;
	v18 =	vadd.f32 v19, v18  }
0x114: {  	s22 =	sshll.u32 s11, $0x7  }
0x115: {  	s0 =	sor.u32 s17, s22;
	[tilespmem:v3+s25+$0x0] =	vst.idx.msk $0xffff, v18  }
0x116: {  	v18 =	vld [tilespmem:s0+$0x400]  }
0x117: {  	v19 =	vld [tilespmem:s0+$0x4400]  }
0x118: {  	v42 =	vld [tilespmem:s0+$0x410]  }
0x119: {  	v43 =	vld [tilespmem:s0+$0x4410]  }
0x11a: {  	v44 =	vld [tilespmem:s0+$0x420]  }
0x11b: {  	v45 =	vld [tilespmem:s0+$0x4420]  }
0x11c: {  	v46 =	vld [tilespmem:s0+$0x430]  }
0x11d: {  	v47 =	vld [tilespmem:s0+$0x4430]  }
0x11e: {  	v48 =	vld [tilespmem:s0+$0x440];
	v18 =	vmul.f32 v19, v18;
	v19 =	vmul.f32 v43, v42  }
0x11f: {  	v49 =	vld [tilespmem:s0+$0x4440]  }
0x120: {  	v50 =	vld [tilespmem:s0+$0x450];
	v18 =	vadd.f32 v19, v18;
	v19 =	vmul.f32 v45, v44  }
0x121: {  	v51 =	vld [tilespmem:s0+$0x4450]  }
0x122: {  	v52 =	vld [tilespmem:s0+$0x460];
	v18 =	vadd.f32 v19, v18;
	v19 =	vmul.f32 v47, v46  }
0x123: {  	v53 =	vld [tilespmem:s0+$0x4460]  }
0x124: {  	v54 =	vld [tilespmem:s0+$0x470];
	v18 =	vadd.f32 v19, v18;
	v19 =	vmul.f32 v49, v48  }
0x125: {  	v55 =	vld [tilespmem:s0+$0x4470]  }
0x126: {  	v18 =	vadd.f32 v19, v18;
	v19 =	vmul.f32 v51, v50;
	_ =	sdelay $0x1  }
0x127: {  	v18 =	vadd.f32 v19, v18;
	v19 =	vmul.f32 v53, v52;
	_ =	sdelay $0x1  }
0x128: {  	v18 =	vadd.f32 v19, v18;
	v19 =	vmul.f32 v55, v54;
	_ =	sdelay $0x1  }
0x129: {  	s12 =	sor.u32 $0x4, s13;
	v18 =	vadd.f32 v19, v18  }
0x12a: {  	s23 =	sshll.u32 s12, $0x7  }
0x12b: {  	[dreg:$0x1d] =	wrdreg s9;
	s0 =	sor.u32 s17, s23;
	[tilespmem:v4+s25+$0x0] =	vst.idx.msk $0xffff, v18  }
0x12c: {  	[dreg:$0x1e] =	wrdreg s10;
	v18 =	vld [tilespmem:s0+$0x400]  }
0x12d: {  	[dreg:$0x1f] =	wrdreg s11;
	v19 =	vld [tilespmem:s0+$0x4400]  }
0x12e: {  	[smem:$0x7FB] =	sst s12;
	v56 =	vld [tilespmem:s0+$0x410]  }
0x12f: {  	v57 =	vld [tilespmem:s0+$0x4410]  }
0x130: {  	v58 =	vld [tilespmem:s0+$0x420]  }
0x131: {  	v59 =	vld [tilespmem:s0+$0x4420]  }
0x132: {  	v60 =	vld [tilespmem:s0+$0x430]  }
0x133: {  	v61 =	vld [tilespmem:s0+$0x4430]  }
0x134: {  	v62 =	vld [tilespmem:s0+$0x440];
	v18 =	vmul.f32 v19, v18;
	v19 =	vmul.f32 v57, v56  }
0x135: {  	v63 =	vld [tilespmem:s0+$0x4440]  }
0x136: {  	v28 =	vld [tilespmem:s0+$0x450];
	v18 =	vadd.f32 v19, v18;
	v19 =	vmul.f32 v59, v58  }
0x137: {  	v29 =	vld [tilespmem:s0+$0x4450]  }
0x138: {  	v30 =	vld [tilespmem:s0+$0x460];
	v18 =	vadd.f32 v19, v18;
	v19 =	vmul.f32 v61, v60  }
0x139: {  	v31 =	vld [tilespmem:s0+$0x4460]  }
0x13a: {  	v32 =	vld [tilespmem:s0+$0x470];
	v18 =	vadd.f32 v19, v18;
	v19 =	vmul.f32 v63, v62  }
0x13b: {  	v33 =	vld [tilespmem:s0+$0x4470]  }
0x13c: {  	v18 =	vadd.f32 v19, v18;
	v19 =	vmul.f32 v29, v28;
	_ =	sdelay $0x1  }
0x13d: {  	v18 =	vadd.f32 v19, v18;
	v19 =	vmul.f32 v31, v30;
	_ =	sdelay $0x1  }
0x13e: {  	v18 =	vadd.f32 v19, v18;
	v19 =	vmul.f32 v33, v32;
	_ =	sdelay $0x1  }
0x13f: {  	s14 =	sor.u32 $0x5, s13;
	v18 =	vadd.f32 v19, v18  }
0x140: {  	s24 =	sshll.u32 s14, $0x7  }
0x141: {  	s0 =	sor.u32 s17, s24;
	[tilespmem:v5+s25+$0x0] =	vst.idx.msk $0xffff, v18  }
0x142: {  	v18 =	vld [tilespmem:s0+$0x400]  }
0x143: {  	v19 =	vld [tilespmem:s0+$0x4400]  }
0x144: {  	v34 =	vld [tilespmem:s0+$0x410]  }
0x145: {  	v35 =	vld [tilespmem:s0+$0x4410]  }
0x146: {  	v36 =	vld [tilespmem:s0+$0x420]  }
0x147: {  	v37 =	vld [tilespmem:s0+$0x4420]  }
0x148: {  	v38 =	vld [tilespmem:s0+$0x430]  }
0x149: {  	v39 =	vld [tilespmem:s0+$0x4430]  }
0x14a: {  	v40 =	vld [tilespmem:s0+$0x440];
	v18 =	vmul.f32 v19, v18;
	v19 =	vmul.f32 v35, v34  }
0x14b: {  	v41 =	vld [tilespmem:s0+$0x4440]  }
0x14c: {  	v42 =	vld [tilespmem:s0+$0x450];
	v18 =	vadd.f32 v19, v18;
	v19 =	vmul.f32 v37, v36  }
0x14d: {  	v43 =	vld [tilespmem:s0+$0x4450]  }
0x14e: {  	v44 =	vld [tilespmem:s0+$0x460];
	v18 =	vadd.f32 v19, v18;
	v19 =	vmul.f32 v39, v38  }
0x14f: {  	v45 =	vld [tilespmem:s0+$0x4460]  }
0x150: {  	v46 =	vld [tilespmem:s0+$0x470];
	v18 =	vadd.f32 v19, v18;
	v19 =	vmul.f32 v41, v40  }
0x151: {  	v47 =	vld [tilespmem:s0+$0x4470]  }
0x152: {  	v18 =	vadd.f32 v19, v18;
	v19 =	vmul.f32 v43, v42;
	_ =	sdelay $0x1  }
0x153: {  	v18 =	vadd.f32 v19, v18;
	v19 =	vmul.f32 v45, v44;
	_ =	sdelay $0x1  }
0x154: {  	v18 =	vadd.f32 v19, v18;
	v19 =	vmul.f32 v47, v46;
	_ =	sdelay $0x1  }
0x155: {  	s15 =	sor.u32 $0x6, s13;
	v18 =	vadd.f32 v19, v18  }
0x156: {  	s26 =	sshll.u32 s15, $0x7  }
0x157: {  	s0 =	sor.u32 s17, s26;
	[tilespmem:v6+s25+$0x0] =	vst.idx.msk $0xffff, v18  }
0x158: {  	v18 =	vld [tilespmem:s0+$0x400]  }
0x159: {  	v19 =	vld [tilespmem:s0+$0x4400]  }
0x15a: {  	v48 =	vld [tilespmem:s0+$0x410]  }
0x15b: {  	v49 =	vld [tilespmem:s0+$0x4410]  }
0x15c: {  	v50 =	vld [tilespmem:s0+$0x420]  }
0x15d: {  	v51 =	vld [tilespmem:s0+$0x4420]  }
0x15e: {  	v52 =	vld [tilespmem:s0+$0x430]  }
0x15f: {  	v53 =	vld [tilespmem:s0+$0x4430]  }
0x160: {  	v54 =	vld [tilespmem:s0+$0x440];
	v18 =	vmul.f32 v19, v18;
	v19 =	vmul.f32 v49, v48  }
0x161: {  	v55 =	vld [tilespmem:s0+$0x4440]  }
0x162: {  	v56 =	vld [tilespmem:s0+$0x450];
	v18 =	vadd.f32 v19, v18;
	v19 =	vmul.f32 v51, v50  }
0x163: {  	v57 =	vld [tilespmem:s0+$0x4450]  }
0x164: {  	v58 =	vld [tilespmem:s0+$0x460];
	v18 =	vadd.f32 v19, v18;
	v19 =	vmul.f32 v53, v52  }
0x165: {  	v59 =	vld [tilespmem:s0+$0x4460]  }
0x166: {  	v60 =	vld [tilespmem:s0+$0x470];
	v18 =	vadd.f32 v19, v18;
	v19 =	vmul.f32 v55, v54  }
0x167: {  	v61 =	vld [tilespmem:s0+$0x4470]  }
0x168: {  	v18 =	vadd.f32 v19, v18;
	v19 =	vmul.f32 v57, v56;
	_ =	sdelay $0x1  }
0x169: {  	v18 =	vadd.f32 v19, v18;
	v19 =	vmul.f32 v59, v58;
	_ =	sdelay $0x1  }
0x16a: {  	v18 =	vadd.f32 v19, v18;
	v19 =	vmul.f32 v61, v60;
	_ =	sdelay $0x1  }
0x16b: {  	s28 =	sor.u32 $0x7, s13;
	v18 =	vadd.f32 v19, v18  }
0x16c: {  	s10 =	sshll.u32 s28, $0x7  }
0x16d: {  	s20 =	sor.u32 s17, s10;
	[tilespmem:v7+s25+$0x0] =	vst.idx.msk $0xffff, v18  }
0x16e: {  	v18 =	vld [tilespmem:s20+$0x400]  }
0x16f: {  	v19 =	vld [tilespmem:s20+$0x4400]  }
0x170: {  	v62 =	vld [tilespmem:s20+$0x410]  }
0x171: {  	v63 =	vld [tilespmem:s20+$0x4410]  }
0x172: {  	v28 =	vld [tilespmem:s20+$0x420]  }
0x173: {  	v29 =	vld [tilespmem:s20+$0x4420]  }
0x174: {  	v30 =	vld [tilespmem:s20+$0x430]  }
0x175: {  	v31 =	vld [tilespmem:s20+$0x4430]  }
0x176: {  	v32 =	vld [tilespmem:s20+$0x440];
	v18 =	vmul.f32 v19, v18;
	v19 =	vmul.f32 v63, v62  }
0x177: {  	v33 =	vld [tilespmem:s20+$0x4440]  }
0x178: {  	v34 =	vld [tilespmem:s20+$0x450];
	v18 =	vadd.f32 v19, v18;
	v19 =	vmul.f32 v29, v28  }
0x179: {  	v35 =	vld [tilespmem:s20+$0x4450]  }
0x17a: {  	v36 =	vld [tilespmem:s20+$0x460];
	v18 =	vadd.f32 v19, v18;
	v19 =	vmul.f32 v31, v30  }
0x17b: {  	v37 =	vld [tilespmem:s20+$0x4460]  }
0x17c: {  	v38 =	vld [tilespmem:s20+$0x470];
	v18 =	vadd.f32 v19, v18;
	v19 =	vmul.f32 v33, v32  }
0x17d: {  	v39 =	vld [tilespmem:s20+$0x4470]  }
0x17e: {  	v18 =	vadd.f32 v19, v18;
	v19 =	vmul.f32 v35, v34;
	_ =	sdelay $0x1  }
0x17f: {  	v18 =	vadd.f32 v19, v18;
	v19 =	vmul.f32 v37, v36;
	_ =	sdelay $0x1  }
0x180: {  	v18 =	vadd.f32 v19, v18;
	v19 =	vmul.f32 v39, v38;
	_ =	sdelay $0x1  }
0x181: {  	s20 =	sor.u32 $0x8, s13;
	v18 =	vadd.f32 v19, v18  }
0x182: {  	s1 =	sshll.u32 s20, $0x7  }
0x183: {  	s29 =	sor.u32 s17, s1;
	[tilespmem:v8+s25+$0x0] =	vst.idx.msk $0xffff, v18  }
0x184: {  	v18 =	vld [tilespmem:s29+$0x400]  }
0x185: {  	v19 =	vld [tilespmem:s29+$0x4400]  }
0x186: {  	v40 =	vld [tilespmem:s29+$0x410]  }
0x187: {  	v41 =	vld [tilespmem:s29+$0x4410]  }
0x188: {  	v42 =	vld [tilespmem:s29+$0x420]  }
0x189: {  	v43 =	vld [tilespmem:s29+$0x4420]  }
0x18a: {  	v44 =	vld [tilespmem:s29+$0x430]  }
0x18b: {  	v45 =	vld [tilespmem:s29+$0x4430]  }
0x18c: {  	v46 =	vld [tilespmem:s29+$0x440];
	v18 =	vmul.f32 v19, v18;
	v19 =	vmul.f32 v41, v40  }
0x18d: {  	v47 =	vld [tilespmem:s29+$0x4440]  }
0x18e: {  	v48 =	vld [tilespmem:s29+$0x450];
	v18 =	vadd.f32 v19, v18;
	v19 =	vmul.f32 v43, v42  }
0x18f: {  	v49 =	vld [tilespmem:s29+$0x4450]  }
0x190: {  	v50 =	vld [tilespmem:s29+$0x460];
	v18 =	vadd.f32 v19, v18;
	v19 =	vmul.f32 v45, v44  }
0x191: {  	v51 =	vld [tilespmem:s29+$0x4460]  }
0x192: {  	v52 =	vld [tilespmem:s29+$0x470];
	v18 =	vadd.f32 v19, v18;
	v19 =	vmul.f32 v47, v46  }
0x193: {  	v53 =	vld [tilespmem:s29+$0x4470]  }
0x194: {  	v18 =	vadd.f32 v19, v18;
	v19 =	vmul.f32 v49, v48;
	_ =	sdelay $0x1  }
0x195: {  	v18 =	vadd.f32 v19, v18;
	v19 =	vmul.f32 v51, v50;
	_ =	sdelay $0x1  }
0x196: {  	v18 =	vadd.f32 v19, v18;
	v19 =	vmul.f32 v53, v52;
	_ =	sdelay $0x1  }
0x197: {  	s11 =	sor.u32 $0x9, s13;
	v18 =	vadd.f32 v19, v18  }
0x198: {  	s7 =	sshll.u32 s11, $0x7  }
0x199: {  	s30 =	sor.u32 s17, s7;
	[tilespmem:v9+s25+$0x0] =	vst.idx.msk $0xffff, v18  }
0x19a: {  	v18 =	vld [tilespmem:s30+$0x400]  }
0x19b: {  	v19 =	vld [tilespmem:s30+$0x4400]  }
0x19c: {  	v54 =	vld [tilespmem:s30+$0x410]  }
0x19d: {  	v55 =	vld [tilespmem:s30+$0x4410]  }
0x19e: {  	v56 =	vld [tilespmem:s30+$0x420]  }
0x19f: {  	v57 =	vld [tilespmem:s30+$0x4420]  }
0x1a0: {  	v58 =	vld [tilespmem:s30+$0x430]  }
0x1a1: {  	v59 =	vld [tilespmem:s30+$0x4430]  }
0x1a2: {  	v60 =	vld [tilespmem:s30+$0x440];
	v18 =	vmul.f32 v19, v18;
	v19 =	vmul.f32 v55, v54  }
0x1a3: {  	v61 =	vld [tilespmem:s30+$0x4440]  }
0x1a4: {  	v62 =	vld [tilespmem:s30+$0x450];
	v18 =	vadd.f32 v19, v18;
	v19 =	vmul.f32 v57, v56  }
0x1a5: {  	v63 =	vld [tilespmem:s30+$0x4450]  }
0x1a6: {  	v28 =	vld [tilespmem:s30+$0x460];
	v18 =	vadd.f32 v19, v18;
	v19 =	vmul.f32 v59, v58  }
0x1a7: {  	v29 =	vld [tilespmem:s30+$0x4460]  }
0x1a8: {  	v30 =	vld [tilespmem:s30+$0x470];
	v18 =	vadd.f32 v19, v18;
	v19 =	vmul.f32 v61, v60  }
0x1a9: {  	v31 =	vld [tilespmem:s30+$0x4470]  }
0x1aa: {  	v18 =	vadd.f32 v19, v18;
	v19 =	vmul.f32 v63, v62;
	_ =	sdelay $0x1  }
0x1ab: {  	v18 =	vadd.f32 v19, v18;
	v19 =	vmul.f32 v29, v28;
	_ =	sdelay $0x1  }
0x1ac: {  	v18 =	vadd.f32 v19, v18;
	v19 =	vmul.f32 v31, v30;
	_ =	sdelay $0x1  }
0x1ad: {  	[smem:$0x7FD] =	sst s15;
	s15 =	sor.u32 $0xA, s13;
	v18 =	vadd.f32 v19, v18  }
0x1ae: {  	s9 =	sshll.u32 s15, $0x7  }
0x1af: {  	s2 =	sor.u32 s17, s9;
	[tilespmem:v10+s25+$0x0] =	vst.idx.msk $0xffff, v18  }
0x1b0: {  	v18 =	vld [tilespmem:s2+$0x400]  }
0x1b1: {  	v19 =	vld [tilespmem:s2+$0x4400]  }
0x1b2: {  	v32 =	vld [tilespmem:s2+$0x410]  }
0x1b3: {  	v33 =	vld [tilespmem:s2+$0x4410]  }
0x1b4: {  	v34 =	vld [tilespmem:s2+$0x420]  }
0x1b5: {  	v35 =	vld [tilespmem:s2+$0x4420]  }
0x1b6: {  	v36 =	vld [tilespmem:s2+$0x430]  }
0x1b7: {  	v37 =	vld [tilespmem:s2+$0x4430]  }
0x1b8: {  	v38 =	vld [tilespmem:s2+$0x440];
	v18 =	vmul.f32 v19, v18;
	v19 =	vmul.f32 v33, v32  }
0x1b9: {  	v39 =	vld [tilespmem:s2+$0x4440]  }
0x1ba: {  	v40 =	vld [tilespmem:s2+$0x450];
	v18 =	vadd.f32 v19, v18;
	v19 =	vmul.f32 v35, v34  }
0x1bb: {  	v41 =	vld [tilespmem:s2+$0x4450]  }
0x1bc: {  	v42 =	vld [tilespmem:s2+$0x460];
	v18 =	vadd.f32 v19, v18;
	v19 =	vmul.f32 v37, v36  }
0x1bd: {  	v43 =	vld [tilespmem:s2+$0x4460]  }
0x1be: {  	v44 =	vld [tilespmem:s2+$0x470];
	v18 =	vadd.f32 v19, v18;
	v19 =	vmul.f32 v39, v38  }
0x1bf: {  	v45 =	vld [tilespmem:s2+$0x4470]  }
0x1c0: {  	v18 =	vadd.f32 v19, v18;
	v19 =	vmul.f32 v41, v40;
	_ =	sdelay $0x1  }
0x1c1: {  	v18 =	vadd.f32 v19, v18;
	v19 =	vmul.f32 v43, v42;
	_ =	sdelay $0x1  }
0x1c2: {  	v18 =	vadd.f32 v19, v18;
	v19 =	vmul.f32 v45, v44;
	_ =	sdelay $0x1  }
0x1c3: {  	s8 =	sor.u32 $0xB, s13;
	v18 =	vadd.f32 v19, v18  }
0x1c4: {  	s6 =	sshll.u32 s8, $0x7  }
0x1c5: {  	s3 =	sor.u32 s17, s6;
	[tilespmem:v11+s25+$0x0] =	vst.idx.msk $0xffff, v18  }
0x1c6: {  	v18 =	vld [tilespmem:s3+$0x400]  }
0x1c7: {  	v19 =	vld [tilespmem:s3+$0x4400]  }
0x1c8: {  	v46 =	vld [tilespmem:s3+$0x410]  }
0x1c9: {  	v47 =	vld [tilespmem:s3+$0x4410]  }
0x1ca: {  	v48 =	vld [tilespmem:s3+$0x420]  }
0x1cb: {  	v49 =	vld [tilespmem:s3+$0x4420]  }
0x1cc: {  	v50 =	vld [tilespmem:s3+$0x430]  }
0x1cd: {  	v51 =	vld [tilespmem:s3+$0x4430]  }
0x1ce: {  	v52 =	vld [tilespmem:s3+$0x440];
	v18 =	vmul.f32 v19, v18;
	v19 =	vmul.f32 v47, v46  }
0x1cf: {  	v53 =	vld [tilespmem:s3+$0x4440]  }
0x1d0: {  	v54 =	vld [tilespmem:s3+$0x450];
	v18 =	vadd.f32 v19, v18;
	v19 =	vmul.f32 v49, v48  }
0x1d1: {  	v55 =	vld [tilespmem:s3+$0x4450]  }
0x1d2: {  	v56 =	vld [tilespmem:s3+$0x460];
	v18 =	vadd.f32 v19, v18;
	v19 =	vmul.f32 v51, v50  }
0x1d3: {  	v57 =	vld [tilespmem:s3+$0x4460]  }
0x1d4: {  	v58 =	vld [tilespmem:s3+$0x470];
	v18 =	vadd.f32 v19, v18;
	v19 =	vmul.f32 v53, v52  }
0x1d5: {  	v59 =	vld [tilespmem:s3+$0x4470]  }
0x1d6: {  	v18 =	vadd.f32 v19, v18;
	v19 =	vmul.f32 v55, v54;
	_ =	sdelay $0x1  }
0x1d7: {  	v18 =	vadd.f32 v19, v18;
	v19 =	vmul.f32 v57, v56;
	_ =	sdelay $0x1  }
0x1d8: {  	v18 =	vadd.f32 v19, v18;
	v19 =	vmul.f32 v59, v58;
	_ =	sdelay $0x1  }
0x1d9: {  	s5 =	sor.u32 $0xC, s13;
	v18 =	vadd.f32 v19, v18  }
0x1da: {  	s29 =	sshll.u32 s5, $0x7  }
0x1db: {  	s4 =	sor.u32 s17, s29;
	[tilespmem:v12+s25+$0x0] =	vst.idx.msk $0xffff, v18  }
0x1dc: {  	v18 =	vld [tilespmem:s4+$0x400]  }
0x1dd: {  	v19 =	vld [tilespmem:s4+$0x4400]  }
0x1de: {  	v60 =	vld [tilespmem:s4+$0x410]  }
0x1df: {  	v61 =	vld [tilespmem:s4+$0x4410]  }
0x1e0: {  	v62 =	vld [tilespmem:s4+$0x420]  }
0x1e1: {  	v63 =	vld [tilespmem:s4+$0x4420]  }
0x1e2: {  	v28 =	vld [tilespmem:s4+$0x430]  }
0x1e3: {  	v29 =	vld [tilespmem:s4+$0x4430]  }
0x1e4: {  	v30 =	vld [tilespmem:s4+$0x440];
	v18 =	vmul.f32 v19, v18;
	v19 =	vmul.f32 v61, v60  }
0x1e5: {  	v31 =	vld [tilespmem:s4+$0x4440]  }
0x1e6: {  	v32 =	vld [tilespmem:s4+$0x450];
	v18 =	vadd.f32 v19, v18;
	v19 =	vmul.f32 v63, v62  }
0x1e7: {  	v33 =	vld [tilespmem:s4+$0x4450]  }
0x1e8: {  	v34 =	vld [tilespmem:s4+$0x460];
	v18 =	vadd.f32 v19, v18;
	v19 =	vmul.f32 v29, v28  }
0x1e9: {  	v35 =	vld [tilespmem:s4+$0x4460]  }
0x1ea: {  	v36 =	vld [tilespmem:s4+$0x470];
	v18 =	vadd.f32 v19, v18;
	v19 =	vmul.f32 v31, v30  }
0x1eb: {  	v37 =	vld [tilespmem:s4+$0x4470]  }
0x1ec: {  	v18 =	vadd.f32 v19, v18;
	v19 =	vmul.f32 v33, v32;
	_ =	sdelay $0x1  }
0x1ed: {  	v18 =	vadd.f32 v19, v18;
	v19 =	vmul.f32 v35, v34;
	_ =	sdelay $0x1  }
0x1ee: {  	v18 =	vadd.f32 v19, v18;
	v19 =	vmul.f32 v37, v36;
	_ =	sdelay $0x1  }
0x1ef: {  	s4 =	sor.u32 $0xD, s13;
	v18 =	vadd.f32 v19, v18  }
0x1f0: {  	s0 =	sshll.u32 s4, $0x7  }
0x1f1: {  	s2 =	sor.u32 s17, s0;
	[tilespmem:v13+s25+$0x0] =	vst.idx.msk $0xffff, v18  }
0x1f2: {  	v18 =	vld [tilespmem:s2+$0x400]  }
0x1f3: {  	v19 =	vld [tilespmem:s2+$0x4400]  }
0x1f4: {  	v38 =	vld [tilespmem:s2+$0x410]  }
0x1f5: {  	v39 =	vld [tilespmem:s2+$0x4410]  }
0x1f6: {  	v40 =	vld [tilespmem:s2+$0x420]  }
0x1f7: {  	v41 =	vld [tilespmem:s2+$0x4420]  }
0x1f8: {  	v42 =	vld [tilespmem:s2+$0x430]  }
0x1f9: {  	v43 =	vld [tilespmem:s2+$0x4430]  }
0x1fa: {  	v44 =	vld [tilespmem:s2+$0x440];
	v18 =	vmul.f32 v19, v18;
	v19 =	vmul.f32 v39, v38  }
0x1fb: {  	v45 =	vld [tilespmem:s2+$0x4440]  }
0x1fc: {  	v46 =	vld [tilespmem:s2+$0x450];
	v18 =	vadd.f32 v19, v18;
	v19 =	vmul.f32 v41, v40  }
0x1fd: {  	v47 =	vld [tilespmem:s2+$0x4450]  }
0x1fe: {  	v48 =	vld [tilespmem:s2+$0x460];
	v18 =	vadd.f32 v19, v18;
	v19 =	vmul.f32 v43, v42  }
0x1ff: {  	v49 =	vld [tilespmem:s2+$0x4460]  }
0x200: {  	v50 =	vld [tilespmem:s2+$0x470];
	v18 =	vadd.f32 v19, v18;
	v19 =	vmul.f32 v45, v44  }
0x201: {  	v51 =	vld [tilespmem:s2+$0x4470]  }
0x202: {  	v18 =	vadd.f32 v19, v18;
	v19 =	vmul.f32 v47, v46;
	_ =	sdelay $0x1  }
0x203: {  	v18 =	vadd.f32 v19, v18;
	v19 =	vmul.f32 v49, v48;
	_ =	sdelay $0x1  }
0x204: {  	v18 =	vadd.f32 v19, v18;
	v19 =	vmul.f32 v51, v50;
	_ =	sdelay $0x1  }
0x205: {  	s3 =	sor.u32 $0xE, s13;
	v18 =	vadd.f32 v19, v18  }
0x206: {  	s30 =	sshll.u32 s3, $0x7  }
0x207: {  	s12 =	sor.u32 s17, s30;
	[tilespmem:v14+s25+$0x0] =	vst.idx.msk $0xffff, v18  }
0x208: {  	v18 =	vld [tilespmem:s12+$0x400]  }
0x209: {  	v19 =	vld [tilespmem:s12+$0x4400]  }
0x20a: {  	v52 =	vld [tilespmem:s12+$0x410]  }
0x20b: {  	v53 =	vld [tilespmem:s12+$0x4410]  }
0x20c: {  	v54 =	vld [tilespmem:s12+$0x420]  }
0x20d: {  	v55 =	vld [tilespmem:s12+$0x4420]  }
0x20e: {  	v56 =	vld [tilespmem:s12+$0x430]  }
0x20f: {  	v57 =	vld [tilespmem:s12+$0x4430]  }
0x210: {  	v58 =	vld [tilespmem:s12+$0x440];
	v18 =	vmul.f32 v19, v18;
	v19 =	vmul.f32 v53, v52  }
0x211: {  	v59 =	vld [tilespmem:s12+$0x4440]  }
0x212: {  	v60 =	vld [tilespmem:s12+$0x450];
	v18 =	vadd.f32 v19, v18;
	v19 =	vmul.f32 v55, v54  }
0x213: {  	v61 =	vld [tilespmem:s12+$0x4450]  }
0x214: {  	v62 =	vld [tilespmem:s12+$0x460];
	v18 =	vadd.f32 v19, v18;
	v19 =	vmul.f32 v57, v56  }
0x215: {  	v63 =	vld [tilespmem:s12+$0x4460]  }
0x216: {  	v26 =	vld [tilespmem:s12+$0x470];
	v18 =	vadd.f32 v19, v18;
	v19 =	vmul.f32 v59, v58  }
0x217: {  	v27 =	vld [tilespmem:s12+$0x4470]  }
0x218: {  	v18 =	vadd.f32 v19, v18;
	v19 =	vmul.f32 v61, v60;
	_ =	sdelay $0x1  }
0x219: {  	v18 =	vadd.f32 v19, v18;
	v19 =	vmul.f32 v63, v62;
	_ =	sdelay $0x1  }
0x21a: {  	v18 =	vadd.f32 v19, v18;
	v19 =	vmul.f32 v27, v26;
	_ =	sdelay $0x1  }
0x21b: {  	s2 =	sshllo.u32 s18, $0x4;
	v18 =	vadd.f32 v19, v18  }
0x21c: {  	[smem:$0x7FC] =	sst s14;
	s14 =	sshll.u32 s2, $0x7  }
0x21d: {  	s12 =	sor.u32 s17, s14;
	[tilespmem:v15+s25+$0x0] =	vst.idx.msk $0xffff, v18  }
0x21e: {  	v18 =	vld [tilespmem:s12+$0x400]  }
0x21f: {  	v19 =	vld [tilespmem:s12+$0x4400]  }
0x220: {  	v28 =	vld [tilespmem:s12+$0x410]  }
0x221: {  	v29 =	vld [tilespmem:s12+$0x4410]  }
0x222: {  	v30 =	vld [tilespmem:s12+$0x420]  }
0x223: {  	v31 =	vld [tilespmem:s12+$0x4420]  }
0x224: {  	v32 =	vld [tilespmem:s12+$0x430]  }
0x225: {  	v33 =	vld [tilespmem:s12+$0x4430]  }
0x226: {  	v34 =	vld [tilespmem:s12+$0x440];
	v18 =	vmul.f32 v19, v18;
	v19 =	vmul.f32 v29, v28  }
0x227: {  	v35 =	vld [tilespmem:s12+$0x4440]  }
0x228: {  	v36 =	vld [tilespmem:s12+$0x450];
	v18 =	vadd.f32 v19, v18;
	v19 =	vmul.f32 v31, v30  }
0x229: {  	v37 =	vld [tilespmem:s12+$0x4450]  }
0x22a: {  	v38 =	vld [tilespmem:s12+$0x460];
	v18 =	vadd.f32 v19, v18;
	v19 =	vmul.f32 v33, v32  }
0x22b: {  	v39 =	vld [tilespmem:s12+$0x4460]  }
0x22c: {  	v40 =	vld [tilespmem:s12+$0x470];
	v18 =	vadd.f32 v19, v18;
	v19 =	vmul.f32 v35, v34  }
0x22d: {  	v41 =	vld [tilespmem:s12+$0x4470]  }
0x22e: {  	v18 =	vadd.f32 v19, v18;
	v19 =	vmul.f32 v37, v36;
	_ =	sdelay $0x1  }
0x22f: {  	v18 =	vadd.f32 v19, v18;
	v19 =	vmul.f32 v39, v38;
	_ =	sdelay $0x1  }
0x230: {  	v18 =	vadd.f32 v19, v18;
	v19 =	vmul.f32 v41, v40;
	_ =	sdelay $0x1  }
0x231: {  	v18 =	vadd.f32 v19, v18;
	_ =	sdelay $0x1  }
0x232: {  	[tilespmem:v16+s25+$0x0] =	vst.idx.msk $0xffff, v18  }
0x233: {  	v18 =	vld [tilespmem:$0xA500]  }
0x234: {  	v19 =	vld [tilespmem:$0xA510];
	_ =	sdelay $0x1  }
0x235: {  	v42 =	vld [tilespmem:$0xA520];
	_ =	sdelay $0x1  }
0x236: {  	v43 =	vld [tilespmem:$0xA530]  }
0x237: {  	v18 =	vadd.f32 v19, v18  }
0x238: {  	v19 =	vld [tilespmem:$0xA540]  }
0x239: {  	v18 =	vadd.f32 v42, v18  }
0x23a: {  	v44 =	vld [tilespmem:$0xA550]  }
0x23b: {  	v18 =	vadd.f32 v43, v18  }
0x23c: {  	v45 =	vld [tilespmem:$0xA560]  }
0x23d: {  	v18 =	vadd.f32 v19, v18  }
0x23e: {  	v19 =	vld [tilespmem:$0xA570]  }
0x23f: {  	v18 =	vadd.f32 v44, v18  }
0x240: {  	v46 =	vld [tilespmem:$0xA580]  }
0x241: {  	v18 =	vadd.f32 v45, v18  }
0x242: {  	v47 =	vld [tilespmem:$0xA590]  }
0x243: {  	v18 =	vadd.f32 v19, v18  }
0x244: {  	v19 =	vld [tilespmem:$0xA5A0]  }
0x245: {  	v18 =	vadd.f32 v46, v18  }
0x246: {  	v48 =	vld [tilespmem:$0xA5B0]  }
0x247: {  	v18 =	vadd.f32 v47, v18  }
0x248: {  	v49 =	vld [tilespmem:$0xA5C0]  }
0x249: {  	v18 =	vadd.f32 v19, v18  }
0x24a: {  	v19 =	vld [tilespmem:$0xA5D0]  }
0x24b: {  	v18 =	vadd.f32 v48, v18  }
0x24c: {  	v50 =	vld [tilespmem:$0xA5E0]  }
0x24d: {  	v18 =	vadd.f32 v49, v18  }
0x24e: {  	v51 =	vld [tilespmem:$0xA5F0]  }
0x24f: {  	v18 =	vadd.f32 v19, v18;
	_ =	sdelay $0x1  }
0x250: {  	v18 =	vadd.f32 v50, v18;
	_ =	sdelay $0x1  }
0x251: {  	v18 =	vadd.f32 v51, v18;
	_ =	sdelay $0x1  }
0x252: {  	v18 =	vmul.f32 $8.838834610e-02, v18;
	_ =	sdelay $0x1  }
0x253: {  	v18 =	vmax.f32 v18, $-6.000000000e+01  }
0x254: {  	v18 =	vmin.f32 v18, $6.000000000e+01  }
0x255: {  	v18 =	vmul.f32 $1.442695020e+00, v18;
	_ =	sdelay $0x1  }
0x256: {  	(erf) = vpow2.f32 v18;
	_ =	sdelay $0x3  }
0x257: {  	v18 =	vmov s13  }
0x258: {  	v18 =	vbroadcast v18, $0x0;
	_ =	sdelay $0x3  }
0x259: {  	v19 =	vpop (erf)  }
0x25a: {  	[tilespmem:v17+s13+$0x0 ss:$0x1] =	vst.idx.msk $0xffff, v19  }
0x25b: {  	v18 =	vld.idx.msk [tilespmem:v18+s16+$0x0], $0xffff  }
0x25c: {  	v19 =	vld [tilespmem:s19+$0x8400]  }
0x25d: {  	v52 =	vld [tilespmem:s19+$0x8410]  }
0x25e: {  	v53 =	vld [tilespmem:s19+$0x8420]  }
0x25f: {  	v54 =	vld [tilespmem:s19+$0x8430]  }
0x260: {  	v55 =	vld [tilespmem:s19+$0x8440]  }
0x261: {  	v56 =	vld [tilespmem:s19+$0x8450];
	v19 =	vmul.f32 v19, v18  }
0x262: {  	v57 =	vld [tilespmem:s19+$0x8460];
	v20 =	vmul.f32 v52, v18  }
0x263: {  	s13 =	rddreg [dreg:$0x1d];
	v58 =	vld [tilespmem:s19+$0x8470];
	[tilespmem:s19+$0x8400] =	vst v19;
	v19 =	vmul.f32 v53, v18  }
0x264: {  	v26 =	vmov s13;
	v59 =	vmul.f32 v54, v18;
	[tilespmem:s19+$0x8410] =	vst v20  }
0x265: {  	v60 =	vbroadcast v26, $0x0;
	[tilespmem:s19+$0x8420] =	vst v19;
	v19 =	vmul.f32 v55, v18  }
0x266: {  	v61 =	vmul.f32 v56, v18;
	[tilespmem:s19+$0x8430] =	vst v59  }
0x267: {  	[tilespmem:s19+$0x8440] =	vst v19;
	v19 =	vmul.f32 v57, v18  }
0x268: {  	[tilespmem:s19+$0x8450] =	vst v61;
	v18 =	vmul.f32 v58, v18  }
0x269: {  	[tilespmem:s19+$0x8460] =	vst v19  }
0x26a: {  	[tilespmem:s19+$0x8470] =	vst v18  }
0x26b: {  	v18 =	vld.idx.msk [tilespmem:v60+s16+$0x0], $0xffff  }
0x26c: {  	v19 =	vld [tilespmem:s31+$0x8400]  }
0x26d: {  	v20 =	vld [tilespmem:s31+$0x8410]  }
0x26e: {  	v62 =	vld [tilespmem:s31+$0x8420]  }
0x26f: {  	v63 =	vld [tilespmem:s31+$0x8430]  }
0x270: {  	v28 =	vld [tilespmem:s31+$0x8440]  }
0x271: {  	v29 =	vld [tilespmem:s31+$0x8450];
	v19 =	vmul.f32 v19, v18  }
0x272: {  	v30 =	vld [tilespmem:s31+$0x8460];
	v20 =	vmul.f32 v20, v18  }
0x273: {  	s13 =	rddreg [dreg:$0x1e];
	v31 =	vld [tilespmem:s31+$0x8470];
	[tilespmem:s31+$0x8400] =	vst v19;
	v19 =	vmul.f32 v62, v18  }
0x274: {  	v32 =	vmov s13;
	v33 =	vmul.f32 v63, v18;
	[tilespmem:s31+$0x8410] =	vst v20  }
0x275: {  	v34 =	vbroadcast v32, $0x0;
	[tilespmem:s31+$0x8420] =	vst v19;
	v19 =	vmul.f32 v28, v18  }
0x276: {  	v35 =	vmul.f32 v29, v18;
	[tilespmem:s31+$0x8430] =	vst v33  }
0x277: {  	[tilespmem:s31+$0x8440] =	vst v19;
	v19 =	vmul.f32 v30, v18  }
0x278: {  	[tilespmem:s31+$0x8450] =	vst v35;
	v18 =	vmul.f32 v31, v18  }
0x279: {  	[tilespmem:s31+$0x8460] =	vst v19  }
0x27a: {  	[tilespmem:s31+$0x8470] =	vst v18  }
0x27b: {  	v18 =	vld.idx.msk [tilespmem:v34+s16+$0x0], $0xffff  }
0x27c: {  	v19 =	vld [tilespmem:s21+$0x8400]  }
0x27d: {  	v20 =	vld [tilespmem:s21+$0x8410]  }
0x27e: {  	v36 =	vld [tilespmem:s21+$0x8420]  }
0x27f: {  	v37 =	vld [tilespmem:s21+$0x8430]  }
0x280: {  	v38 =	vld [tilespmem:s21+$0x8440]  }
0x281: {  	v39 =	vld [tilespmem:s21+$0x8450];
	v19 =	vmul.f32 v19, v18  }
0x282: {  	v40 =	vld [tilespmem:s21+$0x8460];
	v20 =	vmul.f32 v20, v18  }
0x283: {  	s19 =	rddreg [dreg:$0x1f];
	v41 =	vld [tilespmem:s21+$0x8470];
	[tilespmem:s21+$0x8400] =	vst v19;
	v19 =	vmul.f32 v36, v18  }
0x284: {  	v42 =	vmov s19;
	v43 =	vmul.f32 v37, v18;
	[tilespmem:s21+$0x8410] =	vst v20  }
0x285: {  	v44 =	vbroadcast v42, $0x0;
	[tilespmem:s21+$0x8420] =	vst v19;
	v19 =	vmul.f32 v38, v18  }
0x286: {  	v45 =	vmul.f32 v39, v18;
	[tilespmem:s21+$0x8430] =	vst v43  }
0x287: {  	[tilespmem:s21+$0x8440] =	vst v19;
	v19 =	vmul.f32 v40, v18  }
0x288: {  	[tilespmem:s21+$0x8450] =	vst v45;
	v18 =	vmul.f32 v41, v18  }
0x289: {  	[tilespmem:s21+$0x8460] =	vst v19  }
0x28a: {  	[tilespmem:s21+$0x8470] =	vst v18  }
0x28b: {  	v18 =	vld.idx.msk [tilespmem:v44+s16+$0x0], $0xffff  }
0x28c: {  	v19 =	vld [tilespmem:s22+$0x8400]  }
0x28d: {  	v20 =	vld [tilespmem:s22+$0x8410]  }
0x28e: {  	v46 =	vld [tilespmem:s22+$0x8420]  }
0x28f: {  	v47 =	vld [tilespmem:s22+$0x8430]  }
0x290: {  	v48 =	vld [tilespmem:s22+$0x8440]  }
0x291: {  	s21 =	sld [smem:$0x7FB];
	v49 =	vld [tilespmem:s22+$0x8450];
	v19 =	vmul.f32 v19, v18  }
0x292: {  	v50 =	vld [tilespmem:s22+$0x8460];
	v20 =	vmul.f32 v20, v18  }
0x293: {  	v51 =	vld [tilespmem:s22+$0x8470];
	[tilespmem:s22+$0x8400] =	vst v19;
	v19 =	vmul.f32 v46, v18  }
0x294: {  	v52 =	vmov s21;
	v53 =	vmul.f32 v47, v18;
	[tilespmem:s22+$0x8410] =	vst v20  }
0x295: {  	v54 =	vbroadcast v52, $0x0;
	[tilespmem:s22+$0x8420] =	vst v19;
	v19 =	vmul.f32 v48, v18  }
0x296: {  	v55 =	vmul.f32 v49, v18;
	[tilespmem:s22+$0x8430] =	vst v53  }
0x297: {  	[tilespmem:s22+$0x8440] =	vst v19;
	v19 =	vmul.f32 v50, v18  }
0x298: {  	[tilespmem:s22+$0x8450] =	vst v55;
	v18 =	vmul.f32 v51, v18  }
0x299: {  	[tilespmem:s22+$0x8460] =	vst v19  }
0x29a: {  	[tilespmem:s22+$0x8470] =	vst v18  }
0x29b: {  	v18 =	vld.idx.msk [tilespmem:v54+s16+$0x0], $0xffff  }
0x29c: {  	v19 =	vld [tilespmem:s23+$0x8400]  }
0x29d: {  	v20 =	vld [tilespmem:s23+$0x8410]  }
0x29e: {  	v56 =	vld [tilespmem:s23+$0x8420]  }
0x29f: {  	v57 =	vld [tilespmem:s23+$0x8430]  }
0x2a0: {  	v58 =	vld [tilespmem:s23+$0x8440]  }
0x2a1: {  	s22 =	sld [smem:$0x7FC];
	v59 =	vld [tilespmem:s23+$0x8450];
	v19 =	vmul.f32 v19, v18  }
0x2a2: {  	v60 =	vld [tilespmem:s23+$0x8460];
	v20 =	vmul.f32 v20, v18  }
0x2a3: {  	v61 =	vld [tilespmem:s23+$0x8470];
	[tilespmem:s23+$0x8400] =	vst v19;
	v19 =	vmul.f32 v56, v18  }
0x2a4: {  	v62 =	vmov s22;
	v63 =	vmul.f32 v57, v18;
	[tilespmem:s23+$0x8410] =	vst v20  }
0x2a5: {  	v27 =	vbroadcast v62, $0x0;
	[tilespmem:s23+$0x8420] =	vst v19;
	v19 =	vmul.f32 v58, v18  }
0x2a6: {  	v28 =	vmul.f32 v59, v18;
	[tilespmem:s23+$0x8430] =	vst v63  }
0x2a7: {  	[tilespmem:s23+$0x8440] =	vst v19;
	v19 =	vmul.f32 v60, v18  }
0x2a8: {  	[tilespmem:s23+$0x8450] =	vst v28;
	v18 =	vmul.f32 v61, v18  }
0x2a9: {  	[tilespmem:s23+$0x8460] =	vst v19  }
0x2aa: {  	[tilespmem:s23+$0x8470] =	vst v18  }
0x2ab: {  	v18 =	vld.idx.msk [tilespmem:v27+s16+$0x0], $0xffff  }
0x2ac: {  	v19 =	vld [tilespmem:s24+$0x8400]  }
0x2ad: {  	v20 =	vld [tilespmem:s24+$0x8410]  }
0x2ae: {  	v29 =	vld [tilespmem:s24+$0x8420]  }
0x2af: {  	v30 =	vld [tilespmem:s24+$0x8430]  }
0x2b0: {  	v31 =	vld [tilespmem:s24+$0x8440]  }
0x2b1: {  	s31 =	sld [smem:$0x7FD];
	v32 =	vld [tilespmem:s24+$0x8450];
	v19 =	vmul.f32 v19, v18  }
0x2b2: {  	v33 =	vld [tilespmem:s24+$0x8460];
	v20 =	vmul.f32 v20, v18  }
0x2b3: {  	v34 =	vld [tilespmem:s24+$0x8470];
	[tilespmem:s24+$0x8400] =	vst v19;
	v19 =	vmul.f32 v29, v18  }
0x2b4: {  	v35 =	vmov s31;
	v36 =	vmul.f32 v30, v18;
	[tilespmem:s24+$0x8410] =	vst v20  }
0x2b5: {  	v37 =	vbroadcast v35, $0x0;
	[tilespmem:s24+$0x8420] =	vst v19;
	v19 =	vmul.f32 v31, v18  }
0x2b6: {  	v38 =	vmul.f32 v32, v18;
	[tilespmem:s24+$0x8430] =	vst v36  }
0x2b7: {  	[tilespmem:s24+$0x8440] =	vst v19;
	v19 =	vmul.f32 v33, v18  }
0x2b8: {  	[tilespmem:s24+$0x8450] =	vst v38;
	v18 =	vmul.f32 v34, v18  }
0x2b9: {  	[tilespmem:s24+$0x8460] =	vst v19  }
0x2ba: {  	[tilespmem:s24+$0x8470] =	vst v18  }
0x2bb: {  	v18 =	vld.idx.msk [tilespmem:v37+s16+$0x0], $0xffff  }
0x2bc: {  	v19 =	vld [tilespmem:s26+$0x8400]  }
0x2bd: {  	v20 =	vld [tilespmem:s26+$0x8410]  }
0x2be: {  	v39 =	vld [tilespmem:s26+$0x8420]  }
0x2bf: {  	v40 =	vld [tilespmem:s26+$0x8430]  }
0x2c0: {  	v41 =	vld [tilespmem:s26+$0x8440]  }
0x2c1: {  	v42 =	vld [tilespmem:s26+$0x8450];
	v19 =	vmul.f32 v19, v18  }
0x2c2: {  	v43 =	vld [tilespmem:s26+$0x8460];
	v20 =	vmul.f32 v20, v18  }
0x2c3: {  	v44 =	vld [tilespmem:s26+$0x8470];
	[tilespmem:s26+$0x8400] =	vst v19;
	v19 =	vmul.f32 v39, v18  }
0x2c4: {  	v45 =	vmov s28;
	v46 =	vmul.f32 v40, v18;
	[tilespmem:s26+$0x8410] =	vst v20  }
0x2c5: {  	v47 =	vbroadcast v45, $0x0;
	[tilespmem:s26+$0x8420] =	vst v19;
	v19 =	vmul.f32 v41, v18  }
0x2c6: {  	v48 =	vmul.f32 v42, v18;
	[tilespmem:s26+$0x8430] =	vst v46  }
0x2c7: {  	[tilespmem:s26+$0x8440] =	vst v19;
	v19 =	vmul.f32 v43, v18  }
0x2c8: {  	[tilespmem:s26+$0x8450] =	vst v48;
	v18 =	vmul.f32 v44, v18  }
0x2c9: {  	[tilespmem:s26+$0x8460] =	vst v19  }
0x2ca: {  	[tilespmem:s26+$0x8470] =	vst v18  }
0x2cb: {  	v18 =	vld.idx.msk [tilespmem:v47+s16+$0x0], $0xffff  }
0x2cc: {  	v19 =	vld [tilespmem:s10+$0x8400]  }
0x2cd: {  	v20 =	vld [tilespmem:s10+$0x8410]  }
0x2ce: {  	v49 =	vld [tilespmem:s10+$0x8420]  }
0x2cf: {  	v50 =	vld [tilespmem:s10+$0x8430]  }
0x2d0: {  	v51 =	vld [tilespmem:s10+$0x8440]  }
0x2d1: {  	v52 =	vld [tilespmem:s10+$0x8450];
	v19 =	vmul.f32 v19, v18  }
0x2d2: {  	v53 =	vld [tilespmem:s10+$0x8460];
	v20 =	vmul.f32 v20, v18  }
0x2d3: {  	v54 =	vld [tilespmem:s10+$0x8470];
	[tilespmem:s10+$0x8400] =	vst v19;
	v19 =	vmul.f32 v49, v18  }
0x2d4: {  	v55 =	vmov s20;
	v56 =	vmul.f32 v50, v18;
	[tilespmem:s10+$0x8410] =	vst v20  }
0x2d5: {  	v57 =	vbroadcast v55, $0x0;
	[tilespmem:s10+$0x8420] =	vst v19;
	v19 =	vmul.f32 v51, v18  }
0x2d6: {  	v58 =	vmul.f32 v52, v18;
	[tilespmem:s10+$0x8430] =	vst v56  }
0x2d7: {  	[tilespmem:s10+$0x8440] =	vst v19;
	v19 =	vmul.f32 v53, v18  }
0x2d8: {  	[tilespmem:s10+$0x8450] =	vst v58;
	v18 =	vmul.f32 v54, v18  }
0x2d9: {  	[tilespmem:s10+$0x8460] =	vst v19  }
0x2da: {  	[tilespmem:s10+$0x8470] =	vst v18  }
0x2db: {  	v18 =	vld.idx.msk [tilespmem:v57+s16+$0x0], $0xffff  }
0x2dc: {  	v19 =	vld [tilespmem:s1+$0x8400]  }
0x2dd: {  	v20 =	vld [tilespmem:s1+$0x8410]  }
0x2de: {  	v59 =	vld [tilespmem:s1+$0x8420]  }
0x2df: {  	v60 =	vld [tilespmem:s1+$0x8430]  }
0x2e0: {  	v61 =	vld [tilespmem:s1+$0x8440]  }
0x2e1: {  	v62 =	vld [tilespmem:s1+$0x8450];
	v19 =	vmul.f32 v19, v18  }
0x2e2: {  	v63 =	vld [tilespmem:s1+$0x8460];
	v20 =	vmul.f32 v20, v18  }
0x2e3: {  	v28 =	vld [tilespmem:s1+$0x8470];
	[tilespmem:s1+$0x8400] =	vst v19;
	v19 =	vmul.f32 v59, v18  }
0x2e4: {  	v29 =	vmov s11;
	v30 =	vmul.f32 v60, v18;
	[tilespmem:s1+$0x8410] =	vst v20  }
0x2e5: {  	v31 =	vbroadcast v29, $0x0;
	[tilespmem:s1+$0x8420] =	vst v19;
	v19 =	vmul.f32 v61, v18  }
0x2e6: {  	v32 =	vmul.f32 v62, v18;
	[tilespmem:s1+$0x8430] =	vst v30  }
0x2e7: {  	[tilespmem:s1+$0x8440] =	vst v19;
	v19 =	vmul.f32 v63, v18  }
0x2e8: {  	[tilespmem:s1+$0x8450] =	vst v32;
	v18 =	vmul.f32 v28, v18  }
0x2e9: {  	[tilespmem:s1+$0x8460] =	vst v19  }
0x2ea: {  	[tilespmem:s1+$0x8470] =	vst v18  }
0x2eb: {  	v18 =	vld.idx.msk [tilespmem:v31+s16+$0x0], $0xffff  }
0x2ec: {  	v19 =	vld [tilespmem:s7+$0x8400]  }
0x2ed: {  	v20 =	vld [tilespmem:s7+$0x8410]  }
0x2ee: {  	v33 =	vld [tilespmem:s7+$0x8420]  }
0x2ef: {  	v34 =	vld [tilespmem:s7+$0x8430]  }
0x2f0: {  	v35 =	vld [tilespmem:s7+$0x8440]  }
0x2f1: {  	v36 =	vld [tilespmem:s7+$0x8450];
	v19 =	vmul.f32 v19, v18  }
0x2f2: {  	v37 =	vld [tilespmem:s7+$0x8460];
	v20 =	vmul.f32 v20, v18  }
0x2f3: {  	v38 =	vld [tilespmem:s7+$0x8470];
	[tilespmem:s7+$0x8400] =	vst v19;
	v19 =	vmul.f32 v33, v18  }
0x2f4: {  	v39 =	vmov s15;
	v40 =	vmul.f32 v34, v18;
	[tilespmem:s7+$0x8410] =	vst v20  }
0x2f5: {  	v41 =	vbroadcast v39, $0x0;
	[tilespmem:s7+$0x8420] =	vst v19;
	v19 =	vmul.f32 v35, v18  }
0x2f6: {  	v42 =	vmul.f32 v36, v18;
	[tilespmem:s7+$0x8430] =	vst v40  }
0x2f7: {  	[tilespmem:s7+$0x8440] =	vst v19;
	v19 =	vmul.f32 v37, v18  }
0x2f8: {  	[tilespmem:s7+$0x8450] =	vst v42;
	v18 =	vmul.f32 v38, v18  }
0x2f9: {  	[tilespmem:s7+$0x8460] =	vst v19  }
0x2fa: {  	[tilespmem:s7+$0x8470] =	vst v18  }
0x2fb: {  	v18 =	vld.idx.msk [tilespmem:v41+s16+$0x0], $0xffff  }
0x2fc: {  	v19 =	vld [tilespmem:s9+$0x8400]  }
0x2fd: {  	v20 =	vld [tilespmem:s9+$0x8410]  }
0x2fe: {  	v43 =	vld [tilespmem:s9+$0x8420]  }
0x2ff: {  	v44 =	vld [tilespmem:s9+$0x8430]  }
0x300: {  	v45 =	vld [tilespmem:s9+$0x8440]  }
0x301: {  	v46 =	vld [tilespmem:s9+$0x8450];
	v19 =	vmul.f32 v19, v18  }
0x302: {  	v47 =	vld [tilespmem:s9+$0x8460];
	v20 =	vmul.f32 v20, v18  }
0x303: {  	v48 =	vld [tilespmem:s9+$0x8470];
	[tilespmem:s9+$0x8400] =	vst v19;
	v19 =	vmul.f32 v43, v18  }
0x304: {  	v49 =	vmov s8;
	v50 =	vmul.f32 v44, v18;
	[tilespmem:s9+$0x8410] =	vst v20  }
0x305: {  	v51 =	vbroadcast v49, $0x0;
	[tilespmem:s9+$0x8420] =	vst v19;
	v19 =	vmul.f32 v45, v18  }
0x306: {  	v52 =	vmul.f32 v46, v18;
	[tilespmem:s9+$0x8430] =	vst v50  }
0x307: {  	[tilespmem:s9+$0x8440] =	vst v19;
	v19 =	vmul.f32 v47, v18  }
0x308: {  	[tilespmem:s9+$0x8450] =	vst v52;
	v18 =	vmul.f32 v48, v18  }
0x309: {  	[tilespmem:s9+$0x8460] =	vst v19  }
0x30a: {  	[tilespmem:s9+$0x8470] =	vst v18  }
0x30b: {  	v18 =	vld.idx.msk [tilespmem:v51+s16+$0x0], $0xffff  }
0x30c: {  	v19 =	vld [tilespmem:s6+$0x8400]  }
0x30d: {  	v20 =	vld [tilespmem:s6+$0x8410]  }
0x30e: {  	v53 =	vld [tilespmem:s6+$0x8420]  }
0x30f: {  	v54 =	vld [tilespmem:s6+$0x8430]  }
0x310: {  	v55 =	vld [tilespmem:s6+$0x8440]  }
0x311: {  	v56 =	vld [tilespmem:s6+$0x8450];
	v19 =	vmul.f32 v19, v18  }
0x312: {  	v57 =	vld [tilespmem:s6+$0x8460];
	v20 =	vmul.f32 v20, v18  }
0x313: {  	v58 =	vld [tilespmem:s6+$0x8470];
	[tilespmem:s6+$0x8400] =	vst v19;
	v19 =	vmul.f32 v53, v18  }
0x314: {  	v59 =	vmov s5;
	v60 =	vmul.f32 v54, v18;
	[tilespmem:s6+$0x8410] =	vst v20  }
0x315: {  	v61 =	vbroadcast v59, $0x0;
	[tilespmem:s6+$0x8420] =	vst v19;
	v19 =	vmul.f32 v55, v18  }
0x316: {  	v62 =	vmul.f32 v56, v18;
	[tilespmem:s6+$0x8430] =	vst v60  }
0x317: {  	[tilespmem:s6+$0x8440] =	vst v19;
	v19 =	vmul.f32 v57, v18  }
0x318: {  	[tilespmem:s6+$0x8450] =	vst v62;
	v18 =	vmul.f32 v58, v18  }
0x319: {  	[tilespmem:s6+$0x8460] =	vst v19  }
0x31a: {  	[tilespmem:s6+$0x8470] =	vst v18  }
0x31b: {  	v18 =	vld.idx.msk [tilespmem:v61+s16+$0x0], $0xffff  }
0x31c: {  	v19 =	vld [tilespmem:s29+$0x8400]  }
0x31d: {  	v20 =	vld [tilespmem:s29+$0x8410]  }
0x31e: {  	v63 =	vld [tilespmem:s29+$0x8420]  }
0x31f: {  	v28 =	vld [tilespmem:s29+$0x8430]  }
0x320: {  	v29 =	vld [tilespmem:s29+$0x8440]  }
0x321: {  	v30 =	vld [tilespmem:s29+$0x8450];
	v19 =	vmul.f32 v19, v18  }
0x322: {  	v31 =	vld [tilespmem:s29+$0x8460];
	v20 =	vmul.f32 v20, v18  }
0x323: {  	v32 =	vld [tilespmem:s29+$0x8470];
	[tilespmem:s29+$0x8400] =	vst v19;
	v19 =	vmul.f32 v63, v18  }
0x324: {  	v33 =	vmov s4;
	v34 =	vmul.f32 v28, v18;
	[tilespmem:s29+$0x8410] =	vst v20  }
0x325: {  	v35 =	vbroadcast v33, $0x0;
	[tilespmem:s29+$0x8420] =	vst v19;
	v19 =	vmul.f32 v29, v18  }
0x326: {  	v36 =	vmul.f32 v30, v18;
	[tilespmem:s29+$0x8430] =	vst v34  }
0x327: {  	[tilespmem:s29+$0x8440] =	vst v19;
	v19 =	vmul.f32 v31, v18  }
0x328: {  	[tilespmem:s29+$0x8450] =	vst v36;
	v18 =	vmul.f32 v32, v18  }
0x329: {  	[tilespmem:s29+$0x8460] =	vst v19  }
0x32a: {  	[tilespmem:s29+$0x8470] =	vst v18  }
0x32b: {  	v18 =	vld.idx.msk [tilespmem:v35+s16+$0x0], $0xffff  }
0x32c: {  	v19 =	vld [tilespmem:s0+$0x8400]  }
0x32d: {  	v20 =	vld [tilespmem:s0+$0x8410]  }
0x32e: {  	v37 =	vld [tilespmem:s0+$0x8420]  }
0x32f: {  	v38 =	vld [tilespmem:s0+$0x8430]  }
0x330: {  	v39 =	vld [tilespmem:s0+$0x8440]  }
0x331: {  	v40 =	vld [tilespmem:s0+$0x8450];
	v19 =	vmul.f32 v19, v18  }
0x332: {  	v41 =	vld [tilespmem:s0+$0x8460];
	v20 =	vmul.f32 v20, v18  }
0x333: {  	v42 =	vld [tilespmem:s0+$0x8470];
	[tilespmem:s0+$0x8400] =	vst v19;
	v19 =	vmul.f32 v37, v18  }
0x334: {  	v43 =	vmov s3;
	v44 =	vmul.f32 v38, v18;
	[tilespmem:s0+$0x8410] =	vst v20  }
0x335: {  	v45 =	vbroadcast v43, $0x0;
	[tilespmem:s0+$0x8420] =	vst v19;
	v19 =	vmul.f32 v39, v18  }
0x336: {  	v46 =	vmul.f32 v40, v18;
	[tilespmem:s0+$0x8430] =	vst v44  }
0x337: {  	[tilespmem:s0+$0x8440] =	vst v19;
	v19 =	vmul.f32 v41, v18  }
0x338: {  	[tilespmem:s0+$0x8450] =	vst v46;
	v18 =	vmul.f32 v42, v18  }
0x339: {  	[tilespmem:s0+$0x8460] =	vst v19  }
0x33a: {  	[tilespmem:s0+$0x8470] =	vst v18  }
0x33b: {  	v18 =	vld.idx.msk [tilespmem:v45+s16+$0x0], $0xffff  }
0x33c: {  	v19 =	vld [tilespmem:s30+$0x8400]  }
0x33d: {  	v20 =	vld [tilespmem:s30+$0x8410]  }
0x33e: {  	v47 =	vld [tilespmem:s30+$0x8420]  }
0x33f: {  	v48 =	vld [tilespmem:s30+$0x8430]  }
0x340: {  	v49 =	vld [tilespmem:s30+$0x8440]  }
0x341: {  	v50 =	vld [tilespmem:s30+$0x8450];
	v19 =	vmul.f32 v19, v18  }
0x342: {  	v51 =	vld [tilespmem:s30+$0x8460];
	v20 =	vmul.f32 v20, v18  }
0x343: {  	v52 =	vld [tilespmem:s30+$0x8470];
	[tilespmem:s30+$0x8400] =	vst v19;
	v19 =	vmul.f32 v47, v18  }
0x344: {  	v53 =	vmul.f32 v48, v18;
	[tilespmem:s30+$0x8410] =	vst v20  }
0x345: {  	[tilespmem:s30+$0x8420] =	vst v19;
	v19 =	vmul.f32 v49, v18  }
0x346: {  	v54 =	vmov s2;
	v55 =	vmul.f32 v50, v18;
	[tilespmem:s30+$0x8430] =	vst v53  }
0x347: {  	[tilespmem:s30+$0x8440] =	vst v19;
	v19 =	vmul.f32 v51, v18  }
0x348: {  	[tilespmem:s30+$0x8450] =	vst v55;
	v18 =	vmul.f32 v52, v18  }
0x349: {  	[tilespmem:s30+$0x8460] =	vst v19  }
0x34a: {  	[tilespmem:s30+$0x8470] =	vst v18  }
0x34b: {  	v18 =	vld.idx.msk [tilespmem:v54+s16+$0x0], $0xffff  }
0x34c: {  	v19 =	vld [tilespmem:s14+$0x8400]  }
0x34d: {  	v20 =	vld [tilespmem:s14+$0x8410]  }
0x34e: {  	v56 =	vld [tilespmem:s14+$0x8420]  }
0x34f: {  	v57 =	vld [tilespmem:s14+$0x8430]  }
0x350: {  	v58 =	vld [tilespmem:s14+$0x8440]  }
0x351: {  	v59 =	vld [tilespmem:s14+$0x8450];
	v19 =	vmul.f32 v19, v18  }
0x352: {  	v60 =	vld [tilespmem:s14+$0x8460];
	v20 =	vmul.f32 v20, v18  }
0x353: {  	v61 =	vld [tilespmem:s14+$0x8470];
	[tilespmem:s14+$0x8400] =	vst v19;
	v19 =	vmul.f32 v56, v18  }
0x354: {  	v62 =	vmul.f32 v57, v18;
	[tilespmem:s14+$0x8410] =	vst v20  }
0x355: {  	p0 =	sne.s32 s18, $0x3;
	[tilespmem:s14+$0x8420] =	vst v19;
	v19 =	vmul.f32 v58, v18  }
.Ltmp6:
0x356: {  	v63 =	vmul.f32 v59, v18;
	[tilespmem:s14+$0x8430] =	vst v62;
	(pc) =	sbr.rel @p0 .LBB2_6-.Ltmp6, $4  }
0x357: {  	[tilespmem:s14+$0x8440] =	vst v19;
	v19 =	vmul.f32 v60, v18  }
0x358: {  	[tilespmem:s14+$0x8450] =	vst v63;
	v18 =	vmul.f32 v61, v18  }
0x359: {  	[tilespmem:s14+$0x8460] =	vst v19  }
0x35a: {  	s18 =	sadd.s32 $0x1, s18;
	[tilespmem:s14+$0x8470] =	vst v18  }
0x35b: {  	s0 =	rddreg [dreg:$0x1c]  }
0x35c: {  	s1 =	rddreg [dreg:$0x1]  }
.Ltmp7:
0x35d: {  	s6 =	simm.s32 $0x8400;
	s31 =	rddreg [dreg:$0x2];
	(pc) =	sbr.rel .LBB2_8-.Ltmp7, $4  }
0x35e: {  	s7 =	simm.s32 $0x40;
	s5 =	rddreg [dreg:$0xb];
	s0 =	sadd.s32 $0x200, s0  }
0x35f: {  	[spmem:s1] =	stream.indirect.scatter.add.f32 [tilespmem:s6], [sflag:$0x3], $0x80, s0, s7, $0xb8;
	[tilespmem:$0x1E380] =	vst v63  }
0x360: {  	s8 =	rddreg [dreg:$0x1b]  }
0x361: {  	[spmem:s31] =	stream.indirect.scatter.add.f32 [tilespmem:s16], [sflag:$0x3], $0x1, s0, s7, $0xb8;
	[tilespmem:$0x1E380] =	vst v63  }
.LBB2_10:
0x362: {  	_ =	sfence.sel $0x180000  }
0x363: {  	[bflag:$0x0] =	sbarrier.arrive $0xFFFF  }
0x364: {  	_ =	strace $0x90000047  }
0x365: {  	s0 =	stileid.u32;
	[bflag:$0x2] =	sbarrier.arrive $0xFFFF  }
0x366: {  	p0 =	sne.s32 s0, $0x0;
	s0 =	rddreg [dreg:$0x3]  }
0x367: {  	s0 =	sadd.s32 @!p0 $0x100000, s0  }
0x368: {  	[sflag:s0] =	ssyncadd.tile.s32 @!p0 $0x1;
	_ =	shalt  }
.Lfunc_end2:
_tile_overlayer_lowered:
.L_overlay_start_2:
0x369: {  	(tag) =	ssettag $0x2  }
0x36a: {  	s0 =	rddreg [dreg:$0x0];
	s2 =	stileid.u32  }
0x36b: {  	s1 =	rddreg [dreg:$0x1];
	p0 =	sne.s32 s2, $0x0  }
0x36c: {  	s3 =	rddreg [dreg:$0x2];
	[bflag:$0x3] =	sbarrier.arrive $0xFFFF;
	s2 =	simm.s32 @!p0 $0x1C04  }
0x36d: {  	[timem:s3], [sflag:s2] =	dma.local @!p0 [hbm:s0], s1  }
0x36e: {  	s0 =	simm.s32 @!p0 $0x4  }
0x36f: {  	_ =	swait.ge @!p0 [sflag:s0], s1  }
0x370: {  	s1 =	ssub.s32 @!p0 $0x0, s1;
	[sflag:s0] =	ssyncset.done @!p0 $0x0  }
0x371: {  	[sflag:s0] =	ssyncadd.s32 @!p0 s1  }
0x372: {  	[bflag:$0x3] =	sbarrier.arrive $0xFFFF  }
0x373: {  	_ =	shalt  }

</sc_bundles>
